<compile_context>
chip_gen: v7x
topology: tpu7x:2x2x1
jax: 0.10.2.dev20260603
libtpu: 0.0.44.dev20260713+nightly
codegen_flags: <defaults>
</compile_context>

<pallas_src>
import functools

import jax
import jax.numpy as jnp
from jax import lax
from jax.experimental import pallas as pl
from jax.experimental.pallas import tpu as pltpu
from jax.experimental.pallas import tpu_sc as plsc

N = 10000
E = 160000
F = 128
R = 16
ED = 16
H = 256
G = 64
HALF = H // 2

NS = 16
EPT = E // NS
CH = 80
NCHUNK = EPT // CH
NPT = 624
NREM = N - NS * NPT
ZROWS = 16



def _make_sc_pass(with_ea):
  mesh = plsc.VectorSubcoreMesh(
      core_axis_name="c", subcore_axis_name="s", num_cores=2, num_subcores=NS)
  out_t = (jax.ShapeDtypeStruct((N, HALF), jnp.float32),
           jax.ShapeDtypeStruct((N, HALF), jnp.float32))
  scratch = [
      pltpu.VMEM((CH,), jnp.int32),
      pltpu.VMEM((CH,), jnp.int32),
      pltpu.VMEM((CH, HALF), jnp.float32),
      pltpu.VMEM((ZROWS, HALF), jnp.float32),
      pltpu.VMEM_SHARED((N, HALF), jnp.float32),
      pltpu.SemaphoreType.DMA,
  ]

  def body(t0, t1, *rest):
    if with_ea:
      ea0, ea1, hop, o0, o1, src_v, dst_v, rows_v, zero_v, acc, sem = rest
    else:
      hop, o0, o1, src_v, dst_v, rows_v, zero_v, acc, sem = rest
      ea0 = ea1 = None
    cid = lax.axis_index("c")
    sid = lax.axis_index("s")

    def zb(t, carry):
      i = t // (HALF // 16)
      j = t % (HALF // 16)
      zero_v[i, pl.ds(j * 16, 16)] = jnp.zeros((16,), jnp.float32)
      return carry
    lax.fori_loop(0, ZROWS * (HALF // 16), zb, 0)
    rbase = sid * NPT
    def zc(q, carry):
      pltpu.sync_copy(zero_v, acc.at[pl.ds(rbase + q * ZROWS, ZROWS)])
      return carry
    lax.fori_loop(0, NPT // ZROWS, zc, 0)

    @pl.when(sid == NS - 1)
    def _():
      pltpu.sync_copy(zero_v, acc.at[pl.ds(NS * NPT, NREM)])
    plsc.subcore_barrier()

    def run(table, ea):
      ebase = sid * EPT
      def cb(cix, carry):
        e0 = ebase + cix * CH
        pltpu.sync_copy(hop.at[pl.ds(e0, CH)], src_v)
        pltpu.sync_copy(hop.at[pl.ds(E + e0, CH)], dst_v)
        if with_ea:
          pltpu.sync_copy(ea.at[pl.ds(e0, CH)], rows_v)
          pltpu.async_copy(table.at[src_v], rows_v, sem, add=True).wait()
          def rb(t, c2):
            i = t // (HALF // 16)
            j = t % (HALF // 16)
            s = pl.ds(j * 16, 16)
            rows_v[i, s] = jnp.maximum(rows_v[i, s], 0.0)
            return c2
          lax.fori_loop(0, CH * (HALF // 16), rb, 0)
        else:
          pltpu.async_copy(table.at[src_v], rows_v, sem).wait()
        pltpu.sync_copy(rows_v, acc.at[dst_v], add=True)
        return carry
      lax.fori_loop(0, NCHUNK, cb, 0)

    @pl.when(cid == 0)
    def _():
      run(t0, ea0)

    @pl.when(cid == 1)
    def _():
      run(t1, ea1)

    plsc.subcore_barrier()
    sl = pl.ds(rbase, NPT)
    rem = pl.ds(NS * NPT, NREM)

    @pl.when(cid == 0)
    def _():
      pltpu.sync_copy(acc.at[sl], o0.at[sl])

      @pl.when(sid == NS - 1)
      def _():
        pltpu.sync_copy(acc.at[rem], o0.at[rem])

    @pl.when(cid == 1)
    def _():
      pltpu.sync_copy(acc.at[sl], o1.at[sl])

      @pl.when(sid == NS - 1)
      def _():
        pltpu.sync_copy(acc.at[rem], o1.at[rem])

  return pl.kernel(body, out_type=out_t, mesh=mesh, scratch_types=scratch)


_sc_pass_ea = _make_sc_pass(True)
_sc_pass_plain = _make_sc_pass(False)



_BE = 1000
_BN = 400
_F32 = jnp.float32


def _edge_emb(edge_attr, w, b):
  def body(x_ref, w_ref, b_ref, o0_ref, o1_ref):
    y = jnp.dot(x_ref[...], w_ref[...], preferred_element_type=_F32)
    y = y + b_ref[...]
    o0_ref[...] = y[:, :HALF]
    o1_ref[...] = y[:, HALF:]

  return pl.pallas_call(
      body,
      grid=(E // _BE,),
      in_specs=[
          pl.BlockSpec((_BE, ED), lambda i: (i, 0)),
          pl.BlockSpec((ED, H), lambda i: (0, 0)),
          pl.BlockSpec((1, H), lambda i: (0, 0)),
      ],
      out_specs=[
          pl.BlockSpec((_BE, HALF), lambda i: (i, 0)),
          pl.BlockSpec((_BE, HALF), lambda i: (i, 0)),
      ],
      out_shape=[jax.ShapeDtypeStruct((E, HALF), _F32)] * 2,
  )(edge_attr, w, b)


def _node_emb(x, rw, c2s, sh, wx, wr, b):
  def body(x_ref, rw_ref, c_ref, s_ref, wx_ref, wr_ref, b_ref,
           h0_ref, h1_ref, r0_ref, r1_ref):
    avg = (rw_ref[...] + c_ref[...] + s_ref[...]) * (1.0 / 3.0)
    y = jnp.dot(x_ref[...], wx_ref[...], preferred_element_type=_F32)
    y = y + jnp.dot(avg, wr_ref[...], preferred_element_type=_F32)
    y = y + b_ref[...]
    h0_ref[...] = y[:, :HALF]
    h1_ref[...] = y[:, HALF:]
    ry = jnp.maximum(y, 0.0)
    r0_ref[...] = ry[:, :HALF]
    r1_ref[...] = ry[:, HALF:]

  return pl.pallas_call(
      body,
      grid=(N // _BN,),
      in_specs=[
          pl.BlockSpec((_BN, F), lambda i: (i, 0)),
          pl.BlockSpec((_BN, R), lambda i: (i, 0)),
          pl.BlockSpec((_BN, R), lambda i: (i, 0)),
          pl.BlockSpec((_BN, R), lambda i: (i, 0)),
          pl.BlockSpec((F, H), lambda i: (0, 0)),
          pl.BlockSpec((R, H), lambda i: (0, 0)),
          pl.BlockSpec((1, H), lambda i: (0, 0)),
      ],
      out_specs=[pl.BlockSpec((_BN, HALF), lambda i: (i, 0))] * 4,
      out_shape=[jax.ShapeDtypeStruct((N, HALF), _F32)] * 4,
  )(x, rw, c2s, sh, wx, wr, b)


def _mlp(x0p, outps, scales, w1, b1, w2, b2, a3c3, final_relu):
  k = len(outps)

  def body(*refs):
    x0a, x0b = refs[0], refs[1]
    outs = refs[2:2 + 2 * k]
    s_ref, w1_ref, b1_ref, w2_ref, b2_ref, ac_ref = refs[2 + 2 * k:-2]
    t0_ref, t1_ref = refs[-2:]
    r = jnp.concatenate([x0a[...], x0b[...]], axis=1) * s_ref[0:1, :]
    for i in range(k):
      oi = jnp.concatenate([outs[2 * i][...], outs[2 * i + 1][...]], axis=1)
      r = r + oi * s_ref[i + 1:i + 2, :]
    t = jnp.dot(r, w1_ref[...], preferred_element_type=_F32) + b1_ref[...]
    t = jnp.maximum(t, 0.0)
    y = jnp.dot(t, w2_ref[...], preferred_element_type=_F32) + b2_ref[...]
    y = jnp.maximum(y, 0.0)
    u = y * ac_ref[0:1, :] + ac_ref[1:2, :]
    if final_relu:
      u = jnp.maximum(u, 0.0)
    t0_ref[...] = u[:, :HALF]
    t1_ref[...] = u[:, HALF:]

  node_spec = pl.BlockSpec((_BN, HALF), lambda i: (i, 0))
  in_specs = [node_spec] * (2 + 2 * k) + [
      pl.BlockSpec((k + 1, H), lambda i: (0, 0)),
      pl.BlockSpec((H, 2 * H), lambda i: (0, 0)),
      pl.BlockSpec((1, 2 * H), lambda i: (0, 0)),
      pl.BlockSpec((2 * H, H), lambda i: (0, 0)),
      pl.BlockSpec((1, H), lambda i: (0, 0)),
      pl.BlockSpec((2, H), lambda i: (0, 0)),
  ]
  args = list(x0p)
  for p in outps:
    args.extend(p)
  args += [scales, w1, b1, w2, b2, a3c3]
  return pl.pallas_call(
      body,
      grid=(N // _BN,),
      in_specs=in_specs,
      out_specs=[node_spec, node_spec],
      out_shape=[jax.ShapeDtypeStruct((N, HALF), _F32)] * 2,
  )(*args)


def _mlp_pool(x0p, outps, scales, w1, b1, w2, b2, a3c3, batch3):
  k = len(outps)

  def body(*refs):
    x0a, x0b = refs[0], refs[1]
    outs = refs[2:2 + 2 * k]
    s_ref, w1_ref, b1_ref, w2_ref, b2_ref, ac_ref, b3_ref = refs[2 + 2 * k:-1]
    out_ref = refs[-1]
    r = jnp.concatenate([x0a[...], x0b[...]], axis=1) * s_ref[0:1, :]
    for i in range(k):
      oi = jnp.concatenate([outs[2 * i][...], outs[2 * i + 1][...]], axis=1)
      r = r + oi * s_ref[i + 1:i + 2, :]
    t = jnp.dot(r, w1_ref[...], preferred_element_type=_F32) + b1_ref[...]
    t = jnp.maximum(t, 0.0)
    y = jnp.dot(t, w2_ref[...], preferred_element_type=_F32) + b2_ref[...]
    y = jnp.maximum(y, 0.0)
    u = y * ac_ref[0:1, :] + ac_ref[1:2, :]
    bvec = b3_ref[0, 0, :]
    iota = lax.broadcasted_iota(jnp.int32, (_BN, G), 1)
    onehot = (bvec[:, None] == iota).astype(_F32)
    contrib = lax.dot_general(onehot, u, (((0,), (0,)), ((), ())),
                              preferred_element_type=_F32)

    @pl.when(pl.program_id(0) == 0)
    def _():
      out_ref[...] = jnp.zeros_like(out_ref)

    out_ref[...] += contrib

  node_spec = pl.BlockSpec((_BN, HALF), lambda i: (i, 0))
  in_specs = [node_spec] * (2 + 2 * k) + [
      pl.BlockSpec((k + 1, H), lambda i: (0, 0)),
      pl.BlockSpec((H, 2 * H), lambda i: (0, 0)),
      pl.BlockSpec((1, 2 * H), lambda i: (0, 0)),
      pl.BlockSpec((2 * H, H), lambda i: (0, 0)),
      pl.BlockSpec((1, H), lambda i: (0, 0)),
      pl.BlockSpec((2, H), lambda i: (0, 0)),
      pl.BlockSpec((1, 1, _BN), lambda i: (i, 0, 0)),
  ]
  args = list(x0p)
  for p in outps:
    args.extend(p)
  args += [scales, w1, b1, w2, b2, a3c3, batch3]
  return pl.pallas_call(
      body,
      grid=(N // _BN,),
      in_specs=in_specs,
      out_specs=pl.BlockSpec((G, H), lambda i: (0, 0)),
      out_shape=jax.ShapeDtypeStruct((G, H), _F32),
  )(*args)



def _fold_bn(g, b, m, v):
  a = g / jnp.sqrt(v + 1e-5)
  return a, b - m * a


def _layer_weights(p, l, k):
  pref = "l%d_" % l
  a1, c1 = _fold_bn(p[pref + "bn1_g"], p[pref + "bn1_b"],
                    p[pref + "bn1_m"], p[pref + "bn1_v"])
  a2, c2 = _fold_bn(p[pref + "bn2_g"], p[pref + "bn2_b"],
                    p[pref + "bn2_m"], p[pref + "bn2_v"])
  a3, c3 = _fold_bn(p[pref + "norm_g"], p[pref + "norm_b"],
                    p[pref + "norm_m"], p[pref + "norm_v"])
  w1 = p[pref + "nn_w1"] * a1[None, :]
  b1 = (p[pref + "nn_b1"] * a1 + c1)[None, :]
  w2 = p[pref + "nn_w2"] * a2[None, :]
  b2 = (p[pref + "nn_b2"] * a2 + c2)[None, :]
  scales = 1.0 + p[pref + "eps"][:k + 1]
  a3c3 = jnp.stack([a3, c3])
  return scales, w1, b1, w2, b2, a3c3


def kernel(x, rw_feature, central_to_subgraph_feats, context_samehop_feats,
           edge_attr, hop1, hop2, hop3, hop4, hop5, batch, params):
  p = params
  h1f = hop1.astype(jnp.int32).reshape(2 * E)
  h2f = hop2.astype(jnp.int32).reshape(2 * E)
  h3f = hop3.astype(jnp.int32).reshape(2 * E)
  batch3 = batch.astype(jnp.int32).reshape(N // _BN, 1, _BN)

  ea0, ea1 = _edge_emb(edge_attr, p["edge_emb_w"], p["edge_emb_b"][None, :])
  h0, h1, rh0, rh1 = _node_emb(
      x, rw_feature, central_to_subgraph_feats, context_samehop_feats,
      p["node_emb_w"][:F], p["node_emb_w"][F:], p["node_emb_b"][None, :])

  o00 = _sc_pass_ea(h0, h1, ea0, ea1, h1f)
  t0 = _mlp((h0, h1), [o00], *_layer_weights(p, 0, 1), final_relu=True)

  o10 = _sc_pass_ea(t0[0], t0[1], ea0, ea1, h1f)
  o11 = _sc_pass_plain(rh0, rh1, h2f)
  t1 = _mlp(t0, [o10, o11], *_layer_weights(p, 1, 2), final_relu=True)

  o20 = _sc_pass_ea(t1[0], t1[1], ea0, ea1, h1f)
  o21 = _sc_pass_plain(t0[0], t0[1], h2f)
  o22 = _sc_pass_plain(rh0, rh1, h3f)
  return _mlp_pool(t1, [o20, o21, o22], *_layer_weights(p, 2, 3),
                   batch3=batch3)

# --- scband reference (transcript-rebuilt; emitter-appended) ---
"""Pipeline reference for scband-gine-model-82721070121700 (READ-ONLY COPY).

The authoritative reference and input builder live on the scoring server;
editing this copy changes nothing except your own understanding.
"""

import jax, jax.numpy as jnp
import numpy as np

N = 10000
E = 160000
F = 128
R = 16
ED = 16
H = 256
G = 64
KLIST = [1, 2, 3]


def _bn(x, g, b, m, v):
    return (x - m) / jnp.sqrt(v + 1e-5) * g + b


def setup_inputs(seed: int = 0) -> dict:
    key = jax.random.key(seed)
    ks = jax.random.split(key, 40)
    inp = {}
    inp['x'] = jax.random.normal(ks[0], (N, F), jnp.float32)
    inp['rw_feature'] = jax.random.normal(ks[1], (N, R), jnp.float32)
    inp['central_to_subgraph_feats'] = jax.random.normal(ks[2], (N, R), jnp.float32)
    inp['context_samehop_feats'] = jax.random.normal(ks[3], (N, R), jnp.float32)
    inp['edge_attr'] = jax.random.normal(ks[4], (E, ED), jnp.float32)
    for i in range(5):
        inp['hop%d' % (i + 1)] = jax.random.randint(ks[5 + i], (2, E), 0, N)
    inp['batch'] = jnp.sort(jax.random.randint(ks[10], (N,), 0, G))
    kk = [11]

    def nrm(shape, scale=0.05):
        kk[0] += 1
        return scale * jax.random.normal(ks[kk[0]], shape, jnp.float32)

    p = {}
    p['edge_emb_w'] = nrm((ED, H))
    p['edge_emb_b'] = jnp.zeros((H,), jnp.float32)
    p['node_emb_w'] = nrm((F + R, H))
    p['node_emb_b'] = jnp.zeros((H,), jnp.float32)
    for l, k in enumerate(KLIST):
        pref = 'l%d_' % l
        p[pref + 'eps'] = jnp.zeros((k + 1, H), jnp.float32)
        p[pref + 'nn_w1'] = nrm((H, 2 * H))
        p[pref + 'nn_b1'] = jnp.zeros((2 * H,), jnp.float32)
        p[pref + 'bn1_g'] = jnp.ones((2 * H,), jnp.float32)
        p[pref + 'bn1_b'] = jnp.zeros((2 * H,), jnp.float32)
        p[pref + 'bn1_m'] = jnp.zeros((2 * H,), jnp.float32)
        p[pref + 'bn1_v'] = jnp.ones((2 * H,), jnp.float32)
        p[pref + 'nn_w2'] = nrm((2 * H, H))
        p[pref + 'nn_b2'] = jnp.zeros((H,), jnp.float32)
        p[pref + 'bn2_g'] = jnp.ones((H,), jnp.float32)
        p[pref + 'bn2_b'] = jnp.zeros((H,), jnp.float32)
        p[pref + 'bn2_m'] = jnp.zeros((H,), jnp.float32)
        p[pref + 'bn2_v'] = jnp.ones((H,), jnp.float32)
        p[pref + 'norm_g'] = jnp.ones((H,), jnp.float32)
        p[pref + 'norm_b'] = jnp.zeros((H,), jnp.float32)
        p[pref + 'norm_m'] = jnp.zeros((H,), jnp.float32)
        p[pref + 'norm_v'] = jnp.ones((H,), jnp.float32)
    inp['params'] = p
    return inp


def _forward(x, rw, c2s, sh, ea_raw, params, hops, batch):
    # model-level edge embedding
    ea = ea_raw @ params['edge_emb_w'] + params['edge_emb_b']
    # feature_fusion == 'average'
    avg = (rw + c2s + sh) / 3.0
    h = jnp.concatenate([x, avg], axis=1) @ params['node_emb_w'] + params['node_emb_b']
    XX = [h]
    for l, k in enumerate(KLIST):
        pref = 'l%d_' % l
        eps = params[pref + 'eps']
        # GINEPLUS
        result = (1.0 + eps[0]) * XX[0]
        for i in range(k):
            src = hops[i][0]
            dst = hops[i][1]
            m = XX[i][src]
            if i == 0:
                m = m + ea
            m = jax.nn.relu(m)
            out = jnp.zeros((N, H), h.dtype).at[dst].add(m)
            result = result + (1.0 + eps[i + 1]) * out
        # GINEPLUS.nn: Linear -> BN -> ReLU -> Linear -> BN -> ReLU (eval-mode BN)
        t = result @ params[pref + 'nn_w1'] + params[pref + 'nn_b1']
        t = _bn(t, params[pref + 'bn1_g'], params[pref + 'bn1_b'], params[pref + 'bn1_m'], params[pref + 'bn1_v'])
        t = jax.nn.relu(t)
        t = t @ params[pref + 'nn_w2'] + params[pref + 'nn_b2']
        t = _bn(t, params[pref + 'bn2_g'], params[pref + 'bn2_b'], params[pref + 'bn2_m'], params[pref + 'bn2_v'])
        t = jax.nn.relu(t)
        # ConvBlock.norm, activation (skipped on last layer), dropout is identity in eval
        t = _bn(t, params[pref + 'norm_g'], params[pref + 'norm_b'], params[pref + 'norm_m'], params[pref + 'norm_v'])
        if l != len(KLIST) - 1:
            t = jax.nn.relu(t)
        XX = [t] + XX
    # JK == 'last', pooling == 'sum' (global_add_pool)
    return jax.ops.segment_sum(XX[0], batch, num_segments=G)


def reference(x, rw_feature, central_to_subgraph_feats, context_samehop_feats, edge_attr, hop1, hop2, hop3, hop4, hop5, batch, params):
    hops = [hop1, hop2, hop3, hop4, hop5]
    return _forward(x, rw_feature, central_to_subgraph_feats, context_samehop_feats, edge_attr, params, hops, batch)

if __name__ == "__main__":
    import jax
    _d = setup_inputs()
    print(jax.jit(kernel)(*tuple(_d.values())))

</pallas_src>

<mosaic_0001>
#map = affine_map<(d0, d1) -> (0, 0)>
#map1 = affine_map<(d0, d1) -> (0)>
module attributes {stable_mosaic.version = 14 : i64} {
  func.func @body(%arg0: i32, %arg1: i32, %arg2: memref<10000x128xf32, #tpu.memory_space<hbm>>, %arg3: memref<10000x128xf32, #tpu.memory_space<hbm>>, %arg4: memref<160000x128xf32, #tpu.memory_space<hbm>>, %arg5: memref<160000x128xf32, #tpu.memory_space<hbm>>, %arg6: memref<320000xi32, #tpu.memory_space<hbm>>, %arg7: memref<10000x128xf32, #tpu.memory_space<hbm>>, %arg8: memref<10000x128xf32, #tpu.memory_space<hbm>>, %arg9: memref<80xi32, #tpu.memory_space<vmem>>, %arg10: memref<80xi32, #tpu.memory_space<vmem>>, %arg11: memref<80x128xf32, #tpu.memory_space<vmem>>, %arg12: memref<16x128xf32, #tpu.memory_space<vmem>>, %arg13: memref<10000x128xf32, #tpu.memory_space<vmem_shared>>, %arg14: memref<!tpu.dma_semaphore, #tpu.memory_space<semaphore_mem>>) attributes {dimension_semantics = [#tpu.dimension_semantics<core_parallel>, #tpu.dimension_semantics<subcore_parallel>], iteration_bounds = array<i64: 2, 16>, scalar_prefetch = 0 : i64, scratch_operands = 6 : i64, tpu.core_type = #tpu.core_type<sc_vector_subcore>, window_params = [{transform_indices = #map}, {transform_indices = #map}, {transform_indices = #map}, {transform_indices = #map}, {transform_indices = #map1}, {transform_indices = #map}, {transform_indices = #map}]} {
    %scan3A = arith.constant 0 : i32
    %scan3A_0 = arith.constant 0 : i32
    %scan3A_1 = arith.constant 128 : i32
    %scan3A_2 = arith.addi %scan3A_0, %scan3A_1 : i32
    %scan3A_3 = arith.constant 1 : i32
    scf.for %scan3A_35 = %scan3A_0 to %scan3A_2 step %scan3A_3  : i32 {
      %jit3A = arith.constant 8 : i32
      %div3A = arith.divsi %scan3A_35, %jit3A : i32
      %sign3A = arith.constant 0 : i32
      %sign3A_36 = arith.cmpi sgt, %scan3A_35, %sign3A : i32
      %sign3A_37 = arith.extui %sign3A_36 : i1 to i32
      %sign3A_38 = arith.constant 0 : i32
      %sign3A_39 = arith.cmpi slt, %scan3A_35, %sign3A_38 : i32
      %sign3A_40 = arith.extui %sign3A_39 : i1 to i32
      %sign3A_41 = arith.subi %sign3A_37, %sign3A_40 : i32
      %sign3A_42 = arith.constant 0 : i32
      %sign3A_43 = arith.cmpi sgt, %jit3A, %sign3A_42 : i32
      %sign3A_44 = arith.extui %sign3A_43 : i1 to i32
      %sign3A_45 = arith.constant 0 : i32
      %sign3A_46 = arith.cmpi slt, %jit3A, %sign3A_45 : i32
      %sign3A_47 = arith.extui %sign3A_46 : i1 to i32
      %sign3A_48 = arith.subi %sign3A_44, %sign3A_47 : i32
      %ne3A = arith.cmpi ne, %sign3A_41, %sign3A_48 : i32
      %rem3A = arith.remsi %scan3A_35, %jit3A : i32
      %ne3A_49 = arith.constant 0 : i32
      %ne3A_50 = arith.cmpi ne, %rem3A, %ne3A_49 : i32
      %and3A = arith.andi %ne3A, %ne3A_50 : i1
      %sub3A = arith.constant 1 : i32
      %sub3A_51 = arith.subi %div3A, %sub3A : i32
      %select_n3A = arith.select %and3A, %sub3A_51, %div3A : i32
      %jit3A_52 = arith.constant 8 : i32
      %eq3A_53 = arith.constant 0 : i32
      %eq3A_54 = arith.cmpi eq, %jit3A_52, %eq3A_53 : i32
      %jit3A_55 = arith.constant 1 : i32
      %select_n3A_56 = arith.select %eq3A_54, %jit3A_55, %jit3A_52 : i32
      %rem3A_57 = arith.remsi %scan3A_35, %select_n3A_56 : i32
      %ne3A_58 = arith.constant 0 : i32
      %ne3A_59 = arith.cmpi ne, %rem3A_57, %ne3A_58 : i32
      %lt3A = arith.constant 0 : i32
      %lt3A_60 = arith.cmpi slt, %rem3A_57, %lt3A : i32
      %lt3A_61 = arith.constant 0 : i32
      %lt3A_62 = arith.cmpi slt, %select_n3A_56, %lt3A_61 : i32
      %ne3A_63 = arith.xori %lt3A_60, %lt3A_62 : i1
      %and3A_64 = arith.andi %ne3A_63, %ne3A_59 : i1
      %add3A = arith.addi %rem3A_57, %select_n3A_56 : i32
      %select_n3A_65 = arith.select %and3A_64, %add3A, %rem3A_57 : i32
      %broadcast_in_dim3A = arith.constant 0.000000e+00 : f32
      %broadcast_in_dim3A_66 = vector.broadcast %broadcast_in_dim3A : f32 to vector<16xf32>
      %mul3A_67 = arith.constant 16 : i32
      %mul3A_68 = arith.muli %select_n3A_65, %mul3A_67 : i32
      %swap3A = arith.index_cast %select_n3A : i32 to index
      %swap3A_69 = arith.index_cast %mul3A_68 : i32 to index
      %swap3A_70 = tpu.vector_load %arg12[%swap3A, %swap3A_69] {strides = array<i32>} : memref<16x128xf32, #tpu.memory_space<vmem>>, vector<1x16xf32>,
      %swap3A_71 = vector.shape_cast %swap3A_70 : vector<1x16xf32> to vector<16xf32>
      %swap3A_72 = vector.shape_cast %broadcast_in_dim3A_66 : vector<16xf32> to vector<1x16xf32>
      tpu.vector_store %arg12[%swap3A, %swap3A_69], %swap3A_72 {strides = array<i32>} : memref<16x128xf32, #tpu.memory_space<vmem>>, vector<1x16xf32>,
    }
    %scan3A_4 = arith.constant 128 : i32
    %mul3A = arith.constant 624 : i32
    %mul3A_5 = arith.muli %arg1, %mul3A : i32
    %scan3A_6 = arith.constant 0 : i32
    %scan3A_7 = arith.constant 0 : i32
    %scan3A_8 = arith.constant 39 : i32
    %scan3A_9 = arith.addi %scan3A_7, %scan3A_8 : i32
    %scan3A_10 = arith.constant 1 : i32
    scf.for %scan3A_35 = %scan3A_7 to %scan3A_9 step %scan3A_10  : i32 {
      %mul3A_36 = arith.constant 16 : i32
      %mul3A_37 = arith.muli %scan3A_35, %mul3A_36 : i32
      %add3A = arith.addi %mul3A_5, %mul3A_37 : i32
      "tpu.region"() ({
        %run_scoped3A = tpu.sem_alloc : memref<!tpu.dma_semaphore, #tpu.memory_space<semaphore_mem>>
        %dma_start3A = arith.constant 0 : i32
        %dma_start3A_38 = tpu.memref_slice %arg13[%add3A, %dma_start3A] : memref<10000x128xf32, #tpu.memory_space<vmem_shared>> -> memref<16x128xf32, #tpu.memory_space<vmem_shared>>
        %dma_start3A_39 = arith.constant 0 : i32
        %dma_start3A_40 = tpu.memref_slice %arg13[%add3A, %dma_start3A_39] : memref<10000x128xf32, #tpu.memory_space<vmem_shared>> -> memref<16x128xf32, #tpu.memory_space<vmem_shared>>
        tpu.enqueue_dma source(%arg12 : memref<16x128xf32, #tpu.memory_space<vmem>>) target(%dma_start3A_40 : memref<16x128xf32, #tpu.memory_space<vmem_shared>>) target_semaphore(%run_scoped3A : memref<!tpu.dma_semaphore, #tpu.memory_space<semaphore_mem>>)
        %dma_wait3A = arith.constant 0 : i32
        %dma_wait3A_41 = tpu.memref_slice %arg13[%add3A, %dma_wait3A] : memref<10000x128xf32, #tpu.memory_space<vmem_shared>> -> memref<16x128xf32, #tpu.memory_space<vmem_shared>>
        %dma_wait3A_42 = arith.constant 0 : i32
        %dma_wait3A_43 = tpu.memref_slice %arg13[%add3A, %dma_wait3A_42] : memref<10000x128xf32, #tpu.memory_space<vmem_shared>> -> memref<16x128xf32, #tpu.memory_space<vmem_shared>>
        tpu.wait_dma2 semaphore(%run_scoped3A : memref<!tpu.dma_semaphore, #tpu.memory_space<semaphore_mem>>) src(%arg12 : memref<16x128xf32, #tpu.memory_space<vmem>>) dst(%dma_wait3A_43 : memref<16x128xf32, #tpu.memory_space<vmem_shared>>)
        tpu.yield
      }) : () -> ()
    }
    %scan3A_11 = arith.constant 39 : i32
    %eq3A = arith.constant 15 : i32
    %eq3A_12 = arith.cmpi eq, %arg1, %eq3A : i32
    %convert_element_type3A = arith.extui %eq3A_12 : i1 to i32
    %cond3A = arith.constant 0 : i32
    %cond3A_13 = arith.cmpi ne, %convert_element_type3A, %cond3A : i32
    scf.if %cond3A_13 {
      "tpu.region"() ({
        %run_scoped3A = tpu.sem_alloc : memref<!tpu.dma_semaphore, #tpu.memory_space<semaphore_mem>>
        %dma_start3A = arith.constant 9984 : i32
        %dma_start3A_35 = arith.constant 0 : i32
        %dma_start3A_36 = tpu.memref_slice %arg13[%dma_start3A, %dma_start3A_35] : memref<10000x128xf32, #tpu.memory_space<vmem_shared>> -> memref<16x128xf32, #tpu.memory_space<vmem_shared>>
        %dma_start3A_37 = arith.constant 9984 : i32
        %dma_start3A_38 = arith.constant 0 : i32
        %dma_start3A_39 = tpu.memref_slice %arg13[%dma_start3A_37, %dma_start3A_38] : memref<10000x128xf32, #tpu.memory_space<vmem_shared>> -> memref<16x128xf32, #tpu.memory_space<vmem_shared>>
        tpu.enqueue_dma source(%arg12 : memref<16x128xf32, #tpu.memory_space<vmem>>) target(%dma_start3A_39 : memref<16x128xf32, #tpu.memory_space<vmem_shared>>) target_semaphore(%run_scoped3A : memref<!tpu.dma_semaphore, #tpu.memory_space<semaphore_mem>>)
        %dma_wait3A = arith.constant 9984 : i32
        %dma_wait3A_40 = arith.constant 0 : i32
        %dma_wait3A_41 = tpu.memref_slice %arg13[%dma_wait3A, %dma_wait3A_40] : memref<10000x128xf32, #tpu.memory_space<vmem_shared>> -> memref<16x128xf32, #tpu.memory_space<vmem_shared>>
        %dma_wait3A_42 = arith.constant 9984 : i32
        %dma_wait3A_43 = arith.constant 0 : i32
        %dma_wait3A_44 = tpu.memref_slice %arg13[%dma_wait3A_42, %dma_wait3A_43] : memref<10000x128xf32, #tpu.memory_space<vmem_shared>> -> memref<16x128xf32, #tpu.memory_space<vmem_shared>>
        tpu.wait_dma2 semaphore(%run_scoped3A : memref<!tpu.dma_semaphore, #tpu.memory_space<semaphore_mem>>) src(%arg12 : memref<16x128xf32, #tpu.memory_space<vmem>>) dst(%dma_wait3A_44 : memref<16x128xf32, #tpu.memory_space<vmem_shared>>)
        tpu.yield
      }) : () -> ()
    } else {
    }
    %barrier3A = arith.constant 0 : index
    tpu.barrier barrier_id(%barrier3A)
    %eq3A_14 = arith.constant 0 : i32
    %eq3A_15 = arith.cmpi eq, %arg0, %eq3A_14 : i32
    %convert_element_type3A_16 = arith.extui %eq3A_15 : i1 to i32
    %cond3A_17 = arith.constant 0 : i32
    %cond3A_18 = arith.cmpi ne, %convert_element_type3A_16, %cond3A_17 : i32
    scf.if %cond3A_18 {
      %mul3A_35 = arith.constant 10000 : i32
      %mul3A_36 = arith.muli %arg1, %mul3A_35 : i32
      %scan3A_37 = arith.constant 0 : i32
      %scan3A_38 = arith.constant 0 : i32
      %scan3A_39 = arith.constant 125 : i32
      %scan3A_40 = arith.addi %scan3A_38, %scan3A_39 : i32
      %scan3A_41 = arith.constant 1 : i32
      scf.for %scan3A_43 = %scan3A_38 to %scan3A_40 step %scan3A_41  : i32 {
        %mul3A_44 = arith.constant 80 : i32
        %mul3A_45 = arith.muli %scan3A_43, %mul3A_44 : i32
        %add3A = arith.addi %mul3A_36, %mul3A_45 : i32
        "tpu.region"() ({
          %run_scoped3A = tpu.sem_alloc : memref<!tpu.dma_semaphore, #tpu.memory_space<semaphore_mem>>
          %dma_start3A_58 = tpu.memref_slice %arg6[%add3A] : memref<320000xi32, #tpu.memory_space<hbm>> -> memref<80xi32, #tpu.memory_space<hbm>>
          %dma_start3A_59 = tpu.memref_slice %arg6[%add3A] : memref<320000xi32, #tpu.memory_space<hbm>> -> memref<80xi32, #tpu.memory_space<hbm>>
          tpu.enqueue_dma source(%dma_start3A_59 : memref<80xi32, #tpu.memory_space<hbm>>) target(%arg9 : memref<80xi32, #tpu.memory_space<vmem>>) target_semaphore(%run_scoped3A : memref<!tpu.dma_semaphore, #tpu.memory_space<semaphore_mem>>)
          %dma_wait3A_60 = tpu.memref_slice %arg6[%add3A] : memref<320000xi32, #tpu.memory_space<hbm>> -> memref<80xi32, #tpu.memory_space<hbm>>
          %dma_wait3A_61 = tpu.memref_slice %arg6[%add3A] : memref<320000xi32, #tpu.memory_space<hbm>> -> memref<80xi32, #tpu.memory_space<hbm>>
          tpu.wait_dma2 semaphore(%run_scoped3A : memref<!tpu.dma_semaphore, #tpu.memory_space<semaphore_mem>>) src(%dma_wait3A_61 : memref<80xi32, #tpu.memory_space<hbm>>) dst(%arg9 : memref<80xi32, #tpu.memory_space<vmem>>)
          tpu.yield
        }) : () -> ()
        %add3A_46 = arith.constant 160000 : i32
        %add3A_47 = arith.addi %add3A_46, %add3A : i32
        "tpu.region"() ({
          %run_scoped3A = tpu.sem_alloc : memref<!tpu.dma_semaphore, #tpu.memory_space<semaphore_mem>>
          %dma_start3A_58 = tpu.memref_slice %arg6[%add3A_47] : memref<320000xi32, #tpu.memory_space<hbm>> -> memref<80xi32, #tpu.memory_space<hbm>>
          %dma_start3A_59 = tpu.memref_slice %arg6[%add3A_47] : memref<320000xi32, #tpu.memory_space<hbm>> -> memref<80xi32, #tpu.memory_space<hbm>>
          tpu.enqueue_dma source(%dma_start3A_59 : memref<80xi32, #tpu.memory_space<hbm>>) target(%arg10 : memref<80xi32, #tpu.memory_space<vmem>>) target_semaphore(%run_scoped3A : memref<!tpu.dma_semaphore, #tpu.memory_space<semaphore_mem>>)
          %dma_wait3A_60 = tpu.memref_slice %arg6[%add3A_47] : memref<320000xi32, #tpu.memory_space<hbm>> -> memref<80xi32, #tpu.memory_space<hbm>>
          %dma_wait3A_61 = tpu.memref_slice %arg6[%add3A_47] : memref<320000xi32, #tpu.memory_space<hbm>> -> memref<80xi32, #tpu.memory_space<hbm>>
          tpu.wait_dma2 semaphore(%run_scoped3A : memref<!tpu.dma_semaphore, #tpu.memory_space<semaphore_mem>>) src(%dma_wait3A_61 : memref<80xi32, #tpu.memory_space<hbm>>) dst(%arg10 : memref<80xi32, #tpu.memory_space<vmem>>)
          tpu.yield
        }) : () -> ()
        "tpu.region"() ({
          %run_scoped3A = tpu.sem_alloc : memref<!tpu.dma_semaphore, #tpu.memory_space<semaphore_mem>>
          %dma_start3A_58 = arith.constant 0 : i32
          %dma_start3A_59 = tpu.memref_slice %arg4[%add3A, %dma_start3A_58] : memref<160000x128xf32, #tpu.memory_space<hbm>> -> memref<80x128xf32, #tpu.memory_space<hbm>>
          %dma_start3A_60 = arith.constant 0 : i32
          %dma_start3A_61 = tpu.memref_slice %arg4[%add3A, %dma_start3A_60] : memref<160000x128xf32, #tpu.memory_space<hbm>> -> memref<80x128xf32, #tpu.memory_space<hbm>>
          tpu.enqueue_dma source(%dma_start3A_61 : memref<80x128xf32, #tpu.memory_space<hbm>>) target(%arg11 : memref<80x128xf32, #tpu.memory_space<vmem>>) target_semaphore(%run_scoped3A : memref<!tpu.dma_semaphore, #tpu.memory_space<semaphore_mem>>)
          %dma_wait3A_62 = arith.constant 0 : i32
          %dma_wait3A_63 = tpu.memref_slice %arg4[%add3A, %dma_wait3A_62] : memref<160000x128xf32, #tpu.memory_space<hbm>> -> memref<80x128xf32, #tpu.memory_space<hbm>>
          %dma_wait3A_64 = arith.constant 0 : i32
          %dma_wait3A_65 = tpu.memref_slice %arg4[%add3A, %dma_wait3A_64] : memref<160000x128xf32, #tpu.memory_space<hbm>> -> memref<80x128xf32, #tpu.memory_space<hbm>>
          tpu.wait_dma2 semaphore(%run_scoped3A : memref<!tpu.dma_semaphore, #tpu.memory_space<semaphore_mem>>) src(%dma_wait3A_65 : memref<80x128xf32, #tpu.memory_space<hbm>>) dst(%arg11 : memref<80x128xf32, #tpu.memory_space<vmem>>)
          tpu.yield
        }) : () -> ()
        %dma_start3A = arith.constant 0 : i32
        %dma_start3A_48 = arith.constant 0 : i32
        %dma_start3A_49 = tpu.memref_slice %arg2[%dma_start3A, %dma_start3A_48] : memref<10000x128xf32, #tpu.memory_space<hbm>> -> memref<10000x128xf32, #tpu.memory_space<hbm>>
        tpu.enqueue_indirect_dma source(%dma_start3A_49 : memref<10000x128xf32, #tpu.memory_space<hbm>>) target(%arg11 : memref<80x128xf32, #tpu.memory_space<vmem>>) offsets(%arg9 : memref<80xi32, #tpu.memory_space<vmem>>) semaphore(%arg14 : memref<!tpu.dma_semaphore, #tpu.memory_space<semaphore_mem>>) {add = true}
        %dma_wait3A = arith.constant 0 : i32
        %dma_wait3A_50 = arith.constant 0 : i32
        %dma_wait3A_51 = tpu.memref_slice %arg2[%dma_wait3A, %dma_wait3A_50] : memref<10000x128xf32, #tpu.memory_space<hbm>> -> memref<10000x128xf32, #tpu.memory_space<hbm>>
        tpu.wait_indirect_dma semaphore(%arg14 : memref<!tpu.dma_semaphore, #tpu.memory_space<semaphore_mem>>) src(%dma_wait3A_51 : memref<10000x128xf32, #tpu.memory_space<hbm>>) dst(%arg11 : memref<80x128xf32, #tpu.memory_space<vmem>>)
        %scan3A_52 = arith.constant 0 : i32
        %scan3A_53 = arith.constant 0 : i32
        %scan3A_54 = arith.constant 640 : i32
        %scan3A_55 = arith.addi %scan3A_53, %scan3A_54 : i32
        %scan3A_56 = arith.constant 1 : i32
        scf.for %scan3A_58 = %scan3A_53 to %scan3A_55 step %scan3A_56  : i32 {
          %jit3A = arith.constant 8 : i32
          %div3A = arith.divsi %scan3A_58, %jit3A : i32
          %sign3A = arith.constant 0 : i32
          %sign3A_59 = arith.cmpi sgt, %scan3A_58, %sign3A : i32
          %sign3A_60 = arith.extui %sign3A_59 : i1 to i32
          %sign3A_61 = arith.constant 0 : i32
          %sign3A_62 = arith.cmpi slt, %scan3A_58, %sign3A_61 : i32
          %sign3A_63 = arith.extui %sign3A_62 : i1 to i32
          %sign3A_64 = arith.subi %sign3A_60, %sign3A_63 : i32
          %sign3A_65 = arith.constant 0 : i32
          %sign3A_66 = arith.cmpi sgt, %jit3A, %sign3A_65 : i32
          %sign3A_67 = arith.extui %sign3A_66 : i1 to i32
          %sign3A_68 = arith.constant 0 : i32
          %sign3A_69 = arith.cmpi slt, %jit3A, %sign3A_68 : i32
          %sign3A_70 = arith.extui %sign3A_69 : i1 to i32
          %sign3A_71 = arith.subi %sign3A_67, %sign3A_70 : i32
          %ne3A = arith.cmpi ne, %sign3A_64, %sign3A_71 : i32
          %rem3A = arith.remsi %scan3A_58, %jit3A : i32
          %ne3A_72 = arith.constant 0 : i32
          %ne3A_73 = arith.cmpi ne, %rem3A, %ne3A_72 : i32
          %and3A = arith.andi %ne3A, %ne3A_73 : i1
          %sub3A = arith.constant 1 : i32
          %sub3A_74 = arith.subi %div3A, %sub3A : i32
          %select_n3A = arith.select %and3A, %sub3A_74, %div3A : i32
          %jit3A_75 = arith.constant 8 : i32
          %eq3A_76 = arith.constant 0 : i32
          %eq3A_77 = arith.cmpi eq, %jit3A_75, %eq3A_76 : i32
          %jit3A_78 = arith.constant 1 : i32
          %select_n3A_79 = arith.select %eq3A_77, %jit3A_78, %jit3A_75 : i32
          %rem3A_80 = arith.remsi %scan3A_58, %select_n3A_79 : i32
          %ne3A_81 = arith.constant 0 : i32
          %ne3A_82 = arith.cmpi ne, %rem3A_80, %ne3A_81 : i32
          %lt3A = arith.constant 0 : i32
          %lt3A_83 = arith.cmpi slt, %rem3A_80, %lt3A : i32
          %lt3A_84 = arith.constant 0 : i32
          %lt3A_85 = arith.cmpi slt, %select_n3A_79, %lt3A_84 : i32
          %ne3A_86 = arith.xori %lt3A_83, %lt3A_85 : i1
          %and3A_87 = arith.andi %ne3A_86, %ne3A_82 : i1
          %add3A_88 = arith.addi %rem3A_80, %select_n3A_79 : i32
          %select_n3A_89 = arith.select %and3A_87, %add3A_88, %rem3A_80 : i32
          %mul3A_90 = arith.constant 16 : i32
          %mul3A_91 = arith.muli %select_n3A_89, %mul3A_90 : i32
          %get3A = arith.index_cast %select_n3A : i32 to index
          %get3A_92 = arith.index_cast %mul3A_91 : i32 to index
          %get3A_93 = tpu.vector_load %arg11[%get3A, %get3A_92] {strides = array<i32>} : memref<80x128xf32, #tpu.memory_space<vmem>>, vector<1x16xf32>,
          %get3A_94 = vector.shape_cast %get3A_93 : vector<1x16xf32> to vector<16xf32>
          %max3A = arith.constant 0.000000e+00 : f32
          %max3A_95 = vector.broadcast %max3A : f32 to vector<16xf32>
          %max3A_96 = arith.maximumf %get3A_94, %max3A_95 : vector<16xf32>
          %swap3A = arith.index_cast %select_n3A : i32 to index
          %swap3A_97 = arith.index_cast %mul3A_91 : i32 to index
          %swap3A_98 = tpu.vector_load %arg11[%swap3A, %swap3A_97] {strides = array<i32>} : memref<80x128xf32, #tpu.memory_space<vmem>>, vector<1x16xf32>,
          %swap3A_99 = vector.shape_cast %swap3A_98 : vector<1x16xf32> to vector<16xf32>
          %swap3A_100 = vector.shape_cast %max3A_96 : vector<16xf32> to vector<1x16xf32>
          tpu.vector_store %arg11[%swap3A, %swap3A_97], %swap3A_100 {strides = array<i32>} : memref<80x128xf32, #tpu.memory_space<vmem>>, vector<1x16xf32>,
        }
        %scan3A_57 = arith.constant 640 : i32
        "tpu.region"() ({
          %run_scoped3A = tpu.sem_alloc : memref<!tpu.dma_semaphore, #tpu.memory_space<semaphore_mem>>
          %dma_start3A_58 = arith.constant 0 : i32
          %dma_start3A_59 = arith.constant 0 : i32
          %dma_start3A_60 = tpu.memref_slice %arg13[%dma_start3A_58, %dma_start3A_59] : memref<10000x128xf32, #tpu.memory_space<vmem_shared>> -> memref<10000x128xf32, #tpu.memory_space<vmem_shared>>
          tpu.enqueue_indirect_dma source(%arg11 : memref<80x128xf32, #tpu.memory_space<vmem>>) target(%dma_start3A_60 : memref<10000x128xf32, #tpu.memory_space<vmem_shared>>) offsets(%arg10 : memref<80xi32, #tpu.memory_space<vmem>>) semaphore(%run_scoped3A : memref<!tpu.dma_semaphore, #tpu.memory_space<semaphore_mem>>) {add = true}
          %dma_wait3A_61 = arith.constant 0 : i32
          %dma_wait3A_62 = arith.constant 0 : i32
          %dma_wait3A_63 = tpu.memref_slice %arg13[%dma_wait3A_61, %dma_wait3A_62] : memref<10000x128xf32, #tpu.memory_space<vmem_shared>> -> memref<10000x128xf32, #tpu.memory_space<vmem_shared>>
          tpu.wait_indirect_dma semaphore(%run_scoped3A : memref<!tpu.dma_semaphore, #tpu.memory_space<semaphore_mem>>) src(%arg11 : memref<80x128xf32, #tpu.memory_space<vmem>>) dst(%dma_wait3A_63 : memref<10000x128xf32, #tpu.memory_space<vmem_shared>>)
          tpu.yield
        }) : () -> ()
      }
      %scan3A_42 = arith.constant 125 : i32
    } else {
    }
    %eq3A_19 = arith.constant 1 : i32
    %eq3A_20 = arith.cmpi eq, %arg0, %eq3A_19 : i32
    %convert_element_type3A_21 = arith.extui %eq3A_20 : i1 to i32
    %cond3A_22 = arith.constant 0 : i32
    %cond3A_23 = arith.cmpi ne, %convert_element_type3A_21, %cond3A_22 : i32
    scf.if %cond3A_23 {
      %mul3A_35 = arith.constant 10000 : i32
      %mul3A_36 = arith.muli %arg1, %mul3A_35 : i32
      %scan3A_37 = arith.constant 0 : i32
      %scan3A_38 = arith.constant 0 : i32
      %scan3A_39 = arith.constant 125 : i32
      %scan3A_40 = arith.addi %scan3A_38, %scan3A_39 : i32
      %scan3A_41 = arith.constant 1 : i32
      scf.for %scan3A_43 = %scan3A_38 to %scan3A_40 step %scan3A_41  : i32 {
        %mul3A_44 = arith.constant 80 : i32
        %mul3A_45 = arith.muli %scan3A_43, %mul3A_44 : i32
        %add3A = arith.addi %mul3A_36, %mul3A_45 : i32
        "tpu.region"() ({
          %run_scoped3A = tpu.sem_alloc : memref<!tpu.dma_semaphore, #tpu.memory_space<semaphore_mem>>
          %dma_start3A_58 = tpu.memref_slice %arg6[%add3A] : memref<320000xi32, #tpu.memory_space<hbm>> -> memref<80xi32, #tpu.memory_space<hbm>>
          %dma_start3A_59 = tpu.memref_slice %arg6[%add3A] : memref<320000xi32, #tpu.memory_space<hbm>> -> memref<80xi32, #tpu.memory_space<hbm>>
          tpu.enqueue_dma source(%dma_start3A_59 : memref<80xi32, #tpu.memory_space<hbm>>) target(%arg9 : memref<80xi32, #tpu.memory_space<vmem>>) target_semaphore(%run_scoped3A : memref<!tpu.dma_semaphore, #tpu.memory_space<semaphore_mem>>)
          %dma_wait3A_60 = tpu.memref_slice %arg6[%add3A] : memref<320000xi32, #tpu.memory_space<hbm>> -> memref<80xi32, #tpu.memory_space<hbm>>
          %dma_wait3A_61 = tpu.memref_slice %arg6[%add3A] : memref<320000xi32, #tpu.memory_space<hbm>> -> memref<80xi32, #tpu.memory_space<hbm>>
          tpu.wait_dma2 semaphore(%run_scoped3A : memref<!tpu.dma_semaphore, #tpu.memory_space<semaphore_mem>>) src(%dma_wait3A_61 : memref<80xi32, #tpu.memory_space<hbm>>) dst(%arg9 : memref<80xi32, #tpu.memory_space<vmem>>)
          tpu.yield
        }) : () -> ()
        %add3A_46 = arith.constant 160000 : i32
        %add3A_47 = arith.addi %add3A_46, %add3A : i32
        "tpu.region"() ({
          %run_scoped3A = tpu.sem_alloc : memref<!tpu.dma_semaphore, #tpu.memory_space<semaphore_mem>>
          %dma_start3A_58 = tpu.memref_slice %arg6[%add3A_47] : memref<320000xi32, #tpu.memory_space<hbm>> -> memref<80xi32, #tpu.memory_space<hbm>>
          %dma_start3A_59 = tpu.memref_slice %arg6[%add3A_47] : memref<320000xi32, #tpu.memory_space<hbm>> -> memref<80xi32, #tpu.memory_space<hbm>>
          tpu.enqueue_dma source(%dma_start3A_59 : memref<80xi32, #tpu.memory_space<hbm>>) target(%arg10 : memref<80xi32, #tpu.memory_space<vmem>>) target_semaphore(%run_scoped3A : memref<!tpu.dma_semaphore, #tpu.memory_space<semaphore_mem>>)
          %dma_wait3A_60 = tpu.memref_slice %arg6[%add3A_47] : memref<320000xi32, #tpu.memory_space<hbm>> -> memref<80xi32, #tpu.memory_space<hbm>>
          %dma_wait3A_61 = tpu.memref_slice %arg6[%add3A_47] : memref<320000xi32, #tpu.memory_space<hbm>> -> memref<80xi32, #tpu.memory_space<hbm>>
          tpu.wait_dma2 semaphore(%run_scoped3A : memref<!tpu.dma_semaphore, #tpu.memory_space<semaphore_mem>>) src(%dma_wait3A_61 : memref<80xi32, #tpu.memory_space<hbm>>) dst(%arg10 : memref<80xi32, #tpu.memory_space<vmem>>)
          tpu.yield
        }) : () -> ()
        "tpu.region"() ({
          %run_scoped3A = tpu.sem_alloc : memref<!tpu.dma_semaphore, #tpu.memory_space<semaphore_mem>>
          %dma_start3A_58 = arith.constant 0 : i32
          %dma_start3A_59 = tpu.memref_slice %arg5[%add3A, %dma_start3A_58] : memref<160000x128xf32, #tpu.memory_space<hbm>> -> memref<80x128xf32, #tpu.memory_space<hbm>>
          %dma_start3A_60 = arith.constant 0 : i32
          %dma_start3A_61 = tpu.memref_slice %arg5[%add3A, %dma_start3A_60] : memref<160000x128xf32, #tpu.memory_space<hbm>> -> memref<80x128xf32, #tpu.memory_space<hbm>>
          tpu.enqueue_dma source(%dma_start3A_61 : memref<80x128xf32, #tpu.memory_space<hbm>>) target(%arg11 : memref<80x128xf32, #tpu.memory_space<vmem>>) target_semaphore(%run_scoped3A : memref<!tpu.dma_semaphore, #tpu.memory_space<semaphore_mem>>)
          %dma_wait3A_62 = arith.constant 0 : i32
          %dma_wait3A_63 = tpu.memref_slice %arg5[%add3A, %dma_wait3A_62] : memref<160000x128xf32, #tpu.memory_space<hbm>> -> memref<80x128xf32, #tpu.memory_space<hbm>>
          %dma_wait3A_64 = arith.constant 0 : i32
          %dma_wait3A_65 = tpu.memref_slice %arg5[%add3A, %dma_wait3A_64] : memref<160000x128xf32, #tpu.memory_space<hbm>> -> memref<80x128xf32, #tpu.memory_space<hbm>>
          tpu.wait_dma2 semaphore(%run_scoped3A : memref<!tpu.dma_semaphore, #tpu.memory_space<semaphore_mem>>) src(%dma_wait3A_65 : memref<80x128xf32, #tpu.memory_space<hbm>>) dst(%arg11 : memref<80x128xf32, #tpu.memory_space<vmem>>)
          tpu.yield
        }) : () -> ()
        %dma_start3A = arith.constant 0 : i32
        %dma_start3A_48 = arith.constant 0 : i32
        %dma_start3A_49 = tpu.memref_slice %arg3[%dma_start3A, %dma_start3A_48] : memref<10000x128xf32, #tpu.memory_space<hbm>> -> memref<10000x128xf32, #tpu.memory_space<hbm>>
        tpu.enqueue_indirect_dma source(%dma_start3A_49 : memref<10000x128xf32, #tpu.memory_space<hbm>>) target(%arg11 : memref<80x128xf32, #tpu.memory_space<vmem>>) offsets(%arg9 : memref<80xi32, #tpu.memory_space<vmem>>) semaphore(%arg14 : memref<!tpu.dma_semaphore, #tpu.memory_space<semaphore_mem>>) {add = true}
        %dma_wait3A = arith.constant 0 : i32
        %dma_wait3A_50 = arith.constant 0 : i32
        %dma_wait3A_51 = tpu.memref_slice %arg3[%dma_wait3A, %dma_wait3A_50] : memref<10000x128xf32, #tpu.memory_space<hbm>> -> memref<10000x128xf32, #tpu.memory_space<hbm>>
        tpu.wait_indirect_dma semaphore(%arg14 : memref<!tpu.dma_semaphore, #tpu.memory_space<semaphore_mem>>) src(%dma_wait3A_51 : memref<10000x128xf32, #tpu.memory_space<hbm>>) dst(%arg11 : memref<80x128xf32, #tpu.memory_space<vmem>>)
        %scan3A_52 = arith.constant 0 : i32
        %scan3A_53 = arith.constant 0 : i32
        %scan3A_54 = arith.constant 640 : i32
        %scan3A_55 = arith.addi %scan3A_53, %scan3A_54 : i32
        %scan3A_56 = arith.constant 1 : i32
        scf.for %scan3A_58 = %scan3A_53 to %scan3A_55 step %scan3A_56  : i32 {
          %jit3A = arith.constant 8 : i32
          %div3A = arith.divsi %scan3A_58, %jit3A : i32
          %sign3A = arith.constant 0 : i32
          %sign3A_59 = arith.cmpi sgt, %scan3A_58, %sign3A : i32
          %sign3A_60 = arith.extui %sign3A_59 : i1 to i32
          %sign3A_61 = arith.constant 0 : i32
          %sign3A_62 = arith.cmpi slt, %scan3A_58, %sign3A_61 : i32
          %sign3A_63 = arith.extui %sign3A_62 : i1 to i32
          %sign3A_64 = arith.subi %sign3A_60, %sign3A_63 : i32
          %sign3A_65 = arith.constant 0 : i32
          %sign3A_66 = arith.cmpi sgt, %jit3A, %sign3A_65 : i32
          %sign3A_67 = arith.extui %sign3A_66 : i1 to i32
          %sign3A_68 = arith.constant 0 : i32
          %sign3A_69 = arith.cmpi slt, %jit3A, %sign3A_68 : i32
          %sign3A_70 = arith.extui %sign3A_69 : i1 to i32
          %sign3A_71 = arith.subi %sign3A_67, %sign3A_70 : i32
          %ne3A = arith.cmpi ne, %sign3A_64, %sign3A_71 : i32
          %rem3A = arith.remsi %scan3A_58, %jit3A : i32
          %ne3A_72 = arith.constant 0 : i32
          %ne3A_73 = arith.cmpi ne, %rem3A, %ne3A_72 : i32
          %and3A = arith.andi %ne3A, %ne3A_73 : i1
          %sub3A = arith.constant 1 : i32
          %sub3A_74 = arith.subi %div3A, %sub3A : i32
          %select_n3A = arith.select %and3A, %sub3A_74, %div3A : i32
          %jit3A_75 = arith.constant 8 : i32
          %eq3A_76 = arith.constant 0 : i32
          %eq3A_77 = arith.cmpi eq, %jit3A_75, %eq3A_76 : i32
          %jit3A_78 = arith.constant 1 : i32
          %select_n3A_79 = arith.select %eq3A_77, %jit3A_78, %jit3A_75 : i32
          %rem3A_80 = arith.remsi %scan3A_58, %select_n3A_79 : i32
          %ne3A_81 = arith.constant 0 : i32
          %ne3A_82 = arith.cmpi ne, %rem3A_80, %ne3A_81 : i32
          %lt3A = arith.constant 0 : i32
          %lt3A_83 = arith.cmpi slt, %rem3A_80, %lt3A : i32
          %lt3A_84 = arith.constant 0 : i32
          %lt3A_85 = arith.cmpi slt, %select_n3A_79, %lt3A_84 : i32
          %ne3A_86 = arith.xori %lt3A_83, %lt3A_85 : i1
          %and3A_87 = arith.andi %ne3A_86, %ne3A_82 : i1
          %add3A_88 = arith.addi %rem3A_80, %select_n3A_79 : i32
          %select_n3A_89 = arith.select %and3A_87, %add3A_88, %rem3A_80 : i32
          %mul3A_90 = arith.constant 16 : i32
          %mul3A_91 = arith.muli %select_n3A_89, %mul3A_90 : i32
          %get3A = arith.index_cast %select_n3A : i32 to index
          %get3A_92 = arith.index_cast %mul3A_91 : i32 to index
          %get3A_93 = tpu.vector_load %arg11[%get3A, %get3A_92] {strides = array<i32>} : memref<80x128xf32, #tpu.memory_space<vmem>>, vector<1x16xf32>,
          %get3A_94 = vector.shape_cast %get3A_93 : vector<1x16xf32> to vector<16xf32>
          %max3A = arith.constant 0.000000e+00 : f32
          %max3A_95 = vector.broadcast %max3A : f32 to vector<16xf32>
          %max3A_96 = arith.maximumf %get3A_94, %max3A_95 : vector<16xf32>
          %swap3A = arith.index_cast %select_n3A : i32 to index
          %swap3A_97 = arith.index_cast %mul3A_91 : i32 to index
          %swap3A_98 = tpu.vector_load %arg11[%swap3A, %swap3A_97] {strides = array<i32>} : memref<80x128xf32, #tpu.memory_space<vmem>>, vector<1x16xf32>,
          %swap3A_99 = vector.shape_cast %swap3A_98 : vector<1x16xf32> to vector<16xf32>
          %swap3A_100 = vector.shape_cast %max3A_96 : vector<16xf32> to vector<1x16xf32>
          tpu.vector_store %arg11[%swap3A, %swap3A_97], %swap3A_100 {strides = array<i32>} : memref<80x128xf32, #tpu.memory_space<vmem>>, vector<1x16xf32>,
        }
        %scan3A_57 = arith.constant 640 : i32
        "tpu.region"() ({
          %run_scoped3A = tpu.sem_alloc : memref<!tpu.dma_semaphore, #tpu.memory_space<semaphore_mem>>
          %dma_start3A_58 = arith.constant 0 : i32
          %dma_start3A_59 = arith.constant 0 : i32
          %dma_start3A_60 = tpu.memref_slice %arg13[%dma_start3A_58, %dma_start3A_59] : memref<10000x128xf32, #tpu.memory_space<vmem_shared>> -> memref<10000x128xf32, #tpu.memory_space<vmem_shared>>
          tpu.enqueue_indirect_dma source(%arg11 : memref<80x128xf32, #tpu.memory_space<vmem>>) target(%dma_start3A_60 : memref<10000x128xf32, #tpu.memory_space<vmem_shared>>) offsets(%arg10 : memref<80xi32, #tpu.memory_space<vmem>>) semaphore(%run_scoped3A : memref<!tpu.dma_semaphore, #tpu.memory_space<semaphore_mem>>) {add = true}
          %dma_wait3A_61 = arith.constant 0 : i32
          %dma_wait3A_62 = arith.constant 0 : i32
          %dma_wait3A_63 = tpu.memref_slice %arg13[%dma_wait3A_61, %dma_wait3A_62] : memref<10000x128xf32, #tpu.memory_space<vmem_shared>> -> memref<10000x128xf32, #tpu.memory_space<vmem_shared>>
          tpu.wait_indirect_dma semaphore(%run_scoped3A : memref<!tpu.dma_semaphore, #tpu.memory_space<semaphore_mem>>) src(%arg11 : memref<80x128xf32, #tpu.memory_space<vmem>>) dst(%dma_wait3A_63 : memref<10000x128xf32, #tpu.memory_space<vmem_shared>>)
          tpu.yield
        }) : () -> ()
      }
      %scan3A_42 = arith.constant 125 : i32
    } else {
    }
    %barrier3A_24 = arith.constant 0 : index
    tpu.barrier barrier_id(%barrier3A_24)
    %eq3A_25 = arith.constant 0 : i32
    %eq3A_26 = arith.cmpi eq, %arg0, %eq3A_25 : i32
    %convert_element_type3A_27 = arith.extui %eq3A_26 : i1 to i32
    %cond3A_28 = arith.constant 0 : i32
    %cond3A_29 = arith.cmpi ne, %convert_element_type3A_27, %cond3A_28 : i32
    scf.if %cond3A_29 {
      "tpu.region"() ({
        %run_scoped3A = tpu.sem_alloc : memref<!tpu.dma_semaphore, #tpu.memory_space<semaphore_mem>>
        %dma_start3A = arith.constant 0 : i32
        %dma_start3A_40 = tpu.memref_slice %arg7[%mul3A_5, %dma_start3A] : memref<10000x128xf32, #tpu.memory_space<hbm>> -> memref<624x128xf32, #tpu.memory_space<hbm>>
        %dma_start3A_41 = arith.constant 0 : i32
        %dma_start3A_42 = tpu.memref_slice %arg13[%mul3A_5, %dma_start3A_41] : memref<10000x128xf32, #tpu.memory_space<vmem_shared>> -> memref<624x128xf32, #tpu.memory_space<vmem_shared>>
        tpu.enqueue_dma source(%dma_start3A_42 : memref<624x128xf32, #tpu.memory_space<vmem_shared>>) target(%dma_start3A_40 : memref<624x128xf32, #tpu.memory_space<hbm>>) target_semaphore(%run_scoped3A : memref<!tpu.dma_semaphore, #tpu.memory_space<semaphore_mem>>)
        %dma_wait3A = arith.constant 0 : i32
        %dma_wait3A_43 = tpu.memref_slice %arg7[%mul3A_5, %dma_wait3A] : memref<10000x128xf32, #tpu.memory_space<hbm>> -> memref<624x128xf32, #tpu.memory_space<hbm>>
        %dma_wait3A_44 = arith.constant 0 : i32
        %dma_wait3A_45 = tpu.memref_slice %arg13[%mul3A_5, %dma_wait3A_44] : memref<10000x128xf32, #tpu.memory_space<vmem_shared>> -> memref<624x128xf32, #tpu.memory_space<vmem_shared>>
        tpu.wait_dma2 semaphore(%run_scoped3A : memref<!tpu.dma_semaphore, #tpu.memory_space<semaphore_mem>>) src(%dma_wait3A_45 : memref<624x128xf32, #tpu.memory_space<vmem_shared>>) dst(%dma_wait3A_43 : memref<624x128xf32, #tpu.memory_space<hbm>>)
        tpu.yield
      }) : () -> ()
      %eq3A_35 = arith.constant 15 : i32
      %eq3A_36 = arith.cmpi eq, %arg1, %eq3A_35 : i32
      %convert_element_type3A_37 = arith.extui %eq3A_36 : i1 to i32
      %cond3A_38 = arith.constant 0 : i32
      %cond3A_39 = arith.cmpi ne, %convert_element_type3A_37, %cond3A_38 : i32
      scf.if %cond3A_39 {
        "tpu.region"() ({
          %run_scoped3A = tpu.sem_alloc : memref<!tpu.dma_semaphore, #tpu.memory_space<semaphore_mem>>
          %dma_start3A = arith.constant 9984 : i32
          %dma_start3A_40 = arith.constant 0 : i32
          %dma_start3A_41 = tpu.memref_slice %arg7[%dma_start3A, %dma_start3A_40] : memref<10000x128xf32, #tpu.memory_space<hbm>> -> memref<16x128xf32, #tpu.memory_space<hbm>>
          %dma_start3A_42 = arith.constant 9984 : i32
          %dma_start3A_43 = arith.constant 0 : i32
          %dma_start3A_44 = tpu.memref_slice %arg13[%dma_start3A_42, %dma_start3A_43] : memref<10000x128xf32, #tpu.memory_space<vmem_shared>> -> memref<16x128xf32, #tpu.memory_space<vmem_shared>>
          tpu.enqueue_dma source(%dma_start3A_44 : memref<16x128xf32, #tpu.memory_space<vmem_shared>>) target(%dma_start3A_41 : memref<16x128xf32, #tpu.memory_space<hbm>>) target_semaphore(%run_scoped3A : memref<!tpu.dma_semaphore, #tpu.memory_space<semaphore_mem>>)
          %dma_wait3A = arith.constant 9984 : i32
          %dma_wait3A_45 = arith.constant 0 : i32
          %dma_wait3A_46 = tpu.memref_slice %arg7[%dma_wait3A, %dma_wait3A_45] : memref<10000x128xf32, #tpu.memory_space<hbm>> -> memref<16x128xf32, #tpu.memory_space<hbm>>
          %dma_wait3A_47 = arith.constant 9984 : i32
          %dma_wait3A_48 = arith.constant 0 : i32
          %dma_wait3A_49 = tpu.memref_slice %arg13[%dma_wait3A_47, %dma_wait3A_48] : memref<10000x128xf32, #tpu.memory_space<vmem_shared>> -> memref<16x128xf32, #tpu.memory_space<vmem_shared>>
          tpu.wait_dma2 semaphore(%run_scoped3A : memref<!tpu.dma_semaphore, #tpu.memory_space<semaphore_mem>>) src(%dma_wait3A_49 : memref<16x128xf32, #tpu.memory_space<vmem_shared>>) dst(%dma_wait3A_46 : memref<16x128xf32, #tpu.memory_space<hbm>>)
          tpu.yield
        }) : () -> ()
      } else {
      }
    } else {
    }
    %eq3A_30 = arith.constant 1 : i32
    %eq3A_31 = arith.cmpi eq, %arg0, %eq3A_30 : i32
    %convert_element_type3A_32 = arith.extui %eq3A_31 : i1 to i32
    %cond3A_33 = arith.constant 0 : i32
    %cond3A_34 = arith.cmpi ne, %convert_element_type3A_32, %cond3A_33 : i32
    scf.if %cond3A_34 {
      "tpu.region"() ({
        %run_scoped3A = tpu.sem_alloc : memref<!tpu.dma_semaphore, #tpu.memory_space<semaphore_mem>>
        %dma_start3A = arith.constant 0 : i32
        %dma_start3A_40 = tpu.memref_slice %arg8[%mul3A_5, %dma_start3A] : memref<10000x128xf32, #tpu.memory_space<hbm>> -> memref<624x128xf32, #tpu.memory_space<hbm>>
        %dma_start3A_41 = arith.constant 0 : i32
        %dma_start3A_42 = tpu.memref_slice %arg13[%mul3A_5, %dma_start3A_41] : memref<10000x128xf32, #tpu.memory_space<vmem_shared>> -> memref<624x128xf32, #tpu.memory_space<vmem_shared>>
        tpu.enqueue_dma source(%dma_start3A_42 : memref<624x128xf32, #tpu.memory_space<vmem_shared>>) target(%dma_start3A_40 : memref<624x128xf32, #tpu.memory_space<hbm>>) target_semaphore(%run_scoped3A : memref<!tpu.dma_semaphore, #tpu.memory_space<semaphore_mem>>)
        %dma_wait3A = arith.constant 0 : i32
        %dma_wait3A_43 = tpu.memref_slice %arg8[%mul3A_5, %dma_wait3A] : memref<10000x128xf32, #tpu.memory_space<hbm>> -> memref<624x128xf32, #tpu.memory_space<hbm>>
        %dma_wait3A_44 = arith.constant 0 : i32
        %dma_wait3A_45 = tpu.memref_slice %arg13[%mul3A_5, %dma_wait3A_44] : memref<10000x128xf32, #tpu.memory_space<vmem_shared>> -> memref<624x128xf32, #tpu.memory_space<vmem_shared>>
        tpu.wait_dma2 semaphore(%run_scoped3A : memref<!tpu.dma_semaphore, #tpu.memory_space<semaphore_mem>>) src(%dma_wait3A_45 : memref<624x128xf32, #tpu.memory_space<vmem_shared>>) dst(%dma_wait3A_43 : memref<624x128xf32, #tpu.memory_space<hbm>>)
        tpu.yield
      }) : () -> ()
      %eq3A_35 = arith.constant 15 : i32
      %eq3A_36 = arith.cmpi eq, %arg1, %eq3A_35 : i32
      %convert_element_type3A_37 = arith.extui %eq3A_36 : i1 to i32
      %cond3A_38 = arith.constant 0 : i32
      %cond3A_39 = arith.cmpi ne, %convert_element_type3A_37, %cond3A_38 : i32
      scf.if %cond3A_39 {
        "tpu.region"() ({
          %run_scoped3A = tpu.sem_alloc : memref<!tpu.dma_semaphore, #tpu.memory_space<semaphore_mem>>
          %dma_start3A = arith.constant 9984 : i32
          %dma_start3A_40 = arith.constant 0 : i32
          %dma_start3A_41 = tpu.memref_slice %arg8[%dma_start3A, %dma_start3A_40] : memref<10000x128xf32, #tpu.memory_space<hbm>> -> memref<16x128xf32, #tpu.memory_space<hbm>>
          %dma_start3A_42 = arith.constant 9984 : i32
          %dma_start3A_43 = arith.constant 0 : i32
          %dma_start3A_44 = tpu.memref_slice %arg13[%dma_start3A_42, %dma_start3A_43] : memref<10000x128xf32, #tpu.memory_space<vmem_shared>> -> memref<16x128xf32, #tpu.memory_space<vmem_shared>>
          tpu.enqueue_dma source(%dma_start3A_44 : memref<16x128xf32, #tpu.memory_space<vmem_shared>>) target(%dma_start3A_41 : memref<16x128xf32, #tpu.memory_space<hbm>>) target_semaphore(%run_scoped3A : memref<!tpu.dma_semaphore, #tpu.memory_space<semaphore_mem>>)
          %dma_wait3A = arith.constant 9984 : i32
          %dma_wait3A_45 = arith.constant 0 : i32
          %dma_wait3A_46 = tpu.memref_slice %arg8[%dma_wait3A, %dma_wait3A_45] : memref<10000x128xf32, #tpu.memory_space<hbm>> -> memref<16x128xf32, #tpu.memory_space<hbm>>
          %dma_wait3A_47 = arith.constant 9984 : i32
          %dma_wait3A_48 = arith.constant 0 : i32
          %dma_wait3A_49 = tpu.memref_slice %arg13[%dma_wait3A_47, %dma_wait3A_48] : memref<10000x128xf32, #tpu.memory_space<vmem_shared>> -> memref<16x128xf32, #tpu.memory_space<vmem_shared>>
          tpu.wait_dma2 semaphore(%run_scoped3A : memref<!tpu.dma_semaphore, #tpu.memory_space<semaphore_mem>>) src(%dma_wait3A_49 : memref<16x128xf32, #tpu.memory_space<vmem_shared>>) dst(%dma_wait3A_46 : memref<16x128xf32, #tpu.memory_space<hbm>>)
          tpu.yield
        }) : () -> ()
      } else {
      }
    } else {
    }
    return
  }
}

#map = affine_map<(d0, d1) -> (0, 0)>
#map1 = affine_map<(d0, d1) -> (0)>
module attributes {stable_mosaic.version = 14 : i64} {
  func.func @body(%arg0: i32, %arg1: i32, %arg2: memref<10000x128xf32, #tpu.memory_space<hbm>>, %arg3: memref<10000x128xf32, #tpu.memory_space<hbm>>, %arg4: memref<320000xi32, #tpu.memory_space<hbm>>, %arg5: memref<10000x128xf32, #tpu.memory_space<hbm>>, %arg6: memref<10000x128xf32, #tpu.memory_space<hbm>>, %arg7: memref<80xi32, #tpu.memory_space<vmem>>, %arg8: memref<80xi32, #tpu.memory_space<vmem>>, %arg9: memref<80x128xf32, #tpu.memory_space<vmem>>, %arg10: memref<16x128xf32, #tpu.memory_space<vmem>>, %arg11: memref<10000x128xf32, #tpu.memory_space<vmem_shared>>, %arg12: memref<!tpu.dma_semaphore, #tpu.memory_space<semaphore_mem>>) attributes {dimension_semantics = [#tpu.dimension_semantics<core_parallel>, #tpu.dimension_semantics<subcore_parallel>], iteration_bounds = array<i64: 2, 16>, scalar_prefetch = 0 : i64, scratch_operands = 6 : i64, tpu.core_type = #tpu.core_type<sc_vector_subcore>, window_params = [{transform_indices = #map}, {transform_indices = #map}, {transform_indices = #map1}, {transform_indices = #map}, {transform_indices = #map}]} {
    %scan3A = arith.constant 0 : i32
    %scan3A_0 = arith.constant 0 : i32
    %scan3A_1 = arith.constant 128 : i32
    %scan3A_2 = arith.addi %scan3A_0, %scan3A_1 : i32
    %scan3A_3 = arith.constant 1 : i32
    scf.for %scan3A_35 = %scan3A_0 to %scan3A_2 step %scan3A_3  : i32 {
      %jit3A = arith.constant 8 : i32
      %div3A = arith.divsi %scan3A_35, %jit3A : i32
      %sign3A = arith.constant 0 : i32
      %sign3A_36 = arith.cmpi sgt, %scan3A_35, %sign3A : i32
      %sign3A_37 = arith.extui %sign3A_36 : i1 to i32
      %sign3A_38 = arith.constant 0 : i32
      %sign3A_39 = arith.cmpi slt, %scan3A_35, %sign3A_38 : i32
      %sign3A_40 = arith.extui %sign3A_39 : i1 to i32
      %sign3A_41 = arith.subi %sign3A_37, %sign3A_40 : i32
      %sign3A_42 = arith.constant 0 : i32
      %sign3A_43 = arith.cmpi sgt, %jit3A, %sign3A_42 : i32
      %sign3A_44 = arith.extui %sign3A_43 : i1 to i32
      %sign3A_45 = arith.constant 0 : i32
      %sign3A_46 = arith.cmpi slt, %jit3A, %sign3A_45 : i32
      %sign3A_47 = arith.extui %sign3A_46 : i1 to i32
      %sign3A_48 = arith.subi %sign3A_44, %sign3A_47 : i32
      %ne3A = arith.cmpi ne, %sign3A_41, %sign3A_48 : i32
      %rem3A = arith.remsi %scan3A_35, %jit3A : i32
      %ne3A_49 = arith.constant 0 : i32
      %ne3A_50 = arith.cmpi ne, %rem3A, %ne3A_49 : i32
      %and3A = arith.andi %ne3A, %ne3A_50 : i1
      %sub3A = arith.constant 1 : i32
      %sub3A_51 = arith.subi %div3A, %sub3A : i32
      %select_n3A = arith.select %and3A, %sub3A_51, %div3A : i32
      %jit3A_52 = arith.constant 8 : i32
      %eq3A_53 = arith.constant 0 : i32
      %eq3A_54 = arith.cmpi eq, %jit3A_52, %eq3A_53 : i32
      %jit3A_55 = arith.constant 1 : i32
      %select_n3A_56 = arith.select %eq3A_54, %jit3A_55, %jit3A_52 : i32
      %rem3A_57 = arith.remsi %scan3A_35, %select_n3A_56 : i32
      %ne3A_58 = arith.constant 0 : i32
      %ne3A_59 = arith.cmpi ne, %rem3A_57, %ne3A_58 : i32
      %lt3A = arith.constant 0 : i32
      %lt3A_60 = arith.cmpi slt, %rem3A_57, %lt3A : i32
      %lt3A_61 = arith.constant 0 : i32
      %lt3A_62 = arith.cmpi slt, %select_n3A_56, %lt3A_61 : i32
      %ne3A_63 = arith.xori %lt3A_60, %lt3A_62 : i1
      %and3A_64 = arith.andi %ne3A_63, %ne3A_59 : i1
      %add3A = arith.addi %rem3A_57, %select_n3A_56 : i32
      %select_n3A_65 = arith.select %and3A_64, %add3A, %rem3A_57 : i32
      %broadcast_in_dim3A = arith.constant 0.000000e+00 : f32
      %broadcast_in_dim3A_66 = vector.broadcast %broadcast_in_dim3A : f32 to vector<16xf32>
      %mul3A_67 = arith.constant 16 : i32
      %mul3A_68 = arith.muli %select_n3A_65, %mul3A_67 : i32
      %swap3A = arith.index_cast %select_n3A : i32 to index
      %swap3A_69 = arith.index_cast %mul3A_68 : i32 to index
      %swap3A_70 = tpu.vector_load %arg10[%swap3A, %swap3A_69] {strides = array<i32>} : memref<16x128xf32, #tpu.memory_space<vmem>>, vector<1x16xf32>,
      %swap3A_71 = vector.shape_cast %swap3A_70 : vector<1x16xf32> to vector<16xf32>
      %swap3A_72 = vector.shape_cast %broadcast_in_dim3A_66 : vector<16xf32> to vector<1x16xf32>
      tpu.vector_store %arg10[%swap3A, %swap3A_69], %swap3A_72 {strides = array<i32>} : memref<16x128xf32, #tpu.memory_space<vmem>>, vector<1x16xf32>,
    }
    %scan3A_4 = arith.constant 128 : i32
    %mul3A = arith.constant 624 : i32
    %mul3A_5 = arith.muli %arg1, %mul3A : i32
    %scan3A_6 = arith.constant 0 : i32
    %scan3A_7 = arith.constant 0 : i32
    %scan3A_8 = arith.constant 39 : i32
    %scan3A_9 = arith.addi %scan3A_7, %scan3A_8 : i32
    %scan3A_10 = arith.constant 1 : i32
    scf.for %scan3A_35 = %scan3A_7 to %scan3A_9 step %scan3A_10  : i32 {
      %mul3A_36 = arith.constant 16 : i32
      %mul3A_37 = arith.muli %scan3A_35, %mul3A_36 : i32
      %add3A = arith.addi %mul3A_5, %mul3A_37 : i32
      "tpu.region"() ({
        %run_scoped3A = tpu.sem_alloc : memref<!tpu.dma_semaphore, #tpu.memory_space<semaphore_mem>>
        %dma_start3A = arith.constant 0 : i32
        %dma_start3A_38 = tpu.memref_slice %arg11[%add3A, %dma_start3A] : memref<10000x128xf32, #tpu.memory_space<vmem_shared>> -> memref<16x128xf32, #tpu.memory_space<vmem_shared>>
        %dma_start3A_39 = arith.constant 0 : i32
        %dma_start3A_40 = tpu.memref_slice %arg11[%add3A, %dma_start3A_39] : memref<10000x128xf32, #tpu.memory_space<vmem_shared>> -> memref<16x128xf32, #tpu.memory_space<vmem_shared>>
        tpu.enqueue_dma source(%arg10 : memref<16x128xf32, #tpu.memory_space<vmem>>) target(%dma_start3A_40 : memref<16x128xf32, #tpu.memory_space<vmem_shared>>) target_semaphore(%run_scoped3A : memref<!tpu.dma_semaphore, #tpu.memory_space<semaphore_mem>>)
        %dma_wait3A = arith.constant 0 : i32
        %dma_wait3A_41 = tpu.memref_slice %arg11[%add3A, %dma_wait3A] : memref<10000x128xf32, #tpu.memory_space<vmem_shared>> -> memref<16x128xf32, #tpu.memory_space<vmem_shared>>
        %dma_wait3A_42 = arith.constant 0 : i32
        %dma_wait3A_43 = tpu.memref_slice %arg11[%add3A, %dma_wait3A_42] : memref<10000x128xf32, #tpu.memory_space<vmem_shared>> -> memref<16x128xf32, #tpu.memory_space<vmem_shared>>
        tpu.wait_dma2 semaphore(%run_scoped3A : memref<!tpu.dma_semaphore, #tpu.memory_space<semaphore_mem>>) src(%arg10 : memref<16x128xf32, #tpu.memory_space<vmem>>) dst(%dma_wait3A_43 : memref<16x128xf32, #tpu.memory_space<vmem_shared>>)
        tpu.yield
      }) : () -> ()
    }
    %scan3A_11 = arith.constant 39 : i32
    %eq3A = arith.constant 15 : i32
    %eq3A_12 = arith.cmpi eq, %arg1, %eq3A : i32
    %convert_element_type3A = arith.extui %eq3A_12 : i1 to i32
    %cond3A = arith.constant 0 : i32
    %cond3A_13 = arith.cmpi ne, %convert_element_type3A, %cond3A : i32
    scf.if %cond3A_13 {
      "tpu.region"() ({
        %run_scoped3A = tpu.sem_alloc : memref<!tpu.dma_semaphore, #tpu.memory_space<semaphore_mem>>
        %dma_start3A = arith.constant 9984 : i32
        %dma_start3A_35 = arith.constant 0 : i32
        %dma_start3A_36 = tpu.memref_slice %arg11[%dma_start3A, %dma_start3A_35] : memref<10000x128xf32, #tpu.memory_space<vmem_shared>> -> memref<16x128xf32, #tpu.memory_space<vmem_shared>>
        %dma_start3A_37 = arith.constant 9984 : i32
        %dma_start3A_38 = arith.constant 0 : i32
        %dma_start3A_39 = tpu.memref_slice %arg11[%dma_start3A_37, %dma_start3A_38] : memref<10000x128xf32, #tpu.memory_space<vmem_shared>> -> memref<16x128xf32, #tpu.memory_space<vmem_shared>>
        tpu.enqueue_dma source(%arg10 : memref<16x128xf32, #tpu.memory_space<vmem>>) target(%dma_start3A_39 : memref<16x128xf32, #tpu.memory_space<vmem_shared>>) target_semaphore(%run_scoped3A : memref<!tpu.dma_semaphore, #tpu.memory_space<semaphore_mem>>)
        %dma_wait3A = arith.constant 9984 : i32
        %dma_wait3A_40 = arith.constant 0 : i32
        %dma_wait3A_41 = tpu.memref_slice %arg11[%dma_wait3A, %dma_wait3A_40] : memref<10000x128xf32, #tpu.memory_space<vmem_shared>> -> memref<16x128xf32, #tpu.memory_space<vmem_shared>>
        %dma_wait3A_42 = arith.constant 9984 : i32
        %dma_wait3A_43 = arith.constant 0 : i32
        %dma_wait3A_44 = tpu.memref_slice %arg11[%dma_wait3A_42, %dma_wait3A_43] : memref<10000x128xf32, #tpu.memory_space<vmem_shared>> -> memref<16x128xf32, #tpu.memory_space<vmem_shared>>
        tpu.wait_dma2 semaphore(%run_scoped3A : memref<!tpu.dma_semaphore, #tpu.memory_space<semaphore_mem>>) src(%arg10 : memref<16x128xf32, #tpu.memory_space<vmem>>) dst(%dma_wait3A_44 : memref<16x128xf32, #tpu.memory_space<vmem_shared>>)
        tpu.yield
      }) : () -> ()
    } else {
    }
    %barrier3A = arith.constant 0 : index
    tpu.barrier barrier_id(%barrier3A)
    %eq3A_14 = arith.constant 0 : i32
    %eq3A_15 = arith.cmpi eq, %arg0, %eq3A_14 : i32
    %convert_element_type3A_16 = arith.extui %eq3A_15 : i1 to i32
    %cond3A_17 = arith.constant 0 : i32
    %cond3A_18 = arith.cmpi ne, %convert_element_type3A_16, %cond3A_17 : i32
    scf.if %cond3A_18 {
      %mul3A_35 = arith.constant 10000 : i32
      %mul3A_36 = arith.muli %arg1, %mul3A_35 : i32
      %scan3A_37 = arith.constant 0 : i32
      %scan3A_38 = arith.constant 0 : i32
      %scan3A_39 = arith.constant 125 : i32
      %scan3A_40 = arith.addi %scan3A_38, %scan3A_39 : i32
      %scan3A_41 = arith.constant 1 : i32
      scf.for %scan3A_43 = %scan3A_38 to %scan3A_40 step %scan3A_41  : i32 {
        %mul3A_44 = arith.constant 80 : i32
        %mul3A_45 = arith.muli %scan3A_43, %mul3A_44 : i32
        %add3A = arith.addi %mul3A_36, %mul3A_45 : i32
        "tpu.region"() ({
          %run_scoped3A = tpu.sem_alloc : memref<!tpu.dma_semaphore, #tpu.memory_space<semaphore_mem>>
          %dma_start3A_52 = tpu.memref_slice %arg4[%add3A] : memref<320000xi32, #tpu.memory_space<hbm>> -> memref<80xi32, #tpu.memory_space<hbm>>
          %dma_start3A_53 = tpu.memref_slice %arg4[%add3A] : memref<320000xi32, #tpu.memory_space<hbm>> -> memref<80xi32, #tpu.memory_space<hbm>>
          tpu.enqueue_dma source(%dma_start3A_53 : memref<80xi32, #tpu.memory_space<hbm>>) target(%arg7 : memref<80xi32, #tpu.memory_space<vmem>>) target_semaphore(%run_scoped3A : memref<!tpu.dma_semaphore, #tpu.memory_space<semaphore_mem>>)
          %dma_wait3A_54 = tpu.memref_slice %arg4[%add3A] : memref<320000xi32, #tpu.memory_space<hbm>> -> memref<80xi32, #tpu.memory_space<hbm>>
          %dma_wait3A_55 = tpu.memref_slice %arg4[%add3A] : memref<320000xi32, #tpu.memory_space<hbm>> -> memref<80xi32, #tpu.memory_space<hbm>>
          tpu.wait_dma2 semaphore(%run_scoped3A : memref<!tpu.dma_semaphore, #tpu.memory_space<semaphore_mem>>) src(%dma_wait3A_55 : memref<80xi32, #tpu.memory_space<hbm>>) dst(%arg7 : memref<80xi32, #tpu.memory_space<vmem>>)
          tpu.yield
        }) : () -> ()
        %add3A_46 = arith.constant 160000 : i32
        %add3A_47 = arith.addi %add3A_46, %add3A : i32
        "tpu.region"() ({
          %run_scoped3A = tpu.sem_alloc : memref<!tpu.dma_semaphore, #tpu.memory_space<semaphore_mem>>
          %dma_start3A_52 = tpu.memref_slice %arg4[%add3A_47] : memref<320000xi32, #tpu.memory_space<hbm>> -> memref<80xi32, #tpu.memory_space<hbm>>
          %dma_start3A_53 = tpu.memref_slice %arg4[%add3A_47] : memref<320000xi32, #tpu.memory_space<hbm>> -> memref<80xi32, #tpu.memory_space<hbm>>
          tpu.enqueue_dma source(%dma_start3A_53 : memref<80xi32, #tpu.memory_space<hbm>>) target(%arg8 : memref<80xi32, #tpu.memory_space<vmem>>) target_semaphore(%run_scoped3A : memref<!tpu.dma_semaphore, #tpu.memory_space<semaphore_mem>>)
          %dma_wait3A_54 = tpu.memref_slice %arg4[%add3A_47] : memref<320000xi32, #tpu.memory_space<hbm>> -> memref<80xi32, #tpu.memory_space<hbm>>
          %dma_wait3A_55 = tpu.memref_slice %arg4[%add3A_47] : memref<320000xi32, #tpu.memory_space<hbm>> -> memref<80xi32, #tpu.memory_space<hbm>>
          tpu.wait_dma2 semaphore(%run_scoped3A : memref<!tpu.dma_semaphore, #tpu.memory_space<semaphore_mem>>) src(%dma_wait3A_55 : memref<80xi32, #tpu.memory_space<hbm>>) dst(%arg8 : memref<80xi32, #tpu.memory_space<vmem>>)
          tpu.yield
        }) : () -> ()
        %dma_start3A = arith.constant 0 : i32
        %dma_start3A_48 = arith.constant 0 : i32
        %dma_start3A_49 = tpu.memref_slice %arg2[%dma_start3A, %dma_start3A_48] : memref<10000x128xf32, #tpu.memory_space<hbm>> -> memref<10000x128xf32, #tpu.memory_space<hbm>>
        tpu.enqueue_indirect_dma source(%dma_start3A_49 : memref<10000x128xf32, #tpu.memory_space<hbm>>) target(%arg9 : memref<80x128xf32, #tpu.memory_space<vmem>>) offsets(%arg7 : memref<80xi32, #tpu.memory_space<vmem>>) semaphore(%arg12 : memref<!tpu.dma_semaphore, #tpu.memory_space<semaphore_mem>>)
        %dma_wait3A = arith.constant 0 : i32
        %dma_wait3A_50 = arith.constant 0 : i32
        %dma_wait3A_51 = tpu.memref_slice %arg2[%dma_wait3A, %dma_wait3A_50] : memref<10000x128xf32, #tpu.memory_space<hbm>> -> memref<10000x128xf32, #tpu.memory_space<hbm>>
        tpu.wait_indirect_dma semaphore(%arg12 : memref<!tpu.dma_semaphore, #tpu.memory_space<semaphore_mem>>) src(%dma_wait3A_51 : memref<10000x128xf32, #tpu.memory_space<hbm>>) dst(%arg9 : memref<80x128xf32, #tpu.memory_space<vmem>>)
        "tpu.region"() ({
          %run_scoped3A = tpu.sem_alloc : memref<!tpu.dma_semaphore, #tpu.memory_space<semaphore_mem>>
          %dma_start3A_52 = arith.constant 0 : i32
          %dma_start3A_53 = arith.constant 0 : i32
          %dma_start3A_54 = tpu.memref_slice %arg11[%dma_start3A_52, %dma_start3A_53] : memref<10000x128xf32, #tpu.memory_space<vmem_shared>> -> memref<10000x128xf32, #tpu.memory_space<vmem_shared>>
          tpu.enqueue_indirect_dma source(%arg9 : memref<80x128xf32, #tpu.memory_space<vmem>>) target(%dma_start3A_54 : memref<10000x128xf32, #tpu.memory_space<vmem_shared>>) offsets(%arg8 : memref<80xi32, #tpu.memory_space<vmem>>) semaphore(%run_scoped3A : memref<!tpu.dma_semaphore, #tpu.memory_space<semaphore_mem>>) {add = true}
          %dma_wait3A_55 = arith.constant 0 : i32
          %dma_wait3A_56 = arith.constant 0 : i32
          %dma_wait3A_57 = tpu.memref_slice %arg11[%dma_wait3A_55, %dma_wait3A_56] : memref<10000x128xf32, #tpu.memory_space<vmem_shared>> -> memref<10000x128xf32, #tpu.memory_space<vmem_shared>>
          tpu.wait_indirect_dma semaphore(%run_scoped3A : memref<!tpu.dma_semaphore, #tpu.memory_space<semaphore_mem>>) src(%arg9 : memref<80x128xf32, #tpu.memory_space<vmem>>) dst(%dma_wait3A_57 : memref<10000x128xf32, #tpu.memory_space<vmem_shared>>)
          tpu.yield
        }) : () -> ()
      }
      %scan3A_42 = arith.constant 125 : i32
    } else {
    }
    %eq3A_19 = arith.constant 1 : i32
    %eq3A_20 = arith.cmpi eq, %arg0, %eq3A_19 : i32
    %convert_element_type3A_21 = arith.extui %eq3A_20 : i1 to i32
    %cond3A_22 = arith.constant 0 : i32
    %cond3A_23 = arith.cmpi ne, %convert_element_type3A_21, %cond3A_22 : i32
    scf.if %cond3A_23 {
      %mul3A_35 = arith.constant 10000 : i32
      %mul3A_36 = arith.muli %arg1, %mul3A_35 : i32
      %scan3A_37 = arith.constant 0 : i32
      %scan3A_38 = arith.constant 0 : i32
      %scan3A_39 = arith.constant 125 : i32
      %scan3A_40 = arith.addi %scan3A_38, %scan3A_39 : i32
      %scan3A_41 = arith.constant 1 : i32
      scf.for %scan3A_43 = %scan3A_38 to %scan3A_40 step %scan3A_41  : i32 {
        %mul3A_44 = arith.constant 80 : i32
        %mul3A_45 = arith.muli %scan3A_43, %mul3A_44 : i32
        %add3A = arith.addi %mul3A_36, %mul3A_45 : i32
        "tpu.region"() ({
          %run_scoped3A = tpu.sem_alloc : memref<!tpu.dma_semaphore, #tpu.memory_space<semaphore_mem>>
          %dma_start3A_52 = tpu.memref_slice %arg4[%add3A] : memref<320000xi32, #tpu.memory_space<hbm>> -> memref<80xi32, #tpu.memory_space<hbm>>
          %dma_start3A_53 = tpu.memref_slice %arg4[%add3A] : memref<320000xi32, #tpu.memory_space<hbm>> -> memref<80xi32, #tpu.memory_space<hbm>>
          tpu.enqueue_dma source(%dma_start3A_53 : memref<80xi32, #tpu.memory_space<hbm>>) target(%arg7 : memref<80xi32, #tpu.memory_space<vmem>>) target_semaphore(%run_scoped3A : memref<!tpu.dma_semaphore, #tpu.memory_space<semaphore_mem>>)
          %dma_wait3A_54 = tpu.memref_slice %arg4[%add3A] : memref<320000xi32, #tpu.memory_space<hbm>> -> memref<80xi32, #tpu.memory_space<hbm>>
          %dma_wait3A_55 = tpu.memref_slice %arg4[%add3A] : memref<320000xi32, #tpu.memory_space<hbm>> -> memref<80xi32, #tpu.memory_space<hbm>>
          tpu.wait_dma2 semaphore(%run_scoped3A : memref<!tpu.dma_semaphore, #tpu.memory_space<semaphore_mem>>) src(%dma_wait3A_55 : memref<80xi32, #tpu.memory_space<hbm>>) dst(%arg7 : memref<80xi32, #tpu.memory_space<vmem>>)
          tpu.yield
        }) : () -> ()
        %add3A_46 = arith.constant 160000 : i32
        %add3A_47 = arith.addi %add3A_46, %add3A : i32
        "tpu.region"() ({
          %run_scoped3A = tpu.sem_alloc : memref<!tpu.dma_semaphore, #tpu.memory_space<semaphore_mem>>
          %dma_start3A_52 = tpu.memref_slice %arg4[%add3A_47] : memref<320000xi32, #tpu.memory_space<hbm>> -> memref<80xi32, #tpu.memory_space<hbm>>
          %dma_start3A_53 = tpu.memref_slice %arg4[%add3A_47] : memref<320000xi32, #tpu.memory_space<hbm>> -> memref<80xi32, #tpu.memory_space<hbm>>
          tpu.enqueue_dma source(%dma_start3A_53 : memref<80xi32, #tpu.memory_space<hbm>>) target(%arg8 : memref<80xi32, #tpu.memory_space<vmem>>) target_semaphore(%run_scoped3A : memref<!tpu.dma_semaphore, #tpu.memory_space<semaphore_mem>>)
          %dma_wait3A_54 = tpu.memref_slice %arg4[%add3A_47] : memref<320000xi32, #tpu.memory_space<hbm>> -> memref<80xi32, #tpu.memory_space<hbm>>
          %dma_wait3A_55 = tpu.memref_slice %arg4[%add3A_47] : memref<320000xi32, #tpu.memory_space<hbm>> -> memref<80xi32, #tpu.memory_space<hbm>>
          tpu.wait_dma2 semaphore(%run_scoped3A : memref<!tpu.dma_semaphore, #tpu.memory_space<semaphore_mem>>) src(%dma_wait3A_55 : memref<80xi32, #tpu.memory_space<hbm>>) dst(%arg8 : memref<80xi32, #tpu.memory_space<vmem>>)
          tpu.yield
        }) : () -> ()
        %dma_start3A = arith.constant 0 : i32
        %dma_start3A_48 = arith.constant 0 : i32
        %dma_start3A_49 = tpu.memref_slice %arg3[%dma_start3A, %dma_start3A_48] : memref<10000x128xf32, #tpu.memory_space<hbm>> -> memref<10000x128xf32, #tpu.memory_space<hbm>>
        tpu.enqueue_indirect_dma source(%dma_start3A_49 : memref<10000x128xf32, #tpu.memory_space<hbm>>) target(%arg9 : memref<80x128xf32, #tpu.memory_space<vmem>>) offsets(%arg7 : memref<80xi32, #tpu.memory_space<vmem>>) semaphore(%arg12 : memref<!tpu.dma_semaphore, #tpu.memory_space<semaphore_mem>>)
        %dma_wait3A = arith.constant 0 : i32
        %dma_wait3A_50 = arith.constant 0 : i32
        %dma_wait3A_51 = tpu.memref_slice %arg3[%dma_wait3A, %dma_wait3A_50] : memref<10000x128xf32, #tpu.memory_space<hbm>> -> memref<10000x128xf32, #tpu.memory_space<hbm>>
        tpu.wait_indirect_dma semaphore(%arg12 : memref<!tpu.dma_semaphore, #tpu.memory_space<semaphore_mem>>) src(%dma_wait3A_51 : memref<10000x128xf32, #tpu.memory_space<hbm>>) dst(%arg9 : memref<80x128xf32, #tpu.memory_space<vmem>>)
        "tpu.region"() ({
          %run_scoped3A = tpu.sem_alloc : memref<!tpu.dma_semaphore, #tpu.memory_space<semaphore_mem>>
          %dma_start3A_52 = arith.constant 0 : i32
          %dma_start3A_53 = arith.constant 0 : i32
          %dma_start3A_54 = tpu.memref_slice %arg11[%dma_start3A_52, %dma_start3A_53] : memref<10000x128xf32, #tpu.memory_space<vmem_shared>> -> memref<10000x128xf32, #tpu.memory_space<vmem_shared>>
          tpu.enqueue_indirect_dma source(%arg9 : memref<80x128xf32, #tpu.memory_space<vmem>>) target(%dma_start3A_54 : memref<10000x128xf32, #tpu.memory_space<vmem_shared>>) offsets(%arg8 : memref<80xi32, #tpu.memory_space<vmem>>) semaphore(%run_scoped3A : memref<!tpu.dma_semaphore, #tpu.memory_space<semaphore_mem>>) {add = true}
          %dma_wait3A_55 = arith.constant 0 : i32
          %dma_wait3A_56 = arith.constant 0 : i32
          %dma_wait3A_57 = tpu.memref_slice %arg11[%dma_wait3A_55, %dma_wait3A_56] : memref<10000x128xf32, #tpu.memory_space<vmem_shared>> -> memref<10000x128xf32, #tpu.memory_space<vmem_shared>>
          tpu.wait_indirect_dma semaphore(%run_scoped3A : memref<!tpu.dma_semaphore, #tpu.memory_space<semaphore_mem>>) src(%arg9 : memref<80x128xf32, #tpu.memory_space<vmem>>) dst(%dma_wait3A_57 : memref<10000x128xf32, #tpu.memory_space<vmem_shared>>)
          tpu.yield
        }) : () -> ()
      }
      %scan3A_42 = arith.constant 125 : i32
    } else {
    }
    %barrier3A_24 = arith.constant 0 : index
    tpu.barrier barrier_id(%barrier3A_24)
    %eq3A_25 = arith.constant 0 : i32
    %eq3A_26 = arith.cmpi eq, %arg0, %eq3A_25 : i32
    %convert_element_type3A_27 = arith.extui %eq3A_26 : i1 to i32
    %cond3A_28 = arith.constant 0 : i32
    %cond3A_29 = arith.cmpi ne, %convert_element_type3A_27, %cond3A_28 : i32
    scf.if %cond3A_29 {
      "tpu.region"() ({
        %run_scoped3A = tpu.sem_alloc : memref<!tpu.dma_semaphore, #tpu.memory_space<semaphore_mem>>
        %dma_start3A = arith.constant 0 : i32
        %dma_start3A_40 = tpu.memref_slice %arg5[%mul3A_5, %dma_start3A] : memref<10000x128xf32, #tpu.memory_space<hbm>> -> memref<624x128xf32, #tpu.memory_space<hbm>>
        %dma_start3A_41 = arith.constant 0 : i32
        %dma_start3A_42 = tpu.memref_slice %arg11[%mul3A_5, %dma_start3A_41] : memref<10000x128xf32, #tpu.memory_space<vmem_shared>> -> memref<624x128xf32, #tpu.memory_space<vmem_shared>>
        tpu.enqueue_dma source(%dma_start3A_42 : memref<624x128xf32, #tpu.memory_space<vmem_shared>>) target(%dma_start3A_40 : memref<624x128xf32, #tpu.memory_space<hbm>>) target_semaphore(%run_scoped3A : memref<!tpu.dma_semaphore, #tpu.memory_space<semaphore_mem>>)
        %dma_wait3A = arith.constant 0 : i32
        %dma_wait3A_43 = tpu.memref_slice %arg5[%mul3A_5, %dma_wait3A] : memref<10000x128xf32, #tpu.memory_space<hbm>> -> memref<624x128xf32, #tpu.memory_space<hbm>>
        %dma_wait3A_44 = arith.constant 0 : i32
        %dma_wait3A_45 = tpu.memref_slice %arg11[%mul3A_5, %dma_wait3A_44] : memref<10000x128xf32, #tpu.memory_space<vmem_shared>> -> memref<624x128xf32, #tpu.memory_space<vmem_shared>>
        tpu.wait_dma2 semaphore(%run_scoped3A : memref<!tpu.dma_semaphore, #tpu.memory_space<semaphore_mem>>) src(%dma_wait3A_45 : memref<624x128xf32, #tpu.memory_space<vmem_shared>>) dst(%dma_wait3A_43 : memref<624x128xf32, #tpu.memory_space<hbm>>)
        tpu.yield
      }) : () -> ()
      %eq3A_35 = arith.constant 15 : i32
      %eq3A_36 = arith.cmpi eq, %arg1, %eq3A_35 : i32
      %convert_element_type3A_37 = arith.extui %eq3A_36 : i1 to i32
      %cond3A_38 = arith.constant 0 : i32
      %cond3A_39 = arith.cmpi ne, %convert_element_type3A_37, %cond3A_38 : i32
      scf.if %cond3A_39 {
        "tpu.region"() ({
          %run_scoped3A = tpu.sem_alloc : memref<!tpu.dma_semaphore, #tpu.memory_space<semaphore_mem>>
          %dma_start3A = arith.constant 9984 : i32
          %dma_start3A_40 = arith.constant 0 : i32
          %dma_start3A_41 = tpu.memref_slice %arg5[%dma_start3A, %dma_start3A_40] : memref<10000x128xf32, #tpu.memory_space<hbm>> -> memref<16x128xf32, #tpu.memory_space<hbm>>
          %dma_start3A_42 = arith.constant 9984 : i32
          %dma_start3A_43 = arith.constant 0 : i32
          %dma_start3A_44 = tpu.memref_slice %arg11[%dma_start3A_42, %dma_start3A_43] : memref<10000x128xf32, #tpu.memory_space<vmem_shared>> -> memref<16x128xf32, #tpu.memory_space<vmem_shared>>
          tpu.enqueue_dma source(%dma_start3A_44 : memref<16x128xf32, #tpu.memory_space<vmem_shared>>) target(%dma_start3A_41 : memref<16x128xf32, #tpu.memory_space<hbm>>) target_semaphore(%run_scoped3A : memref<!tpu.dma_semaphore, #tpu.memory_space<semaphore_mem>>)
          %dma_wait3A = arith.constant 9984 : i32
          %dma_wait3A_45 = arith.constant 0 : i32
          %dma_wait3A_46 = tpu.memref_slice %arg5[%dma_wait3A, %dma_wait3A_45] : memref<10000x128xf32, #tpu.memory_space<hbm>> -> memref<16x128xf32, #tpu.memory_space<hbm>>
          %dma_wait3A_47 = arith.constant 9984 : i32
          %dma_wait3A_48 = arith.constant 0 : i32
          %dma_wait3A_49 = tpu.memref_slice %arg11[%dma_wait3A_47, %dma_wait3A_48] : memref<10000x128xf32, #tpu.memory_space<vmem_shared>> -> memref<16x128xf32, #tpu.memory_space<vmem_shared>>
          tpu.wait_dma2 semaphore(%run_scoped3A : memref<!tpu.dma_semaphore, #tpu.memory_space<semaphore_mem>>) src(%dma_wait3A_49 : memref<16x128xf32, #tpu.memory_space<vmem_shared>>) dst(%dma_wait3A_46 : memref<16x128xf32, #tpu.memory_space<hbm>>)
          tpu.yield
        }) : () -> ()
      } else {
      }
    } else {
    }
    %eq3A_30 = arith.constant 1 : i32
    %eq3A_31 = arith.cmpi eq, %arg0, %eq3A_30 : i32
    %convert_element_type3A_32 = arith.extui %eq3A_31 : i1 to i32
    %cond3A_33 = arith.constant 0 : i32
    %cond3A_34 = arith.cmpi ne, %convert_element_type3A_32, %cond3A_33 : i32
    scf.if %cond3A_34 {
      "tpu.region"() ({
        %run_scoped3A = tpu.sem_alloc : memref<!tpu.dma_semaphore, #tpu.memory_space<semaphore_mem>>
        %dma_start3A = arith.constant 0 : i32
        %dma_start3A_40 = tpu.memref_slice %arg6[%mul3A_5, %dma_start3A] : memref<10000x128xf32, #tpu.memory_space<hbm>> -> memref<624x128xf32, #tpu.memory_space<hbm>>
        %dma_start3A_41 = arith.constant 0 : i32
        %dma_start3A_42 = tpu.memref_slice %arg11[%mul3A_5, %dma_start3A_41] : memref<10000x128xf32, #tpu.memory_space<vmem_shared>> -> memref<624x128xf32, #tpu.memory_space<vmem_shared>>
        tpu.enqueue_dma source(%dma_start3A_42 : memref<624x128xf32, #tpu.memory_space<vmem_shared>>) target(%dma_start3A_40 : memref<624x128xf32, #tpu.memory_space<hbm>>) target_semaphore(%run_scoped3A : memref<!tpu.dma_semaphore, #tpu.memory_space<semaphore_mem>>)
        %dma_wait3A = arith.constant 0 : i32
        %dma_wait3A_43 = tpu.memref_slice %arg6[%mul3A_5, %dma_wait3A] : memref<10000x128xf32, #tpu.memory_space<hbm>> -> memref<624x128xf32, #tpu.memory_space<hbm>>
        %dma_wait3A_44 = arith.constant 0 : i32
        %dma_wait3A_45 = tpu.memref_slice %arg11[%mul3A_5, %dma_wait3A_44] : memref<10000x128xf32, #tpu.memory_space<vmem_shared>> -> memref<624x128xf32, #tpu.memory_space<vmem_shared>>
        tpu.wait_dma2 semaphore(%run_scoped3A : memref<!tpu.dma_semaphore, #tpu.memory_space<semaphore_mem>>) src(%dma_wait3A_45 : memref<624x128xf32, #tpu.memory_space<vmem_shared>>) dst(%dma_wait3A_43 : memref<624x128xf32, #tpu.memory_space<hbm>>)
        tpu.yield
      }) : () -> ()
      %eq3A_35 = arith.constant 15 : i32
      %eq3A_36 = arith.cmpi eq, %arg1, %eq3A_35 : i32
      %convert_element_type3A_37 = arith.extui %eq3A_36 : i1 to i32
      %cond3A_38 = arith.constant 0 : i32
      %cond3A_39 = arith.cmpi ne, %convert_element_type3A_37, %cond3A_38 : i32
      scf.if %cond3A_39 {
        "tpu.region"() ({
          %run_scoped3A = tpu.sem_alloc : memref<!tpu.dma_semaphore, #tpu.memory_space<semaphore_mem>>
          %dma_start3A = arith.constant 9984 : i32
          %dma_start3A_40 = arith.constant 0 : i32
          %dma_start3A_41 = tpu.memref_slice %arg6[%dma_start3A, %dma_start3A_40] : memref<10000x128xf32, #tpu.memory_space<hbm>> -> memref<16x128xf32, #tpu.memory_space<hbm>>
          %dma_start3A_42 = arith.constant 9984 : i32
          %dma_start3A_43 = arith.constant 0 : i32
          %dma_start3A_44 = tpu.memref_slice %arg11[%dma_start3A_42, %dma_start3A_43] : memref<10000x128xf32, #tpu.memory_space<vmem_shared>> -> memref<16x128xf32, #tpu.memory_space<vmem_shared>>
          tpu.enqueue_dma source(%dma_start3A_44 : memref<16x128xf32, #tpu.memory_space<vmem_shared>>) target(%dma_start3A_41 : memref<16x128xf32, #tpu.memory_space<hbm>>) target_semaphore(%run_scoped3A : memref<!tpu.dma_semaphore, #tpu.memory_space<semaphore_mem>>)
          %dma_wait3A = arith.constant 9984 : i32
          %dma_wait3A_45 = arith.constant 0 : i32
          %dma_wait3A_46 = tpu.memref_slice %arg6[%dma_wait3A, %dma_wait3A_45] : memref<10000x128xf32, #tpu.memory_space<hbm>> -> memref<16x128xf32, #tpu.memory_space<hbm>>
          %dma_wait3A_47 = arith.constant 9984 : i32
          %dma_wait3A_48 = arith.constant 0 : i32
          %dma_wait3A_49 = tpu.memref_slice %arg11[%dma_wait3A_47, %dma_wait3A_48] : memref<10000x128xf32, #tpu.memory_space<vmem_shared>> -> memref<16x128xf32, #tpu.memory_space<vmem_shared>>
          tpu.wait_dma2 semaphore(%run_scoped3A : memref<!tpu.dma_semaphore, #tpu.memory_space<semaphore_mem>>) src(%dma_wait3A_49 : memref<16x128xf32, #tpu.memory_space<vmem_shared>>) dst(%dma_wait3A_46 : memref<16x128xf32, #tpu.memory_space<hbm>>)
          tpu.yield
        }) : () -> ()
      } else {
      }
    } else {
    }
    return
  }
}

#map = affine_map<(d0, d1) -> (0, 0)>
#map1 = affine_map<(d0, d1) -> (0)>
module attributes {stable_mosaic.version = 14 : i64} {
  func.func @body(%arg0: i32, %arg1: i32, %arg2: memref<10000x128xf32, #tpu.memory_space<hbm>>, %arg3: memref<10000x128xf32, #tpu.memory_space<hbm>>, %arg4: memref<160000x128xf32, #tpu.memory_space<hbm>>, %arg5: memref<160000x128xf32, #tpu.memory_space<hbm>>, %arg6: memref<320000xi32, #tpu.memory_space<hbm>>, %arg7: memref<10000x128xf32, #tpu.memory_space<hbm>>, %arg8: memref<10000x128xf32, #tpu.memory_space<hbm>>, %arg9: memref<80xi32, #tpu.memory_space<vmem>>, %arg10: memref<80xi32, #tpu.memory_space<vmem>>, %arg11: memref<80x128xf32, #tpu.memory_space<vmem>>, %arg12: memref<16x128xf32, #tpu.memory_space<vmem>>, %arg13: memref<10000x128xf32, #tpu.memory_space<vmem_shared>>, %arg14: memref<!tpu.dma_semaphore, #tpu.memory_space<semaphore_mem>>) attributes {dimension_semantics = [#tpu.dimension_semantics<core_parallel>, #tpu.dimension_semantics<subcore_parallel>], iteration_bounds = array<i64: 2, 16>, scalar_prefetch = 0 : i64, scratch_operands = 6 : i64, tpu.core_type = #tpu.core_type<sc_vector_subcore>, window_params = [{transform_indices = #map}, {transform_indices = #map}, {transform_indices = #map}, {transform_indices = #map}, {transform_indices = #map1}, {transform_indices = #map}, {transform_indices = #map}]} {
    %scan3A = arith.constant 0 : i32
    %scan3A_0 = arith.constant 0 : i32
    %scan3A_1 = arith.constant 128 : i32
    %scan3A_2 = arith.addi %scan3A_0, %scan3A_1 : i32
    %scan3A_3 = arith.constant 1 : i32
    scf.for %scan3A_35 = %scan3A_0 to %scan3A_2 step %scan3A_3  : i32 {
      %jit3A = arith.constant 8 : i32
      %div3A = arith.divsi %scan3A_35, %jit3A : i32
      %sign3A = arith.constant 0 : i32
      %sign3A_36 = arith.cmpi sgt, %scan3A_35, %sign3A : i32
      %sign3A_37 = arith.extui %sign3A_36 : i1 to i32
      %sign3A_38 = arith.constant 0 : i32
      %sign3A_39 = arith.cmpi slt, %scan3A_35, %sign3A_38 : i32
      %sign3A_40 = arith.extui %sign3A_39 : i1 to i32
      %sign3A_41 = arith.subi %sign3A_37, %sign3A_40 : i32
      %sign3A_42 = arith.constant 0 : i32
      %sign3A_43 = arith.cmpi sgt, %jit3A, %sign3A_42 : i32
      %sign3A_44 = arith.extui %sign3A_43 : i1 to i32
      %sign3A_45 = arith.constant 0 : i32
      %sign3A_46 = arith.cmpi slt, %jit3A, %sign3A_45 : i32
      %sign3A_47 = arith.extui %sign3A_46 : i1 to i32
      %sign3A_48 = arith.subi %sign3A_44, %sign3A_47 : i32
      %ne3A = arith.cmpi ne, %sign3A_41, %sign3A_48 : i32
      %rem3A = arith.remsi %scan3A_35, %jit3A : i32
      %ne3A_49 = arith.constant 0 : i32
      %ne3A_50 = arith.cmpi ne, %rem3A, %ne3A_49 : i32
      %and3A = arith.andi %ne3A, %ne3A_50 : i1
      %sub3A = arith.constant 1 : i32
      %sub3A_51 = arith.subi %div3A, %sub3A : i32
      %select_n3A = arith.select %and3A, %sub3A_51, %div3A : i32
      %jit3A_52 = arith.constant 8 : i32
      %eq3A_53 = arith.constant 0 : i32
      %eq3A_54 = arith.cmpi eq, %jit3A_52, %eq3A_53 : i32
      %jit3A_55 = arith.constant 1 : i32
      %select_n3A_56 = arith.select %eq3A_54, %jit3A_55, %jit3A_52 : i32
      %rem3A_57 = arith.remsi %scan3A_35, %select_n3A_56 : i32
      %ne3A_58 = arith.constant 0 : i32
      %ne3A_59 = arith.cmpi ne, %rem3A_57, %ne3A_58 : i32
      %lt3A = arith.constant 0 : i32
      %lt3A_60 = arith.cmpi slt, %rem3A_57, %lt3A : i32
      %lt3A_61 = arith.constant 0 : i32
      %lt3A_62 = arith.cmpi slt, %select_n3A_56, %lt3A_61 : i32
      %ne3A_63 = arith.xori %lt3A_60, %lt3A_62 : i1
      %and3A_64 = arith.andi %ne3A_63, %ne3A_59 : i1
      %add3A = arith.addi %rem3A_57, %select_n3A_56 : i32
      %select_n3A_65 = arith.select %and3A_64, %add3A, %rem3A_57 : i32
      %broadcast_in_dim3A = arith.constant 0.000000e+00 : f32
      %broadcast_in_dim3A_66 = vector.broadcast %broadcast_in_dim3A : f32 to vector<16xf32>
      %mul3A_67 = arith.constant 16 : i32
      %mul3A_68 = arith.muli %select_n3A_65, %mul3A_67 : i32
      %swap3A = arith.index_cast %select_n3A : i32 to index
      %swap3A_69 = arith.index_cast %mul3A_68 : i32 to index
      %swap3A_70 = tpu.vector_load %arg12[%swap3A, %swap3A_69] {strides = array<i32>} : memref<16x128xf32, #tpu.memory_space<vmem>>, vector<1x16xf32>,
      %swap3A_71 = vector.shape_cast %swap3A_70 : vector<1x16xf32> to vector<16xf32>
      %swap3A_72 = vector.shape_cast %broadcast_in_dim3A_66 : vector<16xf32> to vector<1x16xf32>
      tpu.vector_store %arg12[%swap3A, %swap3A_69], %swap3A_72 {strides = array<i32>} : memref<16x128xf32, #tpu.memory_space<vmem>>, vector<1x16xf32>,
    }
    %scan3A_4 = arith.constant 128 : i32
    %mul3A = arith.constant 624 : i32
    %mul3A_5 = arith.muli %arg1, %mul3A : i32
    %scan3A_6 = arith.constant 0 : i32
    %scan3A_7 = arith.constant 0 : i32
    %scan3A_8 = arith.constant 39 : i32
    %scan3A_9 = arith.addi %scan3A_7, %scan3A_8 : i32
    %scan3A_10 = arith.constant 1 : i32
    scf.for %scan3A_35 = %scan3A_7 to %scan3A_9 step %scan3A_10  : i32 {
      %mul3A_36 = arith.constant 16 : i32
      %mul3A_37 = arith.muli %scan3A_35, %mul3A_36 : i32
      %add3A = arith.addi %mul3A_5, %mul3A_37 : i32
      "tpu.region"() ({
        %run_scoped3A = tpu.sem_alloc : memref<!tpu.dma_semaphore, #tpu.memory_space<semaphore_mem>>
        %dma_start3A = arith.constant 0 : i32
        %dma_start3A_38 = tpu.memref_slice %arg13[%add3A, %dma_start3A] : memref<10000x128xf32, #tpu.memory_space<vmem_shared>> -> memref<16x128xf32, #tpu.memory_space<vmem_shared>>
        %dma_start3A_39 = arith.constant 0 : i32
        %dma_start3A_40 = tpu.memref_slice %arg13[%add3A, %dma_start3A_39] : memref<10000x128xf32, #tpu.memory_space<vmem_shared>> -> memref<16x128xf32, #tpu.memory_space<vmem_shared>>
        tpu.enqueue_dma source(%arg12 : memref<16x128xf32, #tpu.memory_space<vmem>>) target(%dma_start3A_40 : memref<16x128xf32, #tpu.memory_space<vmem_shared>>) target_semaphore(%run_scoped3A : memref<!tpu.dma_semaphore, #tpu.memory_space<semaphore_mem>>)
        %dma_wait3A = arith.constant 0 : i32
        %dma_wait3A_41 = tpu.memref_slice %arg13[%add3A, %dma_wait3A] : memref<10000x128xf32, #tpu.memory_space<vmem_shared>> -> memref<16x128xf32, #tpu.memory_space<vmem_shared>>
        %dma_wait3A_42 = arith.constant 0 : i32
        %dma_wait3A_43 = tpu.memref_slice %arg13[%add3A, %dma_wait3A_42] : memref<10000x128xf32, #tpu.memory_space<vmem_shared>> -> memref<16x128xf32, #tpu.memory_space<vmem_shared>>
        tpu.wait_dma2 semaphore(%run_scoped3A : memref<!tpu.dma_semaphore, #tpu.memory_space<semaphore_mem>>) src(%arg12 : memref<16x128xf32, #tpu.memory_space<vmem>>) dst(%dma_wait3A_43 : memref<16x128xf32, #tpu.memory_space<vmem_shared>>)
        tpu.yield
      }) : () -> ()
    }
    %scan3A_11 = arith.constant 39 : i32
    %eq3A = arith.constant 15 : i32
    %eq3A_12 = arith.cmpi eq, %arg1, %eq3A : i32
    %convert_element_type3A = arith.extui %eq3A_12 : i1 to i32
    %cond3A = arith.constant 0 : i32
    %cond3A_13 = arith.cmpi ne, %convert_element_type3A, %cond3A : i32
    scf.if %cond3A_13 {
      "tpu.region"() ({
        %run_scoped3A = tpu.sem_alloc : memref<!tpu.dma_semaphore, #tpu.memory_space<semaphore_mem>>
        %dma_start3A = arith.constant 9984 : i32
        %dma_start3A_35 = arith.constant 0 : i32
        %dma_start3A_36 = tpu.memref_slice %arg13[%dma_start3A, %dma_start3A_35] : memref<10000x128xf32, #tpu.memory_space<vmem_shared>> -> memref<16x128xf32, #tpu.memory_space<vmem_shared>>
        %dma_start3A_37 = arith.constant 9984 : i32
        %dma_start3A_38 = arith.constant 0 : i32
        %dma_start3A_39 = tpu.memref_slice %arg13[%dma_start3A_37, %dma_start3A_38] : memref<10000x128xf32, #tpu.memory_space<vmem_shared>> -> memref<16x128xf32, #tpu.memory_space<vmem_shared>>
        tpu.enqueue_dma source(%arg12 : memref<16x128xf32, #tpu.memory_space<vmem>>) target(%dma_start3A_39 : memref<16x128xf32, #tpu.memory_space<vmem_shared>>) target_semaphore(%run_scoped3A : memref<!tpu.dma_semaphore, #tpu.memory_space<semaphore_mem>>)
        %dma_wait3A = arith.constant 9984 : i32
        %dma_wait3A_40 = arith.constant 0 : i32
        %dma_wait3A_41 = tpu.memref_slice %arg13[%dma_wait3A, %dma_wait3A_40] : memref<10000x128xf32, #tpu.memory_space<vmem_shared>> -> memref<16x128xf32, #tpu.memory_space<vmem_shared>>
        %dma_wait3A_42 = arith.constant 9984 : i32
        %dma_wait3A_43 = arith.constant 0 : i32
        %dma_wait3A_44 = tpu.memref_slice %arg13[%dma_wait3A_42, %dma_wait3A_43] : memref<10000x128xf32, #tpu.memory_space<vmem_shared>> -> memref<16x128xf32, #tpu.memory_space<vmem_shared>>
        tpu.wait_dma2 semaphore(%run_scoped3A : memref<!tpu.dma_semaphore, #tpu.memory_space<semaphore_mem>>) src(%arg12 : memref<16x128xf32, #tpu.memory_space<vmem>>) dst(%dma_wait3A_44 : memref<16x128xf32, #tpu.memory_space<vmem_shared>>)
        tpu.yield
      }) : () -> ()
    } else {
    }
    %barrier3A = arith.constant 0 : index
    tpu.barrier barrier_id(%barrier3A)
    %eq3A_14 = arith.constant 0 : i32
    %eq3A_15 = arith.cmpi eq, %arg0, %eq3A_14 : i32
    %convert_element_type3A_16 = arith.extui %eq3A_15 : i1 to i32
    %cond3A_17 = arith.constant 0 : i32
    %cond3A_18 = arith.cmpi ne, %convert_element_type3A_16, %cond3A_17 : i32
    scf.if %cond3A_18 {
      %mul3A_35 = arith.constant 10000 : i32
      %mul3A_36 = arith.muli %arg1, %mul3A_35 : i32
      %scan3A_37 = arith.constant 0 : i32
      %scan3A_38 = arith.constant 0 : i32
      %scan3A_39 = arith.constant 125 : i32
      %scan3A_40 = arith.addi %scan3A_38, %scan3A_39 : i32
      %scan3A_41 = arith.constant 1 : i32
      scf.for %scan3A_43 = %scan3A_38 to %scan3A_40 step %scan3A_41  : i32 {
        %mul3A_44 = arith.constant 80 : i32
        %mul3A_45 = arith.muli %scan3A_43, %mul3A_44 : i32
        %add3A = arith.addi %mul3A_36, %mul3A_45 : i32
        "tpu.region"() ({
          %run_scoped3A = tpu.sem_alloc : memref<!tpu.dma_semaphore, #tpu.memory_space<semaphore_mem>>
          %dma_start3A_58 = tpu.memref_slice %arg6[%add3A] : memref<320000xi32, #tpu.memory_space<hbm>> -> memref<80xi32, #tpu.memory_space<hbm>>
          %dma_start3A_59 = tpu.memref_slice %arg6[%add3A] : memref<320000xi32, #tpu.memory_space<hbm>> -> memref<80xi32, #tpu.memory_space<hbm>>
          tpu.enqueue_dma source(%dma_start3A_59 : memref<80xi32, #tpu.memory_space<hbm>>) target(%arg9 : memref<80xi32, #tpu.memory_space<vmem>>) target_semaphore(%run_scoped3A : memref<!tpu.dma_semaphore, #tpu.memory_space<semaphore_mem>>)
          %dma_wait3A_60 = tpu.memref_slice %arg6[%add3A] : memref<320000xi32, #tpu.memory_space<hbm>> -> memref<80xi32, #tpu.memory_space<hbm>>
          %dma_wait3A_61 = tpu.memref_slice %arg6[%add3A] : memref<320000xi32, #tpu.memory_space<hbm>> -> memref<80xi32, #tpu.memory_space<hbm>>
          tpu.wait_dma2 semaphore(%run_scoped3A : memref<!tpu.dma_semaphore, #tpu.memory_space<semaphore_mem>>) src(%dma_wait3A_61 : memref<80xi32, #tpu.memory_space<hbm>>) dst(%arg9 : memref<80xi32, #tpu.memory_space<vmem>>)
          tpu.yield
        }) : () -> ()
        %add3A_46 = arith.constant 160000 : i32
        %add3A_47 = arith.addi %add3A_46, %add3A : i32
        "tpu.region"() ({
          %run_scoped3A = tpu.sem_alloc : memref<!tpu.dma_semaphore, #tpu.memory_space<semaphore_mem>>
          %dma_start3A_58 = tpu.memref_slice %arg6[%add3A_47] : memref<320000xi32, #tpu.memory_space<hbm>> -> memref<80xi32, #tpu.memory_space<hbm>>
          %dma_start3A_59 = tpu.memref_slice %arg6[%add3A_47] : memref<320000xi32, #tpu.memory_space<hbm>> -> memref<80xi32, #tpu.memory_space<hbm>>
          tpu.enqueue_dma source(%dma_start3A_59 : memref<80xi32, #tpu.memory_space<hbm>>) target(%arg10 : memref<80xi32, #tpu.memory_space<vmem>>) target_semaphore(%run_scoped3A : memref<!tpu.dma_semaphore, #tpu.memory_space<semaphore_mem>>)
          %dma_wait3A_60 = tpu.memref_slice %arg6[%add3A_47] : memref<320000xi32, #tpu.memory_space<hbm>> -> memref<80xi32, #tpu.memory_space<hbm>>
          %dma_wait3A_61 = tpu.memref_slice %arg6[%add3A_47] : memref<320000xi32, #tpu.memory_space<hbm>> -> memref<80xi32, #tpu.memory_space<hbm>>
          tpu.wait_dma2 semaphore(%run_scoped3A : memref<!tpu.dma_semaphore, #tpu.memory_space<semaphore_mem>>) src(%dma_wait3A_61 : memref<80xi32, #tpu.memory_space<hbm>>) dst(%arg10 : memref<80xi32, #tpu.memory_space<vmem>>)
          tpu.yield
        }) : () -> ()
        "tpu.region"() ({
          %run_scoped3A = tpu.sem_alloc : memref<!tpu.dma_semaphore, #tpu.memory_space<semaphore_mem>>
          %dma_start3A_58 = arith.constant 0 : i32
          %dma_start3A_59 = tpu.memref_slice %arg4[%add3A, %dma_start3A_58] : memref<160000x128xf32, #tpu.memory_space<hbm>> -> memref<80x128xf32, #tpu.memory_space<hbm>>
          %dma_start3A_60 = arith.constant 0 : i32
          %dma_start3A_61 = tpu.memref_slice %arg4[%add3A, %dma_start3A_60] : memref<160000x128xf32, #tpu.memory_space<hbm>> -> memref<80x128xf32, #tpu.memory_space<hbm>>
          tpu.enqueue_dma source(%dma_start3A_61 : memref<80x128xf32, #tpu.memory_space<hbm>>) target(%arg11 : memref<80x128xf32, #tpu.memory_space<vmem>>) target_semaphore(%run_scoped3A : memref<!tpu.dma_semaphore, #tpu.memory_space<semaphore_mem>>)
          %dma_wait3A_62 = arith.constant 0 : i32
          %dma_wait3A_63 = tpu.memref_slice %arg4[%add3A, %dma_wait3A_62] : memref<160000x128xf32, #tpu.memory_space<hbm>> -> memref<80x128xf32, #tpu.memory_space<hbm>>
          %dma_wait3A_64 = arith.constant 0 : i32
          %dma_wait3A_65 = tpu.memref_slice %arg4[%add3A, %dma_wait3A_64] : memref<160000x128xf32, #tpu.memory_space<hbm>> -> memref<80x128xf32, #tpu.memory_space<hbm>>
          tpu.wait_dma2 semaphore(%run_scoped3A : memref<!tpu.dma_semaphore, #tpu.memory_space<semaphore_mem>>) src(%dma_wait3A_65 : memref<80x128xf32, #tpu.memory_space<hbm>>) dst(%arg11 : memref<80x128xf32, #tpu.memory_space<vmem>>)
          tpu.yield
        }) : () -> ()
        %dma_start3A = arith.constant 0 : i32
        %dma_start3A_48 = arith.constant 0 : i32
        %dma_start3A_49 = tpu.memref_slice %arg2[%dma_start3A, %dma_start3A_48] : memref<10000x128xf32, #tpu.memory_space<hbm>> -> memref<10000x128xf32, #tpu.memory_space<hbm>>
        tpu.enqueue_indirect_dma source(%dma_start3A_49 : memref<10000x128xf32, #tpu.memory_space<hbm>>) target(%arg11 : memref<80x128xf32, #tpu.memory_space<vmem>>) offsets(%arg9 : memref<80xi32, #tpu.memory_space<vmem>>) semaphore(%arg14 : memref<!tpu.dma_semaphore, #tpu.memory_space<semaphore_mem>>) {add = true}
        %dma_wait3A = arith.constant 0 : i32
        %dma_wait3A_50 = arith.constant 0 : i32
        %dma_wait3A_51 = tpu.memref_slice %arg2[%dma_wait3A, %dma_wait3A_50] : memref<10000x128xf32, #tpu.memory_space<hbm>> -> memref<10000x128xf32, #tpu.memory_space<hbm>>
        tpu.wait_indirect_dma semaphore(%arg14 : memref<!tpu.dma_semaphore, #tpu.memory_space<semaphore_mem>>) src(%dma_wait3A_51 : memref<10000x128xf32, #tpu.memory_space<hbm>>) dst(%arg11 : memref<80x128xf32, #tpu.memory_space<vmem>>)
        %scan3A_52 = arith.constant 0 : i32
        %scan3A_53 = arith.constant 0 : i32
        %scan3A_54 = arith.constant 640 : i32
        %scan3A_55 = arith.addi %scan3A_53, %scan3A_54 : i32
        %scan3A_56 = arith.constant 1 : i32
        scf.for %scan3A_58 = %scan3A_53 to %scan3A_55 step %scan3A_56  : i32 {
          %jit3A = arith.constant 8 : i32
          %div3A = arith.divsi %scan3A_58, %jit3A : i32
          %sign3A = arith.constant 0 : i32
          %sign3A_59 = arith.cmpi sgt, %scan3A_58, %sign3A : i32
          %sign3A_60 = arith.extui %sign3A_59 : i1 to i32
          %sign3A_61 = arith.constant 0 : i32
          %sign3A_62 = arith.cmpi slt, %scan3A_58, %sign3A_61 : i32
          %sign3A_63 = arith.extui %sign3A_62 : i1 to i32
          %sign3A_64 = arith.subi %sign3A_60, %sign3A_63 : i32
          %sign3A_65 = arith.constant 0 : i32
          %sign3A_66 = arith.cmpi sgt, %jit3A, %sign3A_65 : i32
          %sign3A_67 = arith.extui %sign3A_66 : i1 to i32
          %sign3A_68 = arith.constant 0 : i32
          %sign3A_69 = arith.cmpi slt, %jit3A, %sign3A_68 : i32
          %sign3A_70 = arith.extui %sign3A_69 : i1 to i32
          %sign3A_71 = arith.subi %sign3A_67, %sign3A_70 : i32
          %ne3A = arith.cmpi ne, %sign3A_64, %sign3A_71 : i32
          %rem3A = arith.remsi %scan3A_58, %jit3A : i32
          %ne3A_72 = arith.constant 0 : i32
          %ne3A_73 = arith.cmpi ne, %rem3A, %ne3A_72 : i32
          %and3A = arith.andi %ne3A, %ne3A_73 : i1
          %sub3A = arith.constant 1 : i32
          %sub3A_74 = arith.subi %div3A, %sub3A : i32
          %select_n3A = arith.select %and3A, %sub3A_74, %div3A : i32
          %jit3A_75 = arith.constant 8 : i32
          %eq3A_76 = arith.constant 0 : i32
          %eq3A_77 = arith.cmpi eq, %jit3A_75, %eq3A_76 : i32
          %jit3A_78 = arith.constant 1 : i32
          %select_n3A_79 = arith.select %eq3A_77, %jit3A_78, %jit3A_75 : i32
          %rem3A_80 = arith.remsi %scan3A_58, %select_n3A_79 : i32
          %ne3A_81 = arith.constant 0 : i32
          %ne3A_82 = arith.cmpi ne, %rem3A_80, %ne3A_81 : i32
          %lt3A = arith.constant 0 : i32
          %lt3A_83 = arith.cmpi slt, %rem3A_80, %lt3A : i32
          %lt3A_84 = arith.constant 0 : i32
          %lt3A_85 = arith.cmpi slt, %select_n3A_79, %lt3A_84 : i32
          %ne3A_86 = arith.xori %lt3A_83, %lt3A_85 : i1
          %and3A_87 = arith.andi %ne3A_86, %ne3A_82 : i1
          %add3A_88 = arith.addi %rem3A_80, %select_n3A_79 : i32
          %select_n3A_89 = arith.select %and3A_87, %add3A_88, %rem3A_80 : i32
          %mul3A_90 = arith.constant 16 : i32
          %mul3A_91 = arith.muli %select_n3A_89, %mul3A_90 : i32
          %get3A = arith.index_cast %select_n3A : i32 to index
          %get3A_92 = arith.index_cast %mul3A_91 : i32 to index
          %get3A_93 = tpu.vector_load %arg11[%get3A, %get3A_92] {strides = array<i32>} : memref<80x128xf32, #tpu.memory_space<vmem>>, vector<1x16xf32>,
          %get3A_94 = vector.shape_cast %get3A_93 : vector<1x16xf32> to vector<16xf32>
          %max3A = arith.constant 0.000000e+00 : f32
          %max3A_95 = vector.broadcast %max3A : f32 to vector<16xf32>
          %max3A_96 = arith.maximumf %get3A_94, %max3A_95 : vector<16xf32>
          %swap3A = arith.index_cast %select_n3A : i32 to index
          %swap3A_97 = arith.index_cast %mul3A_91 : i32 to index
          %swap3A_98 = tpu.vector_load %arg11[%swap3A, %swap3A_97] {strides = array<i32>} : memref<80x128xf32, #tpu.memory_space<vmem>>, vector<1x16xf32>,
          %swap3A_99 = vector.shape_cast %swap3A_98 : vector<1x16xf32> to vector<16xf32>
          %swap3A_100 = vector.shape_cast %max3A_96 : vector<16xf32> to vector<1x16xf32>
          tpu.vector_store %arg11[%swap3A, %swap3A_97], %swap3A_100 {strides = array<i32>} : memref<80x128xf32, #tpu.memory_space<vmem>>, vector<1x16xf32>,
        }
        %scan3A_57 = arith.constant 640 : i32
        "tpu.region"() ({
          %run_scoped3A = tpu.sem_alloc : memref<!tpu.dma_semaphore, #tpu.memory_space<semaphore_mem>>
          %dma_start3A_58 = arith.constant 0 : i32
          %dma_start3A_59 = arith.constant 0 : i32
          %dma_start3A_60 = tpu.memref_slice %arg13[%dma_start3A_58, %dma_start3A_59] : memref<10000x128xf32, #tpu.memory_space<vmem_shared>> -> memref<10000x128xf32, #tpu.memory_space<vmem_shared>>
          tpu.enqueue_indirect_dma source(%arg11 : memref<80x128xf32, #tpu.memory_space<vmem>>) target(%dma_start3A_60 : memref<10000x128xf32, #tpu.memory_space<vmem_shared>>) offsets(%arg10 : memref<80xi32, #tpu.memory_space<vmem>>) semaphore(%run_scoped3A : memref<!tpu.dma_semaphore, #tpu.memory_space<semaphore_mem>>) {add = true}
          %dma_wait3A_61 = arith.constant 0 : i32
          %dma_wait3A_62 = arith.constant 0 : i32
          %dma_wait3A_63 = tpu.memref_slice %arg13[%dma_wait3A_61, %dma_wait3A_62] : memref<10000x128xf32, #tpu.memory_space<vmem_shared>> -> memref<10000x128xf32, #tpu.memory_space<vmem_shared>>
          tpu.wait_indirect_dma semaphore(%run_scoped3A : memref<!tpu.dma_semaphore, #tpu.memory_space<semaphore_mem>>) src(%arg11 : memref<80x128xf32, #tpu.memory_space<vmem>>) dst(%dma_wait3A_63 : memref<10000x128xf32, #tpu.memory_space<vmem_shared>>)
          tpu.yield
        }) : () -> ()
      }
      %scan3A_42 = arith.constant 125 : i32
    } else {
    }
    %eq3A_19 = arith.constant 1 : i32
    %eq3A_20 = arith.cmpi eq, %arg0, %eq3A_19 : i32
    %convert_element_type3A_21 = arith.extui %eq3A_20 : i1 to i32
    %cond3A_22 = arith.constant 0 : i32
    %cond3A_23 = arith.cmpi ne, %convert_element_type3A_21, %cond3A_22 : i32
    scf.if %cond3A_23 {
      %mul3A_35 = arith.constant 10000 : i32
      %mul3A_36 = arith.muli %arg1, %mul3A_35 : i32
      %scan3A_37 = arith.constant 0 : i32
      %scan3A_38 = arith.constant 0 : i32
      %scan3A_39 = arith.constant 125 : i32
      %scan3A_40 = arith.addi %scan3A_38, %scan3A_39 : i32
      %scan3A_41 = arith.constant 1 : i32
      scf.for %scan3A_43 = %scan3A_38 to %scan3A_40 step %scan3A_41  : i32 {
        %mul3A_44 = arith.constant 80 : i32
        %mul3A_45 = arith.muli %scan3A_43, %mul3A_44 : i32
        %add3A = arith.addi %mul3A_36, %mul3A_45 : i32
        "tpu.region"() ({
          %run_scoped3A = tpu.sem_alloc : memref<!tpu.dma_semaphore, #tpu.memory_space<semaphore_mem>>
          %dma_start3A_58 = tpu.memref_slice %arg6[%add3A] : memref<320000xi32, #tpu.memory_space<hbm>> -> memref<80xi32, #tpu.memory_space<hbm>>
          %dma_start3A_59 = tpu.memref_slice %arg6[%add3A] : memref<320000xi32, #tpu.memory_space<hbm>> -> memref<80xi32, #tpu.memory_space<hbm>>
          tpu.enqueue_dma source(%dma_start3A_59 : memref<80xi32, #tpu.memory_space<hbm>>) target(%arg9 : memref<80xi32, #tpu.memory_space<vmem>>) target_semaphore(%run_scoped3A : memref<!tpu.dma_semaphore, #tpu.memory_space<semaphore_mem>>)
          %dma_wait3A_60 = tpu.memref_slice %arg6[%add3A] : memref<320000xi32, #tpu.memory_space<hbm>> -> memref<80xi32, #tpu.memory_space<hbm>>
          %dma_wait3A_61 = tpu.memref_slice %arg6[%add3A] : memref<320000xi32, #tpu.memory_space<hbm>> -> memref<80xi32, #tpu.memory_space<hbm>>
          tpu.wait_dma2 semaphore(%run_scoped3A : memref<!tpu.dma_semaphore, #tpu.memory_space<semaphore_mem>>) src(%dma_wait3A_61 : memref<80xi32, #tpu.memory_space<hbm>>) dst(%arg9 : memref<80xi32, #tpu.memory_space<vmem>>)
          tpu.yield
        }) : () -> ()
        %add3A_46 = arith.constant 160000 : i32
        %add3A_47 = arith.addi %add3A_46, %add3A : i32
        "tpu.region"() ({
          %run_scoped3A = tpu.sem_alloc : memref<!tpu.dma_semaphore, #tpu.memory_space<semaphore_mem>>
          %dma_start3A_58 = tpu.memref_slice %arg6[%add3A_47] : memref<320000xi32, #tpu.memory_space<hbm>> -> memref<80xi32, #tpu.memory_space<hbm>>
          %dma_start3A_59 = tpu.memref_slice %arg6[%add3A_47] : memref<320000xi32, #tpu.memory_space<hbm>> -> memref<80xi32, #tpu.memory_space<hbm>>
          tpu.enqueue_dma source(%dma_start3A_59 : memref<80xi32, #tpu.memory_space<hbm>>) target(%arg10 : memref<80xi32, #tpu.memory_space<vmem>>) target_semaphore(%run_scoped3A : memref<!tpu.dma_semaphore, #tpu.memory_space<semaphore_mem>>)
          %dma_wait3A_60 = tpu.memref_slice %arg6[%add3A_47] : memref<320000xi32, #tpu.memory_space<hbm>> -> memref<80xi32, #tpu.memory_space<hbm>>
          %dma_wait3A_61 = tpu.memref_slice %arg6[%add3A_47] : memref<320000xi32, #tpu.memory_space<hbm>> -> memref<80xi32, #tpu.memory_space<hbm>>
          tpu.wait_dma2 semaphore(%run_scoped3A : memref<!tpu.dma_semaphore, #tpu.memory_space<semaphore_mem>>) src(%dma_wait3A_61 : memref<80xi32, #tpu.memory_space<hbm>>) dst(%arg10 : memref<80xi32, #tpu.memory_space<vmem>>)
          tpu.yield
        }) : () -> ()
        "tpu.region"() ({
          %run_scoped3A = tpu.sem_alloc : memref<!tpu.dma_semaphore, #tpu.memory_space<semaphore_mem>>
          %dma_start3A_58 = arith.constant 0 : i32
          %dma_start3A_59 = tpu.memref_slice %arg5[%add3A, %dma_start3A_58] : memref<160000x128xf32, #tpu.memory_space<hbm>> -> memref<80x128xf32, #tpu.memory_space<hbm>>
          %dma_start3A_60 = arith.constant 0 : i32
          %dma_start3A_61 = tpu.memref_slice %arg5[%add3A, %dma_start3A_60] : memref<160000x128xf32, #tpu.memory_space<hbm>> -> memref<80x128xf32, #tpu.memory_space<hbm>>
          tpu.enqueue_dma source(%dma_start3A_61 : memref<80x128xf32, #tpu.memory_space<hbm>>) target(%arg11 : memref<80x128xf32, #tpu.memory_space<vmem>>) target_semaphore(%run_scoped3A : memref<!tpu.dma_semaphore, #tpu.memory_space<semaphore_mem>>)
          %dma_wait3A_62 = arith.constant 0 : i32
          %dma_wait3A_63 = tpu.memref_slice %arg5[%add3A, %dma_wait3A_62] : memref<160000x128xf32, #tpu.memory_space<hbm>> -> memref<80x128xf32, #tpu.memory_space<hbm>>
          %dma_wait3A_64 = arith.constant 0 : i32
          %dma_wait3A_65 = tpu.memref_slice %arg5[%add3A, %dma_wait3A_64] : memref<160000x128xf32, #tpu.memory_space<hbm>> -> memref<80x128xf32, #tpu.memory_space<hbm>>
          tpu.wait_dma2 semaphore(%run_scoped3A : memref<!tpu.dma_semaphore, #tpu.memory_space<semaphore_mem>>) src(%dma_wait3A_65 : memref<80x128xf32, #tpu.memory_space<hbm>>) dst(%arg11 : memref<80x128xf32, #tpu.memory_space<vmem>>)
          tpu.yield
        }) : () -> ()
        %dma_start3A = arith.constant 0 : i32
        %dma_start3A_48 = arith.constant 0 : i32
        %dma_start3A_49 = tpu.memref_slice %arg3[%dma_start3A, %dma_start3A_48] : memref<10000x128xf32, #tpu.memory_space<hbm>> -> memref<10000x128xf32, #tpu.memory_space<hbm>>
        tpu.enqueue_indirect_dma source(%dma_start3A_49 : memref<10000x128xf32, #tpu.memory_space<hbm>>) target(%arg11 : memref<80x128xf32, #tpu.memory_space<vmem>>) offsets(%arg9 : memref<80xi32, #tpu.memory_space<vmem>>) semaphore(%arg14 : memref<!tpu.dma_semaphore, #tpu.memory_space<semaphore_mem>>) {add = true}
        %dma_wait3A = arith.constant 0 : i32
        %dma_wait3A_50 = arith.constant 0 : i32
        %dma_wait3A_51 = tpu.memref_slice %arg3[%dma_wait3A, %dma_wait3A_50] : memref<10000x128xf32, #tpu.memory_space<hbm>> -> memref<10000x128xf32, #tpu.memory_space<hbm>>
        tpu.wait_indirect_dma semaphore(%arg14 : memref<!tpu.dma_semaphore, #tpu.memory_space<semaphore_mem>>) src(%dma_wait3A_51 : memref<10000x128xf32, #tpu.memory_space<hbm>>) dst(%arg11 : memref<80x128xf32, #tpu.memory_space<vmem>>)
        %scan3A_52 = arith.constant 0 : i32
        %scan3A_53 = arith.constant 0 : i32
        %scan3A_54 = arith.constant 640 : i32
        %scan3A_55 = arith.addi %scan3A_53, %scan3A_54 : i32
        %scan3A_56 = arith.constant 1 : i32
        scf.for %scan3A_58 = %scan3A_53 to %scan3A_55 step %scan3A_56  : i32 {
          %jit3A = arith.constant 8 : i32
          %div3A = arith.divsi %scan3A_58, %jit3A : i32
          %sign3A = arith.constant 0 : i32
          %sign3A_59 = arith.cmpi sgt, %scan3A_58, %sign3A : i32
          %sign3A_60 = arith.extui %sign3A_59 : i1 to i32
          %sign3A_61 = arith.constant 0 : i32
          %sign3A_62 = arith.cmpi slt, %scan3A_58, %sign3A_61 : i32
          %sign3A_63 = arith.extui %sign3A_62 : i1 to i32
          %sign3A_64 = arith.subi %sign3A_60, %sign3A_63 : i32
          %sign3A_65 = arith.constant 0 : i32
          %sign3A_66 = arith.cmpi sgt, %jit3A, %sign3A_65 : i32
          %sign3A_67 = arith.extui %sign3A_66 : i1 to i32
          %sign3A_68 = arith.constant 0 : i32
          %sign3A_69 = arith.cmpi slt, %jit3A, %sign3A_68 : i32
          %sign3A_70 = arith.extui %sign3A_69 : i1 to i32
          %sign3A_71 = arith.subi %sign3A_67, %sign3A_70 : i32
          %ne3A = arith.cmpi ne, %sign3A_64, %sign3A_71 : i32
          %rem3A = arith.remsi %scan3A_58, %jit3A : i32
          %ne3A_72 = arith.constant 0 : i32
          %ne3A_73 = arith.cmpi ne, %rem3A, %ne3A_72 : i32
          %and3A = arith.andi %ne3A, %ne3A_73 : i1
          %sub3A = arith.constant 1 : i32
          %sub3A_74 = arith.subi %div3A, %sub3A : i32
          %select_n3A = arith.select %and3A, %sub3A_74, %div3A : i32
          %jit3A_75 = arith.constant 8 : i32
          %eq3A_76 = arith.constant 0 : i32
          %eq3A_77 = arith.cmpi eq, %jit3A_75, %eq3A_76 : i32
          %jit3A_78 = arith.constant 1 : i32
          %select_n3A_79 = arith.select %eq3A_77, %jit3A_78, %jit3A_75 : i32
          %rem3A_80 = arith.remsi %scan3A_58, %select_n3A_79 : i32
          %ne3A_81 = arith.constant 0 : i32
          %ne3A_82 = arith.cmpi ne, %rem3A_80, %ne3A_81 : i32
          %lt3A = arith.constant 0 : i32
          %lt3A_83 = arith.cmpi slt, %rem3A_80, %lt3A : i32
          %lt3A_84 = arith.constant 0 : i32
          %lt3A_85 = arith.cmpi slt, %select_n3A_79, %lt3A_84 : i32
          %ne3A_86 = arith.xori %lt3A_83, %lt3A_85 : i1
          %and3A_87 = arith.andi %ne3A_86, %ne3A_82 : i1
          %add3A_88 = arith.addi %rem3A_80, %select_n3A_79 : i32
          %select_n3A_89 = arith.select %and3A_87, %add3A_88, %rem3A_80 : i32
          %mul3A_90 = arith.constant 16 : i32
          %mul3A_91 = arith.muli %select_n3A_89, %mul3A_90 : i32
          %get3A = arith.index_cast %select_n3A : i32 to index
          %get3A_92 = arith.index_cast %mul3A_91 : i32 to index
          %get3A_93 = tpu.vector_load %arg11[%get3A, %get3A_92] {strides = array<i32>} : memref<80x128xf32, #tpu.memory_space<vmem>>, vector<1x16xf32>,
          %get3A_94 = vector.shape_cast %get3A_93 : vector<1x16xf32> to vector<16xf32>
          %max3A = arith.constant 0.000000e+00 : f32
          %max3A_95 = vector.broadcast %max3A : f32 to vector<16xf32>
          %max3A_96 = arith.maximumf %get3A_94, %max3A_95 : vector<16xf32>
          %swap3A = arith.index_cast %select_n3A : i32 to index
          %swap3A_97 = arith.index_cast %mul3A_91 : i32 to index
          %swap3A_98 = tpu.vector_load %arg11[%swap3A, %swap3A_97] {strides = array<i32>} : memref<80x128xf32, #tpu.memory_space<vmem>>, vector<1x16xf32>,
          %swap3A_99 = vector.shape_cast %swap3A_98 : vector<1x16xf32> to vector<16xf32>
          %swap3A_100 = vector.shape_cast %max3A_96 : vector<16xf32> to vector<1x16xf32>
          tpu.vector_store %arg11[%swap3A, %swap3A_97], %swap3A_100 {strides = array<i32>} : memref<80x128xf32, #tpu.memory_space<vmem>>, vector<1x16xf32>,
        }
        %scan3A_57 = arith.constant 640 : i32
        "tpu.region"() ({
          %run_scoped3A = tpu.sem_alloc : memref<!tpu.dma_semaphore, #tpu.memory_space<semaphore_mem>>
          %dma_start3A_58 = arith.constant 0 : i32
          %dma_start3A_59 = arith.constant 0 : i32
          %dma_start3A_60 = tpu.memref_slice %arg13[%dma_start3A_58, %dma_start3A_59] : memref<10000x128xf32, #tpu.memory_space<vmem_shared>> -> memref<10000x128xf32, #tpu.memory_space<vmem_shared>>
          tpu.enqueue_indirect_dma source(%arg11 : memref<80x128xf32, #tpu.memory_space<vmem>>) target(%dma_start3A_60 : memref<10000x128xf32, #tpu.memory_space<vmem_shared>>) offsets(%arg10 : memref<80xi32, #tpu.memory_space<vmem>>) semaphore(%run_scoped3A : memref<!tpu.dma_semaphore, #tpu.memory_space<semaphore_mem>>) {add = true}
          %dma_wait3A_61 = arith.constant 0 : i32
          %dma_wait3A_62 = arith.constant 0 : i32
          %dma_wait3A_63 = tpu.memref_slice %arg13[%dma_wait3A_61, %dma_wait3A_62] : memref<10000x128xf32, #tpu.memory_space<vmem_shared>> -> memref<10000x128xf32, #tpu.memory_space<vmem_shared>>
          tpu.wait_indirect_dma semaphore(%run_scoped3A : memref<!tpu.dma_semaphore, #tpu.memory_space<semaphore_mem>>) src(%arg11 : memref<80x128xf32, #tpu.memory_space<vmem>>) dst(%dma_wait3A_63 : memref<10000x128xf32, #tpu.memory_space<vmem_shared>>)
          tpu.yield
        }) : () -> ()
      }
      %scan3A_42 = arith.constant 125 : i32
    } else {
    }
    %barrier3A_24 = arith.constant 0 : index
    tpu.barrier barrier_id(%barrier3A_24)
    %eq3A_25 = arith.constant 0 : i32
    %eq3A_26 = arith.cmpi eq, %arg0, %eq3A_25 : i32
    %convert_element_type3A_27 = arith.extui %eq3A_26 : i1 to i32
    %cond3A_28 = arith.constant 0 : i32
    %cond3A_29 = arith.cmpi ne, %convert_element_type3A_27, %cond3A_28 : i32
    scf.if %cond3A_29 {
      "tpu.region"() ({
        %run_scoped3A = tpu.sem_alloc : memref<!tpu.dma_semaphore, #tpu.memory_space<semaphore_mem>>
        %dma_start3A = arith.constant 0 : i32
        %dma_start3A_40 = tpu.memref_slice %arg7[%mul3A_5, %dma_start3A] : memref<10000x128xf32, #tpu.memory_space<hbm>> -> memref<624x128xf32, #tpu.memory_space<hbm>>
        %dma_start3A_41 = arith.constant 0 : i32
        %dma_start3A_42 = tpu.memref_slice %arg13[%mul3A_5, %dma_start3A_41] : memref<10000x128xf32, #tpu.memory_space<vmem_shared>> -> memref<624x128xf32, #tpu.memory_space<vmem_shared>>
        tpu.enqueue_dma source(%dma_start3A_42 : memref<624x128xf32, #tpu.memory_space<vmem_shared>>) target(%dma_start3A_40 : memref<624x128xf32, #tpu.memory_space<hbm>>) target_semaphore(%run_scoped3A : memref<!tpu.dma_semaphore, #tpu.memory_space<semaphore_mem>>)
        %dma_wait3A = arith.constant 0 : i32
        %dma_wait3A_43 = tpu.memref_slice %arg7[%mul3A_5, %dma_wait3A] : memref<10000x128xf32, #tpu.memory_space<hbm>> -> memref<624x128xf32, #tpu.memory_space<hbm>>
        %dma_wait3A_44 = arith.constant 0 : i32
        %dma_wait3A_45 = tpu.memref_slice %arg13[%mul3A_5, %dma_wait3A_44] : memref<10000x128xf32, #tpu.memory_space<vmem_shared>> -> memref<624x128xf32, #tpu.memory_space<vmem_shared>>
        tpu.wait_dma2 semaphore(%run_scoped3A : memref<!tpu.dma_semaphore, #tpu.memory_space<semaphore_mem>>) src(%dma_wait3A_45 : memref<624x128xf32, #tpu.memory_space<vmem_shared>>) dst(%dma_wait3A_43 : memref<624x128xf32, #tpu.memory_space<hbm>>)
        tpu.yield
      }) : () -> ()
      %eq3A_35 = arith.constant 15 : i32
      %eq3A_36 = arith.cmpi eq, %arg1, %eq3A_35 : i32
      %convert_element_type3A_37 = arith.extui %eq3A_36 : i1 to i32
      %cond3A_38 = arith.constant 0 : i32
      %cond3A_39 = arith.cmpi ne, %convert_element_type3A_37, %cond3A_38 : i32
      scf.if %cond3A_39 {
        "tpu.region"() ({
          %run_scoped3A = tpu.sem_alloc : memref<!tpu.dma_semaphore, #tpu.memory_space<semaphore_mem>>
          %dma_start3A = arith.constant 9984 : i32
          %dma_start3A_40 = arith.constant 0 : i32
          %dma_start3A_41 = tpu.memref_slice %arg7[%dma_start3A, %dma_start3A_40] : memref<10000x128xf32, #tpu.memory_space<hbm>> -> memref<16x128xf32, #tpu.memory_space<hbm>>
          %dma_start3A_42 = arith.constant 9984 : i32
          %dma_start3A_43 = arith.constant 0 : i32
          %dma_start3A_44 = tpu.memref_slice %arg13[%dma_start3A_42, %dma_start3A_43] : memref<10000x128xf32, #tpu.memory_space<vmem_shared>> -> memref<16x128xf32, #tpu.memory_space<vmem_shared>>
          tpu.enqueue_dma source(%dma_start3A_44 : memref<16x128xf32, #tpu.memory_space<vmem_shared>>) target(%dma_start3A_41 : memref<16x128xf32, #tpu.memory_space<hbm>>) target_semaphore(%run_scoped3A : memref<!tpu.dma_semaphore, #tpu.memory_space<semaphore_mem>>)
          %dma_wait3A = arith.constant 9984 : i32
          %dma_wait3A_45 = arith.constant 0 : i32
          %dma_wait3A_46 = tpu.memref_slice %arg7[%dma_wait3A, %dma_wait3A_45] : memref<10000x128xf32, #tpu.memory_space<hbm>> -> memref<16x128xf32, #tpu.memory_space<hbm>>
          %dma_wait3A_47 = arith.constant 9984 : i32
          %dma_wait3A_48 = arith.constant 0 : i32
          %dma_wait3A_49 = tpu.memref_slice %arg13[%dma_wait3A_47, %dma_wait3A_48] : memref<10000x128xf32, #tpu.memory_space<vmem_shared>> -> memref<16x128xf32, #tpu.memory_space<vmem_shared>>
          tpu.wait_dma2 semaphore(%run_scoped3A : memref<!tpu.dma_semaphore, #tpu.memory_space<semaphore_mem>>) src(%dma_wait3A_49 : memref<16x128xf32, #tpu.memory_space<vmem_shared>>) dst(%dma_wait3A_46 : memref<16x128xf32, #tpu.memory_space<hbm>>)
          tpu.yield
        }) : () -> ()
      } else {
      }
    } else {
    }
    %eq3A_30 = arith.constant 1 : i32
    %eq3A_31 = arith.cmpi eq, %arg0, %eq3A_30 : i32
    %convert_element_type3A_32 = arith.extui %eq3A_31 : i1 to i32
    %cond3A_33 = arith.constant 0 : i32
    %cond3A_34 = arith.cmpi ne, %convert_element_type3A_32, %cond3A_33 : i32
    scf.if %cond3A_34 {
      "tpu.region"() ({
        %run_scoped3A = tpu.sem_alloc : memref<!tpu.dma_semaphore, #tpu.memory_space<semaphore_mem>>
        %dma_start3A = arith.constant 0 : i32
        %dma_start3A_40 = tpu.memref_slice %arg8[%mul3A_5, %dma_start3A] : memref<10000x128xf32, #tpu.memory_space<hbm>> -> memref<624x128xf32, #tpu.memory_space<hbm>>
        %dma_start3A_41 = arith.constant 0 : i32
        %dma_start3A_42 = tpu.memref_slice %arg13[%mul3A_5, %dma_start3A_41] : memref<10000x128xf32, #tpu.memory_space<vmem_shared>> -> memref<624x128xf32, #tpu.memory_space<vmem_shared>>
        tpu.enqueue_dma source(%dma_start3A_42 : memref<624x128xf32, #tpu.memory_space<vmem_shared>>) target(%dma_start3A_40 : memref<624x128xf32, #tpu.memory_space<hbm>>) target_semaphore(%run_scoped3A : memref<!tpu.dma_semaphore, #tpu.memory_space<semaphore_mem>>)
        %dma_wait3A = arith.constant 0 : i32
        %dma_wait3A_43 = tpu.memref_slice %arg8[%mul3A_5, %dma_wait3A] : memref<10000x128xf32, #tpu.memory_space<hbm>> -> memref<624x128xf32, #tpu.memory_space<hbm>>
        %dma_wait3A_44 = arith.constant 0 : i32
        %dma_wait3A_45 = tpu.memref_slice %arg13[%mul3A_5, %dma_wait3A_44] : memref<10000x128xf32, #tpu.memory_space<vmem_shared>> -> memref<624x128xf32, #tpu.memory_space<vmem_shared>>
        tpu.wait_dma2 semaphore(%run_scoped3A : memref<!tpu.dma_semaphore, #tpu.memory_space<semaphore_mem>>) src(%dma_wait3A_45 : memref<624x128xf32, #tpu.memory_space<vmem_shared>>) dst(%dma_wait3A_43 : memref<624x128xf32, #tpu.memory_space<hbm>>)
        tpu.yield
      }) : () -> ()
      %eq3A_35 = arith.constant 15 : i32
      %eq3A_36 = arith.cmpi eq, %arg1, %eq3A_35 : i32
      %convert_element_type3A_37 = arith.extui %eq3A_36 : i1 to i32
      %cond3A_38 = arith.constant 0 : i32
      %cond3A_39 = arith.cmpi ne, %convert_element_type3A_37, %cond3A_38 : i32
      scf.if %cond3A_39 {
        "tpu.region"() ({
          %run_scoped3A = tpu.sem_alloc : memref<!tpu.dma_semaphore, #tpu.memory_space<semaphore_mem>>
          %dma_start3A = arith.constant 9984 : i32
          %dma_start3A_40 = arith.constant 0 : i32
          %dma_start3A_41 = tpu.memref_slice %arg8[%dma_start3A, %dma_start3A_40] : memref<10000x128xf32, #tpu.memory_space<hbm>> -> memref<16x128xf32, #tpu.memory_space<hbm>>
          %dma_start3A_42 = arith.constant 9984 : i32
          %dma_start3A_43 = arith.constant 0 : i32
          %dma_start3A_44 = tpu.memref_slice %arg13[%dma_start3A_42, %dma_start3A_43] : memref<10000x128xf32, #tpu.memory_space<vmem_shared>> -> memref<16x128xf32, #tpu.memory_space<vmem_shared>>
          tpu.enqueue_dma source(%dma_start3A_44 : memref<16x128xf32, #tpu.memory_space<vmem_shared>>) target(%dma_start3A_41 : memref<16x128xf32, #tpu.memory_space<hbm>>) target_semaphore(%run_scoped3A : memref<!tpu.dma_semaphore, #tpu.memory_space<semaphore_mem>>)
          %dma_wait3A = arith.constant 9984 : i32
          %dma_wait3A_45 = arith.constant 0 : i32
          %dma_wait3A_46 = tpu.memref_slice %arg8[%dma_wait3A, %dma_wait3A_45] : memref<10000x128xf32, #tpu.memory_space<hbm>> -> memref<16x128xf32, #tpu.memory_space<hbm>>
          %dma_wait3A_47 = arith.constant 9984 : i32
          %dma_wait3A_48 = arith.constant 0 : i32
          %dma_wait3A_49 = tpu.memref_slice %arg13[%dma_wait3A_47, %dma_wait3A_48] : memref<10000x128xf32, #tpu.memory_space<vmem_shared>> -> memref<16x128xf32, #tpu.memory_space<vmem_shared>>
          tpu.wait_dma2 semaphore(%run_scoped3A : memref<!tpu.dma_semaphore, #tpu.memory_space<semaphore_mem>>) src(%dma_wait3A_49 : memref<16x128xf32, #tpu.memory_space<vmem_shared>>) dst(%dma_wait3A_46 : memref<16x128xf32, #tpu.memory_space<hbm>>)
          tpu.yield
        }) : () -> ()
      } else {
      }
    } else {
    }
    return
  }
}

#map = affine_map<(d0, d1) -> (0, 0)>
#map1 = affine_map<(d0, d1) -> (0)>
module attributes {stable_mosaic.version = 14 : i64} {
  func.func @body(%arg0: i32, %arg1: i32, %arg2: memref<10000x128xf32, #tpu.memory_space<hbm>>, %arg3: memref<10000x128xf32, #tpu.memory_space<hbm>>, %arg4: memref<320000xi32, #tpu.memory_space<hbm>>, %arg5: memref<10000x128xf32, #tpu.memory_space<hbm>>, %arg6: memref<10000x128xf32, #tpu.memory_space<hbm>>, %arg7: memref<80xi32, #tpu.memory_space<vmem>>, %arg8: memref<80xi32, #tpu.memory_space<vmem>>, %arg9: memref<80x128xf32, #tpu.memory_space<vmem>>, %arg10: memref<16x128xf32, #tpu.memory_space<vmem>>, %arg11: memref<10000x128xf32, #tpu.memory_space<vmem_shared>>, %arg12: memref<!tpu.dma_semaphore, #tpu.memory_space<semaphore_mem>>) attributes {dimension_semantics = [#tpu.dimension_semantics<core_parallel>, #tpu.dimension_semantics<subcore_parallel>], iteration_bounds = array<i64: 2, 16>, scalar_prefetch = 0 : i64, scratch_operands = 6 : i64, tpu.core_type = #tpu.core_type<sc_vector_subcore>, window_params = [{transform_indices = #map}, {transform_indices = #map}, {transform_indices = #map1}, {transform_indices = #map}, {transform_indices = #map}]} {
    %scan3A = arith.constant 0 : i32
    %scan3A_0 = arith.constant 0 : i32
    %scan3A_1 = arith.constant 128 : i32
    %scan3A_2 = arith.addi %scan3A_0, %scan3A_1 : i32
    %scan3A_3 = arith.constant 1 : i32
    scf.for %scan3A_35 = %scan3A_0 to %scan3A_2 step %scan3A_3  : i32 {
      %jit3A = arith.constant 8 : i32
      %div3A = arith.divsi %scan3A_35, %jit3A : i32
      %sign3A = arith.constant 0 : i32
      %sign3A_36 = arith.cmpi sgt, %scan3A_35, %sign3A : i32
      %sign3A_37 = arith.extui %sign3A_36 : i1 to i32
      %sign3A_38 = arith.constant 0 : i32
      %sign3A_39 = arith.cmpi slt, %scan3A_35, %sign3A_38 : i32
      %sign3A_40 = arith.extui %sign3A_39 : i1 to i32
      %sign3A_41 = arith.subi %sign3A_37, %sign3A_40 : i32
      %sign3A_42 = arith.constant 0 : i32
      %sign3A_43 = arith.cmpi sgt, %jit3A, %sign3A_42 : i32
      %sign3A_44 = arith.extui %sign3A_43 : i1 to i32
      %sign3A_45 = arith.constant 0 : i32
      %sign3A_46 = arith.cmpi slt, %jit3A, %sign3A_45 : i32
      %sign3A_47 = arith.extui %sign3A_46 : i1 to i32
      %sign3A_48 = arith.subi %sign3A_44, %sign3A_47 : i32
      %ne3A = arith.cmpi ne, %sign3A_41, %sign3A_48 : i32
      %rem3A = arith.remsi %scan3A_35, %jit3A : i32
      %ne3A_49 = arith.constant 0 : i32
      %ne3A_50 = arith.cmpi ne, %rem3A, %ne3A_49 : i32
      %and3A = arith.andi %ne3A, %ne3A_50 : i1
      %sub3A = arith.constant 1 : i32
      %sub3A_51 = arith.subi %div3A, %sub3A : i32
      %select_n3A = arith.select %and3A, %sub3A_51, %div3A : i32
      %jit3A_52 = arith.constant 8 : i32
      %eq3A_53 = arith.constant 0 : i32
      %eq3A_54 = arith.cmpi eq, %jit3A_52, %eq3A_53 : i32
      %jit3A_55 = arith.constant 1 : i32
      %select_n3A_56 = arith.select %eq3A_54, %jit3A_55, %jit3A_52 : i32
      %rem3A_57 = arith.remsi %scan3A_35, %select_n3A_56 : i32
      %ne3A_58 = arith.constant 0 : i32
      %ne3A_59 = arith.cmpi ne, %rem3A_57, %ne3A_58 : i32
      %lt3A = arith.constant 0 : i32
      %lt3A_60 = arith.cmpi slt, %rem3A_57, %lt3A : i32
      %lt3A_61 = arith.constant 0 : i32
      %lt3A_62 = arith.cmpi slt, %select_n3A_56, %lt3A_61 : i32
      %ne3A_63 = arith.xori %lt3A_60, %lt3A_62 : i1
      %and3A_64 = arith.andi %ne3A_63, %ne3A_59 : i1
      %add3A = arith.addi %rem3A_57, %select_n3A_56 : i32
      %select_n3A_65 = arith.select %and3A_64, %add3A, %rem3A_57 : i32
      %broadcast_in_dim3A = arith.constant 0.000000e+00 : f32
      %broadcast_in_dim3A_66 = vector.broadcast %broadcast_in_dim3A : f32 to vector<16xf32>
      %mul3A_67 = arith.constant 16 : i32
      %mul3A_68 = arith.muli %select_n3A_65, %mul3A_67 : i32
      %swap3A = arith.index_cast %select_n3A : i32 to index
      %swap3A_69 = arith.index_cast %mul3A_68 : i32 to index
      %swap3A_70 = tpu.vector_load %arg10[%swap3A, %swap3A_69] {strides = array<i32>} : memref<16x128xf32, #tpu.memory_space<vmem>>, vector<1x16xf32>,
      %swap3A_71 = vector.shape_cast %swap3A_70 : vector<1x16xf32> to vector<16xf32>
      %swap3A_72 = vector.shape_cast %broadcast_in_dim3A_66 : vector<16xf32> to vector<1x16xf32>
      tpu.vector_store %arg10[%swap3A, %swap3A_69], %swap3A_72 {strides = array<i32>} : memref<16x128xf32, #tpu.memory_space<vmem>>, vector<1x16xf32>,
    }
    %scan3A_4 = arith.constant 128 : i32
    %mul3A = arith.constant 624 : i32
    %mul3A_5 = arith.muli %arg1, %mul3A : i32
    %scan3A_6 = arith.constant 0 : i32
    %scan3A_7 = arith.constant 0 : i32
    %scan3A_8 = arith.constant 39 : i32
    %scan3A_9 = arith.addi %scan3A_7, %scan3A_8 : i32
    %scan3A_10 = arith.constant 1 : i32
    scf.for %scan3A_35 = %scan3A_7 to %scan3A_9 step %scan3A_10  : i32 {
      %mul3A_36 = arith.constant 16 : i32
      %mul3A_37 = arith.muli %scan3A_35, %mul3A_36 : i32
      %add3A = arith.addi %mul3A_5, %mul3A_37 : i32
      "tpu.region"() ({
        %run_scoped3A = tpu.sem_alloc : memref<!tpu.dma_semaphore, #tpu.memory_space<semaphore_mem>>
        %dma_start3A = arith.constant 0 : i32
        %dma_start3A_38 = tpu.memref_slice %arg11[%add3A, %dma_start3A] : memref<10000x128xf32, #tpu.memory_space<vmem_shared>> -> memref<16x128xf32, #tpu.memory_space<vmem_shared>>
        %dma_start3A_39 = arith.constant 0 : i32
        %dma_start3A_40 = tpu.memref_slice %arg11[%add3A, %dma_start3A_39] : memref<10000x128xf32, #tpu.memory_space<vmem_shared>> -> memref<16x128xf32, #tpu.memory_space<vmem_shared>>
        tpu.enqueue_dma source(%arg10 : memref<16x128xf32, #tpu.memory_space<vmem>>) target(%dma_start3A_40 : memref<16x128xf32, #tpu.memory_space<vmem_shared>>) target_semaphore(%run_scoped3A : memref<!tpu.dma_semaphore, #tpu.memory_space<semaphore_mem>>)
        %dma_wait3A = arith.constant 0 : i32
        %dma_wait3A_41 = tpu.memref_slice %arg11[%add3A, %dma_wait3A] : memref<10000x128xf32, #tpu.memory_space<vmem_shared>> -> memref<16x128xf32, #tpu.memory_space<vmem_shared>>
        %dma_wait3A_42 = arith.constant 0 : i32
        %dma_wait3A_43 = tpu.memref_slice %arg11[%add3A, %dma_wait3A_42] : memref<10000x128xf32, #tpu.memory_space<vmem_shared>> -> memref<16x128xf32, #tpu.memory_space<vmem_shared>>
        tpu.wait_dma2 semaphore(%run_scoped3A : memref<!tpu.dma_semaphore, #tpu.memory_space<semaphore_mem>>) src(%arg10 : memref<16x128xf32, #tpu.memory_space<vmem>>) dst(%dma_wait3A_43 : memref<16x128xf32, #tpu.memory_space<vmem_shared>>)
        tpu.yield
      }) : () -> ()
    }
    %scan3A_11 = arith.constant 39 : i32
    %eq3A = arith.constant 15 : i32
    %eq3A_12 = arith.cmpi eq, %arg1, %eq3A : i32
    %convert_element_type3A = arith.extui %eq3A_12 : i1 to i32
    %cond3A = arith.constant 0 : i32
    %cond3A_13 = arith.cmpi ne, %convert_element_type3A, %cond3A : i32
    scf.if %cond3A_13 {
      "tpu.region"() ({
        %run_scoped3A = tpu.sem_alloc : memref<!tpu.dma_semaphore, #tpu.memory_space<semaphore_mem>>
        %dma_start3A = arith.constant 9984 : i32
        %dma_start3A_35 = arith.constant 0 : i32
        %dma_start3A_36 = tpu.memref_slice %arg11[%dma_start3A, %dma_start3A_35] : memref<10000x128xf32, #tpu.memory_space<vmem_shared>> -> memref<16x128xf32, #tpu.memory_space<vmem_shared>>
        %dma_start3A_37 = arith.constant 9984 : i32
        %dma_start3A_38 = arith.constant 0 : i32
        %dma_start3A_39 = tpu.memref_slice %arg11[%dma_start3A_37, %dma_start3A_38] : memref<10000x128xf32, #tpu.memory_space<vmem_shared>> -> memref<16x128xf32, #tpu.memory_space<vmem_shared>>
        tpu.enqueue_dma source(%arg10 : memref<16x128xf32, #tpu.memory_space<vmem>>) target(%dma_start3A_39 : memref<16x128xf32, #tpu.memory_space<vmem_shared>>) target_semaphore(%run_scoped3A : memref<!tpu.dma_semaphore, #tpu.memory_space<semaphore_mem>>)
        %dma_wait3A = arith.constant 9984 : i32
        %dma_wait3A_40 = arith.constant 0 : i32
        %dma_wait3A_41 = tpu.memref_slice %arg11[%dma_wait3A, %dma_wait3A_40] : memref<10000x128xf32, #tpu.memory_space<vmem_shared>> -> memref<16x128xf32, #tpu.memory_space<vmem_shared>>
        %dma_wait3A_42 = arith.constant 9984 : i32
        %dma_wait3A_43 = arith.constant 0 : i32
        %dma_wait3A_44 = tpu.memref_slice %arg11[%dma_wait3A_42, %dma_wait3A_43] : memref<10000x128xf32, #tpu.memory_space<vmem_shared>> -> memref<16x128xf32, #tpu.memory_space<vmem_shared>>
        tpu.wait_dma2 semaphore(%run_scoped3A : memref<!tpu.dma_semaphore, #tpu.memory_space<semaphore_mem>>) src(%arg10 : memref<16x128xf32, #tpu.memory_space<vmem>>) dst(%dma_wait3A_44 : memref<16x128xf32, #tpu.memory_space<vmem_shared>>)
        tpu.yield
      }) : () -> ()
    } else {
    }
    %barrier3A = arith.constant 0 : index
    tpu.barrier barrier_id(%barrier3A)
    %eq3A_14 = arith.constant 0 : i32
    %eq3A_15 = arith.cmpi eq, %arg0, %eq3A_14 : i32
    %convert_element_type3A_16 = arith.extui %eq3A_15 : i1 to i32
    %cond3A_17 = arith.constant 0 : i32
    %cond3A_18 = arith.cmpi ne, %convert_element_type3A_16, %cond3A_17 : i32
    scf.if %cond3A_18 {
      %mul3A_35 = arith.constant 10000 : i32
      %mul3A_36 = arith.muli %arg1, %mul3A_35 : i32
      %scan3A_37 = arith.constant 0 : i32
      %scan3A_38 = arith.constant 0 : i32
      %scan3A_39 = arith.constant 125 : i32
      %scan3A_40 = arith.addi %scan3A_38, %scan3A_39 : i32
      %scan3A_41 = arith.constant 1 : i32
      scf.for %scan3A_43 = %scan3A_38 to %scan3A_40 step %scan3A_41  : i32 {
        %mul3A_44 = arith.constant 80 : i32
        %mul3A_45 = arith.muli %scan3A_43, %mul3A_44 : i32
        %add3A = arith.addi %mul3A_36, %mul3A_45 : i32
        "tpu.region"() ({
          %run_scoped3A = tpu.sem_alloc : memref<!tpu.dma_semaphore, #tpu.memory_space<semaphore_mem>>
          %dma_start3A_52 = tpu.memref_slice %arg4[%add3A] : memref<320000xi32, #tpu.memory_space<hbm>> -> memref<80xi32, #tpu.memory_space<hbm>>
          %dma_start3A_53 = tpu.memref_slice %arg4[%add3A] : memref<320000xi32, #tpu.memory_space<hbm>> -> memref<80xi32, #tpu.memory_space<hbm>>
          tpu.enqueue_dma source(%dma_start3A_53 : memref<80xi32, #tpu.memory_space<hbm>>) target(%arg7 : memref<80xi32, #tpu.memory_space<vmem>>) target_semaphore(%run_scoped3A : memref<!tpu.dma_semaphore, #tpu.memory_space<semaphore_mem>>)
          %dma_wait3A_54 = tpu.memref_slice %arg4[%add3A] : memref<320000xi32, #tpu.memory_space<hbm>> -> memref<80xi32, #tpu.memory_space<hbm>>
          %dma_wait3A_55 = tpu.memref_slice %arg4[%add3A] : memref<320000xi32, #tpu.memory_space<hbm>> -> memref<80xi32, #tpu.memory_space<hbm>>
          tpu.wait_dma2 semaphore(%run_scoped3A : memref<!tpu.dma_semaphore, #tpu.memory_space<semaphore_mem>>) src(%dma_wait3A_55 : memref<80xi32, #tpu.memory_space<hbm>>) dst(%arg7 : memref<80xi32, #tpu.memory_space<vmem>>)
          tpu.yield
        }) : () -> ()
        %add3A_46 = arith.constant 160000 : i32
        %add3A_47 = arith.addi %add3A_46, %add3A : i32
        "tpu.region"() ({
          %run_scoped3A = tpu.sem_alloc : memref<!tpu.dma_semaphore, #tpu.memory_space<semaphore_mem>>
          %dma_start3A_52 = tpu.memref_slice %arg4[%add3A_47] : memref<320000xi32, #tpu.memory_space<hbm>> -> memref<80xi32, #tpu.memory_space<hbm>>
          %dma_start3A_53 = tpu.memref_slice %arg4[%add3A_47] : memref<320000xi32, #tpu.memory_space<hbm>> -> memref<80xi32, #tpu.memory_space<hbm>>
          tpu.enqueue_dma source(%dma_start3A_53 : memref<80xi32, #tpu.memory_space<hbm>>) target(%arg8 : memref<80xi32, #tpu.memory_space<vmem>>) target_semaphore(%run_scoped3A : memref<!tpu.dma_semaphore, #tpu.memory_space<semaphore_mem>>)
          %dma_wait3A_54 = tpu.memref_slice %arg4[%add3A_47] : memref<320000xi32, #tpu.memory_space<hbm>> -> memref<80xi32, #tpu.memory_space<hbm>>
          %dma_wait3A_55 = tpu.memref_slice %arg4[%add3A_47] : memref<320000xi32, #tpu.memory_space<hbm>> -> memref<80xi32, #tpu.memory_space<hbm>>
          tpu.wait_dma2 semaphore(%run_scoped3A : memref<!tpu.dma_semaphore, #tpu.memory_space<semaphore_mem>>) src(%dma_wait3A_55 : memref<80xi32, #tpu.memory_space<hbm>>) dst(%arg8 : memref<80xi32, #tpu.memory_space<vmem>>)
          tpu.yield
        }) : () -> ()
        %dma_start3A = arith.constant 0 : i32
        %dma_start3A_48 = arith.constant 0 : i32
        %dma_start3A_49 = tpu.memref_slice %arg2[%dma_start3A, %dma_start3A_48] : memref<10000x128xf32, #tpu.memory_space<hbm>> -> memref<10000x128xf32, #tpu.memory_space<hbm>>
        tpu.enqueue_indirect_dma source(%dma_start3A_49 : memref<10000x128xf32, #tpu.memory_space<hbm>>) target(%arg9 : memref<80x128xf32, #tpu.memory_space<vmem>>) offsets(%arg7 : memref<80xi32, #tpu.memory_space<vmem>>) semaphore(%arg12 : memref<!tpu.dma_semaphore, #tpu.memory_space<semaphore_mem>>)
        %dma_wait3A = arith.constant 0 : i32
        %dma_wait3A_50 = arith.constant 0 : i32
        %dma_wait3A_51 = tpu.memref_slice %arg2[%dma_wait3A, %dma_wait3A_50] : memref<10000x128xf32, #tpu.memory_space<hbm>> -> memref<10000x128xf32, #tpu.memory_space<hbm>>
        tpu.wait_indirect_dma semaphore(%arg12 : memref<!tpu.dma_semaphore, #tpu.memory_space<semaphore_mem>>) src(%dma_wait3A_51 : memref<10000x128xf32, #tpu.memory_space<hbm>>) dst(%arg9 : memref<80x128xf32, #tpu.memory_space<vmem>>)
        "tpu.region"() ({
          %run_scoped3A = tpu.sem_alloc : memref<!tpu.dma_semaphore, #tpu.memory_space<semaphore_mem>>
          %dma_start3A_52 = arith.constant 0 : i32
          %dma_start3A_53 = arith.constant 0 : i32
          %dma_start3A_54 = tpu.memref_slice %arg11[%dma_start3A_52, %dma_start3A_53] : memref<10000x128xf32, #tpu.memory_space<vmem_shared>> -> memref<10000x128xf32, #tpu.memory_space<vmem_shared>>
          tpu.enqueue_indirect_dma source(%arg9 : memref<80x128xf32, #tpu.memory_space<vmem>>) target(%dma_start3A_54 : memref<10000x128xf32, #tpu.memory_space<vmem_shared>>) offsets(%arg8 : memref<80xi32, #tpu.memory_space<vmem>>) semaphore(%run_scoped3A : memref<!tpu.dma_semaphore, #tpu.memory_space<semaphore_mem>>) {add = true}
          %dma_wait3A_55 = arith.constant 0 : i32
          %dma_wait3A_56 = arith.constant 0 : i32
          %dma_wait3A_57 = tpu.memref_slice %arg11[%dma_wait3A_55, %dma_wait3A_56] : memref<10000x128xf32, #tpu.memory_space<vmem_shared>> -> memref<10000x128xf32, #tpu.memory_space<vmem_shared>>
          tpu.wait_indirect_dma semaphore(%run_scoped3A : memref<!tpu.dma_semaphore, #tpu.memory_space<semaphore_mem>>) src(%arg9 : memref<80x128xf32, #tpu.memory_space<vmem>>) dst(%dma_wait3A_57 : memref<10000x128xf32, #tpu.memory_space<vmem_shared>>)
          tpu.yield
        }) : () -> ()
      }
      %scan3A_42 = arith.constant 125 : i32
    } else {
    }
    %eq3A_19 = arith.constant 1 : i32
    %eq3A_20 = arith.cmpi eq, %arg0, %eq3A_19 : i32
    %convert_element_type3A_21 = arith.extui %eq3A_20 : i1 to i32
    %cond3A_22 = arith.constant 0 : i32
    %cond3A_23 = arith.cmpi ne, %convert_element_type3A_21, %cond3A_22 : i32
    scf.if %cond3A_23 {
      %mul3A_35 = arith.constant 10000 : i32
      %mul3A_36 = arith.muli %arg1, %mul3A_35 : i32
      %scan3A_37 = arith.constant 0 : i32
      %scan3A_38 = arith.constant 0 : i32
      %scan3A_39 = arith.constant 125 : i32
      %scan3A_40 = arith.addi %scan3A_38, %scan3A_39 : i32
      %scan3A_41 = arith.constant 1 : i32
      scf.for %scan3A_43 = %scan3A_38 to %scan3A_40 step %scan3A_41  : i32 {
        %mul3A_44 = arith.constant 80 : i32
        %mul3A_45 = arith.muli %scan3A_43, %mul3A_44 : i32
        %add3A = arith.addi %mul3A_36, %mul3A_45 : i32
        "tpu.region"() ({
          %run_scoped3A = tpu.sem_alloc : memref<!tpu.dma_semaphore, #tpu.memory_space<semaphore_mem>>
          %dma_start3A_52 = tpu.memref_slice %arg4[%add3A] : memref<320000xi32, #tpu.memory_space<hbm>> -> memref<80xi32, #tpu.memory_space<hbm>>
          %dma_start3A_53 = tpu.memref_slice %arg4[%add3A] : memref<320000xi32, #tpu.memory_space<hbm>> -> memref<80xi32, #tpu.memory_space<hbm>>
          tpu.enqueue_dma source(%dma_start3A_53 : memref<80xi32, #tpu.memory_space<hbm>>) target(%arg7 : memref<80xi32, #tpu.memory_space<vmem>>) target_semaphore(%run_scoped3A : memref<!tpu.dma_semaphore, #tpu.memory_space<semaphore_mem>>)
          %dma_wait3A_54 = tpu.memref_slice %arg4[%add3A] : memref<320000xi32, #tpu.memory_space<hbm>> -> memref<80xi32, #tpu.memory_space<hbm>>
          %dma_wait3A_55 = tpu.memref_slice %arg4[%add3A] : memref<320000xi32, #tpu.memory_space<hbm>> -> memref<80xi32, #tpu.memory_space<hbm>>
          tpu.wait_dma2 semaphore(%run_scoped3A : memref<!tpu.dma_semaphore, #tpu.memory_space<semaphore_mem>>) src(%dma_wait3A_55 : memref<80xi32, #tpu.memory_space<hbm>>) dst(%arg7 : memref<80xi32, #tpu.memory_space<vmem>>)
          tpu.yield
        }) : () -> ()
        %add3A_46 = arith.constant 160000 : i32
        %add3A_47 = arith.addi %add3A_46, %add3A : i32
        "tpu.region"() ({
          %run_scoped3A = tpu.sem_alloc : memref<!tpu.dma_semaphore, #tpu.memory_space<semaphore_mem>>
          %dma_start3A_52 = tpu.memref_slice %arg4[%add3A_47] : memref<320000xi32, #tpu.memory_space<hbm>> -> memref<80xi32, #tpu.memory_space<hbm>>
          %dma_start3A_53 = tpu.memref_slice %arg4[%add3A_47] : memref<320000xi32, #tpu.memory_space<hbm>> -> memref<80xi32, #tpu.memory_space<hbm>>
          tpu.enqueue_dma source(%dma_start3A_53 : memref<80xi32, #tpu.memory_space<hbm>>) target(%arg8 : memref<80xi32, #tpu.memory_space<vmem>>) target_semaphore(%run_scoped3A : memref<!tpu.dma_semaphore, #tpu.memory_space<semaphore_mem>>)
          %dma_wait3A_54 = tpu.memref_slice %arg4[%add3A_47] : memref<320000xi32, #tpu.memory_space<hbm>> -> memref<80xi32, #tpu.memory_space<hbm>>
          %dma_wait3A_55 = tpu.memref_slice %arg4[%add3A_47] : memref<320000xi32, #tpu.memory_space<hbm>> -> memref<80xi32, #tpu.memory_space<hbm>>
          tpu.wait_dma2 semaphore(%run_scoped3A : memref<!tpu.dma_semaphore, #tpu.memory_space<semaphore_mem>>) src(%dma_wait3A_55 : memref<80xi32, #tpu.memory_space<hbm>>) dst(%arg8 : memref<80xi32, #tpu.memory_space<vmem>>)
          tpu.yield
        }) : () -> ()
        %dma_start3A = arith.constant 0 : i32
        %dma_start3A_48 = arith.constant 0 : i32
        %dma_start3A_49 = tpu.memref_slice %arg3[%dma_start3A, %dma_start3A_48] : memref<10000x128xf32, #tpu.memory_space<hbm>> -> memref<10000x128xf32, #tpu.memory_space<hbm>>
        tpu.enqueue_indirect_dma source(%dma_start3A_49 : memref<10000x128xf32, #tpu.memory_space<hbm>>) target(%arg9 : memref<80x128xf32, #tpu.memory_space<vmem>>) offsets(%arg7 : memref<80xi32, #tpu.memory_space<vmem>>) semaphore(%arg12 : memref<!tpu.dma_semaphore, #tpu.memory_space<semaphore_mem>>)
        %dma_wait3A = arith.constant 0 : i32
        %dma_wait3A_50 = arith.constant 0 : i32
        %dma_wait3A_51 = tpu.memref_slice %arg3[%dma_wait3A, %dma_wait3A_50] : memref<10000x128xf32, #tpu.memory_space<hbm>> -> memref<10000x128xf32, #tpu.memory_space<hbm>>
        tpu.wait_indirect_dma semaphore(%arg12 : memref<!tpu.dma_semaphore, #tpu.memory_space<semaphore_mem>>) src(%dma_wait3A_51 : memref<10000x128xf32, #tpu.memory_space<hbm>>) dst(%arg9 : memref<80x128xf32, #tpu.memory_space<vmem>>)
        "tpu.region"() ({
          %run_scoped3A = tpu.sem_alloc : memref<!tpu.dma_semaphore, #tpu.memory_space<semaphore_mem>>
          %dma_start3A_52 = arith.constant 0 : i32
          %dma_start3A_53 = arith.constant 0 : i32
          %dma_start3A_54 = tpu.memref_slice %arg11[%dma_start3A_52, %dma_start3A_53] : memref<10000x128xf32, #tpu.memory_space<vmem_shared>> -> memref<10000x128xf32, #tpu.memory_space<vmem_shared>>
          tpu.enqueue_indirect_dma source(%arg9 : memref<80x128xf32, #tpu.memory_space<vmem>>) target(%dma_start3A_54 : memref<10000x128xf32, #tpu.memory_space<vmem_shared>>) offsets(%arg8 : memref<80xi32, #tpu.memory_space<vmem>>) semaphore(%run_scoped3A : memref<!tpu.dma_semaphore, #tpu.memory_space<semaphore_mem>>) {add = true}
          %dma_wait3A_55 = arith.constant 0 : i32
          %dma_wait3A_56 = arith.constant 0 : i32
          %dma_wait3A_57 = tpu.memref_slice %arg11[%dma_wait3A_55, %dma_wait3A_56] : memref<10000x128xf32, #tpu.memory_space<vmem_shared>> -> memref<10000x128xf32, #tpu.memory_space<vmem_shared>>
          tpu.wait_indirect_dma semaphore(%run_scoped3A : memref<!tpu.dma_semaphore, #tpu.memory_space<semaphore_mem>>) src(%arg9 : memref<80x128xf32, #tpu.memory_space<vmem>>) dst(%dma_wait3A_57 : memref<10000x128xf32, #tpu.memory_space<vmem_shared>>)
          tpu.yield
        }) : () -> ()
      }
      %scan3A_42 = arith.constant 125 : i32
    } else {
    }
    %barrier3A_24 = arith.constant 0 : index
    tpu.barrier barrier_id(%barrier3A_24)
    %eq3A_25 = arith.constant 0 : i32
    %eq3A_26 = arith.cmpi eq, %arg0, %eq3A_25 : i32
    %convert_element_type3A_27 = arith.extui %eq3A_26 : i1 to i32
    %cond3A_28 = arith.constant 0 : i32
    %cond3A_29 = arith.cmpi ne, %convert_element_type3A_27, %cond3A_28 : i32
    scf.if %cond3A_29 {
      "tpu.region"() ({
        %run_scoped3A = tpu.sem_alloc : memref<!tpu.dma_semaphore, #tpu.memory_space<semaphore_mem>>
        %dma_start3A = arith.constant 0 : i32
        %dma_start3A_40 = tpu.memref_slice %arg5[%mul3A_5, %dma_start3A] : memref<10000x128xf32, #tpu.memory_space<hbm>> -> memref<624x128xf32, #tpu.memory_space<hbm>>
        %dma_start3A_41 = arith.constant 0 : i32
        %dma_start3A_42 = tpu.memref_slice %arg11[%mul3A_5, %dma_start3A_41] : memref<10000x128xf32, #tpu.memory_space<vmem_shared>> -> memref<624x128xf32, #tpu.memory_space<vmem_shared>>
        tpu.enqueue_dma source(%dma_start3A_42 : memref<624x128xf32, #tpu.memory_space<vmem_shared>>) target(%dma_start3A_40 : memref<624x128xf32, #tpu.memory_space<hbm>>) target_semaphore(%run_scoped3A : memref<!tpu.dma_semaphore, #tpu.memory_space<semaphore_mem>>)
        %dma_wait3A = arith.constant 0 : i32
        %dma_wait3A_43 = tpu.memref_slice %arg5[%mul3A_5, %dma_wait3A] : memref<10000x128xf32, #tpu.memory_space<hbm>> -> memref<624x128xf32, #tpu.memory_space<hbm>>
        %dma_wait3A_44 = arith.constant 0 : i32
        %dma_wait3A_45 = tpu.memref_slice %arg11[%mul3A_5, %dma_wait3A_44] : memref<10000x128xf32, #tpu.memory_space<vmem_shared>> -> memref<624x128xf32, #tpu.memory_space<vmem_shared>>
        tpu.wait_dma2 semaphore(%run_scoped3A : memref<!tpu.dma_semaphore, #tpu.memory_space<semaphore_mem>>) src(%dma_wait3A_45 : memref<624x128xf32, #tpu.memory_space<vmem_shared>>) dst(%dma_wait3A_43 : memref<624x128xf32, #tpu.memory_space<hbm>>)
        tpu.yield
      }) : () -> ()
      %eq3A_35 = arith.constant 15 : i32
      %eq3A_36 = arith.cmpi eq, %arg1, %eq3A_35 : i32
      %convert_element_type3A_37 = arith.extui %eq3A_36 : i1 to i32
      %cond3A_38 = arith.constant 0 : i32
      %cond3A_39 = arith.cmpi ne, %convert_element_type3A_37, %cond3A_38 : i32
      scf.if %cond3A_39 {
        "tpu.region"() ({
          %run_scoped3A = tpu.sem_alloc : memref<!tpu.dma_semaphore, #tpu.memory_space<semaphore_mem>>
          %dma_start3A = arith.constant 9984 : i32
          %dma_start3A_40 = arith.constant 0 : i32
          %dma_start3A_41 = tpu.memref_slice %arg5[%dma_start3A, %dma_start3A_40] : memref<10000x128xf32, #tpu.memory_space<hbm>> -> memref<16x128xf32, #tpu.memory_space<hbm>>
          %dma_start3A_42 = arith.constant 9984 : i32
          %dma_start3A_43 = arith.constant 0 : i32
          %dma_start3A_44 = tpu.memref_slice %arg11[%dma_start3A_42, %dma_start3A_43] : memref<10000x128xf32, #tpu.memory_space<vmem_shared>> -> memref<16x128xf32, #tpu.memory_space<vmem_shared>>
          tpu.enqueue_dma source(%dma_start3A_44 : memref<16x128xf32, #tpu.memory_space<vmem_shared>>) target(%dma_start3A_41 : memref<16x128xf32, #tpu.memory_space<hbm>>) target_semaphore(%run_scoped3A : memref<!tpu.dma_semaphore, #tpu.memory_space<semaphore_mem>>)
          %dma_wait3A = arith.constant 9984 : i32
          %dma_wait3A_45 = arith.constant 0 : i32
          %dma_wait3A_46 = tpu.memref_slice %arg5[%dma_wait3A, %dma_wait3A_45] : memref<10000x128xf32, #tpu.memory_space<hbm>> -> memref<16x128xf32, #tpu.memory_space<hbm>>
          %dma_wait3A_47 = arith.constant 9984 : i32
          %dma_wait3A_48 = arith.constant 0 : i32
          %dma_wait3A_49 = tpu.memref_slice %arg11[%dma_wait3A_47, %dma_wait3A_48] : memref<10000x128xf32, #tpu.memory_space<vmem_shared>> -> memref<16x128xf32, #tpu.memory_space<vmem_shared>>
          tpu.wait_dma2 semaphore(%run_scoped3A : memref<!tpu.dma_semaphore, #tpu.memory_space<semaphore_mem>>) src(%dma_wait3A_49 : memref<16x128xf32, #tpu.memory_space<vmem_shared>>) dst(%dma_wait3A_46 : memref<16x128xf32, #tpu.memory_space<hbm>>)
          tpu.yield
        }) : () -> ()
      } else {
      }
    } else {
    }
    %eq3A_30 = arith.constant 1 : i32
    %eq3A_31 = arith.cmpi eq, %arg0, %eq3A_30 : i32
    %convert_element_type3A_32 = arith.extui %eq3A_31 : i1 to i32
    %cond3A_33 = arith.constant 0 : i32
    %cond3A_34 = arith.cmpi ne, %convert_element_type3A_32, %cond3A_33 : i32
    scf.if %cond3A_34 {
      "tpu.region"() ({
        %run_scoped3A = tpu.sem_alloc : memref<!tpu.dma_semaphore, #tpu.memory_space<semaphore_mem>>
        %dma_start3A = arith.constant 0 : i32
        %dma_start3A_40 = tpu.memref_slice %arg6[%mul3A_5, %dma_start3A] : memref<10000x128xf32, #tpu.memory_space<hbm>> -> memref<624x128xf32, #tpu.memory_space<hbm>>
        %dma_start3A_41 = arith.constant 0 : i32
        %dma_start3A_42 = tpu.memref_slice %arg11[%mul3A_5, %dma_start3A_41] : memref<10000x128xf32, #tpu.memory_space<vmem_shared>> -> memref<624x128xf32, #tpu.memory_space<vmem_shared>>
        tpu.enqueue_dma source(%dma_start3A_42 : memref<624x128xf32, #tpu.memory_space<vmem_shared>>) target(%dma_start3A_40 : memref<624x128xf32, #tpu.memory_space<hbm>>) target_semaphore(%run_scoped3A : memref<!tpu.dma_semaphore, #tpu.memory_space<semaphore_mem>>)
        %dma_wait3A = arith.constant 0 : i32
        %dma_wait3A_43 = tpu.memref_slice %arg6[%mul3A_5, %dma_wait3A] : memref<10000x128xf32, #tpu.memory_space<hbm>> -> memref<624x128xf32, #tpu.memory_space<hbm>>
        %dma_wait3A_44 = arith.constant 0 : i32
        %dma_wait3A_45 = tpu.memref_slice %arg11[%mul3A_5, %dma_wait3A_44] : memref<10000x128xf32, #tpu.memory_space<vmem_shared>> -> memref<624x128xf32, #tpu.memory_space<vmem_shared>>
        tpu.wait_dma2 semaphore(%run_scoped3A : memref<!tpu.dma_semaphore, #tpu.memory_space<semaphore_mem>>) src(%dma_wait3A_45 : memref<624x128xf32, #tpu.memory_space<vmem_shared>>) dst(%dma_wait3A_43 : memref<624x128xf32, #tpu.memory_space<hbm>>)
        tpu.yield
      }) : () -> ()
      %eq3A_35 = arith.constant 15 : i32
      %eq3A_36 = arith.cmpi eq, %arg1, %eq3A_35 : i32
      %convert_element_type3A_37 = arith.extui %eq3A_36 : i1 to i32
      %cond3A_38 = arith.constant 0 : i32
      %cond3A_39 = arith.cmpi ne, %convert_element_type3A_37, %cond3A_38 : i32
      scf.if %cond3A_39 {
        "tpu.region"() ({
          %run_scoped3A = tpu.sem_alloc : memref<!tpu.dma_semaphore, #tpu.memory_space<semaphore_mem>>
          %dma_start3A = arith.constant 9984 : i32
          %dma_start3A_40 = arith.constant 0 : i32
          %dma_start3A_41 = tpu.memref_slice %arg6[%dma_start3A, %dma_start3A_40] : memref<10000x128xf32, #tpu.memory_space<hbm>> -> memref<16x128xf32, #tpu.memory_space<hbm>>
          %dma_start3A_42 = arith.constant 9984 : i32
          %dma_start3A_43 = arith.constant 0 : i32
          %dma_start3A_44 = tpu.memref_slice %arg11[%dma_start3A_42, %dma_start3A_43] : memref<10000x128xf32, #tpu.memory_space<vmem_shared>> -> memref<16x128xf32, #tpu.memory_space<vmem_shared>>
          tpu.enqueue_dma source(%dma_start3A_44 : memref<16x128xf32, #tpu.memory_space<vmem_shared>>) target(%dma_start3A_41 : memref<16x128xf32, #tpu.memory_space<hbm>>) target_semaphore(%run_scoped3A : memref<!tpu.dma_semaphore, #tpu.memory_space<semaphore_mem>>)
          %dma_wait3A = arith.constant 9984 : i32
          %dma_wait3A_45 = arith.constant 0 : i32
          %dma_wait3A_46 = tpu.memref_slice %arg6[%dma_wait3A, %dma_wait3A_45] : memref<10000x128xf32, #tpu.memory_space<hbm>> -> memref<16x128xf32, #tpu.memory_space<hbm>>
          %dma_wait3A_47 = arith.constant 9984 : i32
          %dma_wait3A_48 = arith.constant 0 : i32
          %dma_wait3A_49 = tpu.memref_slice %arg11[%dma_wait3A_47, %dma_wait3A_48] : memref<10000x128xf32, #tpu.memory_space<vmem_shared>> -> memref<16x128xf32, #tpu.memory_space<vmem_shared>>
          tpu.wait_dma2 semaphore(%run_scoped3A : memref<!tpu.dma_semaphore, #tpu.memory_space<semaphore_mem>>) src(%dma_wait3A_49 : memref<16x128xf32, #tpu.memory_space<vmem_shared>>) dst(%dma_wait3A_46 : memref<16x128xf32, #tpu.memory_space<hbm>>)
          tpu.yield
        }) : () -> ()
      } else {
      }
    } else {
    }
    return
  }
}

#map = affine_map<(d0, d1) -> (0, 0)>
#map1 = affine_map<(d0, d1) -> (0)>
module attributes {stable_mosaic.version = 14 : i64} {
  func.func @body(%arg0: i32, %arg1: i32, %arg2: memref<10000x128xf32, #tpu.memory_space<hbm>>, %arg3: memref<10000x128xf32, #tpu.memory_space<hbm>>, %arg4: memref<320000xi32, #tpu.memory_space<hbm>>, %arg5: memref<10000x128xf32, #tpu.memory_space<hbm>>, %arg6: memref<10000x128xf32, #tpu.memory_space<hbm>>, %arg7: memref<80xi32, #tpu.memory_space<vmem>>, %arg8: memref<80xi32, #tpu.memory_space<vmem>>, %arg9: memref<80x128xf32, #tpu.memory_space<vmem>>, %arg10: memref<16x128xf32, #tpu.memory_space<vmem>>, %arg11: memref<10000x128xf32, #tpu.memory_space<vmem_shared>>, %arg12: memref<!tpu.dma_semaphore, #tpu.memory_space<semaphore_mem>>) attributes {dimension_semantics = [#tpu.dimension_semantics<core_parallel>, #tpu.dimension_semantics<subcore_parallel>], iteration_bounds = array<i64: 2, 16>, scalar_prefetch = 0 : i64, scratch_operands = 6 : i64, tpu.core_type = #tpu.core_type<sc_vector_subcore>, window_params = [{transform_indices = #map}, {transform_indices = #map}, {transform_indices = #map1}, {transform_indices = #map}, {transform_indices = #map}]} {
    %scan3A = arith.constant 0 : i32
    %scan3A_0 = arith.constant 0 : i32
    %scan3A_1 = arith.constant 128 : i32
    %scan3A_2 = arith.addi %scan3A_0, %scan3A_1 : i32
    %scan3A_3 = arith.constant 1 : i32
    scf.for %scan3A_35 = %scan3A_0 to %scan3A_2 step %scan3A_3  : i32 {
      %jit3A = arith.constant 8 : i32
      %div3A = arith.divsi %scan3A_35, %jit3A : i32
      %sign3A = arith.constant 0 : i32
      %sign3A_36 = arith.cmpi sgt, %scan3A_35, %sign3A : i32
      %sign3A_37 = arith.extui %sign3A_36 : i1 to i32
      %sign3A_38 = arith.constant 0 : i32
      %sign3A_39 = arith.cmpi slt, %scan3A_35, %sign3A_38 : i32
      %sign3A_40 = arith.extui %sign3A_39 : i1 to i32
      %sign3A_41 = arith.subi %sign3A_37, %sign3A_40 : i32
      %sign3A_42 = arith.constant 0 : i32
      %sign3A_43 = arith.cmpi sgt, %jit3A, %sign3A_42 : i32
      %sign3A_44 = arith.extui %sign3A_43 : i1 to i32
      %sign3A_45 = arith.constant 0 : i32
      %sign3A_46 = arith.cmpi slt, %jit3A, %sign3A_45 : i32
      %sign3A_47 = arith.extui %sign3A_46 : i1 to i32
      %sign3A_48 = arith.subi %sign3A_44, %sign3A_47 : i32
      %ne3A = arith.cmpi ne, %sign3A_41, %sign3A_48 : i32
      %rem3A = arith.remsi %scan3A_35, %jit3A : i32
      %ne3A_49 = arith.constant 0 : i32
      %ne3A_50 = arith.cmpi ne, %rem3A, %ne3A_49 : i32
      %and3A = arith.andi %ne3A, %ne3A_50 : i1
      %sub3A = arith.constant 1 : i32
      %sub3A_51 = arith.subi %div3A, %sub3A : i32
      %select_n3A = arith.select %and3A, %sub3A_51, %div3A : i32
      %jit3A_52 = arith.constant 8 : i32
      %eq3A_53 = arith.constant 0 : i32
      %eq3A_54 = arith.cmpi eq, %jit3A_52, %eq3A_53 : i32
      %jit3A_55 = arith.constant 1 : i32
      %select_n3A_56 = arith.select %eq3A_54, %jit3A_55, %jit3A_52 : i32
      %rem3A_57 = arith.remsi %scan3A_35, %select_n3A_56 : i32
      %ne3A_58 = arith.constant 0 : i32
      %ne3A_59 = arith.cmpi ne, %rem3A_57, %ne3A_58 : i32
      %lt3A = arith.constant 0 : i32
      %lt3A_60 = arith.cmpi slt, %rem3A_57, %lt3A : i32
      %lt3A_61 = arith.constant 0 : i32
      %lt3A_62 = arith.cmpi slt, %select_n3A_56, %lt3A_61 : i32
      %ne3A_63 = arith.xori %lt3A_60, %lt3A_62 : i1
      %and3A_64 = arith.andi %ne3A_63, %ne3A_59 : i1
      %add3A = arith.addi %rem3A_57, %select_n3A_56 : i32
      %select_n3A_65 = arith.select %and3A_64, %add3A, %rem3A_57 : i32
      %broadcast_in_dim3A = arith.constant 0.000000e+00 : f32
      %broadcast_in_dim3A_66 = vector.broadcast %broadcast_in_dim3A : f32 to vector<16xf32>
      %mul3A_67 = arith.constant 16 : i32
      %mul3A_68 = arith.muli %select_n3A_65, %mul3A_67 : i32
      %swap3A = arith.index_cast %select_n3A : i32 to index
      %swap3A_69 = arith.index_cast %mul3A_68 : i32 to index
      %swap3A_70 = tpu.vector_load %arg10[%swap3A, %swap3A_69] {strides = array<i32>} : memref<16x128xf32, #tpu.memory_space<vmem>>, vector<1x16xf32>,
      %swap3A_71 = vector.shape_cast %swap3A_70 : vector<1x16xf32> to vector<16xf32>
      %swap3A_72 = vector.shape_cast %broadcast_in_dim3A_66 : vector<16xf32> to vector<1x16xf32>
      tpu.vector_store %arg10[%swap3A, %swap3A_69], %swap3A_72 {strides = array<i32>} : memref<16x128xf32, #tpu.memory_space<vmem>>, vector<1x16xf32>,
    }
    %scan3A_4 = arith.constant 128 : i32
    %mul3A = arith.constant 624 : i32
    %mul3A_5 = arith.muli %arg1, %mul3A : i32
    %scan3A_6 = arith.constant 0 : i32
    %scan3A_7 = arith.constant 0 : i32
    %scan3A_8 = arith.constant 39 : i32
    %scan3A_9 = arith.addi %scan3A_7, %scan3A_8 : i32
    %scan3A_10 = arith.constant 1 : i32
    scf.for %scan3A_35 = %scan3A_7 to %scan3A_9 step %scan3A_10  : i32 {
      %mul3A_36 = arith.constant 16 : i32
      %mul3A_37 = arith.muli %scan3A_35, %mul3A_36 : i32
      %add3A = arith.addi %mul3A_5, %mul3A_37 : i32
      "tpu.region"() ({
        %run_scoped3A = tpu.sem_alloc : memref<!tpu.dma_semaphore, #tpu.memory_space<semaphore_mem>>
        %dma_start3A = arith.constant 0 : i32
        %dma_start3A_38 = tpu.memref_slice %arg11[%add3A, %dma_start3A] : memref<10000x128xf32, #tpu.memory_space<vmem_shared>> -> memref<16x128xf32, #tpu.memory_space<vmem_shared>>
        %dma_start3A_39 = arith.constant 0 : i32
        %dma_start3A_40 = tpu.memref_slice %arg11[%add3A, %dma_start3A_39] : memref<10000x128xf32, #tpu.memory_space<vmem_shared>> -> memref<16x128xf32, #tpu.memory_space<vmem_shared>>
        tpu.enqueue_dma source(%arg10 : memref<16x128xf32, #tpu.memory_space<vmem>>) target(%dma_start3A_40 : memref<16x128xf32, #tpu.memory_space<vmem_shared>>) target_semaphore(%run_scoped3A : memref<!tpu.dma_semaphore, #tpu.memory_space<semaphore_mem>>)
        %dma_wait3A = arith.constant 0 : i32
        %dma_wait3A_41 = tpu.memref_slice %arg11[%add3A, %dma_wait3A] : memref<10000x128xf32, #tpu.memory_space<vmem_shared>> -> memref<16x128xf32, #tpu.memory_space<vmem_shared>>
        %dma_wait3A_42 = arith.constant 0 : i32
        %dma_wait3A_43 = tpu.memref_slice %arg11[%add3A, %dma_wait3A_42] : memref<10000x128xf32, #tpu.memory_space<vmem_shared>> -> memref<16x128xf32, #tpu.memory_space<vmem_shared>>
        tpu.wait_dma2 semaphore(%run_scoped3A : memref<!tpu.dma_semaphore, #tpu.memory_space<semaphore_mem>>) src(%arg10 : memref<16x128xf32, #tpu.memory_space<vmem>>) dst(%dma_wait3A_43 : memref<16x128xf32, #tpu.memory_space<vmem_shared>>)
        tpu.yield
      }) : () -> ()
    }
    %scan3A_11 = arith.constant 39 : i32
    %eq3A = arith.constant 15 : i32
    %eq3A_12 = arith.cmpi eq, %arg1, %eq3A : i32
    %convert_element_type3A = arith.extui %eq3A_12 : i1 to i32
    %cond3A = arith.constant 0 : i32
    %cond3A_13 = arith.cmpi ne, %convert_element_type3A, %cond3A : i32
    scf.if %cond3A_13 {
      "tpu.region"() ({
        %run_scoped3A = tpu.sem_alloc : memref<!tpu.dma_semaphore, #tpu.memory_space<semaphore_mem>>
        %dma_start3A = arith.constant 9984 : i32
        %dma_start3A_35 = arith.constant 0 : i32
        %dma_start3A_36 = tpu.memref_slice %arg11[%dma_start3A, %dma_start3A_35] : memref<10000x128xf32, #tpu.memory_space<vmem_shared>> -> memref<16x128xf32, #tpu.memory_space<vmem_shared>>
        %dma_start3A_37 = arith.constant 9984 : i32
        %dma_start3A_38 = arith.constant 0 : i32
        %dma_start3A_39 = tpu.memref_slice %arg11[%dma_start3A_37, %dma_start3A_38] : memref<10000x128xf32, #tpu.memory_space<vmem_shared>> -> memref<16x128xf32, #tpu.memory_space<vmem_shared>>
        tpu.enqueue_dma source(%arg10 : memref<16x128xf32, #tpu.memory_space<vmem>>) target(%dma_start3A_39 : memref<16x128xf32, #tpu.memory_space<vmem_shared>>) target_semaphore(%run_scoped3A : memref<!tpu.dma_semaphore, #tpu.memory_space<semaphore_mem>>)
        %dma_wait3A = arith.constant 9984 : i32
        %dma_wait3A_40 = arith.constant 0 : i32
        %dma_wait3A_41 = tpu.memref_slice %arg11[%dma_wait3A, %dma_wait3A_40] : memref<10000x128xf32, #tpu.memory_space<vmem_shared>> -> memref<16x128xf32, #tpu.memory_space<vmem_shared>>
        %dma_wait3A_42 = arith.constant 9984 : i32
        %dma_wait3A_43 = arith.constant 0 : i32
        %dma_wait3A_44 = tpu.memref_slice %arg11[%dma_wait3A_42, %dma_wait3A_43] : memref<10000x128xf32, #tpu.memory_space<vmem_shared>> -> memref<16x128xf32, #tpu.memory_space<vmem_shared>>
        tpu.wait_dma2 semaphore(%run_scoped3A : memref<!tpu.dma_semaphore, #tpu.memory_space<semaphore_mem>>) src(%arg10 : memref<16x128xf32, #tpu.memory_space<vmem>>) dst(%dma_wait3A_44 : memref<16x128xf32, #tpu.memory_space<vmem_shared>>)
        tpu.yield
      }) : () -> ()
    } else {
    }
    %barrier3A = arith.constant 0 : index
    tpu.barrier barrier_id(%barrier3A)
    %eq3A_14 = arith.constant 0 : i32
    %eq3A_15 = arith.cmpi eq, %arg0, %eq3A_14 : i32
    %convert_element_type3A_16 = arith.extui %eq3A_15 : i1 to i32
    %cond3A_17 = arith.constant 0 : i32
    %cond3A_18 = arith.cmpi ne, %convert_element_type3A_16, %cond3A_17 : i32
    scf.if %cond3A_18 {
      %mul3A_35 = arith.constant 10000 : i32
      %mul3A_36 = arith.muli %arg1, %mul3A_35 : i32
      %scan3A_37 = arith.constant 0 : i32
      %scan3A_38 = arith.constant 0 : i32
      %scan3A_39 = arith.constant 125 : i32
      %scan3A_40 = arith.addi %scan3A_38, %scan3A_39 : i32
      %scan3A_41 = arith.constant 1 : i32
      scf.for %scan3A_43 = %scan3A_38 to %scan3A_40 step %scan3A_41  : i32 {
        %mul3A_44 = arith.constant 80 : i32
        %mul3A_45 = arith.muli %scan3A_43, %mul3A_44 : i32
        %add3A = arith.addi %mul3A_36, %mul3A_45 : i32
        "tpu.region"() ({
          %run_scoped3A = tpu.sem_alloc : memref<!tpu.dma_semaphore, #tpu.memory_space<semaphore_mem>>
          %dma_start3A_52 = tpu.memref_slice %arg4[%add3A] : memref<320000xi32, #tpu.memory_space<hbm>> -> memref<80xi32, #tpu.memory_space<hbm>>
          %dma_start3A_53 = tpu.memref_slice %arg4[%add3A] : memref<320000xi32, #tpu.memory_space<hbm>> -> memref<80xi32, #tpu.memory_space<hbm>>
          tpu.enqueue_dma source(%dma_start3A_53 : memref<80xi32, #tpu.memory_space<hbm>>) target(%arg7 : memref<80xi32, #tpu.memory_space<vmem>>) target_semaphore(%run_scoped3A : memref<!tpu.dma_semaphore, #tpu.memory_space<semaphore_mem>>)
          %dma_wait3A_54 = tpu.memref_slice %arg4[%add3A] : memref<320000xi32, #tpu.memory_space<hbm>> -> memref<80xi32, #tpu.memory_space<hbm>>
          %dma_wait3A_55 = tpu.memref_slice %arg4[%add3A] : memref<320000xi32, #tpu.memory_space<hbm>> -> memref<80xi32, #tpu.memory_space<hbm>>
          tpu.wait_dma2 semaphore(%run_scoped3A : memref<!tpu.dma_semaphore, #tpu.memory_space<semaphore_mem>>) src(%dma_wait3A_55 : memref<80xi32, #tpu.memory_space<hbm>>) dst(%arg7 : memref<80xi32, #tpu.memory_space<vmem>>)
          tpu.yield
        }) : () -> ()
        %add3A_46 = arith.constant 160000 : i32
        %add3A_47 = arith.addi %add3A_46, %add3A : i32
        "tpu.region"() ({
          %run_scoped3A = tpu.sem_alloc : memref<!tpu.dma_semaphore, #tpu.memory_space<semaphore_mem>>
          %dma_start3A_52 = tpu.memref_slice %arg4[%add3A_47] : memref<320000xi32, #tpu.memory_space<hbm>> -> memref<80xi32, #tpu.memory_space<hbm>>
          %dma_start3A_53 = tpu.memref_slice %arg4[%add3A_47] : memref<320000xi32, #tpu.memory_space<hbm>> -> memref<80xi32, #tpu.memory_space<hbm>>
          tpu.enqueue_dma source(%dma_start3A_53 : memref<80xi32, #tpu.memory_space<hbm>>) target(%arg8 : memref<80xi32, #tpu.memory_space<vmem>>) target_semaphore(%run_scoped3A : memref<!tpu.dma_semaphore, #tpu.memory_space<semaphore_mem>>)
          %dma_wait3A_54 = tpu.memref_slice %arg4[%add3A_47] : memref<320000xi32, #tpu.memory_space<hbm>> -> memref<80xi32, #tpu.memory_space<hbm>>
          %dma_wait3A_55 = tpu.memref_slice %arg4[%add3A_47] : memref<320000xi32, #tpu.memory_space<hbm>> -> memref<80xi32, #tpu.memory_space<hbm>>
          tpu.wait_dma2 semaphore(%run_scoped3A : memref<!tpu.dma_semaphore, #tpu.memory_space<semaphore_mem>>) src(%dma_wait3A_55 : memref<80xi32, #tpu.memory_space<hbm>>) dst(%arg8 : memref<80xi32, #tpu.memory_space<vmem>>)
          tpu.yield
        }) : () -> ()
        %dma_start3A = arith.constant 0 : i32
        %dma_start3A_48 = arith.constant 0 : i32
        %dma_start3A_49 = tpu.memref_slice %arg2[%dma_start3A, %dma_start3A_48] : memref<10000x128xf32, #tpu.memory_space<hbm>> -> memref<10000x128xf32, #tpu.memory_space<hbm>>
        tpu.enqueue_indirect_dma source(%dma_start3A_49 : memref<10000x128xf32, #tpu.memory_space<hbm>>) target(%arg9 : memref<80x128xf32, #tpu.memory_space<vmem>>) offsets(%arg7 : memref<80xi32, #tpu.memory_space<vmem>>) semaphore(%arg12 : memref<!tpu.dma_semaphore, #tpu.memory_space<semaphore_mem>>)
        %dma_wait3A = arith.constant 0 : i32
        %dma_wait3A_50 = arith.constant 0 : i32
        %dma_wait3A_51 = tpu.memref_slice %arg2[%dma_wait3A, %dma_wait3A_50] : memref<10000x128xf32, #tpu.memory_space<hbm>> -> memref<10000x128xf32, #tpu.memory_space<hbm>>
        tpu.wait_indirect_dma semaphore(%arg12 : memref<!tpu.dma_semaphore, #tpu.memory_space<semaphore_mem>>) src(%dma_wait3A_51 : memref<10000x128xf32, #tpu.memory_space<hbm>>) dst(%arg9 : memref<80x128xf32, #tpu.memory_space<vmem>>)
        "tpu.region"() ({
          %run_scoped3A = tpu.sem_alloc : memref<!tpu.dma_semaphore, #tpu.memory_space<semaphore_mem>>
          %dma_start3A_52 = arith.constant 0 : i32
          %dma_start3A_53 = arith.constant 0 : i32
          %dma_start3A_54 = tpu.memref_slice %arg11[%dma_start3A_52, %dma_start3A_53] : memref<10000x128xf32, #tpu.memory_space<vmem_shared>> -> memref<10000x128xf32, #tpu.memory_space<vmem_shared>>
          tpu.enqueue_indirect_dma source(%arg9 : memref<80x128xf32, #tpu.memory_space<vmem>>) target(%dma_start3A_54 : memref<10000x128xf32, #tpu.memory_space<vmem_shared>>) offsets(%arg8 : memref<80xi32, #tpu.memory_space<vmem>>) semaphore(%run_scoped3A : memref<!tpu.dma_semaphore, #tpu.memory_space<semaphore_mem>>) {add = true}
          %dma_wait3A_55 = arith.constant 0 : i32
          %dma_wait3A_56 = arith.constant 0 : i32
          %dma_wait3A_57 = tpu.memref_slice %arg11[%dma_wait3A_55, %dma_wait3A_56] : memref<10000x128xf32, #tpu.memory_space<vmem_shared>> -> memref<10000x128xf32, #tpu.memory_space<vmem_shared>>
          tpu.wait_indirect_dma semaphore(%run_scoped3A : memref<!tpu.dma_semaphore, #tpu.memory_space<semaphore_mem>>) src(%arg9 : memref<80x128xf32, #tpu.memory_space<vmem>>) dst(%dma_wait3A_57 : memref<10000x128xf32, #tpu.memory_space<vmem_shared>>)
          tpu.yield
        }) : () -> ()
      }
      %scan3A_42 = arith.constant 125 : i32
    } else {
    }
    %eq3A_19 = arith.constant 1 : i32
    %eq3A_20 = arith.cmpi eq, %arg0, %eq3A_19 : i32
    %convert_element_type3A_21 = arith.extui %eq3A_20 : i1 to i32
    %cond3A_22 = arith.constant 0 : i32
    %cond3A_23 = arith.cmpi ne, %convert_element_type3A_21, %cond3A_22 : i32
    scf.if %cond3A_23 {
      %mul3A_35 = arith.constant 10000 : i32
      %mul3A_36 = arith.muli %arg1, %mul3A_35 : i32
      %scan3A_37 = arith.constant 0 : i32
      %scan3A_38 = arith.constant 0 : i32
      %scan3A_39 = arith.constant 125 : i32
      %scan3A_40 = arith.addi %scan3A_38, %scan3A_39 : i32
      %scan3A_41 = arith.constant 1 : i32
      scf.for %scan3A_43 = %scan3A_38 to %scan3A_40 step %scan3A_41  : i32 {
        %mul3A_44 = arith.constant 80 : i32
        %mul3A_45 = arith.muli %scan3A_43, %mul3A_44 : i32
        %add3A = arith.addi %mul3A_36, %mul3A_45 : i32
        "tpu.region"() ({
          %run_scoped3A = tpu.sem_alloc : memref<!tpu.dma_semaphore, #tpu.memory_space<semaphore_mem>>
          %dma_start3A_52 = tpu.memref_slice %arg4[%add3A] : memref<320000xi32, #tpu.memory_space<hbm>> -> memref<80xi32, #tpu.memory_space<hbm>>
          %dma_start3A_53 = tpu.memref_slice %arg4[%add3A] : memref<320000xi32, #tpu.memory_space<hbm>> -> memref<80xi32, #tpu.memory_space<hbm>>
          tpu.enqueue_dma source(%dma_start3A_53 : memref<80xi32, #tpu.memory_space<hbm>>) target(%arg7 : memref<80xi32, #tpu.memory_space<vmem>>) target_semaphore(%run_scoped3A : memref<!tpu.dma_semaphore, #tpu.memory_space<semaphore_mem>>)
          %dma_wait3A_54 = tpu.memref_slice %arg4[%add3A] : memref<320000xi32, #tpu.memory_space<hbm>> -> memref<80xi32, #tpu.memory_space<hbm>>
          %dma_wait3A_55 = tpu.memref_slice %arg4[%add3A] : memref<320000xi32, #tpu.memory_space<hbm>> -> memref<80xi32, #tpu.memory_space<hbm>>
          tpu.wait_dma2 semaphore(%run_scoped3A : memref<!tpu.dma_semaphore, #tpu.memory_space<semaphore_mem>>) src(%dma_wait3A_55 : memref<80xi32, #tpu.memory_space<hbm>>) dst(%arg7 : memref<80xi32, #tpu.memory_space<vmem>>)
          tpu.yield
        }) : () -> ()
        %add3A_46 = arith.constant 160000 : i32
        %add3A_47 = arith.addi %add3A_46, %add3A : i32
        "tpu.region"() ({
          %run_scoped3A = tpu.sem_alloc : memref<!tpu.dma_semaphore, #tpu.memory_space<semaphore_mem>>
          %dma_start3A_52 = tpu.memref_slice %arg4[%add3A_47] : memref<320000xi32, #tpu.memory_space<hbm>> -> memref<80xi32, #tpu.memory_space<hbm>>
          %dma_start3A_53 = tpu.memref_slice %arg4[%add3A_47] : memref<320000xi32, #tpu.memory_space<hbm>> -> memref<80xi32, #tpu.memory_space<hbm>>
          tpu.enqueue_dma source(%dma_start3A_53 : memref<80xi32, #tpu.memory_space<hbm>>) target(%arg8 : memref<80xi32, #tpu.memory_space<vmem>>) target_semaphore(%run_scoped3A : memref<!tpu.dma_semaphore, #tpu.memory_space<semaphore_mem>>)
          %dma_wait3A_54 = tpu.memref_slice %arg4[%add3A_47] : memref<320000xi32, #tpu.memory_space<hbm>> -> memref<80xi32, #tpu.memory_space<hbm>>
          %dma_wait3A_55 = tpu.memref_slice %arg4[%add3A_47] : memref<320000xi32, #tpu.memory_space<hbm>> -> memref<80xi32, #tpu.memory_space<hbm>>
          tpu.wait_dma2 semaphore(%run_scoped3A : memref<!tpu.dma_semaphore, #tpu.memory_space<semaphore_mem>>) src(%dma_wait3A_55 : memref<80xi32, #tpu.memory_space<hbm>>) dst(%arg8 : memref<80xi32, #tpu.memory_space<vmem>>)
          tpu.yield
        }) : () -> ()
        %dma_start3A = arith.constant 0 : i32
        %dma_start3A_48 = arith.constant 0 : i32
        %dma_start3A_49 = tpu.memref_slice %arg3[%dma_start3A, %dma_start3A_48] : memref<10000x128xf32, #tpu.memory_space<hbm>> -> memref<10000x128xf32, #tpu.memory_space<hbm>>
        tpu.enqueue_indirect_dma source(%dma_start3A_49 : memref<10000x128xf32, #tpu.memory_space<hbm>>) target(%arg9 : memref<80x128xf32, #tpu.memory_space<vmem>>) offsets(%arg7 : memref<80xi32, #tpu.memory_space<vmem>>) semaphore(%arg12 : memref<!tpu.dma_semaphore, #tpu.memory_space<semaphore_mem>>)
        %dma_wait3A = arith.constant 0 : i32
        %dma_wait3A_50 = arith.constant 0 : i32
        %dma_wait3A_51 = tpu.memref_slice %arg3[%dma_wait3A, %dma_wait3A_50] : memref<10000x128xf32, #tpu.memory_space<hbm>> -> memref<10000x128xf32, #tpu.memory_space<hbm>>
        tpu.wait_indirect_dma semaphore(%arg12 : memref<!tpu.dma_semaphore, #tpu.memory_space<semaphore_mem>>) src(%dma_wait3A_51 : memref<10000x128xf32, #tpu.memory_space<hbm>>) dst(%arg9 : memref<80x128xf32, #tpu.memory_space<vmem>>)
        "tpu.region"() ({
          %run_scoped3A = tpu.sem_alloc : memref<!tpu.dma_semaphore, #tpu.memory_space<semaphore_mem>>
          %dma_start3A_52 = arith.constant 0 : i32
          %dma_start3A_53 = arith.constant 0 : i32
          %dma_start3A_54 = tpu.memref_slice %arg11[%dma_start3A_52, %dma_start3A_53] : memref<10000x128xf32, #tpu.memory_space<vmem_shared>> -> memref<10000x128xf32, #tpu.memory_space<vmem_shared>>
          tpu.enqueue_indirect_dma source(%arg9 : memref<80x128xf32, #tpu.memory_space<vmem>>) target(%dma_start3A_54 : memref<10000x128xf32, #tpu.memory_space<vmem_shared>>) offsets(%arg8 : memref<80xi32, #tpu.memory_space<vmem>>) semaphore(%run_scoped3A : memref<!tpu.dma_semaphore, #tpu.memory_space<semaphore_mem>>) {add = true}
          %dma_wait3A_55 = arith.constant 0 : i32
          %dma_wait3A_56 = arith.constant 0 : i32
          %dma_wait3A_57 = tpu.memref_slice %arg11[%dma_wait3A_55, %dma_wait3A_56] : memref<10000x128xf32, #tpu.memory_space<vmem_shared>> -> memref<10000x128xf32, #tpu.memory_space<vmem_shared>>
          tpu.wait_indirect_dma semaphore(%run_scoped3A : memref<!tpu.dma_semaphore, #tpu.memory_space<semaphore_mem>>) src(%arg9 : memref<80x128xf32, #tpu.memory_space<vmem>>) dst(%dma_wait3A_57 : memref<10000x128xf32, #tpu.memory_space<vmem_shared>>)
          tpu.yield
        }) : () -> ()
      }
      %scan3A_42 = arith.constant 125 : i32
    } else {
    }
    %barrier3A_24 = arith.constant 0 : index
    tpu.barrier barrier_id(%barrier3A_24)
    %eq3A_25 = arith.constant 0 : i32
    %eq3A_26 = arith.cmpi eq, %arg0, %eq3A_25 : i32
    %convert_element_type3A_27 = arith.extui %eq3A_26 : i1 to i32
    %cond3A_28 = arith.constant 0 : i32
    %cond3A_29 = arith.cmpi ne, %convert_element_type3A_27, %cond3A_28 : i32
    scf.if %cond3A_29 {
      "tpu.region"() ({
        %run_scoped3A = tpu.sem_alloc : memref<!tpu.dma_semaphore, #tpu.memory_space<semaphore_mem>>
        %dma_start3A = arith.constant 0 : i32
        %dma_start3A_40 = tpu.memref_slice %arg5[%mul3A_5, %dma_start3A] : memref<10000x128xf32, #tpu.memory_space<hbm>> -> memref<624x128xf32, #tpu.memory_space<hbm>>
        %dma_start3A_41 = arith.constant 0 : i32
        %dma_start3A_42 = tpu.memref_slice %arg11[%mul3A_5, %dma_start3A_41] : memref<10000x128xf32, #tpu.memory_space<vmem_shared>> -> memref<624x128xf32, #tpu.memory_space<vmem_shared>>
        tpu.enqueue_dma source(%dma_start3A_42 : memref<624x128xf32, #tpu.memory_space<vmem_shared>>) target(%dma_start3A_40 : memref<624x128xf32, #tpu.memory_space<hbm>>) target_semaphore(%run_scoped3A : memref<!tpu.dma_semaphore, #tpu.memory_space<semaphore_mem>>)
        %dma_wait3A = arith.constant 0 : i32
        %dma_wait3A_43 = tpu.memref_slice %arg5[%mul3A_5, %dma_wait3A] : memref<10000x128xf32, #tpu.memory_space<hbm>> -> memref<624x128xf32, #tpu.memory_space<hbm>>
        %dma_wait3A_44 = arith.constant 0 : i32
        %dma_wait3A_45 = tpu.memref_slice %arg11[%mul3A_5, %dma_wait3A_44] : memref<10000x128xf32, #tpu.memory_space<vmem_shared>> -> memref<624x128xf32, #tpu.memory_space<vmem_shared>>
        tpu.wait_dma2 semaphore(%run_scoped3A : memref<!tpu.dma_semaphore, #tpu.memory_space<semaphore_mem>>) src(%dma_wait3A_45 : memref<624x128xf32, #tpu.memory_space<vmem_shared>>) dst(%dma_wait3A_43 : memref<624x128xf32, #tpu.memory_space<hbm>>)
        tpu.yield
      }) : () -> ()
      %eq3A_35 = arith.constant 15 : i32
      %eq3A_36 = arith.cmpi eq, %arg1, %eq3A_35 : i32
      %convert_element_type3A_37 = arith.extui %eq3A_36 : i1 to i32
      %cond3A_38 = arith.constant 0 : i32
      %cond3A_39 = arith.cmpi ne, %convert_element_type3A_37, %cond3A_38 : i32
      scf.if %cond3A_39 {
        "tpu.region"() ({
          %run_scoped3A = tpu.sem_alloc : memref<!tpu.dma_semaphore, #tpu.memory_space<semaphore_mem>>
          %dma_start3A = arith.constant 9984 : i32
          %dma_start3A_40 = arith.constant 0 : i32
          %dma_start3A_41 = tpu.memref_slice %arg5[%dma_start3A, %dma_start3A_40] : memref<10000x128xf32, #tpu.memory_space<hbm>> -> memref<16x128xf32, #tpu.memory_space<hbm>>
          %dma_start3A_42 = arith.constant 9984 : i32
          %dma_start3A_43 = arith.constant 0 : i32
          %dma_start3A_44 = tpu.memref_slice %arg11[%dma_start3A_42, %dma_start3A_43] : memref<10000x128xf32, #tpu.memory_space<vmem_shared>> -> memref<16x128xf32, #tpu.memory_space<vmem_shared>>
          tpu.enqueue_dma source(%dma_start3A_44 : memref<16x128xf32, #tpu.memory_space<vmem_shared>>) target(%dma_start3A_41 : memref<16x128xf32, #tpu.memory_space<hbm>>) target_semaphore(%run_scoped3A : memref<!tpu.dma_semaphore, #tpu.memory_space<semaphore_mem>>)
          %dma_wait3A = arith.constant 9984 : i32
          %dma_wait3A_45 = arith.constant 0 : i32
          %dma_wait3A_46 = tpu.memref_slice %arg5[%dma_wait3A, %dma_wait3A_45] : memref<10000x128xf32, #tpu.memory_space<hbm>> -> memref<16x128xf32, #tpu.memory_space<hbm>>
          %dma_wait3A_47 = arith.constant 9984 : i32
          %dma_wait3A_48 = arith.constant 0 : i32
          %dma_wait3A_49 = tpu.memref_slice %arg11[%dma_wait3A_47, %dma_wait3A_48] : memref<10000x128xf32, #tpu.memory_space<vmem_shared>> -> memref<16x128xf32, #tpu.memory_space<vmem_shared>>
          tpu.wait_dma2 semaphore(%run_scoped3A : memref<!tpu.dma_semaphore, #tpu.memory_space<semaphore_mem>>) src(%dma_wait3A_49 : memref<16x128xf32, #tpu.memory_space<vmem_shared>>) dst(%dma_wait3A_46 : memref<16x128xf32, #tpu.memory_space<hbm>>)
          tpu.yield
        }) : () -> ()
      } else {
      }
    } else {
    }
    %eq3A_30 = arith.constant 1 : i32
    %eq3A_31 = arith.cmpi eq, %arg0, %eq3A_30 : i32
    %convert_element_type3A_32 = arith.extui %eq3A_31 : i1 to i32
    %cond3A_33 = arith.constant 0 : i32
    %cond3A_34 = arith.cmpi ne, %convert_element_type3A_32, %cond3A_33 : i32
    scf.if %cond3A_34 {
      "tpu.region"() ({
        %run_scoped3A = tpu.sem_alloc : memref<!tpu.dma_semaphore, #tpu.memory_space<semaphore_mem>>
        %dma_start3A = arith.constant 0 : i32
        %dma_start3A_40 = tpu.memref_slice %arg6[%mul3A_5, %dma_start3A] : memref<10000x128xf32, #tpu.memory_space<hbm>> -> memref<624x128xf32, #tpu.memory_space<hbm>>
        %dma_start3A_41 = arith.constant 0 : i32
        %dma_start3A_42 = tpu.memref_slice %arg11[%mul3A_5, %dma_start3A_41] : memref<10000x128xf32, #tpu.memory_space<vmem_shared>> -> memref<624x128xf32, #tpu.memory_space<vmem_shared>>
        tpu.enqueue_dma source(%dma_start3A_42 : memref<624x128xf32, #tpu.memory_space<vmem_shared>>) target(%dma_start3A_40 : memref<624x128xf32, #tpu.memory_space<hbm>>) target_semaphore(%run_scoped3A : memref<!tpu.dma_semaphore, #tpu.memory_space<semaphore_mem>>)
        %dma_wait3A = arith.constant 0 : i32
        %dma_wait3A_43 = tpu.memref_slice %arg6[%mul3A_5, %dma_wait3A] : memref<10000x128xf32, #tpu.memory_space<hbm>> -> memref<624x128xf32, #tpu.memory_space<hbm>>
        %dma_wait3A_44 = arith.constant 0 : i32
        %dma_wait3A_45 = tpu.memref_slice %arg11[%mul3A_5, %dma_wait3A_44] : memref<10000x128xf32, #tpu.memory_space<vmem_shared>> -> memref<624x128xf32, #tpu.memory_space<vmem_shared>>
        tpu.wait_dma2 semaphore(%run_scoped3A : memref<!tpu.dma_semaphore, #tpu.memory_space<semaphore_mem>>) src(%dma_wait3A_45 : memref<624x128xf32, #tpu.memory_space<vmem_shared>>) dst(%dma_wait3A_43 : memref<624x128xf32, #tpu.memory_space<hbm>>)
        tpu.yield
      }) : () -> ()
      %eq3A_35 = arith.constant 15 : i32
      %eq3A_36 = arith.cmpi eq, %arg1, %eq3A_35 : i32
      %convert_element_type3A_37 = arith.extui %eq3A_36 : i1 to i32
      %cond3A_38 = arith.constant 0 : i32
      %cond3A_39 = arith.cmpi ne, %convert_element_type3A_37, %cond3A_38 : i32
      scf.if %cond3A_39 {
        "tpu.region"() ({
          %run_scoped3A = tpu.sem_alloc : memref<!tpu.dma_semaphore, #tpu.memory_space<semaphore_mem>>
          %dma_start3A = arith.constant 9984 : i32
          %dma_start3A_40 = arith.constant 0 : i32
          %dma_start3A_41 = tpu.memref_slice %arg6[%dma_start3A, %dma_start3A_40] : memref<10000x128xf32, #tpu.memory_space<hbm>> -> memref<16x128xf32, #tpu.memory_space<hbm>>
          %dma_start3A_42 = arith.constant 9984 : i32
          %dma_start3A_43 = arith.constant 0 : i32
          %dma_start3A_44 = tpu.memref_slice %arg11[%dma_start3A_42, %dma_start3A_43] : memref<10000x128xf32, #tpu.memory_space<vmem_shared>> -> memref<16x128xf32, #tpu.memory_space<vmem_shared>>
          tpu.enqueue_dma source(%dma_start3A_44 : memref<16x128xf32, #tpu.memory_space<vmem_shared>>) target(%dma_start3A_41 : memref<16x128xf32, #tpu.memory_space<hbm>>) target_semaphore(%run_scoped3A : memref<!tpu.dma_semaphore, #tpu.memory_space<semaphore_mem>>)
          %dma_wait3A = arith.constant 9984 : i32
          %dma_wait3A_45 = arith.constant 0 : i32
          %dma_wait3A_46 = tpu.memref_slice %arg6[%dma_wait3A, %dma_wait3A_45] : memref<10000x128xf32, #tpu.memory_space<hbm>> -> memref<16x128xf32, #tpu.memory_space<hbm>>
          %dma_wait3A_47 = arith.constant 9984 : i32
          %dma_wait3A_48 = arith.constant 0 : i32
          %dma_wait3A_49 = tpu.memref_slice %arg11[%dma_wait3A_47, %dma_wait3A_48] : memref<10000x128xf32, #tpu.memory_space<vmem_shared>> -> memref<16x128xf32, #tpu.memory_space<vmem_shared>>
          tpu.wait_dma2 semaphore(%run_scoped3A : memref<!tpu.dma_semaphore, #tpu.memory_space<semaphore_mem>>) src(%dma_wait3A_49 : memref<16x128xf32, #tpu.memory_space<vmem_shared>>) dst(%dma_wait3A_46 : memref<16x128xf32, #tpu.memory_space<hbm>>)
          tpu.yield
        }) : () -> ()
      } else {
      }
    } else {
    }
    return
  }
}

#map = affine_map<(d0, d1) -> (0, 0)>
#map1 = affine_map<(d0, d1) -> (0)>
module attributes {stable_mosaic.version = 14 : i64} {
  func.func @body(%arg0: i32, %arg1: i32, %arg2: memref<10000x128xf32, #tpu.memory_space<hbm>>, %arg3: memref<10000x128xf32, #tpu.memory_space<hbm>>, %arg4: memref<160000x128xf32, #tpu.memory_space<hbm>>, %arg5: memref<160000x128xf32, #tpu.memory_space<hbm>>, %arg6: memref<320000xi32, #tpu.memory_space<hbm>>, %arg7: memref<10000x128xf32, #tpu.memory_space<hbm>>, %arg8: memref<10000x128xf32, #tpu.memory_space<hbm>>, %arg9: memref<80xi32, #tpu.memory_space<vmem>>, %arg10: memref<80xi32, #tpu.memory_space<vmem>>, %arg11: memref<80x128xf32, #tpu.memory_space<vmem>>, %arg12: memref<16x128xf32, #tpu.memory_space<vmem>>, %arg13: memref<10000x128xf32, #tpu.memory_space<vmem_shared>>, %arg14: memref<!tpu.dma_semaphore, #tpu.memory_space<semaphore_mem>>) attributes {dimension_semantics = [#tpu.dimension_semantics<core_parallel>, #tpu.dimension_semantics<subcore_parallel>], iteration_bounds = array<i64: 2, 16>, scalar_prefetch = 0 : i64, scratch_operands = 6 : i64, tpu.core_type = #tpu.core_type<sc_vector_subcore>, window_params = [{transform_indices = #map}, {transform_indices = #map}, {transform_indices = #map}, {transform_indices = #map}, {transform_indices = #map1}, {transform_indices = #map}, {transform_indices = #map}]} {
    %scan3A = arith.constant 0 : i32
    %scan3A_0 = arith.constant 0 : i32
    %scan3A_1 = arith.constant 128 : i32
    %scan3A_2 = arith.addi %scan3A_0, %scan3A_1 : i32
    %scan3A_3 = arith.constant 1 : i32
    scf.for %scan3A_35 = %scan3A_0 to %scan3A_2 step %scan3A_3  : i32 {
      %jit3A = arith.constant 8 : i32
      %div3A = arith.divsi %scan3A_35, %jit3A : i32
      %sign3A = arith.constant 0 : i32
      %sign3A_36 = arith.cmpi sgt, %scan3A_35, %sign3A : i32
      %sign3A_37 = arith.extui %sign3A_36 : i1 to i32
      %sign3A_38 = arith.constant 0 : i32
      %sign3A_39 = arith.cmpi slt, %scan3A_35, %sign3A_38 : i32
      %sign3A_40 = arith.extui %sign3A_39 : i1 to i32
      %sign3A_41 = arith.subi %sign3A_37, %sign3A_40 : i32
      %sign3A_42 = arith.constant 0 : i32
      %sign3A_43 = arith.cmpi sgt, %jit3A, %sign3A_42 : i32
      %sign3A_44 = arith.extui %sign3A_43 : i1 to i32
      %sign3A_45 = arith.constant 0 : i32
      %sign3A_46 = arith.cmpi slt, %jit3A, %sign3A_45 : i32
      %sign3A_47 = arith.extui %sign3A_46 : i1 to i32
      %sign3A_48 = arith.subi %sign3A_44, %sign3A_47 : i32
      %ne3A = arith.cmpi ne, %sign3A_41, %sign3A_48 : i32
      %rem3A = arith.remsi %scan3A_35, %jit3A : i32
      %ne3A_49 = arith.constant 0 : i32
      %ne3A_50 = arith.cmpi ne, %rem3A, %ne3A_49 : i32
      %and3A = arith.andi %ne3A, %ne3A_50 : i1
      %sub3A = arith.constant 1 : i32
      %sub3A_51 = arith.subi %div3A, %sub3A : i32
      %select_n3A = arith.select %and3A, %sub3A_51, %div3A : i32
      %jit3A_52 = arith.constant 8 : i32
      %eq3A_53 = arith.constant 0 : i32
      %eq3A_54 = arith.cmpi eq, %jit3A_52, %eq3A_53 : i32
      %jit3A_55 = arith.constant 1 : i32
      %select_n3A_56 = arith.select %eq3A_54, %jit3A_55, %jit3A_52 : i32
      %rem3A_57 = arith.remsi %scan3A_35, %select_n3A_56 : i32
      %ne3A_58 = arith.constant 0 : i32
      %ne3A_59 = arith.cmpi ne, %rem3A_57, %ne3A_58 : i32
      %lt3A = arith.constant 0 : i32
      %lt3A_60 = arith.cmpi slt, %rem3A_57, %lt3A : i32
      %lt3A_61 = arith.constant 0 : i32
      %lt3A_62 = arith.cmpi slt, %select_n3A_56, %lt3A_61 : i32
      %ne3A_63 = arith.xori %lt3A_60, %lt3A_62 : i1
      %and3A_64 = arith.andi %ne3A_63, %ne3A_59 : i1
      %add3A = arith.addi %rem3A_57, %select_n3A_56 : i32
      %select_n3A_65 = arith.select %and3A_64, %add3A, %rem3A_57 : i32
      %broadcast_in_dim3A = arith.constant 0.000000e+00 : f32
      %broadcast_in_dim3A_66 = vector.broadcast %broadcast_in_dim3A : f32 to vector<16xf32>
      %mul3A_67 = arith.constant 16 : i32
      %mul3A_68 = arith.muli %select_n3A_65, %mul3A_67 : i32
      %swap3A = arith.index_cast %select_n3A : i32 to index
      %swap3A_69 = arith.index_cast %mul3A_68 : i32 to index
      %swap3A_70 = tpu.vector_load %arg12[%swap3A, %swap3A_69] {strides = array<i32>} : memref<16x128xf32, #tpu.memory_space<vmem>>, vector<1x16xf32>,
      %swap3A_71 = vector.shape_cast %swap3A_70 : vector<1x16xf32> to vector<16xf32>
      %swap3A_72 = vector.shape_cast %broadcast_in_dim3A_66 : vector<16xf32> to vector<1x16xf32>
      tpu.vector_store %arg12[%swap3A, %swap3A_69], %swap3A_72 {strides = array<i32>} : memref<16x128xf32, #tpu.memory_space<vmem>>, vector<1x16xf32>,
    }
    %scan3A_4 = arith.constant 128 : i32
    %mul3A = arith.constant 624 : i32
    %mul3A_5 = arith.muli %arg1, %mul3A : i32
    %scan3A_6 = arith.constant 0 : i32
    %scan3A_7 = arith.constant 0 : i32
    %scan3A_8 = arith.constant 39 : i32
    %scan3A_9 = arith.addi %scan3A_7, %scan3A_8 : i32
    %scan3A_10 = arith.constant 1 : i32
    scf.for %scan3A_35 = %scan3A_7 to %scan3A_9 step %scan3A_10  : i32 {
      %mul3A_36 = arith.constant 16 : i32
      %mul3A_37 = arith.muli %scan3A_35, %mul3A_36 : i32
      %add3A = arith.addi %mul3A_5, %mul3A_37 : i32
      "tpu.region"() ({
        %run_scoped3A = tpu.sem_alloc : memref<!tpu.dma_semaphore, #tpu.memory_space<semaphore_mem>>
        %dma_start3A = arith.constant 0 : i32
        %dma_start3A_38 = tpu.memref_slice %arg13[%add3A, %dma_start3A] : memref<10000x128xf32, #tpu.memory_space<vmem_shared>> -> memref<16x128xf32, #tpu.memory_space<vmem_shared>>
        %dma_start3A_39 = arith.constant 0 : i32
        %dma_start3A_40 = tpu.memref_slice %arg13[%add3A, %dma_start3A_39] : memref<10000x128xf32, #tpu.memory_space<vmem_shared>> -> memref<16x128xf32, #tpu.memory_space<vmem_shared>>
        tpu.enqueue_dma source(%arg12 : memref<16x128xf32, #tpu.memory_space<vmem>>) target(%dma_start3A_40 : memref<16x128xf32, #tpu.memory_space<vmem_shared>>) target_semaphore(%run_scoped3A : memref<!tpu.dma_semaphore, #tpu.memory_space<semaphore_mem>>)
        %dma_wait3A = arith.constant 0 : i32
        %dma_wait3A_41 = tpu.memref_slice %arg13[%add3A, %dma_wait3A] : memref<10000x128xf32, #tpu.memory_space<vmem_shared>> -> memref<16x128xf32, #tpu.memory_space<vmem_shared>>
        %dma_wait3A_42 = arith.constant 0 : i32
        %dma_wait3A_43 = tpu.memref_slice %arg13[%add3A, %dma_wait3A_42] : memref<10000x128xf32, #tpu.memory_space<vmem_shared>> -> memref<16x128xf32, #tpu.memory_space<vmem_shared>>
        tpu.wait_dma2 semaphore(%run_scoped3A : memref<!tpu.dma_semaphore, #tpu.memory_space<semaphore_mem>>) src(%arg12 : memref<16x128xf32, #tpu.memory_space<vmem>>) dst(%dma_wait3A_43 : memref<16x128xf32, #tpu.memory_space<vmem_shared>>)
        tpu.yield
      }) : () -> ()
    }
    %scan3A_11 = arith.constant 39 : i32
    %eq3A = arith.constant 15 : i32
    %eq3A_12 = arith.cmpi eq, %arg1, %eq3A : i32
    %convert_element_type3A = arith.extui %eq3A_12 : i1 to i32
    %cond3A = arith.constant 0 : i32
    %cond3A_13 = arith.cmpi ne, %convert_element_type3A, %cond3A : i32
    scf.if %cond3A_13 {
      "tpu.region"() ({
        %run_scoped3A = tpu.sem_alloc : memref<!tpu.dma_semaphore, #tpu.memory_space<semaphore_mem>>
        %dma_start3A = arith.constant 9984 : i32
        %dma_start3A_35 = arith.constant 0 : i32
        %dma_start3A_36 = tpu.memref_slice %arg13[%dma_start3A, %dma_start3A_35] : memref<10000x128xf32, #tpu.memory_space<vmem_shared>> -> memref<16x128xf32, #tpu.memory_space<vmem_shared>>
        %dma_start3A_37 = arith.constant 9984 : i32
        %dma_start3A_38 = arith.constant 0 : i32
        %dma_start3A_39 = tpu.memref_slice %arg13[%dma_start3A_37, %dma_start3A_38] : memref<10000x128xf32, #tpu.memory_space<vmem_shared>> -> memref<16x128xf32, #tpu.memory_space<vmem_shared>>
        tpu.enqueue_dma source(%arg12 : memref<16x128xf32, #tpu.memory_space<vmem>>) target(%dma_start3A_39 : memref<16x128xf32, #tpu.memory_space<vmem_shared>>) target_semaphore(%run_scoped3A : memref<!tpu.dma_semaphore, #tpu.memory_space<semaphore_mem>>)
        %dma_wait3A = arith.constant 9984 : i32
        %dma_wait3A_40 = arith.constant 0 : i32
        %dma_wait3A_41 = tpu.memref_slice %arg13[%dma_wait3A, %dma_wait3A_40] : memref<10000x128xf32, #tpu.memory_space<vmem_shared>> -> memref<16x128xf32, #tpu.memory_space<vmem_shared>>
        %dma_wait3A_42 = arith.constant 9984 : i32
        %dma_wait3A_43 = arith.constant 0 : i32
        %dma_wait3A_44 = tpu.memref_slice %arg13[%dma_wait3A_42, %dma_wait3A_43] : memref<10000x128xf32, #tpu.memory_space<vmem_shared>> -> memref<16x128xf32, #tpu.memory_space<vmem_shared>>
        tpu.wait_dma2 semaphore(%run_scoped3A : memref<!tpu.dma_semaphore, #tpu.memory_space<semaphore_mem>>) src(%arg12 : memref<16x128xf32, #tpu.memory_space<vmem>>) dst(%dma_wait3A_44 : memref<16x128xf32, #tpu.memory_space<vmem_shared>>)
        tpu.yield
      }) : () -> ()
    } else {
    }
    %barrier3A = arith.constant 0 : index
    tpu.barrier barrier_id(%barrier3A)
    %eq3A_14 = arith.constant 0 : i32
    %eq3A_15 = arith.cmpi eq, %arg0, %eq3A_14 : i32
    %convert_element_type3A_16 = arith.extui %eq3A_15 : i1 to i32
    %cond3A_17 = arith.constant 0 : i32
    %cond3A_18 = arith.cmpi ne, %convert_element_type3A_16, %cond3A_17 : i32
    scf.if %cond3A_18 {
      %mul3A_35 = arith.constant 10000 : i32
      %mul3A_36 = arith.muli %arg1, %mul3A_35 : i32
      %scan3A_37 = arith.constant 0 : i32
      %scan3A_38 = arith.constant 0 : i32
      %scan3A_39 = arith.constant 125 : i32
      %scan3A_40 = arith.addi %scan3A_38, %scan3A_39 : i32
      %scan3A_41 = arith.constant 1 : i32
      scf.for %scan3A_43 = %scan3A_38 to %scan3A_40 step %scan3A_41  : i32 {
        %mul3A_44 = arith.constant 80 : i32
        %mul3A_45 = arith.muli %scan3A_43, %mul3A_44 : i32
        %add3A = arith.addi %mul3A_36, %mul3A_45 : i32
        "tpu.region"() ({
          %run_scoped3A = tpu.sem_alloc : memref<!tpu.dma_semaphore, #tpu.memory_space<semaphore_mem>>
          %dma_start3A_58 = tpu.memref_slice %arg6[%add3A] : memref<320000xi32, #tpu.memory_space<hbm>> -> memref<80xi32, #tpu.memory_space<hbm>>
          %dma_start3A_59 = tpu.memref_slice %arg6[%add3A] : memref<320000xi32, #tpu.memory_space<hbm>> -> memref<80xi32, #tpu.memory_space<hbm>>
          tpu.enqueue_dma source(%dma_start3A_59 : memref<80xi32, #tpu.memory_space<hbm>>) target(%arg9 : memref<80xi32, #tpu.memory_space<vmem>>) target_semaphore(%run_scoped3A : memref<!tpu.dma_semaphore, #tpu.memory_space<semaphore_mem>>)
          %dma_wait3A_60 = tpu.memref_slice %arg6[%add3A] : memref<320000xi32, #tpu.memory_space<hbm>> -> memref<80xi32, #tpu.memory_space<hbm>>
          %dma_wait3A_61 = tpu.memref_slice %arg6[%add3A] : memref<320000xi32, #tpu.memory_space<hbm>> -> memref<80xi32, #tpu.memory_space<hbm>>
          tpu.wait_dma2 semaphore(%run_scoped3A : memref<!tpu.dma_semaphore, #tpu.memory_space<semaphore_mem>>) src(%dma_wait3A_61 : memref<80xi32, #tpu.memory_space<hbm>>) dst(%arg9 : memref<80xi32, #tpu.memory_space<vmem>>)
          tpu.yield
        }) : () -> ()
        %add3A_46 = arith.constant 160000 : i32
        %add3A_47 = arith.addi %add3A_46, %add3A : i32
        "tpu.region"() ({
          %run_scoped3A = tpu.sem_alloc : memref<!tpu.dma_semaphore, #tpu.memory_space<semaphore_mem>>
          %dma_start3A_58 = tpu.memref_slice %arg6[%add3A_47] : memref<320000xi32, #tpu.memory_space<hbm>> -> memref<80xi32, #tpu.memory_space<hbm>>
          %dma_start3A_59 = tpu.memref_slice %arg6[%add3A_47] : memref<320000xi32, #tpu.memory_space<hbm>> -> memref<80xi32, #tpu.memory_space<hbm>>
          tpu.enqueue_dma source(%dma_start3A_59 : memref<80xi32, #tpu.memory_space<hbm>>) target(%arg10 : memref<80xi32, #tpu.memory_space<vmem>>) target_semaphore(%run_scoped3A : memref<!tpu.dma_semaphore, #tpu.memory_space<semaphore_mem>>)
          %dma_wait3A_60 = tpu.memref_slice %arg6[%add3A_47] : memref<320000xi32, #tpu.memory_space<hbm>> -> memref<80xi32, #tpu.memory_space<hbm>>
          %dma_wait3A_61 = tpu.memref_slice %arg6[%add3A_47] : memref<320000xi32, #tpu.memory_space<hbm>> -> memref<80xi32, #tpu.memory_space<hbm>>
          tpu.wait_dma2 semaphore(%run_scoped3A : memref<!tpu.dma_semaphore, #tpu.memory_space<semaphore_mem>>) src(%dma_wait3A_61 : memref<80xi32, #tpu.memory_space<hbm>>) dst(%arg10 : memref<80xi32, #tpu.memory_space<vmem>>)
          tpu.yield
        }) : () -> ()
        "tpu.region"() ({
          %run_scoped3A = tpu.sem_alloc : memref<!tpu.dma_semaphore, #tpu.memory_space<semaphore_mem>>
          %dma_start3A_58 = arith.constant 0 : i32
          %dma_start3A_59 = tpu.memref_slice %arg4[%add3A, %dma_start3A_58] : memref<160000x128xf32, #tpu.memory_space<hbm>> -> memref<80x128xf32, #tpu.memory_space<hbm>>
          %dma_start3A_60 = arith.constant 0 : i32
          %dma_start3A_61 = tpu.memref_slice %arg4[%add3A, %dma_start3A_60] : memref<160000x128xf32, #tpu.memory_space<hbm>> -> memref<80x128xf32, #tpu.memory_space<hbm>>
          tpu.enqueue_dma source(%dma_start3A_61 : memref<80x128xf32, #tpu.memory_space<hbm>>) target(%arg11 : memref<80x128xf32, #tpu.memory_space<vmem>>) target_semaphore(%run_scoped3A : memref<!tpu.dma_semaphore, #tpu.memory_space<semaphore_mem>>)
          %dma_wait3A_62 = arith.constant 0 : i32
          %dma_wait3A_63 = tpu.memref_slice %arg4[%add3A, %dma_wait3A_62] : memref<160000x128xf32, #tpu.memory_space<hbm>> -> memref<80x128xf32, #tpu.memory_space<hbm>>
          %dma_wait3A_64 = arith.constant 0 : i32
          %dma_wait3A_65 = tpu.memref_slice %arg4[%add3A, %dma_wait3A_64] : memref<160000x128xf32, #tpu.memory_space<hbm>> -> memref<80x128xf32, #tpu.memory_space<hbm>>
          tpu.wait_dma2 semaphore(%run_scoped3A : memref<!tpu.dma_semaphore, #tpu.memory_space<semaphore_mem>>) src(%dma_wait3A_65 : memref<80x128xf32, #tpu.memory_space<hbm>>) dst(%arg11 : memref<80x128xf32, #tpu.memory_space<vmem>>)
          tpu.yield
        }) : () -> ()
        %dma_start3A = arith.constant 0 : i32
        %dma_start3A_48 = arith.constant 0 : i32
        %dma_start3A_49 = tpu.memref_slice %arg2[%dma_start3A, %dma_start3A_48] : memref<10000x128xf32, #tpu.memory_space<hbm>> -> memref<10000x128xf32, #tpu.memory_space<hbm>>
        tpu.enqueue_indirect_dma source(%dma_start3A_49 : memref<10000x128xf32, #tpu.memory_space<hbm>>) target(%arg11 : memref<80x128xf32, #tpu.memory_space<vmem>>) offsets(%arg9 : memref<80xi32, #tpu.memory_space<vmem>>) semaphore(%arg14 : memref<!tpu.dma_semaphore, #tpu.memory_space<semaphore_mem>>) {add = true}
        %dma_wait3A = arith.constant 0 : i32
        %dma_wait3A_50 = arith.constant 0 : i32
        %dma_wait3A_51 = tpu.memref_slice %arg2[%dma_wait3A, %dma_wait3A_50] : memref<10000x128xf32, #tpu.memory_space<hbm>> -> memref<10000x128xf32, #tpu.memory_space<hbm>>
        tpu.wait_indirect_dma semaphore(%arg14 : memref<!tpu.dma_semaphore, #tpu.memory_space<semaphore_mem>>) src(%dma_wait3A_51 : memref<10000x128xf32, #tpu.memory_space<hbm>>) dst(%arg11 : memref<80x128xf32, #tpu.memory_space<vmem>>)
        %scan3A_52 = arith.constant 0 : i32
        %scan3A_53 = arith.constant 0 : i32
        %scan3A_54 = arith.constant 640 : i32
        %scan3A_55 = arith.addi %scan3A_53, %scan3A_54 : i32
        %scan3A_56 = arith.constant 1 : i32
        scf.for %scan3A_58 = %scan3A_53 to %scan3A_55 step %scan3A_56  : i32 {
          %jit3A = arith.constant 8 : i32
          %div3A = arith.divsi %scan3A_58, %jit3A : i32
          %sign3A = arith.constant 0 : i32
          %sign3A_59 = arith.cmpi sgt, %scan3A_58, %sign3A : i32
          %sign3A_60 = arith.extui %sign3A_59 : i1 to i32
          %sign3A_61 = arith.constant 0 : i32
          %sign3A_62 = arith.cmpi slt, %scan3A_58, %sign3A_61 : i32
          %sign3A_63 = arith.extui %sign3A_62 : i1 to i32
          %sign3A_64 = arith.subi %sign3A_60, %sign3A_63 : i32
          %sign3A_65 = arith.constant 0 : i32
          %sign3A_66 = arith.cmpi sgt, %jit3A, %sign3A_65 : i32
          %sign3A_67 = arith.extui %sign3A_66 : i1 to i32
          %sign3A_68 = arith.constant 0 : i32
          %sign3A_69 = arith.cmpi slt, %jit3A, %sign3A_68 : i32
          %sign3A_70 = arith.extui %sign3A_69 : i1 to i32
          %sign3A_71 = arith.subi %sign3A_67, %sign3A_70 : i32
          %ne3A = arith.cmpi ne, %sign3A_64, %sign3A_71 : i32
          %rem3A = arith.remsi %scan3A_58, %jit3A : i32
          %ne3A_72 = arith.constant 0 : i32
          %ne3A_73 = arith.cmpi ne, %rem3A, %ne3A_72 : i32
          %and3A = arith.andi %ne3A, %ne3A_73 : i1
          %sub3A = arith.constant 1 : i32
          %sub3A_74 = arith.subi %div3A, %sub3A : i32
          %select_n3A = arith.select %and3A, %sub3A_74, %div3A : i32
          %jit3A_75 = arith.constant 8 : i32
          %eq3A_76 = arith.constant 0 : i32
          %eq3A_77 = arith.cmpi eq, %jit3A_75, %eq3A_76 : i32
          %jit3A_78 = arith.constant 1 : i32
          %select_n3A_79 = arith.select %eq3A_77, %jit3A_78, %jit3A_75 : i32
          %rem3A_80 = arith.remsi %scan3A_58, %select_n3A_79 : i32
          %ne3A_81 = arith.constant 0 : i32
          %ne3A_82 = arith.cmpi ne, %rem3A_80, %ne3A_81 : i32
          %lt3A = arith.constant 0 : i32
          %lt3A_83 = arith.cmpi slt, %rem3A_80, %lt3A : i32
          %lt3A_84 = arith.constant 0 : i32
          %lt3A_85 = arith.cmpi slt, %select_n3A_79, %lt3A_84 : i32
          %ne3A_86 = arith.xori %lt3A_83, %lt3A_85 : i1
          %and3A_87 = arith.andi %ne3A_86, %ne3A_82 : i1
          %add3A_88 = arith.addi %rem3A_80, %select_n3A_79 : i32
          %select_n3A_89 = arith.select %and3A_87, %add3A_88, %rem3A_80 : i32
          %mul3A_90 = arith.constant 16 : i32
          %mul3A_91 = arith.muli %select_n3A_89, %mul3A_90 : i32
          %get3A = arith.index_cast %select_n3A : i32 to index
          %get3A_92 = arith.index_cast %mul3A_91 : i32 to index
          %get3A_93 = tpu.vector_load %arg11[%get3A, %get3A_92] {strides = array<i32>} : memref<80x128xf32, #tpu.memory_space<vmem>>, vector<1x16xf32>,
          %get3A_94 = vector.shape_cast %get3A_93 : vector<1x16xf32> to vector<16xf32>
          %max3A = arith.constant 0.000000e+00 : f32
          %max3A_95 = vector.broadcast %max3A : f32 to vector<16xf32>
          %max3A_96 = arith.maximumf %get3A_94, %max3A_95 : vector<16xf32>
          %swap3A = arith.index_cast %select_n3A : i32 to index
          %swap3A_97 = arith.index_cast %mul3A_91 : i32 to index
          %swap3A_98 = tpu.vector_load %arg11[%swap3A, %swap3A_97] {strides = array<i32>} : memref<80x128xf32, #tpu.memory_space<vmem>>, vector<1x16xf32>,
          %swap3A_99 = vector.shape_cast %swap3A_98 : vector<1x16xf32> to vector<16xf32>
          %swap3A_100 = vector.shape_cast %max3A_96 : vector<16xf32> to vector<1x16xf32>
          tpu.vector_store %arg11[%swap3A, %swap3A_97], %swap3A_100 {strides = array<i32>} : memref<80x128xf32, #tpu.memory_space<vmem>>, vector<1x16xf32>,
        }
        %scan3A_57 = arith.constant 640 : i32
        "tpu.region"() ({
          %run_scoped3A = tpu.sem_alloc : memref<!tpu.dma_semaphore, #tpu.memory_space<semaphore_mem>>
          %dma_start3A_58 = arith.constant 0 : i32
          %dma_start3A_59 = arith.constant 0 : i32
          %dma_start3A_60 = tpu.memref_slice %arg13[%dma_start3A_58, %dma_start3A_59] : memref<10000x128xf32, #tpu.memory_space<vmem_shared>> -> memref<10000x128xf32, #tpu.memory_space<vmem_shared>>
          tpu.enqueue_indirect_dma source(%arg11 : memref<80x128xf32, #tpu.memory_space<vmem>>) target(%dma_start3A_60 : memref<10000x128xf32, #tpu.memory_space<vmem_shared>>) offsets(%arg10 : memref<80xi32, #tpu.memory_space<vmem>>) semaphore(%run_scoped3A : memref<!tpu.dma_semaphore, #tpu.memory_space<semaphore_mem>>) {add = true}
          %dma_wait3A_61 = arith.constant 0 : i32
          %dma_wait3A_62 = arith.constant 0 : i32
          %dma_wait3A_63 = tpu.memref_slice %arg13[%dma_wait3A_61, %dma_wait3A_62] : memref<10000x128xf32, #tpu.memory_space<vmem_shared>> -> memref<10000x128xf32, #tpu.memory_space<vmem_shared>>
          tpu.wait_indirect_dma semaphore(%run_scoped3A : memref<!tpu.dma_semaphore, #tpu.memory_space<semaphore_mem>>) src(%arg11 : memref<80x128xf32, #tpu.memory_space<vmem>>) dst(%dma_wait3A_63 : memref<10000x128xf32, #tpu.memory_space<vmem_shared>>)
          tpu.yield
        }) : () -> ()
      }
      %scan3A_42 = arith.constant 125 : i32
    } else {
    }
    %eq3A_19 = arith.constant 1 : i32
    %eq3A_20 = arith.cmpi eq, %arg0, %eq3A_19 : i32
    %convert_element_type3A_21 = arith.extui %eq3A_20 : i1 to i32
    %cond3A_22 = arith.constant 0 : i32
    %cond3A_23 = arith.cmpi ne, %convert_element_type3A_21, %cond3A_22 : i32
    scf.if %cond3A_23 {
      %mul3A_35 = arith.constant 10000 : i32
      %mul3A_36 = arith.muli %arg1, %mul3A_35 : i32
      %scan3A_37 = arith.constant 0 : i32
      %scan3A_38 = arith.constant 0 : i32
      %scan3A_39 = arith.constant 125 : i32
      %scan3A_40 = arith.addi %scan3A_38, %scan3A_39 : i32
      %scan3A_41 = arith.constant 1 : i32
      scf.for %scan3A_43 = %scan3A_38 to %scan3A_40 step %scan3A_41  : i32 {
        %mul3A_44 = arith.constant 80 : i32
        %mul3A_45 = arith.muli %scan3A_43, %mul3A_44 : i32
        %add3A = arith.addi %mul3A_36, %mul3A_45 : i32
        "tpu.region"() ({
          %run_scoped3A = tpu.sem_alloc : memref<!tpu.dma_semaphore, #tpu.memory_space<semaphore_mem>>
          %dma_start3A_58 = tpu.memref_slice %arg6[%add3A] : memref<320000xi32, #tpu.memory_space<hbm>> -> memref<80xi32, #tpu.memory_space<hbm>>
          %dma_start3A_59 = tpu.memref_slice %arg6[%add3A] : memref<320000xi32, #tpu.memory_space<hbm>> -> memref<80xi32, #tpu.memory_space<hbm>>
          tpu.enqueue_dma source(%dma_start3A_59 : memref<80xi32, #tpu.memory_space<hbm>>) target(%arg9 : memref<80xi32, #tpu.memory_space<vmem>>) target_semaphore(%run_scoped3A : memref<!tpu.dma_semaphore, #tpu.memory_space<semaphore_mem>>)
          %dma_wait3A_60 = tpu.memref_slice %arg6[%add3A] : memref<320000xi32, #tpu.memory_space<hbm>> -> memref<80xi32, #tpu.memory_space<hbm>>
          %dma_wait3A_61 = tpu.memref_slice %arg6[%add3A] : memref<320000xi32, #tpu.memory_space<hbm>> -> memref<80xi32, #tpu.memory_space<hbm>>
          tpu.wait_dma2 semaphore(%run_scoped3A : memref<!tpu.dma_semaphore, #tpu.memory_space<semaphore_mem>>) src(%dma_wait3A_61 : memref<80xi32, #tpu.memory_space<hbm>>) dst(%arg9 : memref<80xi32, #tpu.memory_space<vmem>>)
          tpu.yield
        }) : () -> ()
        %add3A_46 = arith.constant 160000 : i32
        %add3A_47 = arith.addi %add3A_46, %add3A : i32
        "tpu.region"() ({
          %run_scoped3A = tpu.sem_alloc : memref<!tpu.dma_semaphore, #tpu.memory_space<semaphore_mem>>
          %dma_start3A_58 = tpu.memref_slice %arg6[%add3A_47] : memref<320000xi32, #tpu.memory_space<hbm>> -> memref<80xi32, #tpu.memory_space<hbm>>
          %dma_start3A_59 = tpu.memref_slice %arg6[%add3A_47] : memref<320000xi32, #tpu.memory_space<hbm>> -> memref<80xi32, #tpu.memory_space<hbm>>
          tpu.enqueue_dma source(%dma_start3A_59 : memref<80xi32, #tpu.memory_space<hbm>>) target(%arg10 : memref<80xi32, #tpu.memory_space<vmem>>) target_semaphore(%run_scoped3A : memref<!tpu.dma_semaphore, #tpu.memory_space<semaphore_mem>>)
          %dma_wait3A_60 = tpu.memref_slice %arg6[%add3A_47] : memref<320000xi32, #tpu.memory_space<hbm>> -> memref<80xi32, #tpu.memory_space<hbm>>
          %dma_wait3A_61 = tpu.memref_slice %arg6[%add3A_47] : memref<320000xi32, #tpu.memory_space<hbm>> -> memref<80xi32, #tpu.memory_space<hbm>>
          tpu.wait_dma2 semaphore(%run_scoped3A : memref<!tpu.dma_semaphore, #tpu.memory_space<semaphore_mem>>) src(%dma_wait3A_61 : memref<80xi32, #tpu.memory_space<hbm>>) dst(%arg10 : memref<80xi32, #tpu.memory_space<vmem>>)
          tpu.yield
        }) : () -> ()
        "tpu.region"() ({
          %run_scoped3A = tpu.sem_alloc : memref<!tpu.dma_semaphore, #tpu.memory_space<semaphore_mem>>
          %dma_start3A_58 = arith.constant 0 : i32
          %dma_start3A_59 = tpu.memref_slice %arg5[%add3A, %dma_start3A_58] : memref<160000x128xf32, #tpu.memory_space<hbm>> -> memref<80x128xf32, #tpu.memory_space<hbm>>
          %dma_start3A_60 = arith.constant 0 : i32
          %dma_start3A_61 = tpu.memref_slice %arg5[%add3A, %dma_start3A_60] : memref<160000x128xf32, #tpu.memory_space<hbm>> -> memref<80x128xf32, #tpu.memory_space<hbm>>
          tpu.enqueue_dma source(%dma_start3A_61 : memref<80x128xf32, #tpu.memory_space<hbm>>) target(%arg11 : memref<80x128xf32, #tpu.memory_space<vmem>>) target_semaphore(%run_scoped3A : memref<!tpu.dma_semaphore, #tpu.memory_space<semaphore_mem>>)
          %dma_wait3A_62 = arith.constant 0 : i32
          %dma_wait3A_63 = tpu.memref_slice %arg5[%add3A, %dma_wait3A_62] : memref<160000x128xf32, #tpu.memory_space<hbm>> -> memref<80x128xf32, #tpu.memory_space<hbm>>
          %dma_wait3A_64 = arith.constant 0 : i32
          %dma_wait3A_65 = tpu.memref_slice %arg5[%add3A, %dma_wait3A_64] : memref<160000x128xf32, #tpu.memory_space<hbm>> -> memref<80x128xf32, #tpu.memory_space<hbm>>
          tpu.wait_dma2 semaphore(%run_scoped3A : memref<!tpu.dma_semaphore, #tpu.memory_space<semaphore_mem>>) src(%dma_wait3A_65 : memref<80x128xf32, #tpu.memory_space<hbm>>) dst(%arg11 : memref<80x128xf32, #tpu.memory_space<vmem>>)
          tpu.yield
        }) : () -> ()
        %dma_start3A = arith.constant 0 : i32
        %dma_start3A_48 = arith.constant 0 : i32
        %dma_start3A_49 = tpu.memref_slice %arg3[%dma_start3A, %dma_start3A_48] : memref<10000x128xf32, #tpu.memory_space<hbm>> -> memref<10000x128xf32, #tpu.memory_space<hbm>>
        tpu.enqueue_indirect_dma source(%dma_start3A_49 : memref<10000x128xf32, #tpu.memory_space<hbm>>) target(%arg11 : memref<80x128xf32, #tpu.memory_space<vmem>>) offsets(%arg9 : memref<80xi32, #tpu.memory_space<vmem>>) semaphore(%arg14 : memref<!tpu.dma_semaphore, #tpu.memory_space<semaphore_mem>>) {add = true}
        %dma_wait3A = arith.constant 0 : i32
        %dma_wait3A_50 = arith.constant 0 : i32
        %dma_wait3A_51 = tpu.memref_slice %arg3[%dma_wait3A, %dma_wait3A_50] : memref<10000x128xf32, #tpu.memory_space<hbm>> -> memref<10000x128xf32, #tpu.memory_space<hbm>>
        tpu.wait_indirect_dma semaphore(%arg14 : memref<!tpu.dma_semaphore, #tpu.memory_space<semaphore_mem>>) src(%dma_wait3A_51 : memref<10000x128xf32, #tpu.memory_space<hbm>>) dst(%arg11 : memref<80x128xf32, #tpu.memory_space<vmem>>)
        %scan3A_52 = arith.constant 0 : i32
        %scan3A_53 = arith.constant 0 : i32
        %scan3A_54 = arith.constant 640 : i32
        %scan3A_55 = arith.addi %scan3A_53, %scan3A_54 : i32
        %scan3A_56 = arith.constant 1 : i32
        scf.for %scan3A_58 = %scan3A_53 to %scan3A_55 step %scan3A_56  : i32 {
          %jit3A = arith.constant 8 : i32
          %div3A = arith.divsi %scan3A_58, %jit3A : i32
          %sign3A = arith.constant 0 : i32
          %sign3A_59 = arith.cmpi sgt, %scan3A_58, %sign3A : i32
          %sign3A_60 = arith.extui %sign3A_59 : i1 to i32
          %sign3A_61 = arith.constant 0 : i32
          %sign3A_62 = arith.cmpi slt, %scan3A_58, %sign3A_61 : i32
          %sign3A_63 = arith.extui %sign3A_62 : i1 to i32
          %sign3A_64 = arith.subi %sign3A_60, %sign3A_63 : i32
          %sign3A_65 = arith.constant 0 : i32
          %sign3A_66 = arith.cmpi sgt, %jit3A, %sign3A_65 : i32
          %sign3A_67 = arith.extui %sign3A_66 : i1 to i32
          %sign3A_68 = arith.constant 0 : i32
          %sign3A_69 = arith.cmpi slt, %jit3A, %sign3A_68 : i32
          %sign3A_70 = arith.extui %sign3A_69 : i1 to i32
          %sign3A_71 = arith.subi %sign3A_67, %sign3A_70 : i32
          %ne3A = arith.cmpi ne, %sign3A_64, %sign3A_71 : i32
          %rem3A = arith.remsi %scan3A_58, %jit3A : i32
          %ne3A_72 = arith.constant 0 : i32
          %ne3A_73 = arith.cmpi ne, %rem3A, %ne3A_72 : i32
          %and3A = arith.andi %ne3A, %ne3A_73 : i1
          %sub3A = arith.constant 1 : i32
          %sub3A_74 = arith.subi %div3A, %sub3A : i32
          %select_n3A = arith.select %and3A, %sub3A_74, %div3A : i32
          %jit3A_75 = arith.constant 8 : i32
          %eq3A_76 = arith.constant 0 : i32
          %eq3A_77 = arith.cmpi eq, %jit3A_75, %eq3A_76 : i32
          %jit3A_78 = arith.constant 1 : i32
          %select_n3A_79 = arith.select %eq3A_77, %jit3A_78, %jit3A_75 : i32
          %rem3A_80 = arith.remsi %scan3A_58, %select_n3A_79 : i32
          %ne3A_81 = arith.constant 0 : i32
          %ne3A_82 = arith.cmpi ne, %rem3A_80, %ne3A_81 : i32
          %lt3A = arith.constant 0 : i32
          %lt3A_83 = arith.cmpi slt, %rem3A_80, %lt3A : i32
          %lt3A_84 = arith.constant 0 : i32
          %lt3A_85 = arith.cmpi slt, %select_n3A_79, %lt3A_84 : i32
          %ne3A_86 = arith.xori %lt3A_83, %lt3A_85 : i1
          %and3A_87 = arith.andi %ne3A_86, %ne3A_82 : i1
          %add3A_88 = arith.addi %rem3A_80, %select_n3A_79 : i32
          %select_n3A_89 = arith.select %and3A_87, %add3A_88, %rem3A_80 : i32
          %mul3A_90 = arith.constant 16 : i32
          %mul3A_91 = arith.muli %select_n3A_89, %mul3A_90 : i32
          %get3A = arith.index_cast %select_n3A : i32 to index
          %get3A_92 = arith.index_cast %mul3A_91 : i32 to index
          %get3A_93 = tpu.vector_load %arg11[%get3A, %get3A_92] {strides = array<i32>} : memref<80x128xf32, #tpu.memory_space<vmem>>, vector<1x16xf32>,
          %get3A_94 = vector.shape_cast %get3A_93 : vector<1x16xf32> to vector<16xf32>
          %max3A = arith.constant 0.000000e+00 : f32
          %max3A_95 = vector.broadcast %max3A : f32 to vector<16xf32>
          %max3A_96 = arith.maximumf %get3A_94, %max3A_95 : vector<16xf32>
          %swap3A = arith.index_cast %select_n3A : i32 to index
          %swap3A_97 = arith.index_cast %mul3A_91 : i32 to index
          %swap3A_98 = tpu.vector_load %arg11[%swap3A, %swap3A_97] {strides = array<i32>} : memref<80x128xf32, #tpu.memory_space<vmem>>, vector<1x16xf32>,
          %swap3A_99 = vector.shape_cast %swap3A_98 : vector<1x16xf32> to vector<16xf32>
          %swap3A_100 = vector.shape_cast %max3A_96 : vector<16xf32> to vector<1x16xf32>
          tpu.vector_store %arg11[%swap3A, %swap3A_97], %swap3A_100 {strides = array<i32>} : memref<80x128xf32, #tpu.memory_space<vmem>>, vector<1x16xf32>,
        }
        %scan3A_57 = arith.constant 640 : i32
        "tpu.region"() ({
          %run_scoped3A = tpu.sem_alloc : memref<!tpu.dma_semaphore, #tpu.memory_space<semaphore_mem>>
          %dma_start3A_58 = arith.constant 0 : i32
          %dma_start3A_59 = arith.constant 0 : i32
          %dma_start3A_60 = tpu.memref_slice %arg13[%dma_start3A_58, %dma_start3A_59] : memref<10000x128xf32, #tpu.memory_space<vmem_shared>> -> memref<10000x128xf32, #tpu.memory_space<vmem_shared>>
          tpu.enqueue_indirect_dma source(%arg11 : memref<80x128xf32, #tpu.memory_space<vmem>>) target(%dma_start3A_60 : memref<10000x128xf32, #tpu.memory_space<vmem_shared>>) offsets(%arg10 : memref<80xi32, #tpu.memory_space<vmem>>) semaphore(%run_scoped3A : memref<!tpu.dma_semaphore, #tpu.memory_space<semaphore_mem>>) {add = true}
          %dma_wait3A_61 = arith.constant 0 : i32
          %dma_wait3A_62 = arith.constant 0 : i32
          %dma_wait3A_63 = tpu.memref_slice %arg13[%dma_wait3A_61, %dma_wait3A_62] : memref<10000x128xf32, #tpu.memory_space<vmem_shared>> -> memref<10000x128xf32, #tpu.memory_space<vmem_shared>>
          tpu.wait_indirect_dma semaphore(%run_scoped3A : memref<!tpu.dma_semaphore, #tpu.memory_space<semaphore_mem>>) src(%arg11 : memref<80x128xf32, #tpu.memory_space<vmem>>) dst(%dma_wait3A_63 : memref<10000x128xf32, #tpu.memory_space<vmem_shared>>)
          tpu.yield
        }) : () -> ()
      }
      %scan3A_42 = arith.constant 125 : i32
    } else {
    }
    %barrier3A_24 = arith.constant 0 : index
    tpu.barrier barrier_id(%barrier3A_24)
    %eq3A_25 = arith.constant 0 : i32
    %eq3A_26 = arith.cmpi eq, %arg0, %eq3A_25 : i32
    %convert_element_type3A_27 = arith.extui %eq3A_26 : i1 to i32
    %cond3A_28 = arith.constant 0 : i32
    %cond3A_29 = arith.cmpi ne, %convert_element_type3A_27, %cond3A_28 : i32
    scf.if %cond3A_29 {
      "tpu.region"() ({
        %run_scoped3A = tpu.sem_alloc : memref<!tpu.dma_semaphore, #tpu.memory_space<semaphore_mem>>
        %dma_start3A = arith.constant 0 : i32
        %dma_start3A_40 = tpu.memref_slice %arg7[%mul3A_5, %dma_start3A] : memref<10000x128xf32, #tpu.memory_space<hbm>> -> memref<624x128xf32, #tpu.memory_space<hbm>>
        %dma_start3A_41 = arith.constant 0 : i32
        %dma_start3A_42 = tpu.memref_slice %arg13[%mul3A_5, %dma_start3A_41] : memref<10000x128xf32, #tpu.memory_space<vmem_shared>> -> memref<624x128xf32, #tpu.memory_space<vmem_shared>>
        tpu.enqueue_dma source(%dma_start3A_42 : memref<624x128xf32, #tpu.memory_space<vmem_shared>>) target(%dma_start3A_40 : memref<624x128xf32, #tpu.memory_space<hbm>>) target_semaphore(%run_scoped3A : memref<!tpu.dma_semaphore, #tpu.memory_space<semaphore_mem>>)
        %dma_wait3A = arith.constant 0 : i32
        %dma_wait3A_43 = tpu.memref_slice %arg7[%mul3A_5, %dma_wait3A] : memref<10000x128xf32, #tpu.memory_space<hbm>> -> memref<624x128xf32, #tpu.memory_space<hbm>>
        %dma_wait3A_44 = arith.constant 0 : i32
        %dma_wait3A_45 = tpu.memref_slice %arg13[%mul3A_5, %dma_wait3A_44] : memref<10000x128xf32, #tpu.memory_space<vmem_shared>> -> memref<624x128xf32, #tpu.memory_space<vmem_shared>>
        tpu.wait_dma2 semaphore(%run_scoped3A : memref<!tpu.dma_semaphore, #tpu.memory_space<semaphore_mem>>) src(%dma_wait3A_45 : memref<624x128xf32, #tpu.memory_space<vmem_shared>>) dst(%dma_wait3A_43 : memref<624x128xf32, #tpu.memory_space<hbm>>)
        tpu.yield
      }) : () -> ()
      %eq3A_35 = arith.constant 15 : i32
      %eq3A_36 = arith.cmpi eq, %arg1, %eq3A_35 : i32
      %convert_element_type3A_37 = arith.extui %eq3A_36 : i1 to i32
      %cond3A_38 = arith.constant 0 : i32
      %cond3A_39 = arith.cmpi ne, %convert_element_type3A_37, %cond3A_38 : i32
      scf.if %cond3A_39 {
        "tpu.region"() ({
          %run_scoped3A = tpu.sem_alloc : memref<!tpu.dma_semaphore, #tpu.memory_space<semaphore_mem>>
          %dma_start3A = arith.constant 9984 : i32
          %dma_start3A_40 = arith.constant 0 : i32
          %dma_start3A_41 = tpu.memref_slice %arg7[%dma_start3A, %dma_start3A_40] : memref<10000x128xf32, #tpu.memory_space<hbm>> -> memref<16x128xf32, #tpu.memory_space<hbm>>
          %dma_start3A_42 = arith.constant 9984 : i32
          %dma_start3A_43 = arith.constant 0 : i32
          %dma_start3A_44 = tpu.memref_slice %arg13[%dma_start3A_42, %dma_start3A_43] : memref<10000x128xf32, #tpu.memory_space<vmem_shared>> -> memref<16x128xf32, #tpu.memory_space<vmem_shared>>
          tpu.enqueue_dma source(%dma_start3A_44 : memref<16x128xf32, #tpu.memory_space<vmem_shared>>) target(%dma_start3A_41 : memref<16x128xf32, #tpu.memory_space<hbm>>) target_semaphore(%run_scoped3A : memref<!tpu.dma_semaphore, #tpu.memory_space<semaphore_mem>>)
          %dma_wait3A = arith.constant 9984 : i32
          %dma_wait3A_45 = arith.constant 0 : i32
          %dma_wait3A_46 = tpu.memref_slice %arg7[%dma_wait3A, %dma_wait3A_45] : memref<10000x128xf32, #tpu.memory_space<hbm>> -> memref<16x128xf32, #tpu.memory_space<hbm>>
          %dma_wait3A_47 = arith.constant 9984 : i32
          %dma_wait3A_48 = arith.constant 0 : i32
          %dma_wait3A_49 = tpu.memref_slice %arg13[%dma_wait3A_47, %dma_wait3A_48] : memref<10000x128xf32, #tpu.memory_space<vmem_shared>> -> memref<16x128xf32, #tpu.memory_space<vmem_shared>>
          tpu.wait_dma2 semaphore(%run_scoped3A : memref<!tpu.dma_semaphore, #tpu.memory_space<semaphore_mem>>) src(%dma_wait3A_49 : memref<16x128xf32, #tpu.memory_space<vmem_shared>>) dst(%dma_wait3A_46 : memref<16x128xf32, #tpu.memory_space<hbm>>)
          tpu.yield
        }) : () -> ()
      } else {
      }
    } else {
    }
    %eq3A_30 = arith.constant 1 : i32
    %eq3A_31 = arith.cmpi eq, %arg0, %eq3A_30 : i32
    %convert_element_type3A_32 = arith.extui %eq3A_31 : i1 to i32
    %cond3A_33 = arith.constant 0 : i32
    %cond3A_34 = arith.cmpi ne, %convert_element_type3A_32, %cond3A_33 : i32
    scf.if %cond3A_34 {
      "tpu.region"() ({
        %run_scoped3A = tpu.sem_alloc : memref<!tpu.dma_semaphore, #tpu.memory_space<semaphore_mem>>
        %dma_start3A = arith.constant 0 : i32
        %dma_start3A_40 = tpu.memref_slice %arg8[%mul3A_5, %dma_start3A] : memref<10000x128xf32, #tpu.memory_space<hbm>> -> memref<624x128xf32, #tpu.memory_space<hbm>>
        %dma_start3A_41 = arith.constant 0 : i32
        %dma_start3A_42 = tpu.memref_slice %arg13[%mul3A_5, %dma_start3A_41] : memref<10000x128xf32, #tpu.memory_space<vmem_shared>> -> memref<624x128xf32, #tpu.memory_space<vmem_shared>>
        tpu.enqueue_dma source(%dma_start3A_42 : memref<624x128xf32, #tpu.memory_space<vmem_shared>>) target(%dma_start3A_40 : memref<624x128xf32, #tpu.memory_space<hbm>>) target_semaphore(%run_scoped3A : memref<!tpu.dma_semaphore, #tpu.memory_space<semaphore_mem>>)
        %dma_wait3A = arith.constant 0 : i32
        %dma_wait3A_43 = tpu.memref_slice %arg8[%mul3A_5, %dma_wait3A] : memref<10000x128xf32, #tpu.memory_space<hbm>> -> memref<624x128xf32, #tpu.memory_space<hbm>>
        %dma_wait3A_44 = arith.constant 0 : i32
        %dma_wait3A_45 = tpu.memref_slice %arg13[%mul3A_5, %dma_wait3A_44] : memref<10000x128xf32, #tpu.memory_space<vmem_shared>> -> memref<624x128xf32, #tpu.memory_space<vmem_shared>>
        tpu.wait_dma2 semaphore(%run_scoped3A : memref<!tpu.dma_semaphore, #tpu.memory_space<semaphore_mem>>) src(%dma_wait3A_45 : memref<624x128xf32, #tpu.memory_space<vmem_shared>>) dst(%dma_wait3A_43 : memref<624x128xf32, #tpu.memory_space<hbm>>)
        tpu.yield
      }) : () -> ()
      %eq3A_35 = arith.constant 15 : i32
      %eq3A_36 = arith.cmpi eq, %arg1, %eq3A_35 : i32
      %convert_element_type3A_37 = arith.extui %eq3A_36 : i1 to i32
      %cond3A_38 = arith.constant 0 : i32
      %cond3A_39 = arith.cmpi ne, %convert_element_type3A_37, %cond3A_38 : i32
      scf.if %cond3A_39 {
        "tpu.region"() ({
          %run_scoped3A = tpu.sem_alloc : memref<!tpu.dma_semaphore, #tpu.memory_space<semaphore_mem>>
          %dma_start3A = arith.constant 9984 : i32
          %dma_start3A_40 = arith.constant 0 : i32
          %dma_start3A_41 = tpu.memref_slice %arg8[%dma_start3A, %dma_start3A_40] : memref<10000x128xf32, #tpu.memory_space<hbm>> -> memref<16x128xf32, #tpu.memory_space<hbm>>
          %dma_start3A_42 = arith.constant 9984 : i32
          %dma_start3A_43 = arith.constant 0 : i32
          %dma_start3A_44 = tpu.memref_slice %arg13[%dma_start3A_42, %dma_start3A_43] : memref<10000x128xf32, #tpu.memory_space<vmem_shared>> -> memref<16x128xf32, #tpu.memory_space<vmem_shared>>
          tpu.enqueue_dma source(%dma_start3A_44 : memref<16x128xf32, #tpu.memory_space<vmem_shared>>) target(%dma_start3A_41 : memref<16x128xf32, #tpu.memory_space<hbm>>) target_semaphore(%run_scoped3A : memref<!tpu.dma_semaphore, #tpu.memory_space<semaphore_mem>>)
          %dma_wait3A = arith.constant 9984 : i32
          %dma_wait3A_45 = arith.constant 0 : i32
          %dma_wait3A_46 = tpu.memref_slice %arg8[%dma_wait3A, %dma_wait3A_45] : memref<10000x128xf32, #tpu.memory_space<hbm>> -> memref<16x128xf32, #tpu.memory_space<hbm>>
          %dma_wait3A_47 = arith.constant 9984 : i32
          %dma_wait3A_48 = arith.constant 0 : i32
          %dma_wait3A_49 = tpu.memref_slice %arg13[%dma_wait3A_47, %dma_wait3A_48] : memref<10000x128xf32, #tpu.memory_space<vmem_shared>> -> memref<16x128xf32, #tpu.memory_space<vmem_shared>>
          tpu.wait_dma2 semaphore(%run_scoped3A : memref<!tpu.dma_semaphore, #tpu.memory_space<semaphore_mem>>) src(%dma_wait3A_49 : memref<16x128xf32, #tpu.memory_space<vmem_shared>>) dst(%dma_wait3A_46 : memref<16x128xf32, #tpu.memory_space<hbm>>)
          tpu.yield
        }) : () -> ()
      } else {
      }
    } else {
    }
    return
  }
}

module attributes {stable_mosaic.version = 14 : i64} {
  func.func @body(%arg0: i32, %arg1: memref<1000x16xf32, #tpu.memory_space<vmem>>, %arg2: memref<16x256xf32, #tpu.memory_space<vmem>>, %arg3: memref<1x256xf32, #tpu.memory_space<vmem>>, %arg4: memref<1000x128xf32, #tpu.memory_space<vmem>>, %arg5: memref<1000x128xf32, #tpu.memory_space<vmem>>) attributes {dimension_semantics = [#tpu.dimension_semantics<arbitrary>], iteration_bounds = array<i64: 160>, scalar_prefetch = 0 : i64, scratch_operands = 0 : i64, tpu.core_type = #tpu.core_type<tc>, window_params = [{transform_indices = @transform_0, window_bounds = array<i64: 1000, 16>}, {pipeline_mode = #tpu.pipeline_mode<synchronous>, transform_indices = @transform_1, window_bounds = array<i64: 16, 256>}, {pipeline_mode = #tpu.pipeline_mode<synchronous>, transform_indices = @transform_2, window_bounds = array<i64: 1, 256>}, {transform_indices = @transform_3, window_bounds = array<i64: 1000, 128>}, {transform_indices = @transform_4, window_bounds = array<i64: 1000, 128>}]} {
    %get3A = arith.constant 0 : index
    %get3A_0 = arith.constant 0 : index
    %get3A_1 = vector.load %arg1[%get3A, %get3A_0] : memref<1000x16xf32, #tpu.memory_space<vmem>>, vector<1000x16xf32>
    %get3A_2 = arith.constant 0 : index
    %get3A_3 = arith.constant 0 : index
    %get3A_4 = vector.load %arg2[%get3A_2, %get3A_3] : memref<16x256xf32, #tpu.memory_space<vmem>>, vector<16x256xf32>
    %dot_general3A = arith.constant dense<0.000000e+00> : vector<1000x256xf32>
    %dot_general3A_5 = tpu.matmul %get3A_1, %get3A_4, %dot_general3A {dimension_numbers = #tpu.dot_dimension_numbers<[1], [0], [0], [1], [0, 0, 1, 1], [], []>, transpose_lhs_hint = false} : vector<1000x16xf32>, vector<16x256xf32>, vector<1000x256xf32> -> vector<1000x256xf32>
    %get3A_6 = arith.constant 0 : index
    %get3A_7 = arith.constant 0 : index
    %get3A_8 = vector.load %arg3[%get3A_6, %get3A_7] : memref<1x256xf32, #tpu.memory_space<vmem>>, vector<1x256xf32>
    %add3A = vector.broadcast %get3A_8 : vector<1x256xf32> to vector<1000x256xf32>
    %add3A_9 = arith.addf %dot_general3A_5, %add3A : vector<1000x256xf32>
    %slice3A = vector.extract_strided_slice %add3A_9 {offsets = [0, 0], sizes = [1000, 128], strides = [1, 1]} : vector<1000x256xf32> to vector<1000x128xf32>
    %swap3A = arith.constant 0 : index
    %swap3A_10 = arith.constant 0 : index
    %swap3A_11 = vector.load %arg4[%swap3A, %swap3A_10] : memref<1000x128xf32, #tpu.memory_space<vmem>>, vector<1000x128xf32>
    tpu.vector_store %arg4[%swap3A, %swap3A_10], %slice3A {strides = array<i32>} : memref<1000x128xf32, #tpu.memory_space<vmem>>, vector<1000x128xf32>,
    %slice3A_12 = vector.extract_strided_slice %add3A_9 {offsets = [0, 128], sizes = [1000, 128], strides = [1, 1]} : vector<1000x256xf32> to vector<1000x128xf32>
    %swap3A_13 = arith.constant 0 : index
    %swap3A_14 = arith.constant 0 : index
    %swap3A_15 = vector.load %arg5[%swap3A_13, %swap3A_14] : memref<1000x128xf32, #tpu.memory_space<vmem>>, vector<1000x128xf32>
    tpu.vector_store %arg5[%swap3A_13, %swap3A_14], %slice3A_12 {strides = array<i32>} : memref<1000x128xf32, #tpu.memory_space<vmem>>, vector<1000x128xf32>,
    return
  }
  func.func @transform_0(%arg0: i32) -> (i32, i32) {
    %c0_i32 = arith.constant 0 : i32
    %c0_i32_0 = arith.constant 0 : i32
    return %arg0, %c0_i32 : i32, i32
  }
  func.func @transform_1(%arg0: i32) -> (i32, i32) {
    %c0_i32 = arith.constant 0 : i32
    %c0_i32_0 = arith.constant 0 : i32
    %c0_i32_1 = arith.constant 0 : i32
    return %c0_i32, %c0_i32_0 : i32, i32
  }
  func.func @transform_2(%arg0: i32) -> (i32, i32) {
    %c0_i32 = arith.constant 0 : i32
    %c0_i32_0 = arith.constant 0 : i32
    %c0_i32_1 = arith.constant 0 : i32
    return %c0_i32, %c0_i32_0 : i32, i32
  }
  func.func @transform_3(%arg0: i32) -> (i32, i32) {
    %c0_i32 = arith.constant 0 : i32
    %c0_i32_0 = arith.constant 0 : i32
    return %arg0, %c0_i32 : i32, i32
  }
  func.func @transform_4(%arg0: i32) -> (i32, i32) {
    %c0_i32 = arith.constant 0 : i32
    %c0_i32_0 = arith.constant 0 : i32
    return %arg0, %c0_i32 : i32, i32
  }
}

module attributes {stable_mosaic.version = 14 : i64} {
  func.func @body(%arg0: i32, %arg1: memref<400x128xf32, #tpu.memory_space<vmem>>, %arg2: memref<400x16xf32, #tpu.memory_space<vmem>>, %arg3: memref<400x16xf32, #tpu.memory_space<vmem>>, %arg4: memref<400x16xf32, #tpu.memory_space<vmem>>, %arg5: memref<128x256xf32, #tpu.memory_space<vmem>>, %arg6: memref<16x256xf32, #tpu.memory_space<vmem>>, %arg7: memref<1x256xf32, #tpu.memory_space<vmem>>, %arg8: memref<400x128xf32, #tpu.memory_space<vmem>>, %arg9: memref<400x128xf32, #tpu.memory_space<vmem>>, %arg10: memref<400x128xf32, #tpu.memory_space<vmem>>, %arg11: memref<400x128xf32, #tpu.memory_space<vmem>>) attributes {dimension_semantics = [#tpu.dimension_semantics<arbitrary>], iteration_bounds = array<i64: 25>, scalar_prefetch = 0 : i64, scratch_operands = 0 : i64, tpu.core_type = #tpu.core_type<tc>, window_params = [{transform_indices = @transform_0, window_bounds = array<i64: 400, 128>}, {transform_indices = @transform_1, window_bounds = array<i64: 400, 16>}, {transform_indices = @transform_2, window_bounds = array<i64: 400, 16>}, {transform_indices = @transform_3, window_bounds = array<i64: 400, 16>}, {pipeline_mode = #tpu.pipeline_mode<synchronous>, transform_indices = @transform_4, window_bounds = array<i64: 128, 256>}, {pipeline_mode = #tpu.pipeline_mode<synchronous>, transform_indices = @transform_5, window_bounds = array<i64: 16, 256>}, {pipeline_mode = #tpu.pipeline_mode<synchronous>, transform_indices = @transform_6, window_bounds = array<i64: 1, 256>}, {transform_indices = @transform_7, window_bounds = array<i64: 400, 128>}, {transform_indices = @transform_8, window_bounds = array<i64: 400, 128>}, {transform_indices = @transform_9, window_bounds = array<i64: 400, 128>}, {transform_indices = @transform_10, window_bounds = array<i64: 400, 128>}]} {
    %get3A = arith.constant 0 : index
    %get3A_0 = arith.constant 0 : index
    %get3A_1 = vector.load %arg2[%get3A, %get3A_0] : memref<400x16xf32, #tpu.memory_space<vmem>>, vector<400x16xf32>
    %get3A_2 = arith.constant 0 : index
    %get3A_3 = arith.constant 0 : index
    %get3A_4 = vector.load %arg3[%get3A_2, %get3A_3] : memref<400x16xf32, #tpu.memory_space<vmem>>, vector<400x16xf32>
    %add3A = arith.addf %get3A_1, %get3A_4 : vector<400x16xf32>
    %get3A_5 = arith.constant 0 : index
    %get3A_6 = arith.constant 0 : index
    %get3A_7 = vector.load %arg4[%get3A_5, %get3A_6] : memref<400x16xf32, #tpu.memory_space<vmem>>, vector<400x16xf32>
    %add3A_8 = arith.addf %add3A, %get3A_7 : vector<400x16xf32>
    %mul3A = arith.constant 0.333333343 : f32
    %mul3A_9 = vector.broadcast %mul3A : f32 to vector<400x16xf32>
    %mul3A_10 = arith.mulf %add3A_8, %mul3A_9 : vector<400x16xf32>
    %get3A_11 = arith.constant 0 : index
    %get3A_12 = arith.constant 0 : index
    %get3A_13 = vector.load %arg1[%get3A_11, %get3A_12] : memref<400x128xf32, #tpu.memory_space<vmem>>, vector<400x128xf32>
    %get3A_14 = arith.constant 0 : index
    %get3A_15 = arith.constant 0 : index
    %get3A_16 = vector.load %arg5[%get3A_14, %get3A_15] : memref<128x256xf32, #tpu.memory_space<vmem>>, vector<128x256xf32>
    %dot_general3A = arith.constant dense<0.000000e+00> : vector<400x256xf32>
    %dot_general3A_17 = tpu.matmul %get3A_13, %get3A_16, %dot_general3A {dimension_numbers = #tpu.dot_dimension_numbers<[1], [0], [0], [1], [0, 0, 1, 1], [], []>, transpose_lhs_hint = false} : vector<400x128xf32>, vector<128x256xf32>, vector<400x256xf32> -> vector<400x256xf32>
    %get3A_18 = arith.constant 0 : index
    %get3A_19 = arith.constant 0 : index
    %get3A_20 = vector.load %arg6[%get3A_18, %get3A_19] : memref<16x256xf32, #tpu.memory_space<vmem>>, vector<16x256xf32>
    %dot_general3A_21 = arith.constant dense<0.000000e+00> : vector<400x256xf32>
    %dot_general3A_22 = tpu.matmul %mul3A_10, %get3A_20, %dot_general3A_21 {dimension_numbers = #tpu.dot_dimension_numbers<[1], [0], [0], [1], [0, 0, 1, 1], [], []>, transpose_lhs_hint = false} : vector<400x16xf32>, vector<16x256xf32>, vector<400x256xf32> -> vector<400x256xf32>
    %add3A_23 = arith.addf %dot_general3A_17, %dot_general3A_22 : vector<400x256xf32>
    %get3A_24 = arith.constant 0 : index
    %get3A_25 = arith.constant 0 : index
    %get3A_26 = vector.load %arg7[%get3A_24, %get3A_25] : memref<1x256xf32, #tpu.memory_space<vmem>>, vector<1x256xf32>
    %add3A_27 = vector.broadcast %get3A_26 : vector<1x256xf32> to vector<400x256xf32>
    %add3A_28 = arith.addf %add3A_23, %add3A_27 : vector<400x256xf32>
    %slice3A = vector.extract_strided_slice %add3A_28 {offsets = [0, 0], sizes = [400, 128], strides = [1, 1]} : vector<400x256xf32> to vector<400x128xf32>
    %swap3A = arith.constant 0 : index
    %swap3A_29 = arith.constant 0 : index
    %swap3A_30 = vector.load %arg8[%swap3A, %swap3A_29] : memref<400x128xf32, #tpu.memory_space<vmem>>, vector<400x128xf32>
    tpu.vector_store %arg8[%swap3A, %swap3A_29], %slice3A {strides = array<i32>} : memref<400x128xf32, #tpu.memory_space<vmem>>, vector<400x128xf32>,
    %slice3A_31 = vector.extract_strided_slice %add3A_28 {offsets = [0, 128], sizes = [400, 128], strides = [1, 1]} : vector<400x256xf32> to vector<400x128xf32>
    %swap3A_32 = arith.constant 0 : index
    %swap3A_33 = arith.constant 0 : index
    %swap3A_34 = vector.load %arg9[%swap3A_32, %swap3A_33] : memref<400x128xf32, #tpu.memory_space<vmem>>, vector<400x128xf32>
    tpu.vector_store %arg9[%swap3A_32, %swap3A_33], %slice3A_31 {strides = array<i32>} : memref<400x128xf32, #tpu.memory_space<vmem>>, vector<400x128xf32>,
    %max3A = arith.constant 0.000000e+00 : f32
    %max3A_35 = vector.broadcast %max3A : f32 to vector<400x256xf32>
    %max3A_36 = arith.maximumf %add3A_28, %max3A_35 : vector<400x256xf32>
    %slice3A_37 = vector.extract_strided_slice %max3A_36 {offsets = [0, 0], sizes = [400, 128], strides = [1, 1]} : vector<400x256xf32> to vector<400x128xf32>
    %swap3A_38 = arith.constant 0 : index
    %swap3A_39 = arith.constant 0 : index
    %swap3A_40 = vector.load %arg10[%swap3A_38, %swap3A_39] : memref<400x128xf32, #tpu.memory_space<vmem>>, vector<400x128xf32>
    tpu.vector_store %arg10[%swap3A_38, %swap3A_39], %slice3A_37 {strides = array<i32>} : memref<400x128xf32, #tpu.memory_space<vmem>>, vector<400x128xf32>,
    %slice3A_41 = vector.extract_strided_slice %max3A_36 {offsets = [0, 128], sizes = [400, 128], strides = [1, 1]} : vector<400x256xf32> to vector<400x128xf32>
    %swap3A_42 = arith.constant 0 : index
    %swap3A_43 = arith.constant 0 : index
    %swap3A_44 = vector.load %arg11[%swap3A_42, %swap3A_43] : memref<400x128xf32, #tpu.memory_space<vmem>>, vector<400x128xf32>
    tpu.vector_store %arg11[%swap3A_42, %swap3A_43], %slice3A_41 {strides = array<i32>} : memref<400x128xf32, #tpu.memory_space<vmem>>, vector<400x128xf32>,
    return
  }
  func.func @transform_0(%arg0: i32) -> (i32, i32) {
    %c0_i32 = arith.constant 0 : i32
    %c0_i32_0 = arith.constant 0 : i32
    return %arg0, %c0_i32 : i32, i32
  }
  func.func @transform_1(%arg0: i32) -> (i32, i32) {
    %c0_i32 = arith.constant 0 : i32
    %c0_i32_0 = arith.constant 0 : i32
    return %arg0, %c0_i32 : i32, i32
  }
  func.func @transform_2(%arg0: i32) -> (i32, i32) {
    %c0_i32 = arith.constant 0 : i32
    %c0_i32_0 = arith.constant 0 : i32
    return %arg0, %c0_i32 : i32, i32
  }
  func.func @transform_3(%arg0: i32) -> (i32, i32) {
    %c0_i32 = arith.constant 0 : i32
    %c0_i32_0 = arith.constant 0 : i32
    return %arg0, %c0_i32 : i32, i32
  }
  func.func @transform_4(%arg0: i32) -> (i32, i32) {
    %c0_i32 = arith.constant 0 : i32
    %c0_i32_0 = arith.constant 0 : i32
    %c0_i32_1 = arith.constant 0 : i32
    return %c0_i32, %c0_i32_0 : i32, i32
  }
  func.func @transform_5(%arg0: i32) -> (i32, i32) {
    %c0_i32 = arith.constant 0 : i32
    %c0_i32_0 = arith.constant 0 : i32
    %c0_i32_1 = arith.constant 0 : i32
    return %c0_i32, %c0_i32_0 : i32, i32
  }
  func.func @transform_6(%arg0: i32) -> (i32, i32) {
    %c0_i32 = arith.constant 0 : i32
    %c0_i32_0 = arith.constant 0 : i32
    %c0_i32_1 = arith.constant 0 : i32
    return %c0_i32, %c0_i32_0 : i32, i32
  }
  func.func @transform_7(%arg0: i32) -> (i32, i32) {
    %c0_i32 = arith.constant 0 : i32
    %c0_i32_0 = arith.constant 0 : i32
    return %arg0, %c0_i32 : i32, i32
  }
  func.func @transform_8(%arg0: i32) -> (i32, i32) {
    %c0_i32 = arith.constant 0 : i32
    %c0_i32_0 = arith.constant 0 : i32
    return %arg0, %c0_i32 : i32, i32
  }
  func.func @transform_9(%arg0: i32) -> (i32, i32) {
    %c0_i32 = arith.constant 0 : i32
    %c0_i32_0 = arith.constant 0 : i32
    return %arg0, %c0_i32 : i32, i32
  }
  func.func @transform_10(%arg0: i32) -> (i32, i32) {
    %c0_i32 = arith.constant 0 : i32
    %c0_i32_0 = arith.constant 0 : i32
    return %arg0, %c0_i32 : i32, i32
  }
}

module attributes {stable_mosaic.version = 14 : i64} {
  func.func @body(%arg0: i32, %arg1: memref<400x128xf32, #tpu.memory_space<vmem>>, %arg2: memref<400x128xf32, #tpu.memory_space<vmem>>, %arg3: memref<400x128xf32, #tpu.memory_space<vmem>>, %arg4: memref<400x128xf32, #tpu.memory_space<vmem>>, %arg5: memref<2x256xf32, #tpu.memory_space<vmem>>, %arg6: memref<256x512xf32, #tpu.memory_space<vmem>>, %arg7: memref<1x512xf32, #tpu.memory_space<vmem>>, %arg8: memref<512x256xf32, #tpu.memory_space<vmem>>, %arg9: memref<1x256xf32, #tpu.memory_space<vmem>>, %arg10: memref<2x256xf32, #tpu.memory_space<vmem>>, %arg11: memref<400x128xf32, #tpu.memory_space<vmem>>, %arg12: memref<400x128xf32, #tpu.memory_space<vmem>>) attributes {dimension_semantics = [#tpu.dimension_semantics<arbitrary>], iteration_bounds = array<i64: 25>, scalar_prefetch = 0 : i64, scratch_operands = 0 : i64, tpu.core_type = #tpu.core_type<tc>, window_params = [{transform_indices = @transform_0, window_bounds = array<i64: 400, 128>}, {transform_indices = @transform_1, window_bounds = array<i64: 400, 128>}, {transform_indices = @transform_2, window_bounds = array<i64: 400, 128>}, {transform_indices = @transform_3, window_bounds = array<i64: 400, 128>}, {pipeline_mode = #tpu.pipeline_mode<synchronous>, transform_indices = @transform_4, window_bounds = array<i64: 2, 256>}, {pipeline_mode = #tpu.pipeline_mode<synchronous>, transform_indices = @transform_5, window_bounds = array<i64: 256, 512>}, {pipeline_mode = #tpu.pipeline_mode<synchronous>, transform_indices = @transform_6, window_bounds = array<i64: 1, 512>}, {pipeline_mode = #tpu.pipeline_mode<synchronous>, transform_indices = @transform_7, window_bounds = array<i64: 512, 256>}, {pipeline_mode = #tpu.pipeline_mode<synchronous>, transform_indices = @transform_8, window_bounds = array<i64: 1, 256>}, {pipeline_mode = #tpu.pipeline_mode<synchronous>, transform_indices = @transform_9, window_bounds = array<i64: 2, 256>}, {transform_indices = @transform_10, window_bounds = array<i64: 400, 128>}, {transform_indices = @transform_11, window_bounds = array<i64: 400, 128>}]} {
    %get3A = arith.constant 0 : index
    %get3A_0 = arith.constant 0 : index
    %get3A_1 = vector.load %arg1[%get3A, %get3A_0] : memref<400x128xf32, #tpu.memory_space<vmem>>, vector<400x128xf32>
    %get3A_2 = arith.constant 0 : index
    %get3A_3 = arith.constant 0 : index
    %get3A_4 = vector.load %arg2[%get3A_2, %get3A_3] : memref<400x128xf32, #tpu.memory_space<vmem>>, vector<400x128xf32>
    %concatenate3A = tpu.concatenate %get3A_1, %get3A_4 in 1 : vector<400x128xf32>, vector<400x128xf32> -> vector<400x256xf32>
    %get3A_5 = arith.constant 0 : index
    %get3A_6 = arith.constant 0 : index
    %get3A_7 = vector.load %arg5[%get3A_5, %get3A_6] : memref<2x256xf32, #tpu.memory_space<vmem>>, vector<1x256xf32>
    %mul3A = vector.broadcast %get3A_7 : vector<1x256xf32> to vector<400x256xf32>
    %mul3A_8 = arith.mulf %concatenate3A, %mul3A : vector<400x256xf32>
    %get3A_9 = arith.constant 0 : index
    %get3A_10 = arith.constant 0 : index
    %get3A_11 = vector.load %arg3[%get3A_9, %get3A_10] : memref<400x128xf32, #tpu.memory_space<vmem>>, vector<400x128xf32>
    %get3A_12 = arith.constant 0 : index
    %get3A_13 = arith.constant 0 : index
    %get3A_14 = vector.load %arg4[%get3A_12, %get3A_13] : memref<400x128xf32, #tpu.memory_space<vmem>>, vector<400x128xf32>
    %concatenate3A_15 = tpu.concatenate %get3A_11, %get3A_14 in 1 : vector<400x128xf32>, vector<400x128xf32> -> vector<400x256xf32>
    %get3A_16 = arith.constant 1 : index
    %get3A_17 = arith.constant 0 : index
    %get3A_18 = vector.load %arg5[%get3A_16, %get3A_17] : memref<2x256xf32, #tpu.memory_space<vmem>>, vector<1x256xf32>
    %mul3A_19 = vector.broadcast %get3A_18 : vector<1x256xf32> to vector<400x256xf32>
    %mul3A_20 = arith.mulf %concatenate3A_15, %mul3A_19 : vector<400x256xf32>
    %add3A = arith.addf %mul3A_8, %mul3A_20 : vector<400x256xf32>
    %get3A_21 = arith.constant 0 : index
    %get3A_22 = arith.constant 0 : index
    %get3A_23 = vector.load %arg6[%get3A_21, %get3A_22] : memref<256x512xf32, #tpu.memory_space<vmem>>, vector<256x512xf32>
    %dot_general3A = arith.constant dense<0.000000e+00> : vector<400x512xf32>
    %dot_general3A_24 = tpu.matmul %add3A, %get3A_23, %dot_general3A {dimension_numbers = #tpu.dot_dimension_numbers<[1], [0], [0], [1], [0, 0, 1, 1], [], []>, transpose_lhs_hint = false} : vector<400x256xf32>, vector<256x512xf32>, vector<400x512xf32> -> vector<400x512xf32>
    %get3A_25 = arith.constant 0 : index
    %get3A_26 = arith.constant 0 : index
    %get3A_27 = vector.load %arg7[%get3A_25, %get3A_26] : memref<1x512xf32, #tpu.memory_space<vmem>>, vector<1x512xf32>
    %add3A_28 = vector.broadcast %get3A_27 : vector<1x512xf32> to vector<400x512xf32>
    %add3A_29 = arith.addf %dot_general3A_24, %add3A_28 : vector<400x512xf32>
    %max3A = arith.constant 0.000000e+00 : f32
    %max3A_30 = vector.broadcast %max3A : f32 to vector<400x512xf32>
    %max3A_31 = arith.maximumf %add3A_29, %max3A_30 : vector<400x512xf32>
    %get3A_32 = arith.constant 0 : index
    %get3A_33 = arith.constant 0 : index
    %get3A_34 = vector.load %arg8[%get3A_32, %get3A_33] : memref<512x256xf32, #tpu.memory_space<vmem>>, vector<512x256xf32>
    %dot_general3A_35 = arith.constant dense<0.000000e+00> : vector<400x256xf32>
    %dot_general3A_36 = tpu.matmul %max3A_31, %get3A_34, %dot_general3A_35 {dimension_numbers = #tpu.dot_dimension_numbers<[1], [0], [0], [1], [0, 0, 1, 1], [], []>, transpose_lhs_hint = false} : vector<400x512xf32>, vector<512x256xf32>, vector<400x256xf32> -> vector<400x256xf32>
    %get3A_37 = arith.constant 0 : index
    %get3A_38 = arith.constant 0 : index
    %get3A_39 = vector.load %arg9[%get3A_37, %get3A_38] : memref<1x256xf32, #tpu.memory_space<vmem>>, vector<1x256xf32>
    %add3A_40 = vector.broadcast %get3A_39 : vector<1x256xf32> to vector<400x256xf32>
    %add3A_41 = arith.addf %dot_general3A_36, %add3A_40 : vector<400x256xf32>
    %max3A_42 = arith.constant 0.000000e+00 : f32
    %max3A_43 = vector.broadcast %max3A_42 : f32 to vector<400x256xf32>
    %max3A_44 = arith.maximumf %add3A_41, %max3A_43 : vector<400x256xf32>
    %get3A_45 = arith.constant 0 : index
    %get3A_46 = arith.constant 0 : index
    %get3A_47 = vector.load %arg10[%get3A_45, %get3A_46] : memref<2x256xf32, #tpu.memory_space<vmem>>, vector<1x256xf32>
    %mul3A_48 = vector.broadcast %get3A_47 : vector<1x256xf32> to vector<400x256xf32>
    %mul3A_49 = arith.mulf %max3A_44, %mul3A_48 : vector<400x256xf32>
    %get3A_50 = arith.constant 1 : index
    %get3A_51 = arith.constant 0 : index
    %get3A_52 = vector.load %arg10[%get3A_50, %get3A_51] : memref<2x256xf32, #tpu.memory_space<vmem>>, vector<1x256xf32>
    %add3A_53 = vector.broadcast %get3A_52 : vector<1x256xf32> to vector<400x256xf32>
    %add3A_54 = arith.addf %mul3A_49, %add3A_53 : vector<400x256xf32>
    %max3A_55 = arith.constant 0.000000e+00 : f32
    %max3A_56 = vector.broadcast %max3A_55 : f32 to vector<400x256xf32>
    %max3A_57 = arith.maximumf %add3A_54, %max3A_56 : vector<400x256xf32>
    %slice3A = vector.extract_strided_slice %max3A_57 {offsets = [0, 0], sizes = [400, 128], strides = [1, 1]} : vector<400x256xf32> to vector<400x128xf32>
    %swap3A = arith.constant 0 : index
    %swap3A_58 = arith.constant 0 : index
    %swap3A_59 = vector.load %arg11[%swap3A, %swap3A_58] : memref<400x128xf32, #tpu.memory_space<vmem>>, vector<400x128xf32>
    tpu.vector_store %arg11[%swap3A, %swap3A_58], %slice3A {strides = array<i32>} : memref<400x128xf32, #tpu.memory_space<vmem>>, vector<400x128xf32>,
    %slice3A_60 = vector.extract_strided_slice %max3A_57 {offsets = [0, 128], sizes = [400, 128], strides = [1, 1]} : vector<400x256xf32> to vector<400x128xf32>
    %swap3A_61 = arith.constant 0 : index
    %swap3A_62 = arith.constant 0 : index
    %swap3A_63 = vector.load %arg12[%swap3A_61, %swap3A_62] : memref<400x128xf32, #tpu.memory_space<vmem>>, vector<400x128xf32>
    tpu.vector_store %arg12[%swap3A_61, %swap3A_62], %slice3A_60 {strides = array<i32>} : memref<400x128xf32, #tpu.memory_space<vmem>>, vector<400x128xf32>,
    return
  }
  func.func @transform_0(%arg0: i32) -> (i32, i32) {
    %c0_i32 = arith.constant 0 : i32
    %c0_i32_0 = arith.constant 0 : i32
    return %arg0, %c0_i32 : i32, i32
  }
  func.func @transform_1(%arg0: i32) -> (i32, i32) {
    %c0_i32 = arith.constant 0 : i32
    %c0_i32_0 = arith.constant 0 : i32
    return %arg0, %c0_i32 : i32, i32
  }
  func.func @transform_2(%arg0: i32) -> (i32, i32) {
    %c0_i32 = arith.constant 0 : i32
    %c0_i32_0 = arith.constant 0 : i32
    return %arg0, %c0_i32 : i32, i32
  }
  func.func @transform_3(%arg0: i32) -> (i32, i32) {
    %c0_i32 = arith.constant 0 : i32
    %c0_i32_0 = arith.constant 0 : i32
    return %arg0, %c0_i32 : i32, i32
  }
  func.func @transform_4(%arg0: i32) -> (i32, i32) {
    %c0_i32 = arith.constant 0 : i32
    %c0_i32_0 = arith.constant 0 : i32
    %c0_i32_1 = arith.constant 0 : i32
    return %c0_i32, %c0_i32_0 : i32, i32
  }
  func.func @transform_5(%arg0: i32) -> (i32, i32) {
    %c0_i32 = arith.constant 0 : i32
    %c0_i32_0 = arith.constant 0 : i32
    %c0_i32_1 = arith.constant 0 : i32
    return %c0_i32, %c0_i32_0 : i32, i32
  }
  func.func @transform_6(%arg0: i32) -> (i32, i32) {
    %c0_i32 = arith.constant 0 : i32
    %c0_i32_0 = arith.constant 0 : i32
    %c0_i32_1 = arith.constant 0 : i32
    return %c0_i32, %c0_i32_0 : i32, i32
  }
  func.func @transform_7(%arg0: i32) -> (i32, i32) {
    %c0_i32 = arith.constant 0 : i32
    %c0_i32_0 = arith.constant 0 : i32
    %c0_i32_1 = arith.constant 0 : i32
    return %c0_i32, %c0_i32_0 : i32, i32
  }
  func.func @transform_8(%arg0: i32) -> (i32, i32) {
    %c0_i32 = arith.constant 0 : i32
    %c0_i32_0 = arith.constant 0 : i32
    %c0_i32_1 = arith.constant 0 : i32
    return %c0_i32, %c0_i32_0 : i32, i32
  }
  func.func @transform_9(%arg0: i32) -> (i32, i32) {
    %c0_i32 = arith.constant 0 : i32
    %c0_i32_0 = arith.constant 0 : i32
    %c0_i32_1 = arith.constant 0 : i32
    return %c0_i32, %c0_i32_0 : i32, i32
  }
  func.func @transform_10(%arg0: i32) -> (i32, i32) {
    %c0_i32 = arith.constant 0 : i32
    %c0_i32_0 = arith.constant 0 : i32
    return %arg0, %c0_i32 : i32, i32
  }
  func.func @transform_11(%arg0: i32) -> (i32, i32) {
    %c0_i32 = arith.constant 0 : i32
    %c0_i32_0 = arith.constant 0 : i32
    return %arg0, %c0_i32 : i32, i32
  }
}

module attributes {stable_mosaic.version = 14 : i64} {
  func.func @body(%arg0: i32, %arg1: memref<400x128xf32, #tpu.memory_space<vmem>>, %arg2: memref<400x128xf32, #tpu.memory_space<vmem>>, %arg3: memref<400x128xf32, #tpu.memory_space<vmem>>, %arg4: memref<400x128xf32, #tpu.memory_space<vmem>>, %arg5: memref<400x128xf32, #tpu.memory_space<vmem>>, %arg6: memref<400x128xf32, #tpu.memory_space<vmem>>, %arg7: memref<3x256xf32, #tpu.memory_space<vmem>>, %arg8: memref<256x512xf32, #tpu.memory_space<vmem>>, %arg9: memref<1x512xf32, #tpu.memory_space<vmem>>, %arg10: memref<512x256xf32, #tpu.memory_space<vmem>>, %arg11: memref<1x256xf32, #tpu.memory_space<vmem>>, %arg12: memref<2x256xf32, #tpu.memory_space<vmem>>, %arg13: memref<400x128xf32, #tpu.memory_space<vmem>>, %arg14: memref<400x128xf32, #tpu.memory_space<vmem>>) attributes {dimension_semantics = [#tpu.dimension_semantics<arbitrary>], iteration_bounds = array<i64: 25>, scalar_prefetch = 0 : i64, scratch_operands = 0 : i64, tpu.core_type = #tpu.core_type<tc>, window_params = [{transform_indices = @transform_0, window_bounds = array<i64: 400, 128>}, {transform_indices = @transform_1, window_bounds = array<i64: 400, 128>}, {transform_indices = @transform_2, window_bounds = array<i64: 400, 128>}, {transform_indices = @transform_3, window_bounds = array<i64: 400, 128>}, {transform_indices = @transform_4, window_bounds = array<i64: 400, 128>}, {transform_indices = @transform_5, window_bounds = array<i64: 400, 128>}, {pipeline_mode = #tpu.pipeline_mode<synchronous>, transform_indices = @transform_6, window_bounds = array<i64: 3, 256>}, {pipeline_mode = #tpu.pipeline_mode<synchronous>, transform_indices = @transform_7, window_bounds = array<i64: 256, 512>}, {pipeline_mode = #tpu.pipeline_mode<synchronous>, transform_indices = @transform_8, window_bounds = array<i64: 1, 512>}, {pipeline_mode = #tpu.pipeline_mode<synchronous>, transform_indices = @transform_9, window_bounds = array<i64: 512, 256>}, {pipeline_mode = #tpu.pipeline_mode<synchronous>, transform_indices = @transform_10, window_bounds = array<i64: 1, 256>}, {pipeline_mode = #tpu.pipeline_mode<synchronous>, transform_indices = @transform_11, window_bounds = array<i64: 2, 256>}, {transform_indices = @transform_12, window_bounds = array<i64: 400, 128>}, {transform_indices = @transform_13, window_bounds = array<i64: 400, 128>}]} {
    %get3A = arith.constant 0 : index
    %get3A_0 = arith.constant 0 : index
    %get3A_1 = vector.load %arg1[%get3A, %get3A_0] : memref<400x128xf32, #tpu.memory_space<vmem>>, vector<400x128xf32>
    %get3A_2 = arith.constant 0 : index
    %get3A_3 = arith.constant 0 : index
    %get3A_4 = vector.load %arg2[%get3A_2, %get3A_3] : memref<400x128xf32, #tpu.memory_space<vmem>>, vector<400x128xf32>
    %concatenate3A = tpu.concatenate %get3A_1, %get3A_4 in 1 : vector<400x128xf32>, vector<400x128xf32> -> vector<400x256xf32>
    %get3A_5 = arith.constant 0 : index
    %get3A_6 = arith.constant 0 : index
    %get3A_7 = vector.load %arg7[%get3A_5, %get3A_6] : memref<3x256xf32, #tpu.memory_space<vmem>>, vector<1x256xf32>
    %mul3A = vector.broadcast %get3A_7 : vector<1x256xf32> to vector<400x256xf32>
    %mul3A_8 = arith.mulf %concatenate3A, %mul3A : vector<400x256xf32>
    %get3A_9 = arith.constant 0 : index
    %get3A_10 = arith.constant 0 : index
    %get3A_11 = vector.load %arg3[%get3A_9, %get3A_10] : memref<400x128xf32, #tpu.memory_space<vmem>>, vector<400x128xf32>
    %get3A_12 = arith.constant 0 : index
    %get3A_13 = arith.constant 0 : index
    %get3A_14 = vector.load %arg4[%get3A_12, %get3A_13] : memref<400x128xf32, #tpu.memory_space<vmem>>, vector<400x128xf32>
    %concatenate3A_15 = tpu.concatenate %get3A_11, %get3A_14 in 1 : vector<400x128xf32>, vector<400x128xf32> -> vector<400x256xf32>
    %get3A_16 = arith.constant 1 : index
    %get3A_17 = arith.constant 0 : index
    %get3A_18 = vector.load %arg7[%get3A_16, %get3A_17] : memref<3x256xf32, #tpu.memory_space<vmem>>, vector<1x256xf32>
    %mul3A_19 = vector.broadcast %get3A_18 : vector<1x256xf32> to vector<400x256xf32>
    %mul3A_20 = arith.mulf %concatenate3A_15, %mul3A_19 : vector<400x256xf32>
    %add3A = arith.addf %mul3A_8, %mul3A_20 : vector<400x256xf32>
    %get3A_21 = arith.constant 0 : index
    %get3A_22 = arith.constant 0 : index
    %get3A_23 = vector.load %arg5[%get3A_21, %get3A_22] : memref<400x128xf32, #tpu.memory_space<vmem>>, vector<400x128xf32>
    %get3A_24 = arith.constant 0 : index
    %get3A_25 = arith.constant 0 : index
    %get3A_26 = vector.load %arg6[%get3A_24, %get3A_25] : memref<400x128xf32, #tpu.memory_space<vmem>>, vector<400x128xf32>
    %concatenate3A_27 = tpu.concatenate %get3A_23, %get3A_26 in 1 : vector<400x128xf32>, vector<400x128xf32> -> vector<400x256xf32>
    %get3A_28 = arith.constant 2 : index
    %get3A_29 = arith.constant 0 : index
    %get3A_30 = vector.load %arg7[%get3A_28, %get3A_29] : memref<3x256xf32, #tpu.memory_space<vmem>>, vector<1x256xf32>
    %mul3A_31 = vector.broadcast %get3A_30 : vector<1x256xf32> to vector<400x256xf32>
    %mul3A_32 = arith.mulf %concatenate3A_27, %mul3A_31 : vector<400x256xf32>
    %add3A_33 = arith.addf %add3A, %mul3A_32 : vector<400x256xf32>
    %get3A_34 = arith.constant 0 : index
    %get3A_35 = arith.constant 0 : index
    %get3A_36 = vector.load %arg8[%get3A_34, %get3A_35] : memref<256x512xf32, #tpu.memory_space<vmem>>, vector<256x512xf32>
    %dot_general3A = arith.constant dense<0.000000e+00> : vector<400x512xf32>
    %dot_general3A_37 = tpu.matmul %add3A_33, %get3A_36, %dot_general3A {dimension_numbers = #tpu.dot_dimension_numbers<[1], [0], [0], [1], [0, 0, 1, 1], [], []>, transpose_lhs_hint = false} : vector<400x256xf32>, vector<256x512xf32>, vector<400x512xf32> -> vector<400x512xf32>
    %get3A_38 = arith.constant 0 : index
    %get3A_39 = arith.constant 0 : index
    %get3A_40 = vector.load %arg9[%get3A_38, %get3A_39] : memref<1x512xf32, #tpu.memory_space<vmem>>, vector<1x512xf32>
    %add3A_41 = vector.broadcast %get3A_40 : vector<1x512xf32> to vector<400x512xf32>
    %add3A_42 = arith.addf %dot_general3A_37, %add3A_41 : vector<400x512xf32>
    %max3A = arith.constant 0.000000e+00 : f32
    %max3A_43 = vector.broadcast %max3A : f32 to vector<400x512xf32>
    %max3A_44 = arith.maximumf %add3A_42, %max3A_43 : vector<400x512xf32>
    %get3A_45 = arith.constant 0 : index
    %get3A_46 = arith.constant 0 : index
    %get3A_47 = vector.load %arg10[%get3A_45, %get3A_46] : memref<512x256xf32, #tpu.memory_space<vmem>>, vector<512x256xf32>
    %dot_general3A_48 = arith.constant dense<0.000000e+00> : vector<400x256xf32>
    %dot_general3A_49 = tpu.matmul %max3A_44, %get3A_47, %dot_general3A_48 {dimension_numbers = #tpu.dot_dimension_numbers<[1], [0], [0], [1], [0, 0, 1, 1], [], []>, transpose_lhs_hint = false} : vector<400x512xf32>, vector<512x256xf32>, vector<400x256xf32> -> vector<400x256xf32>
    %get3A_50 = arith.constant 0 : index
    %get3A_51 = arith.constant 0 : index
    %get3A_52 = vector.load %arg11[%get3A_50, %get3A_51] : memref<1x256xf32, #tpu.memory_space<vmem>>, vector<1x256xf32>
    %add3A_53 = vector.broadcast %get3A_52 : vector<1x256xf32> to vector<400x256xf32>
    %add3A_54 = arith.addf %dot_general3A_49, %add3A_53 : vector<400x256xf32>
    %max3A_55 = arith.constant 0.000000e+00 : f32
    %max3A_56 = vector.broadcast %max3A_55 : f32 to vector<400x256xf32>
    %max3A_57 = arith.maximumf %add3A_54, %max3A_56 : vector<400x256xf32>
    %get3A_58 = arith.constant 0 : index
    %get3A_59 = arith.constant 0 : index
    %get3A_60 = vector.load %arg12[%get3A_58, %get3A_59] : memref<2x256xf32, #tpu.memory_space<vmem>>, vector<1x256xf32>
    %mul3A_61 = vector.broadcast %get3A_60 : vector<1x256xf32> to vector<400x256xf32>
    %mul3A_62 = arith.mulf %max3A_57, %mul3A_61 : vector<400x256xf32>
    %get3A_63 = arith.constant 1 : index
    %get3A_64 = arith.constant 0 : index
    %get3A_65 = vector.load %arg12[%get3A_63, %get3A_64] : memref<2x256xf32, #tpu.memory_space<vmem>>, vector<1x256xf32>
    %add3A_66 = vector.broadcast %get3A_65 : vector<1x256xf32> to vector<400x256xf32>
    %add3A_67 = arith.addf %mul3A_62, %add3A_66 : vector<400x256xf32>
    %max3A_68 = arith.constant 0.000000e+00 : f32
    %max3A_69 = vector.broadcast %max3A_68 : f32 to vector<400x256xf32>
    %max3A_70 = arith.maximumf %add3A_67, %max3A_69 : vector<400x256xf32>
    %slice3A = vector.extract_strided_slice %max3A_70 {offsets = [0, 0], sizes = [400, 128], strides = [1, 1]} : vector<400x256xf32> to vector<400x128xf32>
    %swap3A = arith.constant 0 : index
    %swap3A_71 = arith.constant 0 : index
    %swap3A_72 = vector.load %arg13[%swap3A, %swap3A_71] : memref<400x128xf32, #tpu.memory_space<vmem>>, vector<400x128xf32>
    tpu.vector_store %arg13[%swap3A, %swap3A_71], %slice3A {strides = array<i32>} : memref<400x128xf32, #tpu.memory_space<vmem>>, vector<400x128xf32>,
    %slice3A_73 = vector.extract_strided_slice %max3A_70 {offsets = [0, 128], sizes = [400, 128], strides = [1, 1]} : vector<400x256xf32> to vector<400x128xf32>
    %swap3A_74 = arith.constant 0 : index
    %swap3A_75 = arith.constant 0 : index
    %swap3A_76 = vector.load %arg14[%swap3A_74, %swap3A_75] : memref<400x128xf32, #tpu.memory_space<vmem>>, vector<400x128xf32>
    tpu.vector_store %arg14[%swap3A_74, %swap3A_75], %slice3A_73 {strides = array<i32>} : memref<400x128xf32, #tpu.memory_space<vmem>>, vector<400x128xf32>,
    return
  }
  func.func @transform_0(%arg0: i32) -> (i32, i32) {
    %c0_i32 = arith.constant 0 : i32
    %c0_i32_0 = arith.constant 0 : i32
    return %arg0, %c0_i32 : i32, i32
  }
  func.func @transform_1(%arg0: i32) -> (i32, i32) {
    %c0_i32 = arith.constant 0 : i32
    %c0_i32_0 = arith.constant 0 : i32
    return %arg0, %c0_i32 : i32, i32
  }
  func.func @transform_2(%arg0: i32) -> (i32, i32) {
    %c0_i32 = arith.constant 0 : i32
    %c0_i32_0 = arith.constant 0 : i32
    return %arg0, %c0_i32 : i32, i32
  }
  func.func @transform_3(%arg0: i32) -> (i32, i32) {
    %c0_i32 = arith.constant 0 : i32
    %c0_i32_0 = arith.constant 0 : i32
    return %arg0, %c0_i32 : i32, i32
  }
  func.func @transform_4(%arg0: i32) -> (i32, i32) {
    %c0_i32 = arith.constant 0 : i32
    %c0_i32_0 = arith.constant 0 : i32
    return %arg0, %c0_i32 : i32, i32
  }
  func.func @transform_5(%arg0: i32) -> (i32, i32) {
    %c0_i32 = arith.constant 0 : i32
    %c0_i32_0 = arith.constant 0 : i32
    return %arg0, %c0_i32 : i32, i32
  }
  func.func @transform_6(%arg0: i32) -> (i32, i32) {
    %c0_i32 = arith.constant 0 : i32
    %c0_i32_0 = arith.constant 0 : i32
    %c0_i32_1 = arith.constant 0 : i32
    return %c0_i32, %c0_i32_0 : i32, i32
  }
  func.func @transform_7(%arg0: i32) -> (i32, i32) {
    %c0_i32 = arith.constant 0 : i32
    %c0_i32_0 = arith.constant 0 : i32
    %c0_i32_1 = arith.constant 0 : i32
    return %c0_i32, %c0_i32_0 : i32, i32
  }
  func.func @transform_8(%arg0: i32) -> (i32, i32) {
    %c0_i32 = arith.constant 0 : i32
    %c0_i32_0 = arith.constant 0 : i32
    %c0_i32_1 = arith.constant 0 : i32
    return %c0_i32, %c0_i32_0 : i32, i32
  }
  func.func @transform_9(%arg0: i32) -> (i32, i32) {
    %c0_i32 = arith.constant 0 : i32
    %c0_i32_0 = arith.constant 0 : i32
    %c0_i32_1 = arith.constant 0 : i32
    return %c0_i32, %c0_i32_0 : i32, i32
  }
  func.func @transform_10(%arg0: i32) -> (i32, i32) {
    %c0_i32 = arith.constant 0 : i32
    %c0_i32_0 = arith.constant 0 : i32
    %c0_i32_1 = arith.constant 0 : i32
    return %c0_i32, %c0_i32_0 : i32, i32
  }
  func.func @transform_11(%arg0: i32) -> (i32, i32) {
    %c0_i32 = arith.constant 0 : i32
    %c0_i32_0 = arith.constant 0 : i32
    %c0_i32_1 = arith.constant 0 : i32
    return %c0_i32, %c0_i32_0 : i32, i32
  }
  func.func @transform_12(%arg0: i32) -> (i32, i32) {
    %c0_i32 = arith.constant 0 : i32
    %c0_i32_0 = arith.constant 0 : i32
    return %arg0, %c0_i32 : i32, i32
  }
  func.func @transform_13(%arg0: i32) -> (i32, i32) {
    %c0_i32 = arith.constant 0 : i32
    %c0_i32_0 = arith.constant 0 : i32
    return %arg0, %c0_i32 : i32, i32
  }
}

module attributes {stable_mosaic.version = 14 : i64} {
  func.func @body(%arg0: i32, %arg1: memref<400x128xf32, #tpu.memory_space<vmem>>, %arg2: memref<400x128xf32, #tpu.memory_space<vmem>>, %arg3: memref<400x128xf32, #tpu.memory_space<vmem>>, %arg4: memref<400x128xf32, #tpu.memory_space<vmem>>, %arg5: memref<400x128xf32, #tpu.memory_space<vmem>>, %arg6: memref<400x128xf32, #tpu.memory_space<vmem>>, %arg7: memref<400x128xf32, #tpu.memory_space<vmem>>, %arg8: memref<400x128xf32, #tpu.memory_space<vmem>>, %arg9: memref<4x256xf32, #tpu.memory_space<vmem>>, %arg10: memref<256x512xf32, #tpu.memory_space<vmem>>, %arg11: memref<1x512xf32, #tpu.memory_space<vmem>>, %arg12: memref<512x256xf32, #tpu.memory_space<vmem>>, %arg13: memref<1x256xf32, #tpu.memory_space<vmem>>, %arg14: memref<2x256xf32, #tpu.memory_space<vmem>>, %arg15: memref<1x1x400xi32, #tpu.memory_space<vmem>>, %arg16: memref<64x256xf32, #tpu.memory_space<vmem>>) attributes {dimension_semantics = [#tpu.dimension_semantics<arbitrary>], iteration_bounds = array<i64: 25>, scalar_prefetch = 0 : i64, scratch_operands = 0 : i64, tpu.core_type = #tpu.core_type<tc>, window_params = [{transform_indices = @transform_0, window_bounds = array<i64: 400, 128>}, {transform_indices = @transform_1, window_bounds = array<i64: 400, 128>}, {transform_indices = @transform_2, window_bounds = array<i64: 400, 128>}, {transform_indices = @transform_3, window_bounds = array<i64: 400, 128>}, {transform_indices = @transform_4, window_bounds = array<i64: 400, 128>}, {transform_indices = @transform_5, window_bounds = array<i64: 400, 128>}, {transform_indices = @transform_6, window_bounds = array<i64: 400, 128>}, {transform_indices = @transform_7, window_bounds = array<i64: 400, 128>}, {pipeline_mode = #tpu.pipeline_mode<synchronous>, transform_indices = @transform_8, window_bounds = array<i64: 4, 256>}, {pipeline_mode = #tpu.pipeline_mode<synchronous>, transform_indices = @transform_9, window_bounds = array<i64: 256, 512>}, {pipeline_mode = #tpu.pipeline_mode<synchronous>, transform_indices = @transform_10, window_bounds = array<i64: 1, 512>}, {pipeline_mode = #tpu.pipeline_mode<synchronous>, transform_indices = @transform_11, window_bounds = array<i64: 512, 256>}, {pipeline_mode = #tpu.pipeline_mode<synchronous>, transform_indices = @transform_12, window_bounds = array<i64: 1, 256>}, {pipeline_mode = #tpu.pipeline_mode<synchronous>, transform_indices = @transform_13, window_bounds = array<i64: 2, 256>}, {transform_indices = @transform_14, window_bounds = array<i64: 1, 1, 400>}, {pipeline_mode = #tpu.pipeline_mode<synchronous>, transform_indices = @transform_15, window_bounds = array<i64: 64, 256>}]} {
    %get3A = arith.constant 0 : index
    %get3A_0 = arith.constant 0 : index
    %get3A_1 = vector.load %arg1[%get3A, %get3A_0] : memref<400x128xf32, #tpu.memory_space<vmem>>, vector<400x128xf32>
    %get3A_2 = arith.constant 0 : index
    %get3A_3 = arith.constant 0 : index
    %get3A_4 = vector.load %arg2[%get3A_2, %get3A_3] : memref<400x128xf32, #tpu.memory_space<vmem>>, vector<400x128xf32>
    %concatenate3A = tpu.concatenate %get3A_1, %get3A_4 in 1 : vector<400x128xf32>, vector<400x128xf32> -> vector<400x256xf32>
    %get3A_5 = arith.constant 0 : index
    %get3A_6 = arith.constant 0 : index
    %get3A_7 = vector.load %arg9[%get3A_5, %get3A_6] : memref<4x256xf32, #tpu.memory_space<vmem>>, vector<1x256xf32>
    %mul3A = vector.broadcast %get3A_7 : vector<1x256xf32> to vector<400x256xf32>
    %mul3A_8 = arith.mulf %concatenate3A, %mul3A : vector<400x256xf32>
    %get3A_9 = arith.constant 0 : index
    %get3A_10 = arith.constant 0 : index
    %get3A_11 = vector.load %arg3[%get3A_9, %get3A_10] : memref<400x128xf32, #tpu.memory_space<vmem>>, vector<400x128xf32>
    %get3A_12 = arith.constant 0 : index
    %get3A_13 = arith.constant 0 : index
    %get3A_14 = vector.load %arg4[%get3A_12, %get3A_13] : memref<400x128xf32, #tpu.memory_space<vmem>>, vector<400x128xf32>
    %concatenate3A_15 = tpu.concatenate %get3A_11, %get3A_14 in 1 : vector<400x128xf32>, vector<400x128xf32> -> vector<400x256xf32>
    %get3A_16 = arith.constant 1 : index
    %get3A_17 = arith.constant 0 : index
    %get3A_18 = vector.load %arg9[%get3A_16, %get3A_17] : memref<4x256xf32, #tpu.memory_space<vmem>>, vector<1x256xf32>
    %mul3A_19 = vector.broadcast %get3A_18 : vector<1x256xf32> to vector<400x256xf32>
    %mul3A_20 = arith.mulf %concatenate3A_15, %mul3A_19 : vector<400x256xf32>
    %add3A = arith.addf %mul3A_8, %mul3A_20 : vector<400x256xf32>
    %get3A_21 = arith.constant 0 : index
    %get3A_22 = arith.constant 0 : index
    %get3A_23 = vector.load %arg5[%get3A_21, %get3A_22] : memref<400x128xf32, #tpu.memory_space<vmem>>, vector<400x128xf32>
    %get3A_24 = arith.constant 0 : index
    %get3A_25 = arith.constant 0 : index
    %get3A_26 = vector.load %arg6[%get3A_24, %get3A_25] : memref<400x128xf32, #tpu.memory_space<vmem>>, vector<400x128xf32>
    %concatenate3A_27 = tpu.concatenate %get3A_23, %get3A_26 in 1 : vector<400x128xf32>, vector<400x128xf32> -> vector<400x256xf32>
    %get3A_28 = arith.constant 2 : index
    %get3A_29 = arith.constant 0 : index
    %get3A_30 = vector.load %arg9[%get3A_28, %get3A_29] : memref<4x256xf32, #tpu.memory_space<vmem>>, vector<1x256xf32>
    %mul3A_31 = vector.broadcast %get3A_30 : vector<1x256xf32> to vector<400x256xf32>
    %mul3A_32 = arith.mulf %concatenate3A_27, %mul3A_31 : vector<400x256xf32>
    %add3A_33 = arith.addf %add3A, %mul3A_32 : vector<400x256xf32>
    %get3A_34 = arith.constant 0 : index
    %get3A_35 = arith.constant 0 : index
    %get3A_36 = vector.load %arg7[%get3A_34, %get3A_35] : memref<400x128xf32, #tpu.memory_space<vmem>>, vector<400x128xf32>
    %get3A_37 = arith.constant 0 : index
    %get3A_38 = arith.constant 0 : index
    %get3A_39 = vector.load %arg8[%get3A_37, %get3A_38] : memref<400x128xf32, #tpu.memory_space<vmem>>, vector<400x128xf32>
    %concatenate3A_40 = tpu.concatenate %get3A_36, %get3A_39 in 1 : vector<400x128xf32>, vector<400x128xf32> -> vector<400x256xf32>
    %get3A_41 = arith.constant 3 : index
    %get3A_42 = arith.constant 0 : index
    %get3A_43 = vector.load %arg9[%get3A_41, %get3A_42] : memref<4x256xf32, #tpu.memory_space<vmem>>, vector<1x256xf32>
    %mul3A_44 = vector.broadcast %get3A_43 : vector<1x256xf32> to vector<400x256xf32>
    %mul3A_45 = arith.mulf %concatenate3A_40, %mul3A_44 : vector<400x256xf32>
    %add3A_46 = arith.addf %add3A_33, %mul3A_45 : vector<400x256xf32>
    %get3A_47 = arith.constant 0 : index
    %get3A_48 = arith.constant 0 : index
    %get3A_49 = vector.load %arg10[%get3A_47, %get3A_48] : memref<256x512xf32, #tpu.memory_space<vmem>>, vector<256x512xf32>
    %dot_general3A = arith.constant dense<0.000000e+00> : vector<400x512xf32>
    %dot_general3A_50 = tpu.matmul %add3A_46, %get3A_49, %dot_general3A {dimension_numbers = #tpu.dot_dimension_numbers<[1], [0], [0], [1], [0, 0, 1, 1], [], []>, transpose_lhs_hint = false} : vector<400x256xf32>, vector<256x512xf32>, vector<400x512xf32> -> vector<400x512xf32>
    %get3A_51 = arith.constant 0 : index
    %get3A_52 = arith.constant 0 : index
    %get3A_53 = vector.load %arg11[%get3A_51, %get3A_52] : memref<1x512xf32, #tpu.memory_space<vmem>>, vector<1x512xf32>
    %add3A_54 = vector.broadcast %get3A_53 : vector<1x512xf32> to vector<400x512xf32>
    %add3A_55 = arith.addf %dot_general3A_50, %add3A_54 : vector<400x512xf32>
    %max3A = arith.constant 0.000000e+00 : f32
    %max3A_56 = vector.broadcast %max3A : f32 to vector<400x512xf32>
    %max3A_57 = arith.maximumf %add3A_55, %max3A_56 : vector<400x512xf32>
    %get3A_58 = arith.constant 0 : index
    %get3A_59 = arith.constant 0 : index
    %get3A_60 = vector.load %arg12[%get3A_58, %get3A_59] : memref<512x256xf32, #tpu.memory_space<vmem>>, vector<512x256xf32>
    %dot_general3A_61 = arith.constant dense<0.000000e+00> : vector<400x256xf32>
    %dot_general3A_62 = tpu.matmul %max3A_57, %get3A_60, %dot_general3A_61 {dimension_numbers = #tpu.dot_dimension_numbers<[1], [0], [0], [1], [0, 0, 1, 1], [], []>, transpose_lhs_hint = false} : vector<400x512xf32>, vector<512x256xf32>, vector<400x256xf32> -> vector<400x256xf32>
    %get3A_63 = arith.constant 0 : index
    %get3A_64 = arith.constant 0 : index
    %get3A_65 = vector.load %arg13[%get3A_63, %get3A_64] : memref<1x256xf32, #tpu.memory_space<vmem>>, vector<1x256xf32>
    %add3A_66 = vector.broadcast %get3A_65 : vector<1x256xf32> to vector<400x256xf32>
    %add3A_67 = arith.addf %dot_general3A_62, %add3A_66 : vector<400x256xf32>
    %max3A_68 = arith.constant 0.000000e+00 : f32
    %max3A_69 = vector.broadcast %max3A_68 : f32 to vector<400x256xf32>
    %max3A_70 = arith.maximumf %add3A_67, %max3A_69 : vector<400x256xf32>
    %get3A_71 = arith.constant 0 : index
    %get3A_72 = arith.constant 0 : index
    %get3A_73 = vector.load %arg14[%get3A_71, %get3A_72] : memref<2x256xf32, #tpu.memory_space<vmem>>, vector<1x256xf32>
    %mul3A_74 = vector.broadcast %get3A_73 : vector<1x256xf32> to vector<400x256xf32>
    %mul3A_75 = arith.mulf %max3A_70, %mul3A_74 : vector<400x256xf32>
    %get3A_76 = arith.constant 1 : index
    %get3A_77 = arith.constant 0 : index
    %get3A_78 = vector.load %arg14[%get3A_76, %get3A_77] : memref<2x256xf32, #tpu.memory_space<vmem>>, vector<1x256xf32>
    %add3A_79 = vector.broadcast %get3A_78 : vector<1x256xf32> to vector<400x256xf32>
    %add3A_80 = arith.addf %mul3A_75, %add3A_79 : vector<400x256xf32>
    %get3A_81 = arith.constant 0 : index
    %get3A_82 = arith.constant 0 : index
    %get3A_83 = arith.constant 0 : index
    %get3A_84 = vector.load %arg15[%get3A_81, %get3A_82, %get3A_83] : memref<1x1x400xi32, #tpu.memory_space<vmem>>, vector<1x1x400xi32>
    %get3A_85 = vector.shape_cast %get3A_84 : vector<1x1x400xi32> to vector<400xi32>
    %iota3A = tpu.iota {dimensions = array<i32: 1>} : vector<400x64xi32>
    %broadcast_in_dim3A = vector.shape_cast %get3A_85 : vector<400xi32> to vector<400x1xi32>
    %eq3A = vector.broadcast %broadcast_in_dim3A : vector<400x1xi32> to vector<400x64xi32>
    %eq3A_86 = arith.cmpi eq, %eq3A, %iota3A : vector<400x64xi32>
    %convert_element_type3A = arith.extui %eq3A_86 : vector<400x64xi1> to vector<400x64xi32>
    %convert_element_type3A_87 = arith.sitofp %convert_element_type3A : vector<400x64xi32> to vector<400x64xf32>
    %dot_general3A_88 = arith.constant dense<0.000000e+00> : vector<64x256xf32>
    %dot_general3A_89 = tpu.matmul %convert_element_type3A_87, %add3A_80, %dot_general3A_88 {dimension_numbers = #tpu.dot_dimension_numbers<[0], [0], [1], [1], [0, 1, 1, 1], [], []>, transpose_lhs_hint = false} : vector<400x64xf32>, vector<400x256xf32>, vector<64x256xf32> -> vector<64x256xf32>
    %eq3A_90 = arith.constant 0 : i32
    %eq3A_91 = arith.cmpi eq, %arg0, %eq3A_90 : i32
    %convert_element_type3A_92 = arith.extui %eq3A_91 : i1 to i32
    %cond3A = arith.constant 0 : i32
    %cond3A_93 = arith.cmpi ne, %convert_element_type3A_92, %cond3A : i32
    scf.if %cond3A_93 {
      %broadcast_in_dim3A_100 = arith.constant 0.000000e+00 : f32
      %broadcast_in_dim3A_101 = vector.broadcast %broadcast_in_dim3A_100 : f32 to vector<64x256xf32>
      %swap3A_102 = arith.constant 0 : index
      %swap3A_103 = arith.constant 0 : index
      %swap3A_104 = vector.load %arg16[%swap3A_102, %swap3A_103] : memref<64x256xf32, #tpu.memory_space<vmem>>, vector<64x256xf32>
      tpu.vector_store %arg16[%swap3A_102, %swap3A_103], %broadcast_in_dim3A_101 {strides = array<i32>} : memref<64x256xf32, #tpu.memory_space<vmem>>, vector<64x256xf32>,
    } else {
    }
    %get3A_94 = arith.constant 0 : index
    %get3A_95 = arith.constant 0 : index
    %get3A_96 = vector.load %arg16[%get3A_94, %get3A_95] : memref<64x256xf32, #tpu.memory_space<vmem>>, vector<64x256xf32>
    %add3A_97 = arith.addf %get3A_96, %dot_general3A_89 : vector<64x256xf32>
    %swap3A = arith.constant 0 : index
    %swap3A_98 = arith.constant 0 : index
    %swap3A_99 = vector.load %arg16[%swap3A, %swap3A_98] : memref<64x256xf32, #tpu.memory_space<vmem>>, vector<64x256xf32>
    tpu.vector_store %arg16[%swap3A, %swap3A_98], %add3A_97 {strides = array<i32>} : memref<64x256xf32, #tpu.memory_space<vmem>>, vector<64x256xf32>,
    return
  }
  func.func @transform_0(%arg0: i32) -> (i32, i32) {
    %c0_i32 = arith.constant 0 : i32
    %c0_i32_0 = arith.constant 0 : i32
    return %arg0, %c0_i32 : i32, i32
  }
  func.func @transform_1(%arg0: i32) -> (i32, i32) {
    %c0_i32 = arith.constant 0 : i32
    %c0_i32_0 = arith.constant 0 : i32
    return %arg0, %c0_i32 : i32, i32
  }
  func.func @transform_2(%arg0: i32) -> (i32, i32) {
    %c0_i32 = arith.constant 0 : i32
    %c0_i32_0 = arith.constant 0 : i32
    return %arg0, %c0_i32 : i32, i32
  }
  func.func @transform_3(%arg0: i32) -> (i32, i32) {
    %c0_i32 = arith.constant 0 : i32
    %c0_i32_0 = arith.constant 0 : i32
    return %arg0, %c0_i32 : i32, i32
  }
  func.func @transform_4(%arg0: i32) -> (i32, i32) {
    %c0_i32 = arith.constant 0 : i32
    %c0_i32_0 = arith.constant 0 : i32
    return %arg0, %c0_i32 : i32, i32
  }
  func.func @transform_5(%arg0: i32) -> (i32, i32) {
    %c0_i32 = arith.constant 0 : i32
    %c0_i32_0 = arith.constant 0 : i32
    return %arg0, %c0_i32 : i32, i32
  }
  func.func @transform_6(%arg0: i32) -> (i32, i32) {
    %c0_i32 = arith.constant 0 : i32
    %c0_i32_0 = arith.constant 0 : i32
    return %arg0, %c0_i32 : i32, i32
  }
  func.func @transform_7(%arg0: i32) -> (i32, i32) {
    %c0_i32 = arith.constant 0 : i32
    %c0_i32_0 = arith.constant 0 : i32
    return %arg0, %c0_i32 : i32, i32
  }
  func.func @transform_8(%arg0: i32) -> (i32, i32) {
    %c0_i32 = arith.constant 0 : i32
    %c0_i32_0 = arith.constant 0 : i32
    %c0_i32_1 = arith.constant 0 : i32
    return %c0_i32, %c0_i32_0 : i32, i32
  }
  func.func @transform_9(%arg0: i32) -> (i32, i32) {
    %c0_i32 = arith.constant 0 : i32
    %c0_i32_0 = arith.constant 0 : i32
    %c0_i32_1 = arith.constant 0 : i32
    return %c0_i32, %c0_i32_0 : i32, i32
  }
  func.func @transform_10(%arg0: i32) -> (i32, i32) {
    %c0_i32 = arith.constant 0 : i32
    %c0_i32_0 = arith.constant 0 : i32
    %c0_i32_1 = arith.constant 0 : i32
    return %c0_i32, %c0_i32_0 : i32, i32
  }
  func.func @transform_11(%arg0: i32) -> (i32, i32) {
    %c0_i32 = arith.constant 0 : i32
    %c0_i32_0 = arith.constant 0 : i32
    %c0_i32_1 = arith.constant 0 : i32
    return %c0_i32, %c0_i32_0 : i32, i32
  }
  func.func @transform_12(%arg0: i32) -> (i32, i32) {
    %c0_i32 = arith.constant 0 : i32
    %c0_i32_0 = arith.constant 0 : i32
    %c0_i32_1 = arith.constant 0 : i32
    return %c0_i32, %c0_i32_0 : i32, i32
  }
  func.func @transform_13(%arg0: i32) -> (i32, i32) {
    %c0_i32 = arith.constant 0 : i32
    %c0_i32_0 = arith.constant 0 : i32
    %c0_i32_1 = arith.constant 0 : i32
    return %c0_i32, %c0_i32_0 : i32, i32
  }
  func.func @transform_14(%arg0: i32) -> (i32, i32, i32) {
    %c0_i32 = arith.constant 0 : i32
    %c0_i32_0 = arith.constant 0 : i32
    %c0_i32_1 = arith.constant 0 : i32
    return %arg0, %c0_i32, %c0_i32_0 : i32, i32, i32
  }
  func.func @transform_15(%arg0: i32) -> (i32, i32) {
    %c0_i32 = arith.constant 0 : i32
    %c0_i32_0 = arith.constant 0 : i32
    %c0_i32_1 = arith.constant 0 : i32
    return %c0_i32, %c0_i32_0 : i32, i32
  }
}

</mosaic_0001>

<sc_bundles>
// kernel: kernel.13.cloned.1.call-start
scs
__scs_entry_jumppad:
0x0: {  	(pc) =	sbr.rel $0x88, $3  }
0x1: {  	(tag) =	ssettag $0x0;
	lr =	simm.s32 $0x1  }
0x2: {  	[smem:$0x3F61] =	sst lr;
	_ =	strace $0xD0000000  }
0x3: {  	_ = 	snop  }
0x4: {  	_ = 	snop  }
0x5: {  	_ = 	snop  }
0x6: {  	_ = 	snop  }
0x7: {  	_ = 	snop  }
__scs_overlays_trampoline_lowered:
0x8: {  	[smem:$0x3F70] =	sst s0  }
0x9: {  	[smem:$0x3F71] =	sst s1  }
0xa: {  	[smem:$0x3F72] =	sst s2  }
0xb: {  	[smem:$0x3F73] =	sst s3  }
0xc: {  	[smem:$0x3F74] =	sst s4  }
0xd: {  	[smem:$0x3F75] =	sst s5  }
0xe: {  	[smem:$0x3F76] =	sst s6  }
0xf: {  	[smem:$0x3F77] =	sst s7  }
0x10: {  	[smem:$0x3F78] =	sst s8  }
0x11: {  	[smem:$0x3F79] =	sst s9;
	s0 =	simm.s32 @!p0 $0x0  }
0x12: {  	s1 =	sld [smem:$0x3F5F];
	s0 =	simm.s32 @p0 $0x1  }
0x13: {  	[smem:$0x3F7A] =	sst s0;
	s0 =	simm.s32 @!p1 $0x0  }
0x14: {  	s2 =	sld [smem:$0x3F5E];
	s0 =	simm.s32 @p1 $0x1  }
0x15: {  	[smem:$0x3F7B] =	sst s0;
	s0 =	simm.s32 @!p2 $0x0  }
0x16: {  	s3 =	sld [smem:$0x3FDB];
	s0 =	simm.s32 @p2 $0x1  }
0x17: {  	s4 =	simm.s32 $0x1BF5;
	[smem:$0x3F7D] =	sst s0  }
0x18: {  	s0 =	sld [smem:$0x3F60];
	_ =	swait.ge [sflag:s4], $0x0  }
0x19: {  	s7 =	sld [smem:$0x3F61]  }
0x1a: {  	s8 =	sadd.s32 $0xFFFFE003, lr  }
0x1b: {  	s9 =	sadd.s32 $0xFFFFFEF7, lr;
	s5 =	simm.s32 $0xFFFFFFFF;
	p2 =	slt.u32 s8, $0xFFFFF086  }
0x1c: {  	p1 =	slt.u32 s9, $0xF7A;
	s5 =	simm.s32 @!p2 $0x0  }
0x1d: {  	s5 =	simm.s32 @p1 $0x1;
	p0 =	seq.s32 s7, s2  }
0x1e: {  	s7 =	smul.u32 @!p0 $0xF7A, s2;
	p2 =	seq.s32 @!p0 s5, $0x0  }
0x1f: {  	s9 =	smul.u32 $0xF7A, s1;
	s8 =	simm.s32 @!p0 $0x1BF5;
	p2 =	por !p2, p0  }
0x20: {  	[sflag:s8] =	ssyncset.s32 @!p0 $0xFFFFF086;
	s6 =	sadd.s32 @!p0 s3, s7;
	s7 =	simm.s32 @!p0 $0x108  }
0x21: {  	s3 =	sadd.s32 s3, s9;
	s6 =	sadd.s32 @!p0 $0x88, s6;
	s7 =	simm.s32 @p2 $0x1082  }
0x22: {  	[simem:s7], [sflag:s8] =	dma.local @!p0 [hbm:s6], $0xF7A  }
0x23: {  	s9 =	sor.u32 $0xD0000000, s2;
	s6 =	simm.s32 $0x108;
	_ =	swait.ge @!p0 [sflag:s8], $0x0  }
0x24: {  	s3 =	sadd.s32 $0x88, s3;
	s6 =	simm.s32 @!p1 $0x1082;
	[sflag:s4] =	ssyncset.s32 $0xFFFFF086  }
0x25: {  	[simem:s6], [sflag:s4] =	dma.local [hbm:s3], $0xF7A  }
0x26: {  	[smem:$0x3F61] =	sst s1;
	(tag) =	ssettag s2;
	_ =	strace s9  }
0x27: {  	s1 =	sld [smem:$0x3F71]  }
0x28: {  	s2 =	sld [smem:$0x3F72]  }
0x29: {  	s4 =	sld [smem:$0x3F74]  }
0x2a: {  	p0 =	seq.s32 s5, $0x0;
	s5 =	sld [smem:$0x3F75]  }
0x2b: {  	s6 =	sld [smem:$0x3F76]  }
0x2c: {  	s7 =	sld [smem:$0x3F77]  }
0x2d: {  	s3 =	simm.s32 $0x108;
	s8 =	sld [smem:$0x3F78]  }
0x2e: {  	s3 =	simm.s32 @!p0 $0x1082;
	s9 =	sld [smem:$0x3F79]  }
0x2f: {  	lr =	sadd.s32 s0, s3;
	s0 =	sld [smem:$0x3F70]  }
0x30: {  	s3 =	sld [smem:$0x3F73]  }
0x31: {  	[smem:$0x3F7C] =	sst s10  }
0x32: {  	s10 =	sld [smem:$0x3F7A];
	_ =	sdelay $0x3  }
0x33: {  	p0 =	seq.s32 s10, $0x1;
	s10 =	sld [smem:$0x3F7C];
	_ =	sdelay $0x3  }
0x34: {  	[smem:$0x3F7C] =	sst s10  }
0x35: {  	s10 =	sld [smem:$0x3F7B];
	_ =	sdelay $0x3  }
0x36: {  	p1 =	seq.s32 s10, $0x1;
	s10 =	sld [smem:$0x3F7C];
	_ =	sdelay $0x3  }
0x37: {  	[smem:$0x3F7C] =	sst s10  }
0x38: {  	s10 =	sld [smem:$0x3F7D]  }
0x39: {  	_ = 	snop;
	(pc) =	sbr.ind lr, $3  }
0x3a: {  	_ = 	snop  }
0x3b: {  	_ = 	snop  }
0x3c: {  	p2 =	seq.s32 s10, $0x1;
	s10 =	sld [smem:$0x3F7C]  }
0x3d: {  	_ =	shalt  }
0x3e: {  	_ =	shalt  }
0x3f: {  	_ =	shalt  }
0x40: {  	_ =	shalt  }
0x41: {  	_ =	shalt  }
0x42: {  	_ =	shalt  }
0x43: {  	_ =	shalt  }
0x44: {  	_ =	shalt  }
0x45: {  	_ =	shalt  }
0x46: {  	_ =	shalt  }
0x47: {  	_ =	shalt  }
0x48: {  	_ =	shalt  }
0x49: {  	_ =	shalt  }
0x4a: {  	_ =	shalt  }
0x4b: {  	_ =	shalt  }
0x4c: {  	_ =	shalt  }
0x4d: {  	_ =	shalt  }
0x4e: {  	_ =	shalt  }
0x4f: {  	_ =	shalt  }
0x50: {  	_ =	shalt  }
0x51: {  	_ =	shalt  }
0x52: {  	_ =	shalt  }
0x53: {  	_ =	shalt  }
0x54: {  	_ =	shalt  }
0x55: {  	_ =	shalt  }
0x56: {  	_ =	shalt  }
0x57: {  	_ =	shalt  }
0x58: {  	_ =	shalt  }
0x59: {  	_ =	shalt  }
0x5a: {  	_ =	shalt  }
0x5b: {  	_ =	shalt  }
0x5c: {  	_ =	shalt  }
0x5d: {  	_ =	shalt  }
0x5e: {  	_ =	shalt  }
0x5f: {  	_ =	shalt  }
0x60: {  	_ =	shalt  }
0x61: {  	_ =	shalt  }
0x62: {  	_ =	shalt  }
0x63: {  	_ =	shalt  }
0x64: {  	_ =	shalt  }
0x65: {  	_ =	shalt  }
0x66: {  	_ =	shalt  }
0x67: {  	_ =	shalt  }
0x68: {  	_ =	shalt  }
0x69: {  	_ =	shalt  }
0x6a: {  	_ =	shalt  }
0x6b: {  	_ =	shalt  }
0x6c: {  	_ =	shalt  }
0x6d: {  	_ =	shalt  }
0x6e: {  	_ =	shalt  }
0x6f: {  	_ =	shalt  }
0x70: {  	_ =	shalt  }
0x71: {  	_ =	shalt  }
0x72: {  	_ =	shalt  }
0x73: {  	_ =	shalt  }
0x74: {  	_ =	shalt  }
0x75: {  	_ =	shalt  }
0x76: {  	_ =	shalt  }
0x77: {  	_ =	shalt  }
0x78: {  	_ =	shalt  }
0x79: {  	_ =	shalt  }
0x7a: {  	_ =	shalt  }
0x7b: {  	_ =	shalt  }
0x7c: {  	_ =	shalt  }
0x7d: {  	_ =	shalt  }
0x7e: {  	_ =	shalt  }
0x7f: {  	_ =	shalt  }
0x80: {  	_ =	shalt  }
0x81: {  	_ =	shalt  }
0x82: {  	_ =	shalt  }
0x83: {  	_ =	shalt  }
0x84: {  	_ =	shalt  }
0x85: {  	_ =	shalt  }
0x86: {  	_ =	shalt  }
0x87: {  	_ =	shalt  }
.Lfunc_end0:
.L_simem_size_0:
called_computation_lowered:
.L_overlay_start_0:
0x88: {  	s2 =	sld [smem:$0x3FD9]  }
0x89: {  	s3 =	sld [smem:$0x3FFE];
	_ =	sdelay $0x1  }
0x8a: {  	s1 =	srdreg.scid  }
0x8b: {  	s0 =	sand.u32 $0x1, s1  }
0x8c: {  	s16 =	sshll.u32 s0, $0xA;
	s2 =	sadd.s32 s3, s2  }
0x8d: {  	s2 =	sadd.s32 s2, s16  }
0x8e: {  	[smem:$0x3F88] =	sst s2  }
0x8f: {  	_ = 	snop  }
0x90: {  	(tm) =	ssettm $0x1  }
0x91: {  	s17 =	sld [smem:$0x3FFB];
	_ =	sdelay $0x3  }
0x92: {  	_ =	strace s17  }
0x93: {  	s2 =	sld [smem:$0x3FFC];
	_ =	sdelay $0x3  }
0x94: {  	_ =	strace s2  }
0x95: {  	s2 =	sld [smem:$0x3FFD];
	_ =	sdelay $0x3  }
0x96: {  	_ =	strace s2  }
0x97: {  	_ =	strace $0x8FFFFFFF  }
0x98: {  	s18 =	sld [smem:$0x3FDB];
	_ =	sdelay $0x1  }
0x99: {  	s19 =	simm.s32 $_scs_section_size  }
0x9a: {  	s4 =	simm.s32 $_size__tile_overlayer_lowered;
	s5 =	simm.s32 $_tile_overlayer_lowered  }
0x9b: {  	s22 =	simm.s32 $0x1BFF;
	s21 =	sshll.u32 s5, $0x1;
	s2 =	sadd.s32 s19, s18  }
0x9c: {  	s6 =	simm.s32 $0x0;
	s20 =	sshll.u32 s4, $0x1;
	s4 =	sadd.s32 s21, s2  }
0x9d: {  	[timem:s6], [sflag:s22] =	dma.local [hbm:s4], s20  }
0x9e: {  	_ =	swait.ge [sflag:s22], s20  }
0x9f: {  	s3 =	ssub.s32 $0x0, s20;
	[sflag:s22] =	ssyncset.done $0x0  }
0xa0: {  	[sflag:s22] =	ssyncadd.s32 s3;
	_ =	sdelay $0x1  }
0xa1: {  	s23 =	simm.s32 $0x1B8B  }
0xa2: {  	_ =	swait.ge [sflag:s23], $0x1  }
0xa3: {  	[sflag:s23] =	ssyncset.done $0x0  }
0xa4: {  	s25 =	simm.s32 $0x1B8E;
	s24 =	sld [smem:$0x3FFE];
	[sflag:s23] =	ssyncadd.s32 $0xFFFFFFFF  }
0xa5: {  	s26 =	simm.s32 $execute0_lowered;
	[smem:$0x3FD2] =	sst s25  }
0xa6: {  	s4 =	sshll.u32 s26, $0x1;
	_ =	strace $0x80000046;
	[dreg:$0x1] =	wrdreg $0xFFFFFFFF  }
0xa7: {  	s28 =	simm.s32 $_size_execute0_lowered;
	s2 =	sadd.s32 s2, s4;
	[dreg:$0x0] =	wrdreg $0x0  }
0xa8: {  	s4 =	sshll.u32 s28, $0x1;
	[dreg:$0x2] =	wrdreg s2  }
0xa9: {  	[dreg:$0x3] =	wrdreg s4  }
0xaa: {  	[dreg:$0x4] =	wrdreg $0xC0  }
0xab: {  	_ =	task [dreg:s6], $0x5FFFF  }
0xac: {  	[dreg:$0x1] =	wrdreg $0xFFFFFFFF  }
0xad: {  	[dreg:$0x0] =	wrdreg $0x60  }
0xae: {  	[dreg:$0x2] =	wrdreg s24  }
0xaf: {  	[dreg:$0x3] =	wrdreg $0x31000  }
0xb0: {  	[dreg:$0x4] =	wrdreg $0xA  }
0xb1: {  	_ =	task.clear_ibuf [dreg:s6], $0x5FFFF;
	_ =	strace $0x90000046  }
0xb2: {  	s29 =	simm.s32 $0xA;
	_ =	strace $0x80000048  }
0xb3: {  	_ =	swait.ge [sflag:s29], $0x1  }
0xb4: {  	[sflag:s29] =	ssyncadd.s32 $0xFFFFFFFF  }
0xb5: {  	_ =	strace $0x90000048  }
0xb6: {  	_ =	sfence  }
0xb7: {  	s30 =	sld [smem:$0x0];
	_ =	sdelay $0x2  }
0xb8: {  	s31 =	sshll.u32 s1, $0xD;
	s1 =	sshrl.u32 s1, $0x2  }
0xb9: {  	s3 =	sand.u32 $0x4000, s31;
	s1 =	sadd.s32 s1, s30  }
0xba: {  	s0 =	sor.u32 s3, s0;
	s1 =	sshll.u32 s1, $0x11  }
0xbb: {  	s0 =	sor.u32 s1, s0  }
0xbc: {  	s0 =	sadd.s32 $0x8F2B, s0  }
0xbd: {  	[sflag:s0] =	ssyncadd.remote.s32 $0x1  }
0xbe: {  	_ =	sfence.sel $0xFFFF  }
0xbf: {  	[dreg:$0x0] =	wrdreg $0xFFFFFFFF;
	(pc) =	sbr.abs _section_cstart, $3  }
0xc0: {  	[dreg:$0x1] =	wrdreg $0xFFFFFFFF  }
0xc1: {  	_ =	task.clear_ibuf [dreg:s6], $0x2FFFF;
	_ =	strace $0x9FFFFFFF  }
0xc2: {  	(tm) =	ssettm $0x7FFFFFFF  }
0xc3: {  	_ =	shalt  }
tec
execute0_lowered:
.L_overlay_start_1:
0x0: {  	(tag) =	ssettag $0x1  }
0x1: {  	s10 =	rddreg [dreg:$0x0]  }
0x2: {  	s1 =	rddreg [dreg:$0x1]  }
0x3: {  	s0 =	rddreg [dreg:$0x2];
	s2 =	simm.s32 $0x0;
	s8 =	srdreg.scid  }
0x4: {  	s4 =	stileid.u32;
	s17 =	simm.s32 $0x2900;
	s18 =	simm.s32 $0x2  }
0x5: {  	s20 =	simm.s32 $0x100;
	s21 =	simm.s32 $0x50;
	s22 =	simm.s32 $0x1  }
0x6: {  	[smem:$0x7FF] =	sst s2;
	s3 =	sadd.s32 $0x10A00, s10;
	s5 =	sadd.s32 $0x37C00, s10  }
0x7: {  	s6 =	sadd.s32 $0x300E00, s10;
	s7 =	sadd.s32 $0x571E00, s10;
	s19 =	sand.u32 $0x1, s8  }
0x8: {  	s8 =	sadd.s32 $0x2F7000, s10;
	s12 =	smul.u32 $0x4E000, s4;
	s9 =	sadd.s32 $0xAD200, s10  }
0x9: {  	s10 =	sadd.s32 $0xD4400, s10;
	s15 =	smul.u32 $0x2700, s4;
	p0 =	sne.s32 s4, $0xF  }
.Ltmp0:
0xa: {  	p2 =	seq.s32 s4, $0xF;
	_ =	strace $0x80000047;
	(pc) =	sbr.rel .LBB2_1-.Ltmp0, $4  }
0xb: {  	s11 =	ssub.s32 $0x2, s19;
	p1 =	sne.s32 s19, $0x0;
	s19 =	simm.s32 $0x80  }
0xc: {  	s13 =	sshrl.u32 s11, $0x1;
	s31 =	sshrl.u32 s12, $0x2;
	s12 =	sadd.s32 $0x138000, s1  }
0xd: {  	s14 =	sadd.s32 s10, s15;
	s15 =	sadd.s32 s9, s15;
	s16 =	ssub.s32 s11, s13  }
0xe: {  	v0 =	vimm.f32 $0.0e+00;
	s11 =	sadd.s32 s31, s1;
	s13 =	smul.u32 $0x2710, s4;
	s16 =	smax.u32 s16, $0x1  }
.LBB2_14:
0xf: {  	s24 =	sadd.s32 $0x27000, s24;
	s25 =	sshrl.u32 s12, $0x3  }
0x10: {  	[hbm:s24], [sflag:s23] =	dma.local [spmem:s25], $0x100  }
0x11: {  	_ =	swait.ge [sflag:s18], $0x100  }
0x12: {  	[sflag:s18] =	ssyncset.done $0x0  }
0x13: {  	[sflag:s18] =	ssyncadd.s32 $0xFFFFFF00  }
.LBB2_15:
0x14: {  	s2 =	sadd.s32 $0x1, s2  }
0x15: {  	p3 =	sne.s32 s2, s16  }
.Ltmp1:
0x16: {  	_ = 	snop;
	(pc) =	sbr.rel @!p3 .LBB2_16-.Ltmp1, $1  }
0x17: {  	_ =	sdelay $0x3  }
.LBB2_1:
0x18: {  	s23 =	simm.s32 $0x0;
	s24 =	simm.s32 $0x0  }
.LBB2_2:
0x19: {  	p3 =	sne.s32 s24, $0x1FC0  }
.Ltmp2:
0x1a: {  	_ = 	snop;
	(pc) =	sbr.rel @p3 .LBB2_2-.Ltmp2, $4  }
0x1b: {  	s25 =	sand.u32 $0x1E00, s24  }
0x1c: {  	s26 =	sand.u32 $0x70, s23;
	s25 =	sshrl.u32 s25, $0x2  }
0x1d: {  	s25 =	sor.u32 s26, s25  }
0x1e: {  	s23 =	sadd.s32 $0x10, s23;
	s24 =	sadd.s32 $0x40, s24;
	[tilespmem:s25+$0x2900] =	vst v0  }
0x1f: {  	s23 =	sadd.s32 $0x0, s11  }
0x20: {  	[spmem:s23] =	stream.linear.scatter [tilespmem:s17], [sflag:$0x2], $0x800, $0x38;
	[tilespmem:$0x16980] =	vst v63  }
0x21: {  	s23 =	simm.s32 $0x2000;
	_ =	swait.ge [sflag:s18], $0x800  }
.LBB2_4:
0x22: {  	s24 =	sshra.s32 s23, $0x2;
	[sflag:s18] =	ssyncset.done $0x0;
	p3 =	sne.s32 s23, $0x4C000  }
.Ltmp3:
0x23: {  	s24 =	sadd.s32 s24, s11;
	[sflag:s18] =	ssyncadd.s32 $0xFFFFF800;
	(pc) =	sbr.rel @p3 .LBB2_4-.Ltmp3, $3  }
0x24: {  	[spmem:s24] =	stream.linear.scatter [tilespmem:s17], [sflag:$0x2], $0x800, $0x38;
	[tilespmem:$0x16980] =	vst v63  }
0x25: {  	s23 =	sadd.s32 $0x2000, s23;
	_ =	sdelay $0x1  }
0x26: {  	_ =	swait.ge [sflag:s18], $0x800  }
0x27: {  	[sflag:s18] =	ssyncset.done $0x0  }
0x28: {  	s23 =	simm.s32 @!p0 $0x2900;
	[sflag:s18] =	ssyncadd.s32 $0xFFFFF800  }
0x29: {  	[spmem:s12] =	stream.linear.scatter @!p0 [tilespmem:s23], [sflag:$0x2], $0x800, $0x38;
	[tilespmem:$0x16980] =	vst v63  }
0x2a: {  	s23 =	simm.s32 @!p0 $0x2  }
.Ltmp4:
0x2b: {  	_ =	swait.ge @!p0 [sflag:s23], $0x800;
	(pc) =	sbr.rel @p1 .LBB2_10-.Ltmp4, $4  }
0x2c: {  	[sflag:s23] =	ssyncset.done @!p0 $0x0  }
0x2d: {  	[sflag:s23] =	ssyncadd.s32 @!p0 $0xFFFFF800  }
0x2e: {  	[bflag:$0x0] =	sbarrier.arrive $0xFFFF  }
0x2f: {  	s24 =	simm.s32 $0x0;
	s25 =	simm.s32 $0x0;
	s23 =	simm.s32 $0x0  }
.LBB2_6:
0x30: {  	s25 =	smul.u32 $0x50, s24;
	_ =	sdelay $0x1  }
0x31: {  	s25 =	sadd.s32 s13, s25  }
0x32: {  	s26 =	sshrl.u32 s25, $0x3  }
0x33: {  	s26 =	sadd.s32 s8, s26  }
0x34: {  	[tilespmem:s23], [sflag:$0x2] =	stream.linear.gather [hbm4b:s26+s23], $0x50, $0x38;
	[tilespmem:$0x16980] =	vst v63  }
0x35: {  	_ =	swait.ge [sflag:s18], $0x50  }
0x36: {  	[sflag:s18] =	ssyncset.done $0x0  }
0x37: {  	s26 =	sadd.s32 $0x4E20, s26;
	[sflag:s18] =	ssyncadd.s32 $0xFFFFFFB0  }
0x38: {  	[tilespmem:s19], [sflag:$0x2] =	stream.linear.gather [hbm4b:s26+s23], $0x50, $0x38;
	[tilespmem:$0x16980] =	vst v63  }
0x39: {  	_ =	swait.ge [sflag:s18], $0x50  }
0x3a: {  	s25 =	sshll.u32 s25, $0x4;
	[sflag:s18] =	ssyncset.done $0x0  }
0x3b: {  	s25 =	sadd.s32 s6, s25;
	[sflag:s18] =	ssyncadd.s32 $0xFFFFFFB0  }
0x3c: {  	[tilespmem:s20], [sflag:$0x2] =	stream.linear.gather [hbm4b:s25+s23], $0x2800, $0x38;
	[tilespmem:$0x16980] =	vst v63  }
0x3d: {  	_ =	swait.ge [sflag:s18], $0x2800  }
0x3e: {  	[sflag:s18] =	ssyncset.done $0x0  }
0x3f: {  	[sflag:s18] =	ssyncadd.s32 $0xFFFFD800  }
0x40: {  	[tilespmem:s20], [sflag:$0x1] =	stream.indirect.gather.add.f32 [hbm:s3], $0x80, s23, s21, $0xb8;
	[tilespmem:$0x16980] =	vst v63  }
0x41: {  	s30 =	sand.u32 $0xFE00, s23;
	_ =	swait.ge [sflag:s22], $0x2800  }
0x42: {  	s31 =	sand.u32 $0x70, s23;
	s25 =	sshrl.u32 s30, $0x2;
	[sflag:s22] =	ssyncset.done $0x0  }
0x43: {  	s25 =	sor.u32 s31, s25;
	[sflag:s22] =	ssyncadd.s32 $0xFFFFD800  }
0x44: {  	v1 =	vld [tilespmem:s25+$0x100];
	_ =	sdelay $0x2  }
0x45: {  	s28 =	simm.s32 $0x40  }
0x46: {  	s29 =	sand.u32 $0xFE00, s28;
	s28 =	simm.s32 $0x80;
	s26 =	simm.s32 $0x10  }
.LBB2_7:
0x47: {  	p3 =	sne.s32 s28, $0x9FC0;
	s30 =	sand.u32 $0x70, s26;
	s29 =	sshrl.u32 s29, $0x2;
	v1 =	vmax.f32 v1, $0.0e+00  }
0x48: {  	[tilespmem:s25+$0x100] =	vst v1;
	s25 =	sor.u32 s30, s29  }
.Ltmp5:
0x49: {  	v1 =	vld [tilespmem:s25+$0x100];
	(pc) =	sbr.rel @p3 .LBB2_7-.Ltmp5, $2  }
0x4a: {  	_ =	sdelay $0x2  }
0x4b: {  	s26 =	sadd.s32 $0x10, s26;
	s29 =	sand.u32 $0xFE00, s28;
	s28 =	sadd.s32 $0x40, s28  }
0x4c: {  	s26 =	sand.u32 $0x70, s26;
	s28 =	sshrl.u32 s29, $0x2;
	v1 =	vmax.f32 v1, $0.0e+00  }
0x4d: {  	s26 =	sor.u32 s26, s28;
	[tilespmem:s25+$0x100] =	vst v1  }
0x4e: {  	v1 =	vld [tilespmem:s26+$0x100];
	_ =	sdelay $0x3  }
0x4f: {  	s24 =	sadd.s32 $0x1, s24  }
0x50: {  	p3 =	sne.s32 s24, $0x7D;
	v1 =	vmax.f32 v1, $0.0e+00  }
.Ltmp6:
0x51: {  	[tilespmem:s26+$0x100] =	vst v1;
	(pc) =	sbr.rel @p3 .LBB2_6-.Ltmp6, $4  }
0x52: {  	[spmem:s1] =	stream.indirect.scatter.add.f32 [tilespmem:s20], [sflag:$0x2], $0x80, s19, s21, $0xb8;
	[tilespmem:$0x16980] =	vst v63  }
0x53: {  	_ =	swait.ge [sflag:s18], $0x2800  }
0x54: {  	[sflag:s18] =	ssyncset.done $0x0  }
0x55: {  	[sflag:s18] =	ssyncadd.s32 $0xFFFFD800  }
0x56: {  	s23 =	sshll.u32 s4, $0x6  }
0x57: {  	[bflag:$0x0] =	sbarrier.arrive $0xFFFF;
	s24 =	sshrl.u32 s11, $0x3;
	s23 =	sor.u32 $0x1C02, s23  }
0x58: {  	[hbm:s15], [sflag:s23] =	dma.local [spmem:s24], $0x2700  }
.Ltmp7:
0x59: {  	_ = 	snop;
	(pc) =	sbr.rel @p2 .LBB2_14-.Ltmp7, $4  }
.Ltmp8:
0x5a: {  	_ = 	snop;
	(pc) =	sbr.rel @!p2 .LBB2_15-.Ltmp8, $4  }
0x5b: {  	_ =	swait.ge [sflag:s18], $0x2700  }
0x5c: {  	[sflag:s18] =	ssyncset.done $0x0  }
0x5d: {  	s24 =	smov.u32 s9;
	[sflag:s18] =	ssyncadd.s32 $0xFFFFD900  }
0x5e: {  	_ = 	snop  }
.LBB2_10:
0x5f: {  	s24 =	smul.u32 $0x50, s25;
	_ =	sdelay $0x1  }
0x60: {  	s24 =	sadd.s32 s13, s24  }
0x61: {  	s26 =	sshrl.u32 s24, $0x3  }
0x62: {  	s26 =	sadd.s32 s8, s26  }
0x63: {  	[tilespmem:s23], [sflag:$0x2] =	stream.linear.gather [hbm4b:s26+s23], $0x50, $0x38;
	[tilespmem:$0x16980] =	vst v63  }
0x64: {  	_ =	swait.ge [sflag:s18], $0x50  }
0x65: {  	[sflag:s18] =	ssyncset.done $0x0  }
0x66: {  	s26 =	sadd.s32 $0x4E20, s26;
	[sflag:s18] =	ssyncadd.s32 $0xFFFFFFB0  }
0x67: {  	[tilespmem:s19], [sflag:$0x2] =	stream.linear.gather [hbm4b:s26+s23], $0x50, $0x38;
	[tilespmem:$0x16980] =	vst v63  }
0x68: {  	_ =	swait.ge [sflag:s18], $0x50  }
0x69: {  	s24 =	sshll.u32 s24, $0x4;
	[sflag:s18] =	ssyncset.done $0x0  }
0x6a: {  	s24 =	sadd.s32 s7, s24;
	[sflag:s18] =	ssyncadd.s32 $0xFFFFFFB0  }
0x6b: {  	[tilespmem:s20], [sflag:$0x2] =	stream.linear.gather [hbm4b:s24+s23], $0x2800, $0x38;
	[tilespmem:$0x16980] =	vst v63  }
0x6c: {  	_ =	swait.ge [sflag:s18], $0x2800  }
0x6d: {  	[sflag:s18] =	ssyncset.done $0x0  }
0x6e: {  	[sflag:s18] =	ssyncadd.s32 $0xFFFFD800  }
0x6f: {  	[tilespmem:s20], [sflag:$0x1] =	stream.indirect.gather.add.f32 [hbm:s5], $0x80, s23, s21, $0xb8;
	[tilespmem:$0x16980] =	vst v63  }
0x70: {  	s30 =	sand.u32 $0xFE00, s23;
	_ =	swait.ge [sflag:s22], $0x2800  }
0x71: {  	s31 =	sand.u32 $0x70, s23;
	s24 =	sshrl.u32 s30, $0x2;
	[sflag:s22] =	ssyncset.done $0x0  }
0x72: {  	s24 =	sor.u32 s31, s24;
	[sflag:s22] =	ssyncadd.s32 $0xFFFFD800  }
0x73: {  	v1 =	vld [tilespmem:s24+$0x100];
	_ =	sdelay $0x2  }
0x74: {  	s28 =	simm.s32 $0x40  }
0x75: {  	s29 =	sand.u32 $0xFE00, s28;
	s28 =	simm.s32 $0x80;
	s26 =	simm.s32 $0x10  }
.LBB2_11:
0x76: {  	p3 =	sne.s32 s28, $0x9FC0;
	s30 =	sand.u32 $0x70, s26;
	s29 =	sshrl.u32 s29, $0x2;
	v1 =	vmax.f32 v1, $0.0e+00  }
0x77: {  	[tilespmem:s24+$0x100] =	vst v1;
	s24 =	sor.u32 s30, s29  }
.Ltmp9:
0x78: {  	v1 =	vld [tilespmem:s24+$0x100];
	(pc) =	sbr.rel @p3 .LBB2_11-.Ltmp9, $2  }
0x79: {  	_ =	sdelay $0x2  }
0x7a: {  	s26 =	sadd.s32 $0x10, s26;
	s29 =	sand.u32 $0xFE00, s28;
	s28 =	sadd.s32 $0x40, s28  }
0x7b: {  	s26 =	sand.u32 $0x70, s26;
	s28 =	sshrl.u32 s29, $0x2;
	v1 =	vmax.f32 v1, $0.0e+00  }
0x7c: {  	s26 =	sor.u32 s26, s28;
	[tilespmem:s24+$0x100] =	vst v1  }
0x7d: {  	v1 =	vld [tilespmem:s26+$0x100];
	_ =	sdelay $0x3  }
0x7e: {  	s25 =	sadd.s32 $0x1, s25  }
0x7f: {  	p3 =	sne.s32 s25, $0x7D;
	v1 =	vmax.f32 v1, $0.0e+00  }
.Ltmp10:
0x80: {  	[tilespmem:s26+$0x100] =	vst v1;
	(pc) =	sbr.rel @p3 .LBB2_10-.Ltmp10, $4  }
0x81: {  	[spmem:s1] =	stream.indirect.scatter.add.f32 [tilespmem:s20], [sflag:$0x2], $0x80, s19, s21, $0xb8;
	[tilespmem:$0x16980] =	vst v63  }
0x82: {  	_ =	swait.ge [sflag:s18], $0x2800  }
0x83: {  	[sflag:s18] =	ssyncset.done $0x0  }
0x84: {  	[sflag:s18] =	ssyncadd.s32 $0xFFFFD800  }
0x85: {  	s23 =	sshll.u32 s4, $0x6  }
0x86: {  	[bflag:$0x0] =	sbarrier.arrive $0xFFFF;
	s24 =	sshrl.u32 s11, $0x3;
	s23 =	sor.u32 $0x1C02, s23  }
0x87: {  	[hbm:s14], [sflag:s23] =	dma.local [spmem:s24], $0x2700  }
.Ltmp11:
0x88: {  	_ = 	snop;
	(pc) =	sbr.rel @p0 .LBB2_15-.Ltmp11, $4  }
.Ltmp12:
0x89: {  	_ = 	snop;
	(pc) =	sbr.rel @!p0 .LBB2_14-.Ltmp12, $4  }
0x8a: {  	_ =	swait.ge [sflag:s18], $0x2700  }
0x8b: {  	[sflag:s18] =	ssyncset.done $0x0  }
0x8c: {  	s24 =	smov.u32 s10;
	[sflag:s18] =	ssyncadd.s32 $0xFFFFD900  }
0x8d: {  	_ = 	snop  }
.LBB2_16:
0x8e: {  	_ =	sfence.sel $0x180000  }
0x8f: {  	[bflag:$0x0] =	sbarrier.arrive $0xFFFF  }
0x90: {  	p0 =	sne.s32 s4, $0x0;
	_ =	strace $0x90000047  }
0x91: {  	s0 =	sadd.s32 @!p0 $0x100000, s0;
	[bflag:$0x2] =	sbarrier.arrive $0xFFFF  }
0x92: {  	[sflag:s0] =	ssyncadd.tile.s32 @!p0 $0x1;
	_ =	shalt  }
.Lfunc_end2:
_tile_overlayer_lowered:
.L_overlay_start_2:
0x93: {  	(tag) =	ssettag $0x2  }
0x94: {  	s0 =	rddreg [dreg:$0x0];
	s2 =	stileid.u32  }
0x95: {  	s1 =	rddreg [dreg:$0x1];
	p0 =	sne.s32 s2, $0x0  }
0x96: {  	s3 =	rddreg [dreg:$0x2];
	[bflag:$0x3] =	sbarrier.arrive $0xFFFF;
	s2 =	simm.s32 @!p0 $0x1C02  }
0x97: {  	[timem:s3], [sflag:s2] =	dma.local @!p0 [hbm:s0], s1  }
0x98: {  	s0 =	simm.s32 @!p0 $0x2  }
0x99: {  	_ =	swait.ge @!p0 [sflag:s0], s1  }
0x9a: {  	s1 =	ssub.s32 @!p0 $0x0, s1;
	[sflag:s0] =	ssyncset.done @!p0 $0x0  }
0x9b: {  	[sflag:s0] =	ssyncadd.s32 @!p0 s1  }
0x9c: {  	[bflag:$0x3] =	sbarrier.arrive $0xFFFF  }
0x9d: {  	_ =	shalt  }

// kernel: kernel.16.cloned.1.call-start
scs
__scs_entry_jumppad:
0x0: {  	(pc) =	sbr.rel $0x88, $3  }
0x1: {  	(tag) =	ssettag $0x0;
	lr =	simm.s32 $0x1  }
0x2: {  	[smem:$0x3F61] =	sst lr;
	_ =	strace $0xD0000000  }
0x3: {  	_ = 	snop  }
0x4: {  	_ = 	snop  }
0x5: {  	_ = 	snop  }
0x6: {  	_ = 	snop  }
0x7: {  	_ = 	snop  }
__scs_overlays_trampoline_lowered:
0x8: {  	[smem:$0x3F70] =	sst s0  }
0x9: {  	[smem:$0x3F71] =	sst s1  }
0xa: {  	[smem:$0x3F72] =	sst s2  }
0xb: {  	[smem:$0x3F73] =	sst s3  }
0xc: {  	[smem:$0x3F74] =	sst s4  }
0xd: {  	[smem:$0x3F75] =	sst s5  }
0xe: {  	[smem:$0x3F76] =	sst s6  }
0xf: {  	[smem:$0x3F77] =	sst s7  }
0x10: {  	[smem:$0x3F78] =	sst s8  }
0x11: {  	[smem:$0x3F79] =	sst s9;
	s0 =	simm.s32 @!p0 $0x0  }
0x12: {  	s1 =	sld [smem:$0x3F5F];
	s0 =	simm.s32 @p0 $0x1  }
0x13: {  	[smem:$0x3F7A] =	sst s0;
	s0 =	simm.s32 @!p1 $0x0  }
0x14: {  	s2 =	sld [smem:$0x3F5E];
	s0 =	simm.s32 @p1 $0x1  }
0x15: {  	[smem:$0x3F7B] =	sst s0;
	s0 =	simm.s32 @!p2 $0x0  }
0x16: {  	s3 =	sld [smem:$0x3FDB];
	s0 =	simm.s32 @p2 $0x1  }
0x17: {  	s4 =	simm.s32 $0x1BF5;
	[smem:$0x3F7D] =	sst s0  }
0x18: {  	s0 =	sld [smem:$0x3F60];
	_ =	swait.ge [sflag:s4], $0x0  }
0x19: {  	s7 =	sld [smem:$0x3F61]  }
0x1a: {  	s8 =	sadd.s32 $0xFFFFE003, lr  }
0x1b: {  	s9 =	sadd.s32 $0xFFFFFEF7, lr;
	s5 =	simm.s32 $0xFFFFFFFF;
	p2 =	slt.u32 s8, $0xFFFFF086  }
0x1c: {  	p1 =	slt.u32 s9, $0xF7A;
	s5 =	simm.s32 @!p2 $0x0  }
0x1d: {  	s5 =	simm.s32 @p1 $0x1;
	p0 =	seq.s32 s7, s2  }
0x1e: {  	s7 =	smul.u32 @!p0 $0xF7A, s2;
	p2 =	seq.s32 @!p0 s5, $0x0  }
0x1f: {  	s9 =	smul.u32 $0xF7A, s1;
	s8 =	simm.s32 @!p0 $0x1BF5;
	p2 =	por !p2, p0  }
0x20: {  	[sflag:s8] =	ssyncset.s32 @!p0 $0xFFFFF086;
	s6 =	sadd.s32 @!p0 s3, s7;
	s7 =	simm.s32 @!p0 $0x108  }
0x21: {  	s3 =	sadd.s32 s3, s9;
	s6 =	sadd.s32 @!p0 $0x88, s6;
	s7 =	simm.s32 @p2 $0x1082  }
0x22: {  	[simem:s7], [sflag:s8] =	dma.local @!p0 [hbm:s6], $0xF7A  }
0x23: {  	s9 =	sor.u32 $0xD0000000, s2;
	s6 =	simm.s32 $0x108;
	_ =	swait.ge @!p0 [sflag:s8], $0x0  }
0x24: {  	s3 =	sadd.s32 $0x88, s3;
	s6 =	simm.s32 @!p1 $0x1082;
	[sflag:s4] =	ssyncset.s32 $0xFFFFF086  }
0x25: {  	[simem:s6], [sflag:s4] =	dma.local [hbm:s3], $0xF7A  }
0x26: {  	[smem:$0x3F61] =	sst s1;
	(tag) =	ssettag s2;
	_ =	strace s9  }
0x27: {  	s1 =	sld [smem:$0x3F71]  }
0x28: {  	s2 =	sld [smem:$0x3F72]  }
0x29: {  	s4 =	sld [smem:$0x3F74]  }
0x2a: {  	p0 =	seq.s32 s5, $0x0;
	s5 =	sld [smem:$0x3F75]  }
0x2b: {  	s6 =	sld [smem:$0x3F76]  }
0x2c: {  	s7 =	sld [smem:$0x3F77]  }
0x2d: {  	s3 =	simm.s32 $0x108;
	s8 =	sld [smem:$0x3F78]  }
0x2e: {  	s3 =	simm.s32 @!p0 $0x1082;
	s9 =	sld [smem:$0x3F79]  }
0x2f: {  	lr =	sadd.s32 s0, s3;
	s0 =	sld [smem:$0x3F70]  }
0x30: {  	s3 =	sld [smem:$0x3F73]  }
0x31: {  	[smem:$0x3F7C] =	sst s10  }
0x32: {  	s10 =	sld [smem:$0x3F7A];
	_ =	sdelay $0x3  }
0x33: {  	p0 =	seq.s32 s10, $0x1;
	s10 =	sld [smem:$0x3F7C];
	_ =	sdelay $0x3  }
0x34: {  	[smem:$0x3F7C] =	sst s10  }
0x35: {  	s10 =	sld [smem:$0x3F7B];
	_ =	sdelay $0x3  }
0x36: {  	p1 =	seq.s32 s10, $0x1;
	s10 =	sld [smem:$0x3F7C];
	_ =	sdelay $0x3  }
0x37: {  	[smem:$0x3F7C] =	sst s10  }
0x38: {  	s10 =	sld [smem:$0x3F7D]  }
0x39: {  	_ = 	snop;
	(pc) =	sbr.ind lr, $3  }
0x3a: {  	_ = 	snop  }
0x3b: {  	_ = 	snop  }
0x3c: {  	p2 =	seq.s32 s10, $0x1;
	s10 =	sld [smem:$0x3F7C]  }
0x3d: {  	_ =	shalt  }
0x3e: {  	_ =	shalt  }
0x3f: {  	_ =	shalt  }
0x40: {  	_ =	shalt  }
0x41: {  	_ =	shalt  }
0x42: {  	_ =	shalt  }
0x43: {  	_ =	shalt  }
0x44: {  	_ =	shalt  }
0x45: {  	_ =	shalt  }
0x46: {  	_ =	shalt  }
0x47: {  	_ =	shalt  }
0x48: {  	_ =	shalt  }
0x49: {  	_ =	shalt  }
0x4a: {  	_ =	shalt  }
0x4b: {  	_ =	shalt  }
0x4c: {  	_ =	shalt  }
0x4d: {  	_ =	shalt  }
0x4e: {  	_ =	shalt  }
0x4f: {  	_ =	shalt  }
0x50: {  	_ =	shalt  }
0x51: {  	_ =	shalt  }
0x52: {  	_ =	shalt  }
0x53: {  	_ =	shalt  }
0x54: {  	_ =	shalt  }
0x55: {  	_ =	shalt  }
0x56: {  	_ =	shalt  }
0x57: {  	_ =	shalt  }
0x58: {  	_ =	shalt  }
0x59: {  	_ =	shalt  }
0x5a: {  	_ =	shalt  }
0x5b: {  	_ =	shalt  }
0x5c: {  	_ =	shalt  }
0x5d: {  	_ =	shalt  }
0x5e: {  	_ =	shalt  }
0x5f: {  	_ =	shalt  }
0x60: {  	_ =	shalt  }
0x61: {  	_ =	shalt  }
0x62: {  	_ =	shalt  }
0x63: {  	_ =	shalt  }
0x64: {  	_ =	shalt  }
0x65: {  	_ =	shalt  }
0x66: {  	_ =	shalt  }
0x67: {  	_ =	shalt  }
0x68: {  	_ =	shalt  }
0x69: {  	_ =	shalt  }
0x6a: {  	_ =	shalt  }
0x6b: {  	_ =	shalt  }
0x6c: {  	_ =	shalt  }
0x6d: {  	_ =	shalt  }
0x6e: {  	_ =	shalt  }
0x6f: {  	_ =	shalt  }
0x70: {  	_ =	shalt  }
0x71: {  	_ =	shalt  }
0x72: {  	_ =	shalt  }
0x73: {  	_ =	shalt  }
0x74: {  	_ =	shalt  }
0x75: {  	_ =	shalt  }
0x76: {  	_ =	shalt  }
0x77: {  	_ =	shalt  }
0x78: {  	_ =	shalt  }
0x79: {  	_ =	shalt  }
0x7a: {  	_ =	shalt  }
0x7b: {  	_ =	shalt  }
0x7c: {  	_ =	shalt  }
0x7d: {  	_ =	shalt  }
0x7e: {  	_ =	shalt  }
0x7f: {  	_ =	shalt  }
0x80: {  	_ =	shalt  }
0x81: {  	_ =	shalt  }
0x82: {  	_ =	shalt  }
0x83: {  	_ =	shalt  }
0x84: {  	_ =	shalt  }
0x85: {  	_ =	shalt  }
0x86: {  	_ =	shalt  }
0x87: {  	_ =	shalt  }
.Lfunc_end0:
.L_simem_size_0:
called_computation.1_lowered:
.L_overlay_start_0:
0x88: {  	s2 =	sld [smem:$0x3FD9]  }
0x89: {  	s3 =	sld [smem:$0x3FFE];
	_ =	sdelay $0x1  }
0x8a: {  	s1 =	srdreg.scid  }
0x8b: {  	s0 =	sand.u32 $0x1, s1  }
0x8c: {  	s17 =	sshll.u32 s0, $0xA;
	s2 =	sadd.s32 s3, s2  }
0x8d: {  	s2 =	sadd.s32 s2, s17  }
0x8e: {  	[smem:$0x3F88] =	sst s2  }
0x8f: {  	_ = 	snop  }
0x90: {  	(tm) =	ssettm $0x1  }
0x91: {  	s18 =	sld [smem:$0x3FFB];
	_ =	sdelay $0x3  }
0x92: {  	_ =	strace s18  }
0x93: {  	s2 =	sld [smem:$0x3FFC];
	_ =	sdelay $0x3  }
0x94: {  	_ =	strace s2  }
0x95: {  	s2 =	sld [smem:$0x3FFD];
	_ =	sdelay $0x3  }
0x96: {  	_ =	strace s2  }
0x97: {  	_ =	strace $0x8FFFFFFF  }
0x98: {  	s19 =	sld [smem:$0x3FDB];
	_ =	sdelay $0x1  }
0x99: {  	s20 =	simm.s32 $_scs_section_size  }
0x9a: {  	s4 =	simm.s32 $_size__tile_overlayer_lowered;
	s5 =	simm.s32 $_tile_overlayer_lowered  }
0x9b: {  	s6 =	simm.s32 $0x1BFF;
	s21 =	sshll.u32 s5, $0x1;
	s3 =	sadd.s32 s20, s19  }
0x9c: {  	s22 =	simm.s32 $0x0;
	s4 =	sshll.u32 s4, $0x1;
	s5 =	sadd.s32 s21, s3  }
0x9d: {  	[timem:s22], [sflag:s6] =	dma.local [hbm:s5], s4  }
0x9e: {  	_ =	swait.ge [sflag:s6], s4  }
0x9f: {  	s4 =	ssub.s32 $0x0, s4;
	[sflag:s6] =	ssyncset.done $0x0  }
0xa0: {  	[sflag:s6] =	ssyncadd.s32 s4;
	_ =	sdelay $0x1  }
0xa1: {  	s23 =	simm.s32 $0x1B8B  }
0xa2: {  	_ =	swait.ge [sflag:s23], $0x1  }
0xa3: {  	[sflag:s23] =	ssyncset.done $0x0  }
0xa4: {  	[sflag:s23] =	ssyncadd.s32 $0xFFFFFFFF  }
0xa5: {  	s4 =	sld [smem:$0x0]  }
0xa6: {  	s5 =	sand.u32 $0xFFFFFFFE, s1  }
0xa7: {  	p0 =	sne.s32 s1, s5  }
0xa8: {  	s5 =	sshll.u32 @p0 s5, $0xE  }
0xa9: {  	s5 =	sadd.s32 @p0 $0x11B8D, s5;
	s6 =	sshll.u32 @p0 s4, $0x11  }
0xaa: {  	s5 =	sor.u32 @p0 s6, s5  }
0xab: {  	[sflag:s5] =	ssyncadd.remote.s32 @p0 $0x1;
	_ =	sdelay $0x1  }
0xac: {  	s5 =	simm.s32 @p0 $0x1B8D  }
0xad: {  	_ =	swait.eq @p0 [sflag:s5], $0x1  }
0xae: {  	[sflag:s5] =	ssyncadd.s32 @p0 $0xFFFFFFFF  }
0xaf: {  	s6 =	sshll.u32 @!p0 s1, $0xE  }
0xb0: {  	s6 =	sor.u32 @!p0 $0x4000, s6;
	s5 =	simm.s32 @!p0 $0x1B8D  }
0xb1: {  	s4 =	sshll.u32 @!p0 s4, $0x11;
	s6 =	sadd.s32 @!p0 $0x11B8D, s6;
	_ =	swait.eq @!p0 [sflag:s5], $0x1  }
0xb2: {  	s4 =	sor.u32 @!p0 s4, s6;
	[sflag:s5] =	ssyncadd.s32 @!p0 $0xFFFFFFFF  }
0xb3: {  	s25 =	simm.s32 $0x1B8E;
	s24 =	sld [smem:$0x3FFE];
	[sflag:s4] =	ssyncadd.remote.s32 @!p0 $0x1  }
0xb4: {  	s26 =	simm.s32 $execute0_lowered;
	[smem:$0x3FD2] =	sst s25  }
0xb5: {  	s5 =	sshll.u32 s26, $0x1;
	_ =	strace $0x8000004C;
	[dreg:$0x1] =	wrdreg $0xFFFFFFFF  }
0xb6: {  	s28 =	simm.s32 $_size_execute0_lowered;
	s3 =	sadd.s32 s3, s5;
	[dreg:$0x0] =	wrdreg $0x0  }
0xb7: {  	s5 =	sshll.u32 s28, $0x1;
	[dreg:$0x2] =	wrdreg s3  }
0xb8: {  	[dreg:$0x3] =	wrdreg s5  }
0xb9: {  	[dreg:$0x4] =	wrdreg $0xC0  }
0xba: {  	_ =	task [dreg:s22], $0x5FFFF  }
0xbb: {  	[dreg:$0x1] =	wrdreg $0xFFFFFFFF  }
0xbc: {  	[dreg:$0x0] =	wrdreg $0x60  }
0xbd: {  	[dreg:$0x2] =	wrdreg s24  }
0xbe: {  	[dreg:$0x3] =	wrdreg $0x31000  }
0xbf: {  	[dreg:$0x4] =	wrdreg $0xC  }
0xc0: {  	_ =	task.clear_ibuf [dreg:s22], $0x5FFFF;
	_ =	strace $0x9000004C  }
0xc1: {  	s29 =	simm.s32 $0xC;
	_ =	strace $0x8000004E  }
0xc2: {  	_ =	swait.ge [sflag:s29], $0x1  }
0xc3: {  	[sflag:s29] =	ssyncadd.s32 $0xFFFFFFFF  }
0xc4: {  	_ =	strace $0x9000004E  }
0xc5: {  	_ =	sfence  }
0xc6: {  	s30 =	sld [smem:$0x0];
	_ =	sdelay $0x2  }
0xc7: {  	s31 =	sshll.u32 s1, $0xD;
	s1 =	sshrl.u32 s1, $0x2  }
0xc8: {  	s4 =	sand.u32 $0x4000, s31;
	s1 =	sadd.s32 s1, s30  }
0xc9: {  	s0 =	sor.u32 s4, s0;
	s1 =	sshll.u32 s1, $0x11  }
0xca: {  	s0 =	sor.u32 s1, s0  }
0xcb: {  	s0 =	sadd.s32 $0x8F2B, s0  }
0xcc: {  	[sflag:s0] =	ssyncadd.remote.s32 $0x1  }
0xcd: {  	_ =	sfence.sel $0xFFFF  }
0xce: {  	[dreg:$0x0] =	wrdreg $0xFFFFFFFF;
	(pc) =	sbr.abs _section_cstart, $3  }
0xcf: {  	[dreg:$0x1] =	wrdreg $0xFFFFFFFF  }
0xd0: {  	_ =	task.clear_ibuf [dreg:s22], $0x2FFFF;
	_ =	strace $0x9FFFFFFF  }
0xd1: {  	(tm) =	ssettm $0x7FFFFFFF  }
tec
execute0_lowered:
.L_overlay_start_1:
0x0: {  	(tag) =	ssettag $0x1  }
0x1: {  	s10 =	rddreg [dreg:$0x0]  }
0x2: {  	s1 =	rddreg [dreg:$0x1]  }
0x3: {  	s0 =	rddreg [dreg:$0x2];
	s2 =	simm.s32 $0x0;
	s8 =	srdreg.scid  }
0x4: {  	s4 =	stileid.u32;
	s17 =	simm.s32 $0x2900;
	s18 =	simm.s32 $0x2  }
0x5: {  	s20 =	simm.s32 $0x100;
	s21 =	simm.s32 $0x50;
	s22 =	simm.s32 $0x1  }
0x6: {  	[smem:$0x7FF] =	sst s2;
	s3 =	sadd.s32 $0x10A00, s10;
	s5 =	sadd.s32 $0x37C00, s10  }
0x7: {  	s6 =	sadd.s32 $0x300E00, s10;
	s7 =	sadd.s32 $0x571E00, s10;
	s19 =	sand.u32 $0x1, s8  }
0x8: {  	s8 =	sadd.s32 $0x2F7000, s10;
	s12 =	smul.u32 $0x4E000, s4;
	s9 =	sadd.s32 $0xAD200, s10  }
0x9: {  	s10 =	sadd.s32 $0xD4400, s10;
	s15 =	smul.u32 $0x2700, s4;
	p0 =	sne.s32 s4, $0xF  }
.Ltmp0:
0xa: {  	p2 =	seq.s32 s4, $0xF;
	_ =	strace $0x8000004D;
	(pc) =	sbr.rel .LBB2_1-.Ltmp0, $4  }
0xb: {  	s11 =	ssub.s32 $0x2, s19;
	p1 =	sne.s32 s19, $0x0;
	s19 =	simm.s32 $0x80  }
0xc: {  	s13 =	sshrl.u32 s11, $0x1;
	s31 =	sshrl.u32 s12, $0x2;
	s12 =	sadd.s32 $0x138000, s1  }
0xd: {  	s14 =	sadd.s32 s10, s15;
	s15 =	sadd.s32 s9, s15;
	s16 =	ssub.s32 s11, s13  }
0xe: {  	v0 =	vimm.f32 $0.0e+00;
	s11 =	sadd.s32 s31, s1;
	s13 =	smul.u32 $0x2710, s4;
	s16 =	smax.u32 s16, $0x1  }
.LBB2_14:
0xf: {  	s24 =	sadd.s32 $0x27000, s24;
	s25 =	sshrl.u32 s12, $0x3  }
0x10: {  	[hbm:s24], [sflag:s23] =	dma.local [spmem:s25], $0x100  }
0x11: {  	_ =	swait.ge [sflag:s18], $0x100  }
0x12: {  	[sflag:s18] =	ssyncset.done $0x0  }
0x13: {  	[sflag:s18] =	ssyncadd.s32 $0xFFFFFF00  }
.LBB2_15:
0x14: {  	s2 =	sadd.s32 $0x1, s2  }
0x15: {  	p3 =	sne.s32 s2, s16  }
.Ltmp1:
0x16: {  	_ = 	snop;
	(pc) =	sbr.rel @!p3 .LBB2_16-.Ltmp1, $1  }
0x17: {  	_ =	sdelay $0x3  }
.LBB2_1:
0x18: {  	s23 =	simm.s32 $0x0;
	s24 =	simm.s32 $0x0  }
.LBB2_2:
0x19: {  	p3 =	sne.s32 s24, $0x1FC0  }
.Ltmp2:
0x1a: {  	_ = 	snop;
	(pc) =	sbr.rel @p3 .LBB2_2-.Ltmp2, $4  }
0x1b: {  	s25 =	sand.u32 $0x1E00, s24  }
0x1c: {  	s26 =	sand.u32 $0x70, s23;
	s25 =	sshrl.u32 s25, $0x2  }
0x1d: {  	s25 =	sor.u32 s26, s25  }
0x1e: {  	s23 =	sadd.s32 $0x10, s23;
	s24 =	sadd.s32 $0x40, s24;
	[tilespmem:s25+$0x2900] =	vst v0  }
0x1f: {  	s23 =	sadd.s32 $0x0, s11  }
0x20: {  	[spmem:s23] =	stream.linear.scatter [tilespmem:s17], [sflag:$0x2], $0x800, $0x38;
	[tilespmem:$0x16980] =	vst v63  }
0x21: {  	s23 =	simm.s32 $0x2000;
	_ =	swait.ge [sflag:s18], $0x800  }
.LBB2_4:
0x22: {  	s24 =	sshra.s32 s23, $0x2;
	[sflag:s18] =	ssyncset.done $0x0;
	p3 =	sne.s32 s23, $0x4C000  }
.Ltmp3:
0x23: {  	s24 =	sadd.s32 s24, s11;
	[sflag:s18] =	ssyncadd.s32 $0xFFFFF800;
	(pc) =	sbr.rel @p3 .LBB2_4-.Ltmp3, $3  }
0x24: {  	[spmem:s24] =	stream.linear.scatter [tilespmem:s17], [sflag:$0x2], $0x800, $0x38;
	[tilespmem:$0x16980] =	vst v63  }
0x25: {  	s23 =	sadd.s32 $0x2000, s23;
	_ =	sdelay $0x1  }
0x26: {  	_ =	swait.ge [sflag:s18], $0x800  }
0x27: {  	[sflag:s18] =	ssyncset.done $0x0  }
0x28: {  	s23 =	simm.s32 @!p0 $0x2900;
	[sflag:s18] =	ssyncadd.s32 $0xFFFFF800  }
0x29: {  	[spmem:s12] =	stream.linear.scatter @!p0 [tilespmem:s23], [sflag:$0x2], $0x800, $0x38;
	[tilespmem:$0x16980] =	vst v63  }
0x2a: {  	s23 =	simm.s32 @!p0 $0x2  }
.Ltmp4:
0x2b: {  	_ =	swait.ge @!p0 [sflag:s23], $0x800;
	(pc) =	sbr.rel @p1 .LBB2_10-.Ltmp4, $4  }
0x2c: {  	[sflag:s23] =	ssyncset.done @!p0 $0x0  }
0x2d: {  	[sflag:s23] =	ssyncadd.s32 @!p0 $0xFFFFF800  }
0x2e: {  	[bflag:$0x0] =	sbarrier.arrive $0xFFFF  }
0x2f: {  	s24 =	simm.s32 $0x0;
	s25 =	simm.s32 $0x0;
	s23 =	simm.s32 $0x0  }
.LBB2_6:
0x30: {  	s25 =	smul.u32 $0x50, s24;
	_ =	sdelay $0x1  }
0x31: {  	s25 =	sadd.s32 s13, s25  }
0x32: {  	s26 =	sshrl.u32 s25, $0x3  }
0x33: {  	s26 =	sadd.s32 s8, s26  }
0x34: {  	[tilespmem:s23], [sflag:$0x2] =	stream.linear.gather [hbm4b:s26+s23], $0x50, $0x38;
	[tilespmem:$0x16980] =	vst v63  }
0x35: {  	_ =	swait.ge [sflag:s18], $0x50  }
0x36: {  	[sflag:s18] =	ssyncset.done $0x0  }
0x37: {  	s26 =	sadd.s32 $0x4E20, s26;
	[sflag:s18] =	ssyncadd.s32 $0xFFFFFFB0  }
0x38: {  	[tilespmem:s19], [sflag:$0x2] =	stream.linear.gather [hbm4b:s26+s23], $0x50, $0x38;
	[tilespmem:$0x16980] =	vst v63  }
0x39: {  	_ =	swait.ge [sflag:s18], $0x50  }
0x3a: {  	s25 =	sshll.u32 s25, $0x4;
	[sflag:s18] =	ssyncset.done $0x0  }
0x3b: {  	s25 =	sadd.s32 s6, s25;
	[sflag:s18] =	ssyncadd.s32 $0xFFFFFFB0  }
0x3c: {  	[tilespmem:s20], [sflag:$0x2] =	stream.linear.gather [hbm4b:s25+s23], $0x2800, $0x38;
	[tilespmem:$0x16980] =	vst v63  }
0x3d: {  	_ =	swait.ge [sflag:s18], $0x2800  }
0x3e: {  	[sflag:s18] =	ssyncset.done $0x0  }
0x3f: {  	[sflag:s18] =	ssyncadd.s32 $0xFFFFD800  }
0x40: {  	[tilespmem:s20], [sflag:$0x1] =	stream.indirect.gather.add.f32 [hbm:s3], $0x80, s23, s21, $0xb8;
	[tilespmem:$0x16980] =	vst v63  }
0x41: {  	s30 =	sand.u32 $0xFE00, s23;
	_ =	swait.ge [sflag:s22], $0x2800  }
0x42: {  	s31 =	sand.u32 $0x70, s23;
	s25 =	sshrl.u32 s30, $0x2;
	[sflag:s22] =	ssyncset.done $0x0  }
0x43: {  	s25 =	sor.u32 s31, s25;
	[sflag:s22] =	ssyncadd.s32 $0xFFFFD800  }
0x44: {  	v1 =	vld [tilespmem:s25+$0x100];
	_ =	sdelay $0x2  }
0x45: {  	s28 =	simm.s32 $0x40  }
0x46: {  	s29 =	sand.u32 $0xFE00, s28;
	s28 =	simm.s32 $0x80;
	s26 =	simm.s32 $0x10  }
.LBB2_7:
0x47: {  	p3 =	sne.s32 s28, $0x9FC0;
	s30 =	sand.u32 $0x70, s26;
	s29 =	sshrl.u32 s29, $0x2;
	v1 =	vmax.f32 v1, $0.0e+00  }
0x48: {  	[tilespmem:s25+$0x100] =	vst v1;
	s25 =	sor.u32 s30, s29  }
.Ltmp5:
0x49: {  	v1 =	vld [tilespmem:s25+$0x100];
	(pc) =	sbr.rel @p3 .LBB2_7-.Ltmp5, $2  }
0x4a: {  	_ =	sdelay $0x2  }
0x4b: {  	s26 =	sadd.s32 $0x10, s26;
	s29 =	sand.u32 $0xFE00, s28;
	s28 =	sadd.s32 $0x40, s28  }
0x4c: {  	s26 =	sand.u32 $0x70, s26;
	s28 =	sshrl.u32 s29, $0x2;
	v1 =	vmax.f32 v1, $0.0e+00  }
0x4d: {  	s26 =	sor.u32 s26, s28;
	[tilespmem:s25+$0x100] =	vst v1  }
0x4e: {  	v1 =	vld [tilespmem:s26+$0x100];
	_ =	sdelay $0x3  }
0x4f: {  	s24 =	sadd.s32 $0x1, s24  }
0x50: {  	p3 =	sne.s32 s24, $0x7D;
	v1 =	vmax.f32 v1, $0.0e+00  }
.Ltmp6:
0x51: {  	[tilespmem:s26+$0x100] =	vst v1;
	(pc) =	sbr.rel @p3 .LBB2_6-.Ltmp6, $4  }
0x52: {  	[spmem:s1] =	stream.indirect.scatter.add.f32 [tilespmem:s20], [sflag:$0x2], $0x80, s19, s21, $0xb8;
	[tilespmem:$0x16980] =	vst v63  }
0x53: {  	_ =	swait.ge [sflag:s18], $0x2800  }
0x54: {  	[sflag:s18] =	ssyncset.done $0x0  }
0x55: {  	[sflag:s18] =	ssyncadd.s32 $0xFFFFD800  }
0x56: {  	s23 =	sshll.u32 s4, $0x6  }
0x57: {  	[bflag:$0x0] =	sbarrier.arrive $0xFFFF;
	s24 =	sshrl.u32 s11, $0x3;
	s23 =	sor.u32 $0x1C02, s23  }
0x58: {  	[hbm:s15], [sflag:s23] =	dma.local [spmem:s24], $0x2700  }
.Ltmp7:
0x59: {  	_ = 	snop;
	(pc) =	sbr.rel @p2 .LBB2_14-.Ltmp7, $4  }
.Ltmp8:
0x5a: {  	_ = 	snop;
	(pc) =	sbr.rel @!p2 .LBB2_15-.Ltmp8, $4  }
0x5b: {  	_ =	swait.ge [sflag:s18], $0x2700  }
0x5c: {  	[sflag:s18] =	ssyncset.done $0x0  }
0x5d: {  	s24 =	smov.u32 s9;
	[sflag:s18] =	ssyncadd.s32 $0xFFFFD900  }
0x5e: {  	_ = 	snop  }
.LBB2_10:
0x5f: {  	s24 =	smul.u32 $0x50, s25;
	_ =	sdelay $0x1  }
0x60: {  	s24 =	sadd.s32 s13, s24  }
0x61: {  	s26 =	sshrl.u32 s24, $0x3  }
0x62: {  	s26 =	sadd.s32 s8, s26  }
0x63: {  	[tilespmem:s23], [sflag:$0x2] =	stream.linear.gather [hbm4b:s26+s23], $0x50, $0x38;
	[tilespmem:$0x16980] =	vst v63  }
0x64: {  	_ =	swait.ge [sflag:s18], $0x50  }
0x65: {  	[sflag:s18] =	ssyncset.done $0x0  }
0x66: {  	s26 =	sadd.s32 $0x4E20, s26;
	[sflag:s18] =	ssyncadd.s32 $0xFFFFFFB0  }
0x67: {  	[tilespmem:s19], [sflag:$0x2] =	stream.linear.gather [hbm4b:s26+s23], $0x50, $0x38;
	[tilespmem:$0x16980] =	vst v63  }
0x68: {  	_ =	swait.ge [sflag:s18], $0x50  }
0x69: {  	s24 =	sshll.u32 s24, $0x4;
	[sflag:s18] =	ssyncset.done $0x0  }
0x6a: {  	s24 =	sadd.s32 s7, s24;
	[sflag:s18] =	ssyncadd.s32 $0xFFFFFFB0  }
0x6b: {  	[tilespmem:s20], [sflag:$0x2] =	stream.linear.gather [hbm4b:s24+s23], $0x2800, $0x38;
	[tilespmem:$0x16980] =	vst v63  }
0x6c: {  	_ =	swait.ge [sflag:s18], $0x2800  }
0x6d: {  	[sflag:s18] =	ssyncset.done $0x0  }
0x6e: {  	[sflag:s18] =	ssyncadd.s32 $0xFFFFD800  }
0x6f: {  	[tilespmem:s20], [sflag:$0x1] =	stream.indirect.gather.add.f32 [hbm:s5], $0x80, s23, s21, $0xb8;
	[tilespmem:$0x16980] =	vst v63  }
0x70: {  	s30 =	sand.u32 $0xFE00, s23;
	_ =	swait.ge [sflag:s22], $0x2800  }
0x71: {  	s31 =	sand.u32 $0x70, s23;
	s24 =	sshrl.u32 s30, $0x2;
	[sflag:s22] =	ssyncset.done $0x0  }
0x72: {  	s24 =	sor.u32 s31, s24;
	[sflag:s22] =	ssyncadd.s32 $0xFFFFD800  }
0x73: {  	v1 =	vld [tilespmem:s24+$0x100];
	_ =	sdelay $0x2  }
0x74: {  	s28 =	simm.s32 $0x40  }
0x75: {  	s29 =	sand.u32 $0xFE00, s28;
	s28 =	simm.s32 $0x80;
	s26 =	simm.s32 $0x10  }
.LBB2_11:
0x76: {  	p3 =	sne.s32 s28, $0x9FC0;
	s30 =	sand.u32 $0x70, s26;
	s29 =	sshrl.u32 s29, $0x2;
	v1 =	vmax.f32 v1, $0.0e+00  }
0x77: {  	[tilespmem:s24+$0x100] =	vst v1;
	s24 =	sor.u32 s30, s29  }
.Ltmp9:
0x78: {  	v1 =	vld [tilespmem:s24+$0x100];
	(pc) =	sbr.rel @p3 .LBB2_11-.Ltmp9, $2  }
0x79: {  	_ =	sdelay $0x2  }
0x7a: {  	s26 =	sadd.s32 $0x10, s26;
	s29 =	sand.u32 $0xFE00, s28;
	s28 =	sadd.s32 $0x40, s28  }
0x7b: {  	s26 =	sand.u32 $0x70, s26;
	s28 =	sshrl.u32 s29, $0x2;
	v1 =	vmax.f32 v1, $0.0e+00  }
0x7c: {  	s26 =	sor.u32 s26, s28;
	[tilespmem:s24+$0x100] =	vst v1  }
0x7d: {  	v1 =	vld [tilespmem:s26+$0x100];
	_ =	sdelay $0x3  }
0x7e: {  	s25 =	sadd.s32 $0x1, s25  }
0x7f: {  	p3 =	sne.s32 s25, $0x7D;
	v1 =	vmax.f32 v1, $0.0e+00  }
.Ltmp10:
0x80: {  	[tilespmem:s26+$0x100] =	vst v1;
	(pc) =	sbr.rel @p3 .LBB2_10-.Ltmp10, $4  }
0x81: {  	[spmem:s1] =	stream.indirect.scatter.add.f32 [tilespmem:s20], [sflag:$0x2], $0x80, s19, s21, $0xb8;
	[tilespmem:$0x16980] =	vst v63  }
0x82: {  	_ =	swait.ge [sflag:s18], $0x2800  }
0x83: {  	[sflag:s18] =	ssyncset.done $0x0  }
0x84: {  	[sflag:s18] =	ssyncadd.s32 $0xFFFFD800  }
0x85: {  	s23 =	sshll.u32 s4, $0x6  }
0x86: {  	[bflag:$0x0] =	sbarrier.arrive $0xFFFF;
	s24 =	sshrl.u32 s11, $0x3;
	s23 =	sor.u32 $0x1C02, s23  }
0x87: {  	[hbm:s14], [sflag:s23] =	dma.local [spmem:s24], $0x2700  }
.Ltmp11:
0x88: {  	_ = 	snop;
	(pc) =	sbr.rel @p0 .LBB2_15-.Ltmp11, $4  }
.Ltmp12:
0x89: {  	_ = 	snop;
	(pc) =	sbr.rel @!p0 .LBB2_14-.Ltmp12, $4  }
0x8a: {  	_ =	swait.ge [sflag:s18], $0x2700  }
0x8b: {  	[sflag:s18] =	ssyncset.done $0x0  }
0x8c: {  	s24 =	smov.u32 s10;
	[sflag:s18] =	ssyncadd.s32 $0xFFFFD900  }
0x8d: {  	_ = 	snop  }
.LBB2_16:
0x8e: {  	_ =	sfence.sel $0x180000  }
0x8f: {  	[bflag:$0x0] =	sbarrier.arrive $0xFFFF  }
0x90: {  	p0 =	sne.s32 s4, $0x0;
	_ =	strace $0x9000004D  }
0x91: {  	s0 =	sadd.s32 @!p0 $0x100000, s0;
	[bflag:$0x2] =	sbarrier.arrive $0xFFFF  }
0x92: {  	[sflag:s0] =	ssyncadd.tile.s32 @!p0 $0x1;
	_ =	shalt  }
.Lfunc_end2:
_tile_overlayer_lowered:
.L_overlay_start_2:
0x93: {  	(tag) =	ssettag $0x2  }
0x94: {  	s0 =	rddreg [dreg:$0x0];
	s2 =	stileid.u32  }
0x95: {  	s1 =	rddreg [dreg:$0x1];
	p0 =	sne.s32 s2, $0x0  }
0x96: {  	s3 =	rddreg [dreg:$0x2];
	[bflag:$0x3] =	sbarrier.arrive $0xFFFF;
	s2 =	simm.s32 @!p0 $0x1C02  }
0x97: {  	[timem:s3], [sflag:s2] =	dma.local @!p0 [hbm:s0], s1  }
0x98: {  	s0 =	simm.s32 @!p0 $0x2  }
0x99: {  	_ =	swait.ge @!p0 [sflag:s0], s1  }
0x9a: {  	s1 =	ssub.s32 @!p0 $0x0, s1;
	[sflag:s0] =	ssyncset.done @!p0 $0x0  }
0x9b: {  	[sflag:s0] =	ssyncadd.s32 @!p0 s1  }
0x9c: {  	[bflag:$0x3] =	sbarrier.arrive $0xFFFF  }
0x9d: {  	_ =	shalt  }

// kernel: kernel.19.cloned.1.call-start
scs
__scs_entry_jumppad:
0x0: {  	(pc) =	sbr.rel $0x88, $3  }
0x1: {  	(tag) =	ssettag $0x0;
	lr =	simm.s32 $0x1  }
0x2: {  	[smem:$0x3F61] =	sst lr;
	_ =	strace $0xD0000000  }
0x3: {  	_ = 	snop  }
0x4: {  	_ = 	snop  }
0x5: {  	_ = 	snop  }
0x6: {  	_ = 	snop  }
0x7: {  	_ = 	snop  }
__scs_overlays_trampoline_lowered:
0x8: {  	[smem:$0x3F70] =	sst s0  }
0x9: {  	[smem:$0x3F71] =	sst s1  }
0xa: {  	[smem:$0x3F72] =	sst s2  }
0xb: {  	[smem:$0x3F73] =	sst s3  }
0xc: {  	[smem:$0x3F74] =	sst s4  }
0xd: {  	[smem:$0x3F75] =	sst s5  }
0xe: {  	[smem:$0x3F76] =	sst s6  }
0xf: {  	[smem:$0x3F77] =	sst s7  }
0x10: {  	[smem:$0x3F78] =	sst s8  }
0x11: {  	[smem:$0x3F79] =	sst s9;
	s0 =	simm.s32 @!p0 $0x0  }
0x12: {  	s1 =	sld [smem:$0x3F5F];
	s0 =	simm.s32 @p0 $0x1  }
0x13: {  	[smem:$0x3F7A] =	sst s0;
	s0 =	simm.s32 @!p1 $0x0  }
0x14: {  	s2 =	sld [smem:$0x3F5E];
	s0 =	simm.s32 @p1 $0x1  }
0x15: {  	[smem:$0x3F7B] =	sst s0;
	s0 =	simm.s32 @!p2 $0x0  }
0x16: {  	s3 =	sld [smem:$0x3FDB];
	s0 =	simm.s32 @p2 $0x1  }
0x17: {  	s4 =	simm.s32 $0x1BF5;
	[smem:$0x3F7D] =	sst s0  }
0x18: {  	s0 =	sld [smem:$0x3F60];
	_ =	swait.ge [sflag:s4], $0x0  }
0x19: {  	s7 =	sld [smem:$0x3F61]  }
0x1a: {  	s8 =	sadd.s32 $0xFFFFE003, lr  }
0x1b: {  	s9 =	sadd.s32 $0xFFFFFEF7, lr;
	s5 =	simm.s32 $0xFFFFFFFF;
	p2 =	slt.u32 s8, $0xFFFFF086  }
0x1c: {  	p1 =	slt.u32 s9, $0xF7A;
	s5 =	simm.s32 @!p2 $0x0  }
0x1d: {  	s5 =	simm.s32 @p1 $0x1;
	p0 =	seq.s32 s7, s2  }
0x1e: {  	s7 =	smul.u32 @!p0 $0xF7A, s2;
	p2 =	seq.s32 @!p0 s5, $0x0  }
0x1f: {  	s9 =	smul.u32 $0xF7A, s1;
	s8 =	simm.s32 @!p0 $0x1BF5;
	p2 =	por !p2, p0  }
0x20: {  	[sflag:s8] =	ssyncset.s32 @!p0 $0xFFFFF086;
	s6 =	sadd.s32 @!p0 s3, s7;
	s7 =	simm.s32 @!p0 $0x108  }
0x21: {  	s3 =	sadd.s32 s3, s9;
	s6 =	sadd.s32 @!p0 $0x88, s6;
	s7 =	simm.s32 @p2 $0x1082  }
0x22: {  	[simem:s7], [sflag:s8] =	dma.local @!p0 [hbm:s6], $0xF7A  }
0x23: {  	s9 =	sor.u32 $0xD0000000, s2;
	s6 =	simm.s32 $0x108;
	_ =	swait.ge @!p0 [sflag:s8], $0x0  }
0x24: {  	s3 =	sadd.s32 $0x88, s3;
	s6 =	simm.s32 @!p1 $0x1082;
	[sflag:s4] =	ssyncset.s32 $0xFFFFF086  }
0x25: {  	[simem:s6], [sflag:s4] =	dma.local [hbm:s3], $0xF7A  }
0x26: {  	[smem:$0x3F61] =	sst s1;
	(tag) =	ssettag s2;
	_ =	strace s9  }
0x27: {  	s1 =	sld [smem:$0x3F71]  }
0x28: {  	s2 =	sld [smem:$0x3F72]  }
0x29: {  	s4 =	sld [smem:$0x3F74]  }
0x2a: {  	p0 =	seq.s32 s5, $0x0;
	s5 =	sld [smem:$0x3F75]  }
0x2b: {  	s6 =	sld [smem:$0x3F76]  }
0x2c: {  	s7 =	sld [smem:$0x3F77]  }
0x2d: {  	s3 =	simm.s32 $0x108;
	s8 =	sld [smem:$0x3F78]  }
0x2e: {  	s3 =	simm.s32 @!p0 $0x1082;
	s9 =	sld [smem:$0x3F79]  }
0x2f: {  	lr =	sadd.s32 s0, s3;
	s0 =	sld [smem:$0x3F70]  }
0x30: {  	s3 =	sld [smem:$0x3F73]  }
0x31: {  	[smem:$0x3F7C] =	sst s10  }
0x32: {  	s10 =	sld [smem:$0x3F7A];
	_ =	sdelay $0x3  }
0x33: {  	p0 =	seq.s32 s10, $0x1;
	s10 =	sld [smem:$0x3F7C];
	_ =	sdelay $0x3  }
0x34: {  	[smem:$0x3F7C] =	sst s10  }
0x35: {  	s10 =	sld [smem:$0x3F7B];
	_ =	sdelay $0x3  }
0x36: {  	p1 =	seq.s32 s10, $0x1;
	s10 =	sld [smem:$0x3F7C];
	_ =	sdelay $0x3  }
0x37: {  	[smem:$0x3F7C] =	sst s10  }
0x38: {  	s10 =	sld [smem:$0x3F7D]  }
0x39: {  	_ = 	snop;
	(pc) =	sbr.ind lr, $3  }
0x3a: {  	_ = 	snop  }
0x3b: {  	_ = 	snop  }
0x3c: {  	p2 =	seq.s32 s10, $0x1;
	s10 =	sld [smem:$0x3F7C]  }
0x3d: {  	_ =	shalt  }
0x3e: {  	_ =	shalt  }
0x3f: {  	_ =	shalt  }
0x40: {  	_ =	shalt  }
0x41: {  	_ =	shalt  }
0x42: {  	_ =	shalt  }
0x43: {  	_ =	shalt  }
0x44: {  	_ =	shalt  }
0x45: {  	_ =	shalt  }
0x46: {  	_ =	shalt  }
0x47: {  	_ =	shalt  }
0x48: {  	_ =	shalt  }
0x49: {  	_ =	shalt  }
0x4a: {  	_ =	shalt  }
0x4b: {  	_ =	shalt  }
0x4c: {  	_ =	shalt  }
0x4d: {  	_ =	shalt  }
0x4e: {  	_ =	shalt  }
0x4f: {  	_ =	shalt  }
0x50: {  	_ =	shalt  }
0x51: {  	_ =	shalt  }
0x52: {  	_ =	shalt  }
0x53: {  	_ =	shalt  }
0x54: {  	_ =	shalt  }
0x55: {  	_ =	shalt  }
0x56: {  	_ =	shalt  }
0x57: {  	_ =	shalt  }
0x58: {  	_ =	shalt  }
0x59: {  	_ =	shalt  }
0x5a: {  	_ =	shalt  }
0x5b: {  	_ =	shalt  }
0x5c: {  	_ =	shalt  }
0x5d: {  	_ =	shalt  }
0x5e: {  	_ =	shalt  }
0x5f: {  	_ =	shalt  }
0x60: {  	_ =	shalt  }
0x61: {  	_ =	shalt  }
0x62: {  	_ =	shalt  }
0x63: {  	_ =	shalt  }
0x64: {  	_ =	shalt  }
0x65: {  	_ =	shalt  }
0x66: {  	_ =	shalt  }
0x67: {  	_ =	shalt  }
0x68: {  	_ =	shalt  }
0x69: {  	_ =	shalt  }
0x6a: {  	_ =	shalt  }
0x6b: {  	_ =	shalt  }
0x6c: {  	_ =	shalt  }
0x6d: {  	_ =	shalt  }
0x6e: {  	_ =	shalt  }
0x6f: {  	_ =	shalt  }
0x70: {  	_ =	shalt  }
0x71: {  	_ =	shalt  }
0x72: {  	_ =	shalt  }
0x73: {  	_ =	shalt  }
0x74: {  	_ =	shalt  }
0x75: {  	_ =	shalt  }
0x76: {  	_ =	shalt  }
0x77: {  	_ =	shalt  }
0x78: {  	_ =	shalt  }
0x79: {  	_ =	shalt  }
0x7a: {  	_ =	shalt  }
0x7b: {  	_ =	shalt  }
0x7c: {  	_ =	shalt  }
0x7d: {  	_ =	shalt  }
0x7e: {  	_ =	shalt  }
0x7f: {  	_ =	shalt  }
0x80: {  	_ =	shalt  }
0x81: {  	_ =	shalt  }
0x82: {  	_ =	shalt  }
0x83: {  	_ =	shalt  }
0x84: {  	_ =	shalt  }
0x85: {  	_ =	shalt  }
0x86: {  	_ =	shalt  }
0x87: {  	_ =	shalt  }
.Lfunc_end0:
.L_simem_size_0:
called_computation.2_lowered:
.L_overlay_start_0:
0x88: {  	s2 =	sld [smem:$0x3FD9]  }
0x89: {  	s3 =	sld [smem:$0x3FFE];
	_ =	sdelay $0x1  }
0x8a: {  	s1 =	srdreg.scid  }
0x8b: {  	s0 =	sand.u32 $0x1, s1  }
0x8c: {  	s17 =	sshll.u32 s0, $0xA;
	s2 =	sadd.s32 s3, s2  }
0x8d: {  	s2 =	sadd.s32 s2, s17  }
0x8e: {  	[smem:$0x3F88] =	sst s2  }
0x8f: {  	_ = 	snop  }
0x90: {  	(tm) =	ssettm $0x1  }
0x91: {  	s18 =	sld [smem:$0x3FFB];
	_ =	sdelay $0x3  }
0x92: {  	_ =	strace s18  }
0x93: {  	s2 =	sld [smem:$0x3FFC];
	_ =	sdelay $0x3  }
0x94: {  	_ =	strace s2  }
0x95: {  	s2 =	sld [smem:$0x3FFD];
	_ =	sdelay $0x3  }
0x96: {  	_ =	strace s2  }
0x97: {  	_ =	strace $0x8FFFFFFF  }
0x98: {  	s19 =	sld [smem:$0x3FDB];
	_ =	sdelay $0x1  }
0x99: {  	s20 =	simm.s32 $_scs_section_size  }
0x9a: {  	s4 =	simm.s32 $_size__tile_overlayer_lowered;
	s5 =	simm.s32 $_tile_overlayer_lowered  }
0x9b: {  	s6 =	simm.s32 $0x1BFF;
	s21 =	sshll.u32 s5, $0x1;
	s3 =	sadd.s32 s20, s19  }
0x9c: {  	s22 =	simm.s32 $0x0;
	s4 =	sshll.u32 s4, $0x1;
	s5 =	sadd.s32 s21, s3  }
0x9d: {  	[timem:s22], [sflag:s6] =	dma.local [hbm:s5], s4  }
0x9e: {  	_ =	swait.ge [sflag:s6], s4  }
0x9f: {  	s4 =	ssub.s32 $0x0, s4;
	[sflag:s6] =	ssyncset.done $0x0  }
0xa0: {  	[sflag:s6] =	ssyncadd.s32 s4;
	_ =	sdelay $0x1  }
0xa1: {  	s23 =	simm.s32 $0x1B8B  }
0xa2: {  	_ =	swait.ge [sflag:s23], $0x1  }
0xa3: {  	[sflag:s23] =	ssyncset.done $0x0  }
0xa4: {  	[sflag:s23] =	ssyncadd.s32 $0xFFFFFFFF  }
0xa5: {  	s4 =	sld [smem:$0x0]  }
0xa6: {  	s5 =	sand.u32 $0xFFFFFFFE, s1  }
0xa7: {  	p0 =	sne.s32 s1, s5  }
0xa8: {  	s5 =	sshll.u32 @p0 s5, $0xE  }
0xa9: {  	s5 =	sadd.s32 @p0 $0x11B8D, s5;
	s6 =	sshll.u32 @p0 s4, $0x11  }
0xaa: {  	s5 =	sor.u32 @p0 s6, s5  }
0xab: {  	[sflag:s5] =	ssyncadd.remote.s32 @p0 $0x1;
	_ =	sdelay $0x1  }
0xac: {  	s5 =	simm.s32 @p0 $0x1B8D  }
0xad: {  	_ =	swait.eq @p0 [sflag:s5], $0x1  }
0xae: {  	[sflag:s5] =	ssyncadd.s32 @p0 $0xFFFFFFFF  }
0xaf: {  	s6 =	sshll.u32 @!p0 s1, $0xE  }
0xb0: {  	s6 =	sor.u32 @!p0 $0x4000, s6;
	s5 =	simm.s32 @!p0 $0x1B8D  }
0xb1: {  	s4 =	sshll.u32 @!p0 s4, $0x11;
	s6 =	sadd.s32 @!p0 $0x11B8D, s6;
	_ =	swait.eq @!p0 [sflag:s5], $0x1  }
0xb2: {  	s4 =	sor.u32 @!p0 s4, s6;
	[sflag:s5] =	ssyncadd.s32 @!p0 $0xFFFFFFFF  }
0xb3: {  	s25 =	simm.s32 $0x1B8E;
	s24 =	sld [smem:$0x3FFE];
	[sflag:s4] =	ssyncadd.remote.s32 @!p0 $0x1  }
0xb4: {  	s26 =	simm.s32 $execute0_lowered;
	[smem:$0x3FD2] =	sst s25  }
0xb5: {  	s5 =	sshll.u32 s26, $0x1;
	_ =	strace $0x80000049;
	[dreg:$0x1] =	wrdreg $0xFFFFFFFF  }
0xb6: {  	s28 =	simm.s32 $_size_execute0_lowered;
	s3 =	sadd.s32 s3, s5;
	[dreg:$0x0] =	wrdreg $0x0  }
0xb7: {  	s5 =	sshll.u32 s28, $0x1;
	[dreg:$0x2] =	wrdreg s3  }
0xb8: {  	[dreg:$0x3] =	wrdreg s5  }
0xb9: {  	[dreg:$0x4] =	wrdreg $0xC0  }
0xba: {  	_ =	task [dreg:s22], $0x5FFFF  }
0xbb: {  	[dreg:$0x1] =	wrdreg $0xFFFFFFFF  }
0xbc: {  	[dreg:$0x0] =	wrdreg $0x60  }
0xbd: {  	[dreg:$0x2] =	wrdreg s24  }
0xbe: {  	[dreg:$0x3] =	wrdreg $0x31000  }
0xbf: {  	[dreg:$0x4] =	wrdreg $0x9  }
0xc0: {  	_ =	task.clear_ibuf [dreg:s22], $0x5FFFF;
	_ =	strace $0x90000049  }
0xc1: {  	s29 =	simm.s32 $0x9;
	_ =	strace $0x8000004B  }
0xc2: {  	_ =	swait.ge [sflag:s29], $0x1  }
0xc3: {  	[sflag:s29] =	ssyncadd.s32 $0xFFFFFFFF  }
0xc4: {  	_ =	strace $0x9000004B  }
0xc5: {  	_ =	sfence  }
0xc6: {  	s30 =	sld [smem:$0x0];
	_ =	sdelay $0x2  }
0xc7: {  	s31 =	sshll.u32 s1, $0xD;
	s1 =	sshrl.u32 s1, $0x2  }
0xc8: {  	s4 =	sand.u32 $0x4000, s31;
	s1 =	sadd.s32 s1, s30  }
0xc9: {  	s0 =	sor.u32 s4, s0;
	s1 =	sshll.u32 s1, $0x11  }
0xca: {  	s0 =	sor.u32 s1, s0  }
0xcb: {  	s0 =	sadd.s32 $0x8F2B, s0  }
0xcc: {  	[sflag:s0] =	ssyncadd.remote.s32 $0x1  }
0xcd: {  	_ =	sfence.sel $0xFFFF  }
0xce: {  	[dreg:$0x0] =	wrdreg $0xFFFFFFFF;
	(pc) =	sbr.abs _section_cstart, $3  }
0xcf: {  	[dreg:$0x1] =	wrdreg $0xFFFFFFFF  }
0xd0: {  	_ =	task.clear_ibuf [dreg:s22], $0x2FFFF;
	_ =	strace $0x9FFFFFFF  }
0xd1: {  	(tm) =	ssettm $0x7FFFFFFF  }
tec
execute0_lowered:
.L_overlay_start_1:
0x0: {  	(tag) =	ssettag $0x1  }
0x1: {  	s7 =	rddreg [dreg:$0x0]  }
0x2: {  	s1 =	rddreg [dreg:$0x1]  }
0x3: {  	s0 =	rddreg [dreg:$0x2];
	s3 =	simm.s32 $0x0;
	s2 =	stileid.u32  }
0x4: {  	s8 =	srdreg.scid;
	s14 =	simm.s32 $0x2900;
	s15 =	simm.s32 $0x2  }
0x5: {  	s17 =	simm.s32 $0x50;
	s18 =	simm.s32 $0x100;
	s19 =	simm.s32 $0x1  }
0x6: {  	s20 =	simm.s32 $0x0;
	[smem:$0x7FF] =	sst s3;
	s6 =	smul.u32 $0x4E2, s2  }
0x7: {  	s4 =	sadd.s32 $0x5EE00, s7;
	s5 =	sadd.s32 $0x86000, s7;
	s31 =	smul.u32 $0x4E000, s2  }
0x8: {  	s16 =	sand.u32 $0x1, s8;
	s11 =	smul.u32 $0x2700, s2;
	p0 =	sne.s32 s2, $0xF  }
0x9: {  	p2 =	seq.s32 s2, $0xF;
	_ =	strace $0x8000004A;
	s9 =	ssub.s32 $0x2, s16  }
.Ltmp0:
0xa: {  	p1 =	sne.s32 s16, $0x0;
	s16 =	simm.s32 $0x80;
	(pc) =	sbr.rel .LBB2_1-.Ltmp0, $4  }
0xb: {  	s13 =	sadd.s32 s6, s7;
	s6 =	sadd.s32 $0x105400, s7;
	s10 =	sshrl.u32 s9, $0x1  }
0xc: {  	s8 =	sshrl.u32 s31, $0x2;
	s7 =	sadd.s32 $0x12C600, s7;
	s12 =	ssub.s32 s9, s10  }
0xd: {  	s8 =	sadd.s32 s8, s1;
	s9 =	sadd.s32 $0x138000, s1;
	s10 =	sadd.s32 s7, s11  }
0xe: {  	v0 =	vimm.f32 $0.0e+00;
	s11 =	sadd.s32 s6, s11;
	s13 =	sadd.s32 $0xFB600, s13;
	s12 =	smax.u32 s12, $0x1  }
.LBB2_12:
0xf: {  	s22 =	sadd.s32 $0x27000, s22;
	s23 =	sshrl.u32 s9, $0x3  }
0x10: {  	[hbm:s22], [sflag:s21] =	dma.local [spmem:s23], $0x100  }
0x11: {  	_ =	swait.ge [sflag:s15], $0x100  }
0x12: {  	[sflag:s15] =	ssyncset.done $0x0  }
0x13: {  	[sflag:s15] =	ssyncadd.s32 $0xFFFFFF00  }
.LBB2_13:
0x14: {  	s20 =	sadd.s32 $0x1, s20  }
0x15: {  	p3 =	sne.s32 s20, s12  }
.Ltmp1:
0x16: {  	_ = 	snop;
	(pc) =	sbr.rel @!p3 .LBB2_14-.Ltmp1, $1  }
0x17: {  	_ =	sdelay $0x3  }
.LBB2_1:
0x18: {  	s21 =	simm.s32 $0x0;
	s22 =	simm.s32 $0x0  }
.LBB2_2:
0x19: {  	p3 =	sne.s32 s22, $0x1FC0  }
.Ltmp2:
0x1a: {  	_ = 	snop;
	(pc) =	sbr.rel @p3 .LBB2_2-.Ltmp2, $4  }
0x1b: {  	s23 =	sand.u32 $0x1E00, s22  }
0x1c: {  	s24 =	sand.u32 $0x70, s21;
	s23 =	sshrl.u32 s23, $0x2  }
0x1d: {  	s23 =	sor.u32 s24, s23  }
0x1e: {  	s21 =	sadd.s32 $0x10, s21;
	s22 =	sadd.s32 $0x40, s22;
	[tilespmem:s23+$0x2900] =	vst v0  }
0x1f: {  	s21 =	sadd.s32 $0x0, s8  }
0x20: {  	[spmem:s21] =	stream.linear.scatter [tilespmem:s14], [sflag:$0x2], $0x800, $0x38;
	[tilespmem:$0x16980] =	vst v63  }
0x21: {  	s21 =	simm.s32 $0x2000;
	_ =	swait.ge [sflag:s15], $0x800  }
.LBB2_4:
0x22: {  	s22 =	sshra.s32 s21, $0x2;
	[sflag:s15] =	ssyncset.done $0x0;
	p3 =	sne.s32 s21, $0x4C000  }
.Ltmp3:
0x23: {  	s22 =	sadd.s32 s22, s8;
	[sflag:s15] =	ssyncadd.s32 $0xFFFFF800;
	(pc) =	sbr.rel @p3 .LBB2_4-.Ltmp3, $3  }
0x24: {  	[spmem:s22] =	stream.linear.scatter [tilespmem:s14], [sflag:$0x2], $0x800, $0x38;
	[tilespmem:$0x16980] =	vst v63  }
0x25: {  	s21 =	sadd.s32 $0x2000, s21;
	_ =	sdelay $0x1  }
0x26: {  	_ =	swait.ge [sflag:s15], $0x800  }
0x27: {  	[sflag:s15] =	ssyncset.done $0x0  }
0x28: {  	s21 =	simm.s32 @!p0 $0x2900;
	[sflag:s15] =	ssyncadd.s32 $0xFFFFF800  }
0x29: {  	[spmem:s9] =	stream.linear.scatter @!p0 [tilespmem:s21], [sflag:$0x2], $0x800, $0x38;
	[tilespmem:$0x16980] =	vst v63  }
0x2a: {  	s21 =	simm.s32 @!p0 $0x2  }
.Ltmp4:
0x2b: {  	_ =	swait.ge @!p0 [sflag:s21], $0x800;
	(pc) =	sbr.rel @p1 .LBB2_9-.Ltmp4, $4  }
0x2c: {  	[sflag:s21] =	ssyncset.done @!p0 $0x0  }
0x2d: {  	[sflag:s21] =	ssyncadd.s32 @!p0 $0xFFFFF800  }
0x2e: {  	[bflag:$0x0] =	sbarrier.arrive $0xFFFF  }
0x2f: {  	s21 =	sadd.s32 $0x0, s13  }
0x30: {  	[tilespmem:s3], [sflag:$0x2] =	stream.linear.gather [hbm4b:s21+s3], $0x50, $0x38;
	[tilespmem:$0x16980] =	vst v63  }
0x31: {  	_ =	swait.ge [sflag:s15], $0x50  }
0x32: {  	[sflag:s15] =	ssyncset.done $0x0  }
0x33: {  	s31 =	sadd.s32 $0x4E20, s21;
	[sflag:s15] =	ssyncadd.s32 $0xFFFFFFB0  }
0x34: {  	[tilespmem:s16], [sflag:$0x2] =	stream.linear.gather [hbm4b:s31+s3], $0x50, $0x38;
	[tilespmem:$0x16980] =	vst v63  }
0x35: {  	_ =	swait.ge [sflag:s15], $0x50  }
0x36: {  	[sflag:s15] =	ssyncset.done $0x0  }
0x37: {  	[sflag:s15] =	ssyncadd.s32 $0xFFFFFFB0  }
0x38: {  	[tilespmem:s18], [sflag:$0x1] =	stream.indirect.gather [hbm4b:s4+s17], $0x80, s3, s17, $0xb8;
	[tilespmem:$0x16980] =	vst v63  }
0x39: {  	_ =	swait.ge [sflag:s19], $0x2800  }
0x3a: {  	[sflag:s19] =	ssyncset.done $0x0  }
0x3b: {  	[sflag:s19] =	ssyncadd.s32 $0xFFFFD800  }
0x3c: {  	[spmem:s1] =	stream.indirect.scatter.add.f32 [tilespmem:s18], [sflag:$0x2], $0x80, s16, s17, $0xb8;
	[tilespmem:$0x16980] =	vst v63  }
0x3d: {  	_ =	swait.ge [sflag:s15], $0x2800  }
0x3e: {  	s21 =	simm.s32 $0xA;
	s22 =	simm.s32 $0x14;
	[sflag:s15] =	ssyncset.done $0x0  }
.LBB2_7:
0x3f: {  	s23 =	sadd.s32 s21, s13  }
0x40: {  	[sflag:s15] =	ssyncadd.s32 $0xFFFFD800;
	s21 =	smov.u32 s22;
	s24 =	sadd.s32 $0xA, s22  }
0x41: {  	[tilespmem:s3], [sflag:$0x2] =	stream.linear.gather [hbm4b:s23+s3], $0x50, $0x38;
	[tilespmem:$0x16980] =	vst v63  }
0x42: {  	p3 =	sne.s32 s22, $0x4D8;
	_ =	swait.ge [sflag:s15], $0x50  }
0x43: {  	[sflag:s15] =	ssyncset.done $0x0  }
0x44: {  	s22 =	sadd.s32 $0x4E20, s23;
	[sflag:s15] =	ssyncadd.s32 $0xFFFFFFB0  }
0x45: {  	[tilespmem:s16], [sflag:$0x2] =	stream.linear.gather [hbm4b:s22+s3], $0x50, $0x38;
	[tilespmem:$0x16980] =	vst v63  }
0x46: {  	_ =	swait.ge [sflag:s15], $0x50  }
0x47: {  	[sflag:s15] =	ssyncset.done $0x0  }
0x48: {  	[sflag:s15] =	ssyncadd.s32 $0xFFFFFFB0  }
0x49: {  	[tilespmem:s18], [sflag:$0x1] =	stream.indirect.gather [hbm4b:s4+s17], $0x80, s3, s17, $0xb8;
	[tilespmem:$0x16980] =	vst v63  }
0x4a: {  	_ =	swait.ge [sflag:s19], $0x2800  }
.Ltmp5:
0x4b: {  	[sflag:s19] =	ssyncset.done $0x0;
	(pc) =	sbr.rel @p3 .LBB2_7-.Ltmp5, $4  }
0x4c: {  	[sflag:s19] =	ssyncadd.s32 $0xFFFFD800  }
0x4d: {  	[spmem:s1] =	stream.indirect.scatter.add.f32 [tilespmem:s18], [sflag:$0x2], $0x80, s16, s17, $0xb8;
	[tilespmem:$0x16980] =	vst v63  }
0x4e: {  	_ =	swait.ge [sflag:s15], $0x2800  }
0x4f: {  	s22 =	smov.u32 s24;
	[sflag:s15] =	ssyncset.done $0x0  }
0x50: {  	s21 =	sadd.s32 s21, s13;
	[sflag:s15] =	ssyncadd.s32 $0xFFFFD800  }
0x51: {  	[tilespmem:s3], [sflag:$0x2] =	stream.linear.gather [hbm4b:s21+s3], $0x50, $0x38;
	[tilespmem:$0x16980] =	vst v63  }
0x52: {  	_ =	swait.ge [sflag:s15], $0x50  }
0x53: {  	[sflag:s15] =	ssyncset.done $0x0  }
0x54: {  	s21 =	sadd.s32 $0x4E20, s21;
	[sflag:s15] =	ssyncadd.s32 $0xFFFFFFB0  }
0x55: {  	[tilespmem:s16], [sflag:$0x2] =	stream.linear.gather [hbm4b:s21+s3], $0x50, $0x38;
	[tilespmem:$0x16980] =	vst v63  }
0x56: {  	_ =	swait.ge [sflag:s15], $0x50  }
0x57: {  	[sflag:s15] =	ssyncset.done $0x0  }
0x58: {  	[sflag:s15] =	ssyncadd.s32 $0xFFFFFFB0  }
0x59: {  	[tilespmem:s18], [sflag:$0x1] =	stream.indirect.gather [hbm4b:s4+s17], $0x80, s3, s17, $0xb8;
	[tilespmem:$0x16980] =	vst v63  }
0x5a: {  	_ =	swait.ge [sflag:s19], $0x2800  }
0x5b: {  	[sflag:s19] =	ssyncset.done $0x0  }
0x5c: {  	[sflag:s19] =	ssyncadd.s32 $0xFFFFD800  }
0x5d: {  	[spmem:s1] =	stream.indirect.scatter.add.f32 [tilespmem:s18], [sflag:$0x2], $0x80, s16, s17, $0xb8;
	[tilespmem:$0x16980] =	vst v63  }
0x5e: {  	_ =	swait.ge [sflag:s15], $0x2800  }
0x5f: {  	[sflag:s15] =	ssyncset.done $0x0  }
0x60: {  	s31 =	sshll.u32 s2, $0x6;
	[sflag:s15] =	ssyncadd.s32 $0xFFFFD800  }
0x61: {  	s22 =	sshrl.u32 s8, $0x3;
	s21 =	sor.u32 $0x1C02, s31;
	[bflag:$0x0] =	sbarrier.arrive $0xFFFF  }
0x62: {  	[hbm:s11], [sflag:s21] =	dma.local [spmem:s22], $0x2700  }
.Ltmp6:
0x63: {  	_ = 	snop;
	(pc) =	sbr.rel @p2 .LBB2_12-.Ltmp6, $4  }
.Ltmp7:
0x64: {  	_ = 	snop;
	(pc) =	sbr.rel @!p2 .LBB2_13-.Ltmp7, $4  }
0x65: {  	_ =	swait.ge [sflag:s15], $0x2700  }
0x66: {  	[sflag:s15] =	ssyncset.done $0x0  }
0x67: {  	s22 =	smov.u32 s6;
	[sflag:s15] =	ssyncadd.s32 $0xFFFFD900  }
0x68: {  	_ = 	snop  }
.LBB2_9:
0x69: {  	[tilespmem:s3], [sflag:$0x2] =	stream.linear.gather [hbm4b:s21+s3], $0x50, $0x38;
	[tilespmem:$0x16980] =	vst v63  }
0x6a: {  	_ =	swait.ge [sflag:s15], $0x50  }
0x6b: {  	[sflag:s15] =	ssyncset.done $0x0  }
0x6c: {  	s31 =	sadd.s32 $0x4E20, s21;
	[sflag:s15] =	ssyncadd.s32 $0xFFFFFFB0  }
0x6d: {  	[tilespmem:s16], [sflag:$0x2] =	stream.linear.gather [hbm4b:s31+s3], $0x50, $0x38;
	[tilespmem:$0x16980] =	vst v63  }
0x6e: {  	_ =	swait.ge [sflag:s15], $0x50  }
0x6f: {  	[sflag:s15] =	ssyncset.done $0x0  }
0x70: {  	[sflag:s15] =	ssyncadd.s32 $0xFFFFFFB0  }
0x71: {  	[tilespmem:s18], [sflag:$0x1] =	stream.indirect.gather [hbm4b:s5+s17], $0x80, s3, s17, $0xb8;
	[tilespmem:$0x16980] =	vst v63  }
0x72: {  	_ =	swait.ge [sflag:s19], $0x2800  }
0x73: {  	[sflag:s19] =	ssyncset.done $0x0  }
0x74: {  	[sflag:s19] =	ssyncadd.s32 $0xFFFFD800  }
0x75: {  	[spmem:s1] =	stream.indirect.scatter.add.f32 [tilespmem:s18], [sflag:$0x2], $0x80, s16, s17, $0xb8;
	[tilespmem:$0x16980] =	vst v63  }
0x76: {  	_ =	swait.ge [sflag:s15], $0x2800  }
0x77: {  	s21 =	simm.s32 $0xA;
	s22 =	simm.s32 $0x14;
	[sflag:s15] =	ssyncset.done $0x0  }
.LBB2_10:
0x78: {  	s23 =	sadd.s32 s21, s13  }
0x79: {  	[sflag:s15] =	ssyncadd.s32 $0xFFFFD800;
	s21 =	smov.u32 s22;
	s24 =	sadd.s32 $0xA, s22  }
0x7a: {  	[tilespmem:s3], [sflag:$0x2] =	stream.linear.gather [hbm4b:s23+s3], $0x50, $0x38;
	[tilespmem:$0x16980] =	vst v63  }
0x7b: {  	p3 =	sne.s32 s22, $0x4D8;
	_ =	swait.ge [sflag:s15], $0x50  }
0x7c: {  	[sflag:s15] =	ssyncset.done $0x0  }
0x7d: {  	s22 =	sadd.s32 $0x4E20, s23;
	[sflag:s15] =	ssyncadd.s32 $0xFFFFFFB0  }
0x7e: {  	[tilespmem:s16], [sflag:$0x2] =	stream.linear.gather [hbm4b:s22+s3], $0x50, $0x38;
	[tilespmem:$0x16980] =	vst v63  }
0x7f: {  	_ =	swait.ge [sflag:s15], $0x50  }
0x80: {  	[sflag:s15] =	ssyncset.done $0x0  }
0x81: {  	[sflag:s15] =	ssyncadd.s32 $0xFFFFFFB0  }
0x82: {  	[tilespmem:s18], [sflag:$0x1] =	stream.indirect.gather [hbm4b:s5+s17], $0x80, s3, s17, $0xb8;
	[tilespmem:$0x16980] =	vst v63  }
0x83: {  	_ =	swait.ge [sflag:s19], $0x2800  }
.Ltmp8:
0x84: {  	[sflag:s19] =	ssyncset.done $0x0;
	(pc) =	sbr.rel @p3 .LBB2_10-.Ltmp8, $4  }
0x85: {  	[sflag:s19] =	ssyncadd.s32 $0xFFFFD800  }
0x86: {  	[spmem:s1] =	stream.indirect.scatter.add.f32 [tilespmem:s18], [sflag:$0x2], $0x80, s16, s17, $0xb8;
	[tilespmem:$0x16980] =	vst v63  }
0x87: {  	_ =	swait.ge [sflag:s15], $0x2800  }
0x88: {  	s22 =	smov.u32 s24;
	[sflag:s15] =	ssyncset.done $0x0  }
0x89: {  	s21 =	sadd.s32 s21, s13;
	[sflag:s15] =	ssyncadd.s32 $0xFFFFD800  }
0x8a: {  	[tilespmem:s3], [sflag:$0x2] =	stream.linear.gather [hbm4b:s21+s3], $0x50, $0x38;
	[tilespmem:$0x16980] =	vst v63  }
0x8b: {  	_ =	swait.ge [sflag:s15], $0x50  }
0x8c: {  	[sflag:s15] =	ssyncset.done $0x0  }
0x8d: {  	s21 =	sadd.s32 $0x4E20, s21;
	[sflag:s15] =	ssyncadd.s32 $0xFFFFFFB0  }
0x8e: {  	[tilespmem:s16], [sflag:$0x2] =	stream.linear.gather [hbm4b:s21+s3], $0x50, $0x38;
	[tilespmem:$0x16980] =	vst v63  }
0x8f: {  	_ =	swait.ge [sflag:s15], $0x50  }
0x90: {  	[sflag:s15] =	ssyncset.done $0x0  }
0x91: {  	[sflag:s15] =	ssyncadd.s32 $0xFFFFFFB0  }
0x92: {  	[tilespmem:s18], [sflag:$0x1] =	stream.indirect.gather [hbm4b:s5+s17], $0x80, s3, s17, $0xb8;
	[tilespmem:$0x16980] =	vst v63  }
0x93: {  	_ =	swait.ge [sflag:s19], $0x2800  }
0x94: {  	[sflag:s19] =	ssyncset.done $0x0  }
0x95: {  	[sflag:s19] =	ssyncadd.s32 $0xFFFFD800  }
0x96: {  	[spmem:s1] =	stream.indirect.scatter.add.f32 [tilespmem:s18], [sflag:$0x2], $0x80, s16, s17, $0xb8;
	[tilespmem:$0x16980] =	vst v63  }
0x97: {  	_ =	swait.ge [sflag:s15], $0x2800  }
0x98: {  	[sflag:s15] =	ssyncset.done $0x0  }
0x99: {  	s31 =	sshll.u32 s2, $0x6;
	[sflag:s15] =	ssyncadd.s32 $0xFFFFD800  }
0x9a: {  	s22 =	sshrl.u32 s8, $0x3;
	s21 =	sor.u32 $0x1C02, s31;
	[bflag:$0x0] =	sbarrier.arrive $0xFFFF  }
0x9b: {  	[hbm:s10], [sflag:s21] =	dma.local [spmem:s22], $0x2700  }
.Ltmp9:
0x9c: {  	_ = 	snop;
	(pc) =	sbr.rel @p0 .LBB2_13-.Ltmp9, $4  }
.Ltmp10:
0x9d: {  	_ = 	snop;
	(pc) =	sbr.rel @!p0 .LBB2_12-.Ltmp10, $4  }
0x9e: {  	_ =	swait.ge [sflag:s15], $0x2700  }
0x9f: {  	[sflag:s15] =	ssyncset.done $0x0  }
0xa0: {  	s22 =	smov.u32 s7;
	[sflag:s15] =	ssyncadd.s32 $0xFFFFD900  }
0xa1: {  	_ = 	snop  }
.LBB2_14:
0xa2: {  	_ =	sfence.sel $0x180000  }
0xa3: {  	[bflag:$0x0] =	sbarrier.arrive $0xFFFF  }
0xa4: {  	p0 =	sne.s32 s2, $0x0;
	_ =	strace $0x9000004A  }
0xa5: {  	s0 =	sadd.s32 @!p0 $0x100000, s0;
	[bflag:$0x2] =	sbarrier.arrive $0xFFFF  }
0xa6: {  	[sflag:s0] =	ssyncadd.tile.s32 @!p0 $0x1;
	_ =	shalt  }
.Lfunc_end2:
_tile_overlayer_lowered:
.L_overlay_start_2:
0xa7: {  	(tag) =	ssettag $0x2  }
0xa8: {  	s0 =	rddreg [dreg:$0x0];
	s2 =	stileid.u32  }
0xa9: {  	s1 =	rddreg [dreg:$0x1];
	p0 =	sne.s32 s2, $0x0  }
0xaa: {  	s3 =	rddreg [dreg:$0x2];
	[bflag:$0x3] =	sbarrier.arrive $0xFFFF;
	s2 =	simm.s32 @!p0 $0x1C02  }
0xab: {  	[timem:s3], [sflag:s2] =	dma.local @!p0 [hbm:s0], s1  }
0xac: {  	s0 =	simm.s32 @!p0 $0x2  }
0xad: {  	_ =	swait.ge @!p0 [sflag:s0], s1  }
0xae: {  	s1 =	ssub.s32 @!p0 $0x0, s1;
	[sflag:s0] =	ssyncset.done @!p0 $0x0  }
0xaf: {  	[sflag:s0] =	ssyncadd.s32 @!p0 s1  }
0xb0: {  	[bflag:$0x3] =	sbarrier.arrive $0xFFFF  }
0xb1: {  	_ =	shalt  }

// kernel: kernel.22.cloned.1.call-start
scs
__scs_entry_jumppad:
0x0: {  	(pc) =	sbr.rel $0x88, $3  }
0x1: {  	(tag) =	ssettag $0x0;
	lr =	simm.s32 $0x1  }
0x2: {  	[smem:$0x3F61] =	sst lr;
	_ =	strace $0xD0000000  }
0x3: {  	_ = 	snop  }
0x4: {  	_ = 	snop  }
0x5: {  	_ = 	snop  }
0x6: {  	_ = 	snop  }
0x7: {  	_ = 	snop  }
__scs_overlays_trampoline_lowered:
0x8: {  	[smem:$0x3F70] =	sst s0  }
0x9: {  	[smem:$0x3F71] =	sst s1  }
0xa: {  	[smem:$0x3F72] =	sst s2  }
0xb: {  	[smem:$0x3F73] =	sst s3  }
0xc: {  	[smem:$0x3F74] =	sst s4  }
0xd: {  	[smem:$0x3F75] =	sst s5  }
0xe: {  	[smem:$0x3F76] =	sst s6  }
0xf: {  	[smem:$0x3F77] =	sst s7  }
0x10: {  	[smem:$0x3F78] =	sst s8  }
0x11: {  	[smem:$0x3F79] =	sst s9;
	s0 =	simm.s32 @!p0 $0x0  }
0x12: {  	s1 =	sld [smem:$0x3F5F];
	s0 =	simm.s32 @p0 $0x1  }
0x13: {  	[smem:$0x3F7A] =	sst s0;
	s0 =	simm.s32 @!p1 $0x0  }
0x14: {  	s2 =	sld [smem:$0x3F5E];
	s0 =	simm.s32 @p1 $0x1  }
0x15: {  	[smem:$0x3F7B] =	sst s0;
	s0 =	simm.s32 @!p2 $0x0  }
0x16: {  	s3 =	sld [smem:$0x3FDB];
	s0 =	simm.s32 @p2 $0x1  }
0x17: {  	s4 =	simm.s32 $0x1BF5;
	[smem:$0x3F7D] =	sst s0  }
0x18: {  	s0 =	sld [smem:$0x3F60];
	_ =	swait.ge [sflag:s4], $0x0  }
0x19: {  	s7 =	sld [smem:$0x3F61]  }
0x1a: {  	s8 =	sadd.s32 $0xFFFFE003, lr  }
0x1b: {  	s9 =	sadd.s32 $0xFFFFFEF7, lr;
	s5 =	simm.s32 $0xFFFFFFFF;
	p2 =	slt.u32 s8, $0xFFFFF086  }
0x1c: {  	p1 =	slt.u32 s9, $0xF7A;
	s5 =	simm.s32 @!p2 $0x0  }
0x1d: {  	s5 =	simm.s32 @p1 $0x1;
	p0 =	seq.s32 s7, s2  }
0x1e: {  	s7 =	smul.u32 @!p0 $0xF7A, s2;
	p2 =	seq.s32 @!p0 s5, $0x0  }
0x1f: {  	s9 =	smul.u32 $0xF7A, s1;
	s8 =	simm.s32 @!p0 $0x1BF5;
	p2 =	por !p2, p0  }
0x20: {  	[sflag:s8] =	ssyncset.s32 @!p0 $0xFFFFF086;
	s6 =	sadd.s32 @!p0 s3, s7;
	s7 =	simm.s32 @!p0 $0x108  }
0x21: {  	s3 =	sadd.s32 s3, s9;
	s6 =	sadd.s32 @!p0 $0x88, s6;
	s7 =	simm.s32 @p2 $0x1082  }
0x22: {  	[simem:s7], [sflag:s8] =	dma.local @!p0 [hbm:s6], $0xF7A  }
0x23: {  	s9 =	sor.u32 $0xD0000000, s2;
	s6 =	simm.s32 $0x108;
	_ =	swait.ge @!p0 [sflag:s8], $0x0  }
0x24: {  	s3 =	sadd.s32 $0x88, s3;
	s6 =	simm.s32 @!p1 $0x1082;
	[sflag:s4] =	ssyncset.s32 $0xFFFFF086  }
0x25: {  	[simem:s6], [sflag:s4] =	dma.local [hbm:s3], $0xF7A  }
0x26: {  	[smem:$0x3F61] =	sst s1;
	(tag) =	ssettag s2;
	_ =	strace s9  }
0x27: {  	s1 =	sld [smem:$0x3F71]  }
0x28: {  	s2 =	sld [smem:$0x3F72]  }
0x29: {  	s4 =	sld [smem:$0x3F74]  }
0x2a: {  	p0 =	seq.s32 s5, $0x0;
	s5 =	sld [smem:$0x3F75]  }
0x2b: {  	s6 =	sld [smem:$0x3F76]  }
0x2c: {  	s7 =	sld [smem:$0x3F77]  }
0x2d: {  	s3 =	simm.s32 $0x108;
	s8 =	sld [smem:$0x3F78]  }
0x2e: {  	s3 =	simm.s32 @!p0 $0x1082;
	s9 =	sld [smem:$0x3F79]  }
0x2f: {  	lr =	sadd.s32 s0, s3;
	s0 =	sld [smem:$0x3F70]  }
0x30: {  	s3 =	sld [smem:$0x3F73]  }
0x31: {  	[smem:$0x3F7C] =	sst s10  }
0x32: {  	s10 =	sld [smem:$0x3F7A];
	_ =	sdelay $0x3  }
0x33: {  	p0 =	seq.s32 s10, $0x1;
	s10 =	sld [smem:$0x3F7C];
	_ =	sdelay $0x3  }
0x34: {  	[smem:$0x3F7C] =	sst s10  }
0x35: {  	s10 =	sld [smem:$0x3F7B];
	_ =	sdelay $0x3  }
0x36: {  	p1 =	seq.s32 s10, $0x1;
	s10 =	sld [smem:$0x3F7C];
	_ =	sdelay $0x3  }
0x37: {  	[smem:$0x3F7C] =	sst s10  }
0x38: {  	s10 =	sld [smem:$0x3F7D]  }
0x39: {  	_ = 	snop;
	(pc) =	sbr.ind lr, $3  }
0x3a: {  	_ = 	snop  }
0x3b: {  	_ = 	snop  }
0x3c: {  	p2 =	seq.s32 s10, $0x1;
	s10 =	sld [smem:$0x3F7C]  }
0x3d: {  	_ =	shalt  }
0x3e: {  	_ =	shalt  }
0x3f: {  	_ =	shalt  }
0x40: {  	_ =	shalt  }
0x41: {  	_ =	shalt  }
0x42: {  	_ =	shalt  }
0x43: {  	_ =	shalt  }
0x44: {  	_ =	shalt  }
0x45: {  	_ =	shalt  }
0x46: {  	_ =	shalt  }
0x47: {  	_ =	shalt  }
0x48: {  	_ =	shalt  }
0x49: {  	_ =	shalt  }
0x4a: {  	_ =	shalt  }
0x4b: {  	_ =	shalt  }
0x4c: {  	_ =	shalt  }
0x4d: {  	_ =	shalt  }
0x4e: {  	_ =	shalt  }
0x4f: {  	_ =	shalt  }
0x50: {  	_ =	shalt  }
0x51: {  	_ =	shalt  }
0x52: {  	_ =	shalt  }
0x53: {  	_ =	shalt  }
0x54: {  	_ =	shalt  }
0x55: {  	_ =	shalt  }
0x56: {  	_ =	shalt  }
0x57: {  	_ =	shalt  }
0x58: {  	_ =	shalt  }
0x59: {  	_ =	shalt  }
0x5a: {  	_ =	shalt  }
0x5b: {  	_ =	shalt  }
0x5c: {  	_ =	shalt  }
0x5d: {  	_ =	shalt  }
0x5e: {  	_ =	shalt  }
0x5f: {  	_ =	shalt  }
0x60: {  	_ =	shalt  }
0x61: {  	_ =	shalt  }
0x62: {  	_ =	shalt  }
0x63: {  	_ =	shalt  }
0x64: {  	_ =	shalt  }
0x65: {  	_ =	shalt  }
0x66: {  	_ =	shalt  }
0x67: {  	_ =	shalt  }
0x68: {  	_ =	shalt  }
0x69: {  	_ =	shalt  }
0x6a: {  	_ =	shalt  }
0x6b: {  	_ =	shalt  }
0x6c: {  	_ =	shalt  }
0x6d: {  	_ =	shalt  }
0x6e: {  	_ =	shalt  }
0x6f: {  	_ =	shalt  }
0x70: {  	_ =	shalt  }
0x71: {  	_ =	shalt  }
0x72: {  	_ =	shalt  }
0x73: {  	_ =	shalt  }
0x74: {  	_ =	shalt  }
0x75: {  	_ =	shalt  }
0x76: {  	_ =	shalt  }
0x77: {  	_ =	shalt  }
0x78: {  	_ =	shalt  }
0x79: {  	_ =	shalt  }
0x7a: {  	_ =	shalt  }
0x7b: {  	_ =	shalt  }
0x7c: {  	_ =	shalt  }
0x7d: {  	_ =	shalt  }
0x7e: {  	_ =	shalt  }
0x7f: {  	_ =	shalt  }
0x80: {  	_ =	shalt  }
0x81: {  	_ =	shalt  }
0x82: {  	_ =	shalt  }
0x83: {  	_ =	shalt  }
0x84: {  	_ =	shalt  }
0x85: {  	_ =	shalt  }
0x86: {  	_ =	shalt  }
0x87: {  	_ =	shalt  }
.Lfunc_end0:
.L_simem_size_0:
called_computation.3_lowered:
.L_overlay_start_0:
0x88: {  	s2 =	sld [smem:$0x3FD9]  }
0x89: {  	s3 =	sld [smem:$0x3FFE];
	_ =	sdelay $0x1  }
0x8a: {  	s1 =	srdreg.scid  }
0x8b: {  	s0 =	sand.u32 $0x1, s1  }
0x8c: {  	s17 =	sshll.u32 s0, $0xA;
	s2 =	sadd.s32 s3, s2  }
0x8d: {  	s2 =	sadd.s32 s2, s17  }
0x8e: {  	[smem:$0x3F88] =	sst s2  }
0x8f: {  	_ = 	snop  }
0x90: {  	(tm) =	ssettm $0x1  }
0x91: {  	s18 =	sld [smem:$0x3FFB];
	_ =	sdelay $0x3  }
0x92: {  	_ =	strace s18  }
0x93: {  	s2 =	sld [smem:$0x3FFC];
	_ =	sdelay $0x3  }
0x94: {  	_ =	strace s2  }
0x95: {  	s2 =	sld [smem:$0x3FFD];
	_ =	sdelay $0x3  }
0x96: {  	_ =	strace s2  }
0x97: {  	_ =	strace $0x8FFFFFFF  }
0x98: {  	s19 =	sld [smem:$0x3FDB];
	_ =	sdelay $0x1  }
0x99: {  	s20 =	simm.s32 $_scs_section_size  }
0x9a: {  	s4 =	simm.s32 $_size__tile_overlayer_lowered;
	s5 =	simm.s32 $_tile_overlayer_lowered  }
0x9b: {  	s6 =	simm.s32 $0x1BFF;
	s21 =	sshll.u32 s5, $0x1;
	s3 =	sadd.s32 s20, s19  }
0x9c: {  	s22 =	simm.s32 $0x0;
	s4 =	sshll.u32 s4, $0x1;
	s5 =	sadd.s32 s21, s3  }
0x9d: {  	[timem:s22], [sflag:s6] =	dma.local [hbm:s5], s4  }
0x9e: {  	_ =	swait.ge [sflag:s6], s4  }
0x9f: {  	s4 =	ssub.s32 $0x0, s4;
	[sflag:s6] =	ssyncset.done $0x0  }
0xa0: {  	[sflag:s6] =	ssyncadd.s32 s4;
	_ =	sdelay $0x1  }
0xa1: {  	s23 =	simm.s32 $0x1B8B  }
0xa2: {  	_ =	swait.ge [sflag:s23], $0x1  }
0xa3: {  	[sflag:s23] =	ssyncset.done $0x0  }
0xa4: {  	[sflag:s23] =	ssyncadd.s32 $0xFFFFFFFF  }
0xa5: {  	s4 =	sld [smem:$0x0]  }
0xa6: {  	s5 =	sand.u32 $0xFFFFFFFE, s1  }
0xa7: {  	p0 =	sne.s32 s1, s5  }
0xa8: {  	s5 =	sshll.u32 @p0 s5, $0xE  }
0xa9: {  	s5 =	sadd.s32 @p0 $0x11B8D, s5;
	s6 =	sshll.u32 @p0 s4, $0x11  }
0xaa: {  	s5 =	sor.u32 @p0 s6, s5  }
0xab: {  	[sflag:s5] =	ssyncadd.remote.s32 @p0 $0x1;
	_ =	sdelay $0x1  }
0xac: {  	s5 =	simm.s32 @p0 $0x1B8D  }
0xad: {  	_ =	swait.eq @p0 [sflag:s5], $0x1  }
0xae: {  	[sflag:s5] =	ssyncadd.s32 @p0 $0xFFFFFFFF  }
0xaf: {  	s6 =	sshll.u32 @!p0 s1, $0xE  }
0xb0: {  	s6 =	sor.u32 @!p0 $0x4000, s6;
	s5 =	simm.s32 @!p0 $0x1B8D  }
0xb1: {  	s4 =	sshll.u32 @!p0 s4, $0x11;
	s6 =	sadd.s32 @!p0 $0x11B8D, s6;
	_ =	swait.eq @!p0 [sflag:s5], $0x1  }
0xb2: {  	s4 =	sor.u32 @!p0 s4, s6;
	[sflag:s5] =	ssyncadd.s32 @!p0 $0xFFFFFFFF  }
0xb3: {  	s25 =	simm.s32 $0x1B8E;
	s24 =	sld [smem:$0x3FFE];
	[sflag:s4] =	ssyncadd.remote.s32 @!p0 $0x1  }
0xb4: {  	s26 =	simm.s32 $execute0_lowered;
	[smem:$0x3FD2] =	sst s25  }
0xb5: {  	s5 =	sshll.u32 s26, $0x1;
	_ =	strace $0x80000055;
	[dreg:$0x1] =	wrdreg $0xFFFFFFFF  }
0xb6: {  	s28 =	simm.s32 $_size_execute0_lowered;
	s3 =	sadd.s32 s3, s5;
	[dreg:$0x0] =	wrdreg $0x0  }
0xb7: {  	s5 =	sshll.u32 s28, $0x1;
	[dreg:$0x2] =	wrdreg s3  }
0xb8: {  	[dreg:$0x3] =	wrdreg s5  }
0xb9: {  	[dreg:$0x4] =	wrdreg $0xC0  }
0xba: {  	_ =	task [dreg:s22], $0x5FFFF  }
0xbb: {  	[dreg:$0x1] =	wrdreg $0xFFFFFFFF  }
0xbc: {  	[dreg:$0x0] =	wrdreg $0x60  }
0xbd: {  	[dreg:$0x2] =	wrdreg s24  }
0xbe: {  	[dreg:$0x3] =	wrdreg $0x31000  }
0xbf: {  	[dreg:$0x4] =	wrdreg $0x9  }
0xc0: {  	_ =	task.clear_ibuf [dreg:s22], $0x5FFFF;
	_ =	strace $0x90000055  }
0xc1: {  	s29 =	simm.s32 $0x9;
	_ =	strace $0x80000057  }
0xc2: {  	_ =	swait.ge [sflag:s29], $0x1  }
0xc3: {  	[sflag:s29] =	ssyncadd.s32 $0xFFFFFFFF  }
0xc4: {  	_ =	strace $0x90000057  }
0xc5: {  	_ =	sfence  }
0xc6: {  	s30 =	sld [smem:$0x0];
	_ =	sdelay $0x2  }
0xc7: {  	s31 =	sshll.u32 s1, $0xD;
	s1 =	sshrl.u32 s1, $0x2  }
0xc8: {  	s4 =	sand.u32 $0x4000, s31;
	s1 =	sadd.s32 s1, s30  }
0xc9: {  	s0 =	sor.u32 s4, s0;
	s1 =	sshll.u32 s1, $0x11  }
0xca: {  	s0 =	sor.u32 s1, s0  }
0xcb: {  	s0 =	sadd.s32 $0x8F2B, s0  }
0xcc: {  	[sflag:s0] =	ssyncadd.remote.s32 $0x1  }
0xcd: {  	_ =	sfence.sel $0xFFFF  }
0xce: {  	[dreg:$0x0] =	wrdreg $0xFFFFFFFF;
	(pc) =	sbr.abs _section_cstart, $3  }
0xcf: {  	[dreg:$0x1] =	wrdreg $0xFFFFFFFF  }
0xd0: {  	_ =	task.clear_ibuf [dreg:s22], $0x2FFFF;
	_ =	strace $0x9FFFFFFF  }
0xd1: {  	(tm) =	ssettm $0x7FFFFFFF  }
tec
execute0_lowered:
.L_overlay_start_1:
0x0: {  	(tag) =	ssettag $0x1  }
0x1: {  	s10 =	rddreg [dreg:$0x0]  }
0x2: {  	s1 =	rddreg [dreg:$0x1]  }
0x3: {  	s0 =	rddreg [dreg:$0x2];
	s2 =	simm.s32 $0x0;
	s8 =	srdreg.scid  }
0x4: {  	s4 =	stileid.u32;
	s17 =	simm.s32 $0x2900;
	s18 =	simm.s32 $0x2  }
0x5: {  	s20 =	simm.s32 $0x100;
	s21 =	simm.s32 $0x50;
	s22 =	simm.s32 $0x1  }
0x6: {  	[smem:$0x7FF] =	sst s2;
	s3 =	sadd.s32 $0xAD200, s10;
	s5 =	sadd.s32 $0xD4400, s10  }
0x7: {  	s6 =	sadd.s32 $0x300E00, s10;
	s7 =	sadd.s32 $0x571E00, s10;
	s19 =	sand.u32 $0x1, s8  }
0x8: {  	s8 =	sadd.s32 $0x2F7000, s10;
	s12 =	smul.u32 $0x4E000, s4;
	s9 =	sadd.s32 $0x105400, s10  }
0x9: {  	s10 =	sadd.s32 $0x12C600, s10;
	s15 =	smul.u32 $0x2700, s4;
	p0 =	sne.s32 s4, $0xF  }
.Ltmp0:
0xa: {  	p2 =	seq.s32 s4, $0xF;
	_ =	strace $0x80000056;
	(pc) =	sbr.rel .LBB2_1-.Ltmp0, $4  }
0xb: {  	s11 =	ssub.s32 $0x2, s19;
	p1 =	sne.s32 s19, $0x0;
	s19 =	simm.s32 $0x80  }
0xc: {  	s13 =	sshrl.u32 s11, $0x1;
	s31 =	sshrl.u32 s12, $0x2;
	s12 =	sadd.s32 $0x138000, s1  }
0xd: {  	s14 =	sadd.s32 s10, s15;
	s15 =	sadd.s32 s9, s15;
	s16 =	ssub.s32 s11, s13  }
0xe: {  	v0 =	vimm.f32 $0.0e+00;
	s11 =	sadd.s32 s31, s1;
	s13 =	smul.u32 $0x2710, s4;
	s16 =	smax.u32 s16, $0x1  }
.LBB2_14:
0xf: {  	s24 =	sadd.s32 $0x27000, s24;
	s25 =	sshrl.u32 s12, $0x3  }
0x10: {  	[hbm:s24], [sflag:s23] =	dma.local [spmem:s25], $0x100  }
0x11: {  	_ =	swait.ge [sflag:s18], $0x100  }
0x12: {  	[sflag:s18] =	ssyncset.done $0x0  }
0x13: {  	[sflag:s18] =	ssyncadd.s32 $0xFFFFFF00  }
.LBB2_15:
0x14: {  	s2 =	sadd.s32 $0x1, s2  }
0x15: {  	p3 =	sne.s32 s2, s16  }
.Ltmp1:
0x16: {  	_ = 	snop;
	(pc) =	sbr.rel @!p3 .LBB2_16-.Ltmp1, $1  }
0x17: {  	_ =	sdelay $0x3  }
.LBB2_1:
0x18: {  	s23 =	simm.s32 $0x0;
	s24 =	simm.s32 $0x0  }
.LBB2_2:
0x19: {  	p3 =	sne.s32 s24, $0x1FC0  }
.Ltmp2:
0x1a: {  	_ = 	snop;
	(pc) =	sbr.rel @p3 .LBB2_2-.Ltmp2, $4  }
0x1b: {  	s25 =	sand.u32 $0x1E00, s24  }
0x1c: {  	s26 =	sand.u32 $0x70, s23;
	s25 =	sshrl.u32 s25, $0x2  }
0x1d: {  	s25 =	sor.u32 s26, s25  }
0x1e: {  	s23 =	sadd.s32 $0x10, s23;
	s24 =	sadd.s32 $0x40, s24;
	[tilespmem:s25+$0x2900] =	vst v0  }
0x1f: {  	s23 =	sadd.s32 $0x0, s11  }
0x20: {  	[spmem:s23] =	stream.linear.scatter [tilespmem:s17], [sflag:$0x2], $0x800, $0x38;
	[tilespmem:$0x16980] =	vst v63  }
0x21: {  	s23 =	simm.s32 $0x2000;
	_ =	swait.ge [sflag:s18], $0x800  }
.LBB2_4:
0x22: {  	s24 =	sshra.s32 s23, $0x2;
	[sflag:s18] =	ssyncset.done $0x0;
	p3 =	sne.s32 s23, $0x4C000  }
.Ltmp3:
0x23: {  	s24 =	sadd.s32 s24, s11;
	[sflag:s18] =	ssyncadd.s32 $0xFFFFF800;
	(pc) =	sbr.rel @p3 .LBB2_4-.Ltmp3, $3  }
0x24: {  	[spmem:s24] =	stream.linear.scatter [tilespmem:s17], [sflag:$0x2], $0x800, $0x38;
	[tilespmem:$0x16980] =	vst v63  }
0x25: {  	s23 =	sadd.s32 $0x2000, s23;
	_ =	sdelay $0x1  }
0x26: {  	_ =	swait.ge [sflag:s18], $0x800  }
0x27: {  	[sflag:s18] =	ssyncset.done $0x0  }
0x28: {  	s23 =	simm.s32 @!p0 $0x2900;
	[sflag:s18] =	ssyncadd.s32 $0xFFFFF800  }
0x29: {  	[spmem:s12] =	stream.linear.scatter @!p0 [tilespmem:s23], [sflag:$0x2], $0x800, $0x38;
	[tilespmem:$0x16980] =	vst v63  }
0x2a: {  	s23 =	simm.s32 @!p0 $0x2  }
.Ltmp4:
0x2b: {  	_ =	swait.ge @!p0 [sflag:s23], $0x800;
	(pc) =	sbr.rel @p1 .LBB2_10-.Ltmp4, $4  }
0x2c: {  	[sflag:s23] =	ssyncset.done @!p0 $0x0  }
0x2d: {  	[sflag:s23] =	ssyncadd.s32 @!p0 $0xFFFFF800  }
0x2e: {  	[bflag:$0x0] =	sbarrier.arrive $0xFFFF  }
0x2f: {  	s24 =	simm.s32 $0x0;
	s25 =	simm.s32 $0x0;
	s23 =	simm.s32 $0x0  }
.LBB2_6:
0x30: {  	s25 =	smul.u32 $0x50, s24;
	_ =	sdelay $0x1  }
0x31: {  	s25 =	sadd.s32 s13, s25  }
0x32: {  	s26 =	sshrl.u32 s25, $0x3  }
0x33: {  	s26 =	sadd.s32 s8, s26  }
0x34: {  	[tilespmem:s23], [sflag:$0x2] =	stream.linear.gather [hbm4b:s26+s23], $0x50, $0x38;
	[tilespmem:$0x16980] =	vst v63  }
0x35: {  	_ =	swait.ge [sflag:s18], $0x50  }
0x36: {  	[sflag:s18] =	ssyncset.done $0x0  }
0x37: {  	s26 =	sadd.s32 $0x4E20, s26;
	[sflag:s18] =	ssyncadd.s32 $0xFFFFFFB0  }
0x38: {  	[tilespmem:s19], [sflag:$0x2] =	stream.linear.gather [hbm4b:s26+s23], $0x50, $0x38;
	[tilespmem:$0x16980] =	vst v63  }
0x39: {  	_ =	swait.ge [sflag:s18], $0x50  }
0x3a: {  	s25 =	sshll.u32 s25, $0x4;
	[sflag:s18] =	ssyncset.done $0x0  }
0x3b: {  	s25 =	sadd.s32 s6, s25;
	[sflag:s18] =	ssyncadd.s32 $0xFFFFFFB0  }
0x3c: {  	[tilespmem:s20], [sflag:$0x2] =	stream.linear.gather [hbm4b:s25+s23], $0x2800, $0x38;
	[tilespmem:$0x16980] =	vst v63  }
0x3d: {  	_ =	swait.ge [sflag:s18], $0x2800  }
0x3e: {  	[sflag:s18] =	ssyncset.done $0x0  }
0x3f: {  	[sflag:s18] =	ssyncadd.s32 $0xFFFFD800  }
0x40: {  	[tilespmem:s20], [sflag:$0x1] =	stream.indirect.gather.add.f32 [hbm:s3], $0x80, s23, s21, $0xb8;
	[tilespmem:$0x16980] =	vst v63  }
0x41: {  	s30 =	sand.u32 $0xFE00, s23;
	_ =	swait.ge [sflag:s22], $0x2800  }
0x42: {  	s31 =	sand.u32 $0x70, s23;
	s25 =	sshrl.u32 s30, $0x2;
	[sflag:s22] =	ssyncset.done $0x0  }
0x43: {  	s25 =	sor.u32 s31, s25;
	[sflag:s22] =	ssyncadd.s32 $0xFFFFD800  }
0x44: {  	v1 =	vld [tilespmem:s25+$0x100];
	_ =	sdelay $0x2  }
0x45: {  	s28 =	simm.s32 $0x40  }
0x46: {  	s29 =	sand.u32 $0xFE00, s28;
	s28 =	simm.s32 $0x80;
	s26 =	simm.s32 $0x10  }
.LBB2_7:
0x47: {  	p3 =	sne.s32 s28, $0x9FC0;
	s30 =	sand.u32 $0x70, s26;
	s29 =	sshrl.u32 s29, $0x2;
	v1 =	vmax.f32 v1, $0.0e+00  }
0x48: {  	[tilespmem:s25+$0x100] =	vst v1;
	s25 =	sor.u32 s30, s29  }
.Ltmp5:
0x49: {  	v1 =	vld [tilespmem:s25+$0x100];
	(pc) =	sbr.rel @p3 .LBB2_7-.Ltmp5, $2  }
0x4a: {  	_ =	sdelay $0x2  }
0x4b: {  	s26 =	sadd.s32 $0x10, s26;
	s29 =	sand.u32 $0xFE00, s28;
	s28 =	sadd.s32 $0x40, s28  }
0x4c: {  	s26 =	sand.u32 $0x70, s26;
	s28 =	sshrl.u32 s29, $0x2;
	v1 =	vmax.f32 v1, $0.0e+00  }
0x4d: {  	s26 =	sor.u32 s26, s28;
	[tilespmem:s25+$0x100] =	vst v1  }
0x4e: {  	v1 =	vld [tilespmem:s26+$0x100];
	_ =	sdelay $0x3  }
0x4f: {  	s24 =	sadd.s32 $0x1, s24  }
0x50: {  	p3 =	sne.s32 s24, $0x7D;
	v1 =	vmax.f32 v1, $0.0e+00  }
.Ltmp6:
0x51: {  	[tilespmem:s26+$0x100] =	vst v1;
	(pc) =	sbr.rel @p3 .LBB2_6-.Ltmp6, $4  }
0x52: {  	[spmem:s1] =	stream.indirect.scatter.add.f32 [tilespmem:s20], [sflag:$0x2], $0x80, s19, s21, $0xb8;
	[tilespmem:$0x16980] =	vst v63  }
0x53: {  	_ =	swait.ge [sflag:s18], $0x2800  }
0x54: {  	[sflag:s18] =	ssyncset.done $0x0  }
0x55: {  	[sflag:s18] =	ssyncadd.s32 $0xFFFFD800  }
0x56: {  	s23 =	sshll.u32 s4, $0x6  }
0x57: {  	[bflag:$0x0] =	sbarrier.arrive $0xFFFF;
	s24 =	sshrl.u32 s11, $0x3;
	s23 =	sor.u32 $0x1C02, s23  }
0x58: {  	[hbm:s15], [sflag:s23] =	dma.local [spmem:s24], $0x2700  }
.Ltmp7:
0x59: {  	_ = 	snop;
	(pc) =	sbr.rel @p2 .LBB2_14-.Ltmp7, $4  }
.Ltmp8:
0x5a: {  	_ = 	snop;
	(pc) =	sbr.rel @!p2 .LBB2_15-.Ltmp8, $4  }
0x5b: {  	_ =	swait.ge [sflag:s18], $0x2700  }
0x5c: {  	[sflag:s18] =	ssyncset.done $0x0  }
0x5d: {  	s24 =	smov.u32 s9;
	[sflag:s18] =	ssyncadd.s32 $0xFFFFD900  }
0x5e: {  	_ = 	snop  }
.LBB2_10:
0x5f: {  	s24 =	smul.u32 $0x50, s25;
	_ =	sdelay $0x1  }
0x60: {  	s24 =	sadd.s32 s13, s24  }
0x61: {  	s26 =	sshrl.u32 s24, $0x3  }
0x62: {  	s26 =	sadd.s32 s8, s26  }
0x63: {  	[tilespmem:s23], [sflag:$0x2] =	stream.linear.gather [hbm4b:s26+s23], $0x50, $0x38;
	[tilespmem:$0x16980] =	vst v63  }
0x64: {  	_ =	swait.ge [sflag:s18], $0x50  }
0x65: {  	[sflag:s18] =	ssyncset.done $0x0  }
0x66: {  	s26 =	sadd.s32 $0x4E20, s26;
	[sflag:s18] =	ssyncadd.s32 $0xFFFFFFB0  }
0x67: {  	[tilespmem:s19], [sflag:$0x2] =	stream.linear.gather [hbm4b:s26+s23], $0x50, $0x38;
	[tilespmem:$0x16980] =	vst v63  }
0x68: {  	_ =	swait.ge [sflag:s18], $0x50  }
0x69: {  	s24 =	sshll.u32 s24, $0x4;
	[sflag:s18] =	ssyncset.done $0x0  }
0x6a: {  	s24 =	sadd.s32 s7, s24;
	[sflag:s18] =	ssyncadd.s32 $0xFFFFFFB0  }
0x6b: {  	[tilespmem:s20], [sflag:$0x2] =	stream.linear.gather [hbm4b:s24+s23], $0x2800, $0x38;
	[tilespmem:$0x16980] =	vst v63  }
0x6c: {  	_ =	swait.ge [sflag:s18], $0x2800  }
0x6d: {  	[sflag:s18] =	ssyncset.done $0x0  }
0x6e: {  	[sflag:s18] =	ssyncadd.s32 $0xFFFFD800  }
0x6f: {  	[tilespmem:s20], [sflag:$0x1] =	stream.indirect.gather.add.f32 [hbm:s5], $0x80, s23, s21, $0xb8;
	[tilespmem:$0x16980] =	vst v63  }
0x70: {  	s30 =	sand.u32 $0xFE00, s23;
	_ =	swait.ge [sflag:s22], $0x2800  }
0x71: {  	s31 =	sand.u32 $0x70, s23;
	s24 =	sshrl.u32 s30, $0x2;
	[sflag:s22] =	ssyncset.done $0x0  }
0x72: {  	s24 =	sor.u32 s31, s24;
	[sflag:s22] =	ssyncadd.s32 $0xFFFFD800  }
0x73: {  	v1 =	vld [tilespmem:s24+$0x100];
	_ =	sdelay $0x2  }
0x74: {  	s28 =	simm.s32 $0x40  }
0x75: {  	s29 =	sand.u32 $0xFE00, s28;
	s28 =	simm.s32 $0x80;
	s26 =	simm.s32 $0x10  }
.LBB2_11:
0x76: {  	p3 =	sne.s32 s28, $0x9FC0;
	s30 =	sand.u32 $0x70, s26;
	s29 =	sshrl.u32 s29, $0x2;
	v1 =	vmax.f32 v1, $0.0e+00  }
0x77: {  	[tilespmem:s24+$0x100] =	vst v1;
	s24 =	sor.u32 s30, s29  }
.Ltmp9:
0x78: {  	v1 =	vld [tilespmem:s24+$0x100];
	(pc) =	sbr.rel @p3 .LBB2_11-.Ltmp9, $2  }
0x79: {  	_ =	sdelay $0x2  }
0x7a: {  	s26 =	sadd.s32 $0x10, s26;
	s29 =	sand.u32 $0xFE00, s28;
	s28 =	sadd.s32 $0x40, s28  }
0x7b: {  	s26 =	sand.u32 $0x70, s26;
	s28 =	sshrl.u32 s29, $0x2;
	v1 =	vmax.f32 v1, $0.0e+00  }
0x7c: {  	s26 =	sor.u32 s26, s28;
	[tilespmem:s24+$0x100] =	vst v1  }
0x7d: {  	v1 =	vld [tilespmem:s26+$0x100];
	_ =	sdelay $0x3  }
0x7e: {  	s25 =	sadd.s32 $0x1, s25  }
0x7f: {  	p3 =	sne.s32 s25, $0x7D;
	v1 =	vmax.f32 v1, $0.0e+00  }
.Ltmp10:
0x80: {  	[tilespmem:s26+$0x100] =	vst v1;
	(pc) =	sbr.rel @p3 .LBB2_10-.Ltmp10, $4  }
0x81: {  	[spmem:s1] =	stream.indirect.scatter.add.f32 [tilespmem:s20], [sflag:$0x2], $0x80, s19, s21, $0xb8;
	[tilespmem:$0x16980] =	vst v63  }
0x82: {  	_ =	swait.ge [sflag:s18], $0x2800  }
0x83: {  	[sflag:s18] =	ssyncset.done $0x0  }
0x84: {  	[sflag:s18] =	ssyncadd.s32 $0xFFFFD800  }
0x85: {  	s23 =	sshll.u32 s4, $0x6  }
0x86: {  	[bflag:$0x0] =	sbarrier.arrive $0xFFFF;
	s24 =	sshrl.u32 s11, $0x3;
	s23 =	sor.u32 $0x1C02, s23  }
0x87: {  	[hbm:s14], [sflag:s23] =	dma.local [spmem:s24], $0x2700  }
.Ltmp11:
0x88: {  	_ = 	snop;
	(pc) =	sbr.rel @p0 .LBB2_15-.Ltmp11, $4  }
.Ltmp12:
0x89: {  	_ = 	snop;
	(pc) =	sbr.rel @!p0 .LBB2_14-.Ltmp12, $4  }
0x8a: {  	_ =	swait.ge [sflag:s18], $0x2700  }
0x8b: {  	[sflag:s18] =	ssyncset.done $0x0  }
0x8c: {  	s24 =	smov.u32 s10;
	[sflag:s18] =	ssyncadd.s32 $0xFFFFD900  }
0x8d: {  	_ = 	snop  }
.LBB2_16:
0x8e: {  	_ =	sfence.sel $0x180000  }
0x8f: {  	[bflag:$0x0] =	sbarrier.arrive $0xFFFF  }
0x90: {  	p0 =	sne.s32 s4, $0x0;
	_ =	strace $0x90000056  }
0x91: {  	s0 =	sadd.s32 @!p0 $0x100000, s0;
	[bflag:$0x2] =	sbarrier.arrive $0xFFFF  }
0x92: {  	[sflag:s0] =	ssyncadd.tile.s32 @!p0 $0x1;
	_ =	shalt  }
.Lfunc_end2:
_tile_overlayer_lowered:
.L_overlay_start_2:
0x93: {  	(tag) =	ssettag $0x2  }
0x94: {  	s0 =	rddreg [dreg:$0x0];
	s2 =	stileid.u32  }
0x95: {  	s1 =	rddreg [dreg:$0x1];
	p0 =	sne.s32 s2, $0x0  }
0x96: {  	s3 =	rddreg [dreg:$0x2];
	[bflag:$0x3] =	sbarrier.arrive $0xFFFF;
	s2 =	simm.s32 @!p0 $0x1C02  }
0x97: {  	[timem:s3], [sflag:s2] =	dma.local @!p0 [hbm:s0], s1  }
0x98: {  	s0 =	simm.s32 @!p0 $0x2  }
0x99: {  	_ =	swait.ge @!p0 [sflag:s0], s1  }
0x9a: {  	s1 =	ssub.s32 @!p0 $0x0, s1;
	[sflag:s0] =	ssyncset.done @!p0 $0x0  }
0x9b: {  	[sflag:s0] =	ssyncadd.s32 @!p0 s1  }
0x9c: {  	[bflag:$0x3] =	sbarrier.arrive $0xFFFF  }
0x9d: {  	_ =	shalt  }

// kernel: kernel.25.cloned.1.call-start
scs
__scs_entry_jumppad:
0x0: {  	(pc) =	sbr.rel $0x88, $3  }
0x1: {  	(tag) =	ssettag $0x0;
	lr =	simm.s32 $0x1  }
0x2: {  	[smem:$0x3F61] =	sst lr;
	_ =	strace $0xD0000000  }
0x3: {  	_ = 	snop  }
0x4: {  	_ = 	snop  }
0x5: {  	_ = 	snop  }
0x6: {  	_ = 	snop  }
0x7: {  	_ = 	snop  }
__scs_overlays_trampoline_lowered:
0x8: {  	[smem:$0x3F70] =	sst s0  }
0x9: {  	[smem:$0x3F71] =	sst s1  }
0xa: {  	[smem:$0x3F72] =	sst s2  }
0xb: {  	[smem:$0x3F73] =	sst s3  }
0xc: {  	[smem:$0x3F74] =	sst s4  }
0xd: {  	[smem:$0x3F75] =	sst s5  }
0xe: {  	[smem:$0x3F76] =	sst s6  }
0xf: {  	[smem:$0x3F77] =	sst s7  }
0x10: {  	[smem:$0x3F78] =	sst s8  }
0x11: {  	[smem:$0x3F79] =	sst s9;
	s0 =	simm.s32 @!p0 $0x0  }
0x12: {  	s1 =	sld [smem:$0x3F5F];
	s0 =	simm.s32 @p0 $0x1  }
0x13: {  	[smem:$0x3F7A] =	sst s0;
	s0 =	simm.s32 @!p1 $0x0  }
0x14: {  	s2 =	sld [smem:$0x3F5E];
	s0 =	simm.s32 @p1 $0x1  }
0x15: {  	[smem:$0x3F7B] =	sst s0;
	s0 =	simm.s32 @!p2 $0x0  }
0x16: {  	s3 =	sld [smem:$0x3FDB];
	s0 =	simm.s32 @p2 $0x1  }
0x17: {  	s4 =	simm.s32 $0x1BF5;
	[smem:$0x3F7D] =	sst s0  }
0x18: {  	s0 =	sld [smem:$0x3F60];
	_ =	swait.ge [sflag:s4], $0x0  }
0x19: {  	s7 =	sld [smem:$0x3F61]  }
0x1a: {  	s8 =	sadd.s32 $0xFFFFE003, lr  }
0x1b: {  	s9 =	sadd.s32 $0xFFFFFEF7, lr;
	s5 =	simm.s32 $0xFFFFFFFF;
	p2 =	slt.u32 s8, $0xFFFFF086  }
0x1c: {  	p1 =	slt.u32 s9, $0xF7A;
	s5 =	simm.s32 @!p2 $0x0  }
0x1d: {  	s5 =	simm.s32 @p1 $0x1;
	p0 =	seq.s32 s7, s2  }
0x1e: {  	s7 =	smul.u32 @!p0 $0xF7A, s2;
	p2 =	seq.s32 @!p0 s5, $0x0  }
0x1f: {  	s9 =	smul.u32 $0xF7A, s1;
	s8 =	simm.s32 @!p0 $0x1BF5;
	p2 =	por !p2, p0  }
0x20: {  	[sflag:s8] =	ssyncset.s32 @!p0 $0xFFFFF086;
	s6 =	sadd.s32 @!p0 s3, s7;
	s7 =	simm.s32 @!p0 $0x108  }
0x21: {  	s3 =	sadd.s32 s3, s9;
	s6 =	sadd.s32 @!p0 $0x88, s6;
	s7 =	simm.s32 @p2 $0x1082  }
0x22: {  	[simem:s7], [sflag:s8] =	dma.local @!p0 [hbm:s6], $0xF7A  }
0x23: {  	s9 =	sor.u32 $0xD0000000, s2;
	s6 =	simm.s32 $0x108;
	_ =	swait.ge @!p0 [sflag:s8], $0x0  }
0x24: {  	s3 =	sadd.s32 $0x88, s3;
	s6 =	simm.s32 @!p1 $0x1082;
	[sflag:s4] =	ssyncset.s32 $0xFFFFF086  }
0x25: {  	[simem:s6], [sflag:s4] =	dma.local [hbm:s3], $0xF7A  }
0x26: {  	[smem:$0x3F61] =	sst s1;
	(tag) =	ssettag s2;
	_ =	strace s9  }
0x27: {  	s1 =	sld [smem:$0x3F71]  }
0x28: {  	s2 =	sld [smem:$0x3F72]  }
0x29: {  	s4 =	sld [smem:$0x3F74]  }
0x2a: {  	p0 =	seq.s32 s5, $0x0;
	s5 =	sld [smem:$0x3F75]  }
0x2b: {  	s6 =	sld [smem:$0x3F76]  }
0x2c: {  	s7 =	sld [smem:$0x3F77]  }
0x2d: {  	s3 =	simm.s32 $0x108;
	s8 =	sld [smem:$0x3F78]  }
0x2e: {  	s3 =	simm.s32 @!p0 $0x1082;
	s9 =	sld [smem:$0x3F79]  }
0x2f: {  	lr =	sadd.s32 s0, s3;
	s0 =	sld [smem:$0x3F70]  }
0x30: {  	s3 =	sld [smem:$0x3F73]  }
0x31: {  	[smem:$0x3F7C] =	sst s10  }
0x32: {  	s10 =	sld [smem:$0x3F7A];
	_ =	sdelay $0x3  }
0x33: {  	p0 =	seq.s32 s10, $0x1;
	s10 =	sld [smem:$0x3F7C];
	_ =	sdelay $0x3  }
0x34: {  	[smem:$0x3F7C] =	sst s10  }
0x35: {  	s10 =	sld [smem:$0x3F7B];
	_ =	sdelay $0x3  }
0x36: {  	p1 =	seq.s32 s10, $0x1;
	s10 =	sld [smem:$0x3F7C];
	_ =	sdelay $0x3  }
0x37: {  	[smem:$0x3F7C] =	sst s10  }
0x38: {  	s10 =	sld [smem:$0x3F7D]  }
0x39: {  	_ = 	snop;
	(pc) =	sbr.ind lr, $3  }
0x3a: {  	_ = 	snop  }
0x3b: {  	_ = 	snop  }
0x3c: {  	p2 =	seq.s32 s10, $0x1;
	s10 =	sld [smem:$0x3F7C]  }
0x3d: {  	_ =	shalt  }
0x3e: {  	_ =	shalt  }
0x3f: {  	_ =	shalt  }
0x40: {  	_ =	shalt  }
0x41: {  	_ =	shalt  }
0x42: {  	_ =	shalt  }
0x43: {  	_ =	shalt  }
0x44: {  	_ =	shalt  }
0x45: {  	_ =	shalt  }
0x46: {  	_ =	shalt  }
0x47: {  	_ =	shalt  }
0x48: {  	_ =	shalt  }
0x49: {  	_ =	shalt  }
0x4a: {  	_ =	shalt  }
0x4b: {  	_ =	shalt  }
0x4c: {  	_ =	shalt  }
0x4d: {  	_ =	shalt  }
0x4e: {  	_ =	shalt  }
0x4f: {  	_ =	shalt  }
0x50: {  	_ =	shalt  }
0x51: {  	_ =	shalt  }
0x52: {  	_ =	shalt  }
0x53: {  	_ =	shalt  }
0x54: {  	_ =	shalt  }
0x55: {  	_ =	shalt  }
0x56: {  	_ =	shalt  }
0x57: {  	_ =	shalt  }
0x58: {  	_ =	shalt  }
0x59: {  	_ =	shalt  }
0x5a: {  	_ =	shalt  }
0x5b: {  	_ =	shalt  }
0x5c: {  	_ =	shalt  }
0x5d: {  	_ =	shalt  }
0x5e: {  	_ =	shalt  }
0x5f: {  	_ =	shalt  }
0x60: {  	_ =	shalt  }
0x61: {  	_ =	shalt  }
0x62: {  	_ =	shalt  }
0x63: {  	_ =	shalt  }
0x64: {  	_ =	shalt  }
0x65: {  	_ =	shalt  }
0x66: {  	_ =	shalt  }
0x67: {  	_ =	shalt  }
0x68: {  	_ =	shalt  }
0x69: {  	_ =	shalt  }
0x6a: {  	_ =	shalt  }
0x6b: {  	_ =	shalt  }
0x6c: {  	_ =	shalt  }
0x6d: {  	_ =	shalt  }
0x6e: {  	_ =	shalt  }
0x6f: {  	_ =	shalt  }
0x70: {  	_ =	shalt  }
0x71: {  	_ =	shalt  }
0x72: {  	_ =	shalt  }
0x73: {  	_ =	shalt  }
0x74: {  	_ =	shalt  }
0x75: {  	_ =	shalt  }
0x76: {  	_ =	shalt  }
0x77: {  	_ =	shalt  }
0x78: {  	_ =	shalt  }
0x79: {  	_ =	shalt  }
0x7a: {  	_ =	shalt  }
0x7b: {  	_ =	shalt  }
0x7c: {  	_ =	shalt  }
0x7d: {  	_ =	shalt  }
0x7e: {  	_ =	shalt  }
0x7f: {  	_ =	shalt  }
0x80: {  	_ =	shalt  }
0x81: {  	_ =	shalt  }
0x82: {  	_ =	shalt  }
0x83: {  	_ =	shalt  }
0x84: {  	_ =	shalt  }
0x85: {  	_ =	shalt  }
0x86: {  	_ =	shalt  }
0x87: {  	_ =	shalt  }
.Lfunc_end0:
.L_simem_size_0:
called_computation.4_lowered:
.L_overlay_start_0:
0x88: {  	s2 =	sld [smem:$0x3FD9]  }
0x89: {  	s3 =	sld [smem:$0x3FFE];
	_ =	sdelay $0x1  }
0x8a: {  	s1 =	srdreg.scid  }
0x8b: {  	s0 =	sand.u32 $0x1, s1  }
0x8c: {  	s17 =	sshll.u32 s0, $0xA;
	s2 =	sadd.s32 s3, s2  }
0x8d: {  	s2 =	sadd.s32 s2, s17  }
0x8e: {  	[smem:$0x3F88] =	sst s2  }
0x8f: {  	_ = 	snop  }
0x90: {  	(tm) =	ssettm $0x1  }
0x91: {  	s18 =	sld [smem:$0x3FFB];
	_ =	sdelay $0x3  }
0x92: {  	_ =	strace s18  }
0x93: {  	s2 =	sld [smem:$0x3FFC];
	_ =	sdelay $0x3  }
0x94: {  	_ =	strace s2  }
0x95: {  	s2 =	sld [smem:$0x3FFD];
	_ =	sdelay $0x3  }
0x96: {  	_ =	strace s2  }
0x97: {  	_ =	strace $0x8FFFFFFF  }
0x98: {  	s19 =	sld [smem:$0x3FDB];
	_ =	sdelay $0x1  }
0x99: {  	s20 =	simm.s32 $_scs_section_size  }
0x9a: {  	s4 =	simm.s32 $_size__tile_overlayer_lowered;
	s5 =	simm.s32 $_tile_overlayer_lowered  }
0x9b: {  	s6 =	simm.s32 $0x1BFF;
	s21 =	sshll.u32 s5, $0x1;
	s3 =	sadd.s32 s20, s19  }
0x9c: {  	s22 =	simm.s32 $0x0;
	s4 =	sshll.u32 s4, $0x1;
	s5 =	sadd.s32 s21, s3  }
0x9d: {  	[timem:s22], [sflag:s6] =	dma.local [hbm:s5], s4  }
0x9e: {  	_ =	swait.ge [sflag:s6], s4  }
0x9f: {  	s4 =	ssub.s32 $0x0, s4;
	[sflag:s6] =	ssyncset.done $0x0  }
0xa0: {  	[sflag:s6] =	ssyncadd.s32 s4;
	_ =	sdelay $0x1  }
0xa1: {  	s23 =	simm.s32 $0x1B8B  }
0xa2: {  	_ =	swait.ge [sflag:s23], $0x1  }
0xa3: {  	[sflag:s23] =	ssyncset.done $0x0  }
0xa4: {  	[sflag:s23] =	ssyncadd.s32 $0xFFFFFFFF  }
0xa5: {  	s4 =	sld [smem:$0x0]  }
0xa6: {  	s5 =	sand.u32 $0xFFFFFFFE, s1  }
0xa7: {  	p0 =	sne.s32 s1, s5  }
0xa8: {  	s5 =	sshll.u32 @p0 s5, $0xE  }
0xa9: {  	s5 =	sadd.s32 @p0 $0x11B8D, s5;
	s6 =	sshll.u32 @p0 s4, $0x11  }
0xaa: {  	s5 =	sor.u32 @p0 s6, s5  }
0xab: {  	[sflag:s5] =	ssyncadd.remote.s32 @p0 $0x1;
	_ =	sdelay $0x1  }
0xac: {  	s5 =	simm.s32 @p0 $0x1B8D  }
0xad: {  	_ =	swait.eq @p0 [sflag:s5], $0x1  }
0xae: {  	[sflag:s5] =	ssyncadd.s32 @p0 $0xFFFFFFFF  }
0xaf: {  	s6 =	sshll.u32 @!p0 s1, $0xE  }
0xb0: {  	s6 =	sor.u32 @!p0 $0x4000, s6;
	s5 =	simm.s32 @!p0 $0x1B8D  }
0xb1: {  	s4 =	sshll.u32 @!p0 s4, $0x11;
	s6 =	sadd.s32 @!p0 $0x11B8D, s6;
	_ =	swait.eq @!p0 [sflag:s5], $0x1  }
0xb2: {  	s4 =	sor.u32 @!p0 s4, s6;
	[sflag:s5] =	ssyncadd.s32 @!p0 $0xFFFFFFFF  }
0xb3: {  	s25 =	simm.s32 $0x1B8E;
	s24 =	sld [smem:$0x3FFE];
	[sflag:s4] =	ssyncadd.remote.s32 @!p0 $0x1  }
0xb4: {  	s26 =	simm.s32 $execute0_lowered;
	[smem:$0x3FD2] =	sst s25  }
0xb5: {  	s5 =	sshll.u32 s26, $0x1;
	_ =	strace $0x80000052;
	[dreg:$0x1] =	wrdreg $0xFFFFFFFF  }
0xb6: {  	s28 =	simm.s32 $_size_execute0_lowered;
	s3 =	sadd.s32 s3, s5;
	[dreg:$0x0] =	wrdreg $0x0  }
0xb7: {  	s5 =	sshll.u32 s28, $0x1;
	[dreg:$0x2] =	wrdreg s3  }
0xb8: {  	[dreg:$0x3] =	wrdreg s5  }
0xb9: {  	[dreg:$0x4] =	wrdreg $0xC0  }
0xba: {  	_ =	task [dreg:s22], $0x5FFFF  }
0xbb: {  	[dreg:$0x1] =	wrdreg $0xFFFFFFFF  }
0xbc: {  	[dreg:$0x0] =	wrdreg $0x60  }
0xbd: {  	[dreg:$0x2] =	wrdreg s24  }
0xbe: {  	[dreg:$0x3] =	wrdreg $0x31000  }
0xbf: {  	[dreg:$0x4] =	wrdreg $0xA  }
0xc0: {  	_ =	task.clear_ibuf [dreg:s22], $0x5FFFF;
	_ =	strace $0x90000052  }
0xc1: {  	s29 =	simm.s32 $0xA;
	_ =	strace $0x80000054  }
0xc2: {  	_ =	swait.ge [sflag:s29], $0x1  }
0xc3: {  	[sflag:s29] =	ssyncadd.s32 $0xFFFFFFFF  }
0xc4: {  	_ =	strace $0x90000054  }
0xc5: {  	_ =	sfence  }
0xc6: {  	s30 =	sld [smem:$0x0];
	_ =	sdelay $0x2  }
0xc7: {  	s31 =	sshll.u32 s1, $0xD;
	s1 =	sshrl.u32 s1, $0x2  }
0xc8: {  	s4 =	sand.u32 $0x4000, s31;
	s1 =	sadd.s32 s1, s30  }
0xc9: {  	s0 =	sor.u32 s4, s0;
	s1 =	sshll.u32 s1, $0x11  }
0xca: {  	s0 =	sor.u32 s1, s0  }
0xcb: {  	s0 =	sadd.s32 $0x8F2B, s0  }
0xcc: {  	[sflag:s0] =	ssyncadd.remote.s32 $0x1  }
0xcd: {  	_ =	sfence.sel $0xFFFF  }
0xce: {  	[dreg:$0x0] =	wrdreg $0xFFFFFFFF;
	(pc) =	sbr.abs _section_cstart, $3  }
0xcf: {  	[dreg:$0x1] =	wrdreg $0xFFFFFFFF  }
0xd0: {  	_ =	task.clear_ibuf [dreg:s22], $0x2FFFF;
	_ =	strace $0x9FFFFFFF  }
0xd1: {  	(tm) =	ssettm $0x7FFFFFFF  }
tec
execute0_lowered:
.L_overlay_start_1:
0x0: {  	(tag) =	ssettag $0x1  }
0x1: {  	s7 =	rddreg [dreg:$0x0]  }
0x2: {  	s1 =	rddreg [dreg:$0x1]  }
0x3: {  	s0 =	rddreg [dreg:$0x2];
	s3 =	simm.s32 $0x0;
	s2 =	stileid.u32  }
0x4: {  	s8 =	srdreg.scid;
	s14 =	simm.s32 $0x2900;
	s15 =	simm.s32 $0x2  }
0x5: {  	s17 =	simm.s32 $0x50;
	s18 =	simm.s32 $0x100;
	s19 =	simm.s32 $0x1  }
0x6: {  	s20 =	simm.s32 $0x0;
	[smem:$0x7FF] =	sst s3;
	s6 =	smul.u32 $0x4E2, s2  }
0x7: {  	s4 =	sadd.s32 $0x10A00, s7;
	s5 =	sadd.s32 $0x37C00, s7;
	s31 =	smul.u32 $0x4E000, s2  }
0x8: {  	s16 =	sand.u32 $0x1, s8;
	s11 =	smul.u32 $0x2700, s2;
	p0 =	sne.s32 s2, $0xF  }
0x9: {  	p2 =	seq.s32 s2, $0xF;
	_ =	strace $0x80000053;
	s9 =	ssub.s32 $0x2, s16  }
.Ltmp0:
0xa: {  	p1 =	sne.s32 s16, $0x0;
	s16 =	simm.s32 $0x80;
	(pc) =	sbr.rel .LBB2_1-.Ltmp0, $4  }
0xb: {  	s13 =	sadd.s32 s6, s7;
	s6 =	sadd.s32 $0x1ABA00, s7;
	s10 =	sshrl.u32 s9, $0x1  }
0xc: {  	s8 =	sshrl.u32 s31, $0x2;
	s7 =	sadd.s32 $0x1D2C00, s7;
	s12 =	ssub.s32 s9, s10  }
0xd: {  	s8 =	sadd.s32 s8, s1;
	s9 =	sadd.s32 $0x138000, s1;
	s10 =	sadd.s32 s7, s11  }
0xe: {  	v0 =	vimm.f32 $0.0e+00;
	s11 =	sadd.s32 s6, s11;
	s13 =	sadd.s32 $0xFB600, s13;
	s12 =	smax.u32 s12, $0x1  }
.LBB2_12:
0xf: {  	s22 =	sadd.s32 $0x27000, s22;
	s23 =	sshrl.u32 s9, $0x3  }
0x10: {  	[hbm:s22], [sflag:s21] =	dma.local [spmem:s23], $0x100  }
0x11: {  	_ =	swait.ge [sflag:s15], $0x100  }
0x12: {  	[sflag:s15] =	ssyncset.done $0x0  }
0x13: {  	[sflag:s15] =	ssyncadd.s32 $0xFFFFFF00  }
.LBB2_13:
0x14: {  	s20 =	sadd.s32 $0x1, s20  }
0x15: {  	p3 =	sne.s32 s20, s12  }
.Ltmp1:
0x16: {  	_ = 	snop;
	(pc) =	sbr.rel @!p3 .LBB2_14-.Ltmp1, $1  }
0x17: {  	_ =	sdelay $0x3  }
.LBB2_1:
0x18: {  	s21 =	simm.s32 $0x0;
	s22 =	simm.s32 $0x0  }
.LBB2_2:
0x19: {  	p3 =	sne.s32 s22, $0x1FC0  }
.Ltmp2:
0x1a: {  	_ = 	snop;
	(pc) =	sbr.rel @p3 .LBB2_2-.Ltmp2, $4  }
0x1b: {  	s23 =	sand.u32 $0x1E00, s22  }
0x1c: {  	s24 =	sand.u32 $0x70, s21;
	s23 =	sshrl.u32 s23, $0x2  }
0x1d: {  	s23 =	sor.u32 s24, s23  }
0x1e: {  	s21 =	sadd.s32 $0x10, s21;
	s22 =	sadd.s32 $0x40, s22;
	[tilespmem:s23+$0x2900] =	vst v0  }
0x1f: {  	s21 =	sadd.s32 $0x0, s8  }
0x20: {  	[spmem:s21] =	stream.linear.scatter [tilespmem:s14], [sflag:$0x2], $0x800, $0x38;
	[tilespmem:$0x16980] =	vst v63  }
0x21: {  	s21 =	simm.s32 $0x2000;
	_ =	swait.ge [sflag:s15], $0x800  }
.LBB2_4:
0x22: {  	s22 =	sshra.s32 s21, $0x2;
	[sflag:s15] =	ssyncset.done $0x0;
	p3 =	sne.s32 s21, $0x4C000  }
.Ltmp3:
0x23: {  	s22 =	sadd.s32 s22, s8;
	[sflag:s15] =	ssyncadd.s32 $0xFFFFF800;
	(pc) =	sbr.rel @p3 .LBB2_4-.Ltmp3, $3  }
0x24: {  	[spmem:s22] =	stream.linear.scatter [tilespmem:s14], [sflag:$0x2], $0x800, $0x38;
	[tilespmem:$0x16980] =	vst v63  }
0x25: {  	s21 =	sadd.s32 $0x2000, s21;
	_ =	sdelay $0x1  }
0x26: {  	_ =	swait.ge [sflag:s15], $0x800  }
0x27: {  	[sflag:s15] =	ssyncset.done $0x0  }
0x28: {  	s21 =	simm.s32 @!p0 $0x2900;
	[sflag:s15] =	ssyncadd.s32 $0xFFFFF800  }
0x29: {  	[spmem:s9] =	stream.linear.scatter @!p0 [tilespmem:s21], [sflag:$0x2], $0x800, $0x38;
	[tilespmem:$0x16980] =	vst v63  }
0x2a: {  	s21 =	simm.s32 @!p0 $0x2  }
.Ltmp4:
0x2b: {  	_ =	swait.ge @!p0 [sflag:s21], $0x800;
	(pc) =	sbr.rel @p1 .LBB2_9-.Ltmp4, $4  }
0x2c: {  	[sflag:s21] =	ssyncset.done @!p0 $0x0  }
0x2d: {  	[sflag:s21] =	ssyncadd.s32 @!p0 $0xFFFFF800  }
0x2e: {  	[bflag:$0x0] =	sbarrier.arrive $0xFFFF  }
0x2f: {  	s21 =	sadd.s32 $0x0, s13  }
0x30: {  	[tilespmem:s3], [sflag:$0x2] =	stream.linear.gather [hbm4b:s21+s3], $0x50, $0x38;
	[tilespmem:$0x16980] =	vst v63  }
0x31: {  	_ =	swait.ge [sflag:s15], $0x50  }
0x32: {  	[sflag:s15] =	ssyncset.done $0x0  }
0x33: {  	s31 =	sadd.s32 $0x4E20, s21;
	[sflag:s15] =	ssyncadd.s32 $0xFFFFFFB0  }
0x34: {  	[tilespmem:s16], [sflag:$0x2] =	stream.linear.gather [hbm4b:s31+s3], $0x50, $0x38;
	[tilespmem:$0x16980] =	vst v63  }
0x35: {  	_ =	swait.ge [sflag:s15], $0x50  }
0x36: {  	[sflag:s15] =	ssyncset.done $0x0  }
0x37: {  	[sflag:s15] =	ssyncadd.s32 $0xFFFFFFB0  }
0x38: {  	[tilespmem:s18], [sflag:$0x1] =	stream.indirect.gather [hbm4b:s4+s17], $0x80, s3, s17, $0xb8;
	[tilespmem:$0x16980] =	vst v63  }
0x39: {  	_ =	swait.ge [sflag:s19], $0x2800  }
0x3a: {  	[sflag:s19] =	ssyncset.done $0x0  }
0x3b: {  	[sflag:s19] =	ssyncadd.s32 $0xFFFFD800  }
0x3c: {  	[spmem:s1] =	stream.indirect.scatter.add.f32 [tilespmem:s18], [sflag:$0x2], $0x80, s16, s17, $0xb8;
	[tilespmem:$0x16980] =	vst v63  }
0x3d: {  	_ =	swait.ge [sflag:s15], $0x2800  }
0x3e: {  	s21 =	simm.s32 $0xA;
	s22 =	simm.s32 $0x14;
	[sflag:s15] =	ssyncset.done $0x0  }
.LBB2_7:
0x3f: {  	s23 =	sadd.s32 s21, s13  }
0x40: {  	[sflag:s15] =	ssyncadd.s32 $0xFFFFD800;
	s21 =	smov.u32 s22;
	s24 =	sadd.s32 $0xA, s22  }
0x41: {  	[tilespmem:s3], [sflag:$0x2] =	stream.linear.gather [hbm4b:s23+s3], $0x50, $0x38;
	[tilespmem:$0x16980] =	vst v63  }
0x42: {  	p3 =	sne.s32 s22, $0x4D8;
	_ =	swait.ge [sflag:s15], $0x50  }
0x43: {  	[sflag:s15] =	ssyncset.done $0x0  }
0x44: {  	s22 =	sadd.s32 $0x4E20, s23;
	[sflag:s15] =	ssyncadd.s32 $0xFFFFFFB0  }
0x45: {  	[tilespmem:s16], [sflag:$0x2] =	stream.linear.gather [hbm4b:s22+s3], $0x50, $0x38;
	[tilespmem:$0x16980] =	vst v63  }
0x46: {  	_ =	swait.ge [sflag:s15], $0x50  }
0x47: {  	[sflag:s15] =	ssyncset.done $0x0  }
0x48: {  	[sflag:s15] =	ssyncadd.s32 $0xFFFFFFB0  }
0x49: {  	[tilespmem:s18], [sflag:$0x1] =	stream.indirect.gather [hbm4b:s4+s17], $0x80, s3, s17, $0xb8;
	[tilespmem:$0x16980] =	vst v63  }
0x4a: {  	_ =	swait.ge [sflag:s19], $0x2800  }
.Ltmp5:
0x4b: {  	[sflag:s19] =	ssyncset.done $0x0;
	(pc) =	sbr.rel @p3 .LBB2_7-.Ltmp5, $4  }
0x4c: {  	[sflag:s19] =	ssyncadd.s32 $0xFFFFD800  }
0x4d: {  	[spmem:s1] =	stream.indirect.scatter.add.f32 [tilespmem:s18], [sflag:$0x2], $0x80, s16, s17, $0xb8;
	[tilespmem:$0x16980] =	vst v63  }
0x4e: {  	_ =	swait.ge [sflag:s15], $0x2800  }
0x4f: {  	s22 =	smov.u32 s24;
	[sflag:s15] =	ssyncset.done $0x0  }
0x50: {  	s21 =	sadd.s32 s21, s13;
	[sflag:s15] =	ssyncadd.s32 $0xFFFFD800  }
0x51: {  	[tilespmem:s3], [sflag:$0x2] =	stream.linear.gather [hbm4b:s21+s3], $0x50, $0x38;
	[tilespmem:$0x16980] =	vst v63  }
0x52: {  	_ =	swait.ge [sflag:s15], $0x50  }
0x53: {  	[sflag:s15] =	ssyncset.done $0x0  }
0x54: {  	s21 =	sadd.s32 $0x4E20, s21;
	[sflag:s15] =	ssyncadd.s32 $0xFFFFFFB0  }
0x55: {  	[tilespmem:s16], [sflag:$0x2] =	stream.linear.gather [hbm4b:s21+s3], $0x50, $0x38;
	[tilespmem:$0x16980] =	vst v63  }
0x56: {  	_ =	swait.ge [sflag:s15], $0x50  }
0x57: {  	[sflag:s15] =	ssyncset.done $0x0  }
0x58: {  	[sflag:s15] =	ssyncadd.s32 $0xFFFFFFB0  }
0x59: {  	[tilespmem:s18], [sflag:$0x1] =	stream.indirect.gather [hbm4b:s4+s17], $0x80, s3, s17, $0xb8;
	[tilespmem:$0x16980] =	vst v63  }
0x5a: {  	_ =	swait.ge [sflag:s19], $0x2800  }
0x5b: {  	[sflag:s19] =	ssyncset.done $0x0  }
0x5c: {  	[sflag:s19] =	ssyncadd.s32 $0xFFFFD800  }
0x5d: {  	[spmem:s1] =	stream.indirect.scatter.add.f32 [tilespmem:s18], [sflag:$0x2], $0x80, s16, s17, $0xb8;
	[tilespmem:$0x16980] =	vst v63  }
0x5e: {  	_ =	swait.ge [sflag:s15], $0x2800  }
0x5f: {  	[sflag:s15] =	ssyncset.done $0x0  }
0x60: {  	s31 =	sshll.u32 s2, $0x6;
	[sflag:s15] =	ssyncadd.s32 $0xFFFFD800  }
0x61: {  	s22 =	sshrl.u32 s8, $0x3;
	s21 =	sor.u32 $0x1C02, s31;
	[bflag:$0x0] =	sbarrier.arrive $0xFFFF  }
0x62: {  	[hbm:s11], [sflag:s21] =	dma.local [spmem:s22], $0x2700  }
.Ltmp6:
0x63: {  	_ = 	snop;
	(pc) =	sbr.rel @p2 .LBB2_12-.Ltmp6, $4  }
.Ltmp7:
0x64: {  	_ = 	snop;
	(pc) =	sbr.rel @!p2 .LBB2_13-.Ltmp7, $4  }
0x65: {  	_ =	swait.ge [sflag:s15], $0x2700  }
0x66: {  	[sflag:s15] =	ssyncset.done $0x0  }
0x67: {  	s22 =	smov.u32 s6;
	[sflag:s15] =	ssyncadd.s32 $0xFFFFD900  }
0x68: {  	_ = 	snop  }
.LBB2_9:
0x69: {  	[tilespmem:s3], [sflag:$0x2] =	stream.linear.gather [hbm4b:s21+s3], $0x50, $0x38;
	[tilespmem:$0x16980] =	vst v63  }
0x6a: {  	_ =	swait.ge [sflag:s15], $0x50  }
0x6b: {  	[sflag:s15] =	ssyncset.done $0x0  }
0x6c: {  	s31 =	sadd.s32 $0x4E20, s21;
	[sflag:s15] =	ssyncadd.s32 $0xFFFFFFB0  }
0x6d: {  	[tilespmem:s16], [sflag:$0x2] =	stream.linear.gather [hbm4b:s31+s3], $0x50, $0x38;
	[tilespmem:$0x16980] =	vst v63  }
0x6e: {  	_ =	swait.ge [sflag:s15], $0x50  }
0x6f: {  	[sflag:s15] =	ssyncset.done $0x0  }
0x70: {  	[sflag:s15] =	ssyncadd.s32 $0xFFFFFFB0  }
0x71: {  	[tilespmem:s18], [sflag:$0x1] =	stream.indirect.gather [hbm4b:s5+s17], $0x80, s3, s17, $0xb8;
	[tilespmem:$0x16980] =	vst v63  }
0x72: {  	_ =	swait.ge [sflag:s19], $0x2800  }
0x73: {  	[sflag:s19] =	ssyncset.done $0x0  }
0x74: {  	[sflag:s19] =	ssyncadd.s32 $0xFFFFD800  }
0x75: {  	[spmem:s1] =	stream.indirect.scatter.add.f32 [tilespmem:s18], [sflag:$0x2], $0x80, s16, s17, $0xb8;
	[tilespmem:$0x16980] =	vst v63  }
0x76: {  	_ =	swait.ge [sflag:s15], $0x2800  }
0x77: {  	s21 =	simm.s32 $0xA;
	s22 =	simm.s32 $0x14;
	[sflag:s15] =	ssyncset.done $0x0  }
.LBB2_10:
0x78: {  	s23 =	sadd.s32 s21, s13  }
0x79: {  	[sflag:s15] =	ssyncadd.s32 $0xFFFFD800;
	s21 =	smov.u32 s22;
	s24 =	sadd.s32 $0xA, s22  }
0x7a: {  	[tilespmem:s3], [sflag:$0x2] =	stream.linear.gather [hbm4b:s23+s3], $0x50, $0x38;
	[tilespmem:$0x16980] =	vst v63  }
0x7b: {  	p3 =	sne.s32 s22, $0x4D8;
	_ =	swait.ge [sflag:s15], $0x50  }
0x7c: {  	[sflag:s15] =	ssyncset.done $0x0  }
0x7d: {  	s22 =	sadd.s32 $0x4E20, s23;
	[sflag:s15] =	ssyncadd.s32 $0xFFFFFFB0  }
0x7e: {  	[tilespmem:s16], [sflag:$0x2] =	stream.linear.gather [hbm4b:s22+s3], $0x50, $0x38;
	[tilespmem:$0x16980] =	vst v63  }
0x7f: {  	_ =	swait.ge [sflag:s15], $0x50  }
0x80: {  	[sflag:s15] =	ssyncset.done $0x0  }
0x81: {  	[sflag:s15] =	ssyncadd.s32 $0xFFFFFFB0  }
0x82: {  	[tilespmem:s18], [sflag:$0x1] =	stream.indirect.gather [hbm4b:s5+s17], $0x80, s3, s17, $0xb8;
	[tilespmem:$0x16980] =	vst v63  }
0x83: {  	_ =	swait.ge [sflag:s19], $0x2800  }
.Ltmp8:
0x84: {  	[sflag:s19] =	ssyncset.done $0x0;
	(pc) =	sbr.rel @p3 .LBB2_10-.Ltmp8, $4  }
0x85: {  	[sflag:s19] =	ssyncadd.s32 $0xFFFFD800  }
0x86: {  	[spmem:s1] =	stream.indirect.scatter.add.f32 [tilespmem:s18], [sflag:$0x2], $0x80, s16, s17, $0xb8;
	[tilespmem:$0x16980] =	vst v63  }
0x87: {  	_ =	swait.ge [sflag:s15], $0x2800  }
0x88: {  	s22 =	smov.u32 s24;
	[sflag:s15] =	ssyncset.done $0x0  }
0x89: {  	s21 =	sadd.s32 s21, s13;
	[sflag:s15] =	ssyncadd.s32 $0xFFFFD800  }
0x8a: {  	[tilespmem:s3], [sflag:$0x2] =	stream.linear.gather [hbm4b:s21+s3], $0x50, $0x38;
	[tilespmem:$0x16980] =	vst v63  }
0x8b: {  	_ =	swait.ge [sflag:s15], $0x50  }
0x8c: {  	[sflag:s15] =	ssyncset.done $0x0  }
0x8d: {  	s21 =	sadd.s32 $0x4E20, s21;
	[sflag:s15] =	ssyncadd.s32 $0xFFFFFFB0  }
0x8e: {  	[tilespmem:s16], [sflag:$0x2] =	stream.linear.gather [hbm4b:s21+s3], $0x50, $0x38;
	[tilespmem:$0x16980] =	vst v63  }
0x8f: {  	_ =	swait.ge [sflag:s15], $0x50  }
0x90: {  	[sflag:s15] =	ssyncset.done $0x0  }
0x91: {  	[sflag:s15] =	ssyncadd.s32 $0xFFFFFFB0  }
0x92: {  	[tilespmem:s18], [sflag:$0x1] =	stream.indirect.gather [hbm4b:s5+s17], $0x80, s3, s17, $0xb8;
	[tilespmem:$0x16980] =	vst v63  }
0x93: {  	_ =	swait.ge [sflag:s19], $0x2800  }
0x94: {  	[sflag:s19] =	ssyncset.done $0x0  }
0x95: {  	[sflag:s19] =	ssyncadd.s32 $0xFFFFD800  }
0x96: {  	[spmem:s1] =	stream.indirect.scatter.add.f32 [tilespmem:s18], [sflag:$0x2], $0x80, s16, s17, $0xb8;
	[tilespmem:$0x16980] =	vst v63  }
0x97: {  	_ =	swait.ge [sflag:s15], $0x2800  }
0x98: {  	[sflag:s15] =	ssyncset.done $0x0  }
0x99: {  	s31 =	sshll.u32 s2, $0x6;
	[sflag:s15] =	ssyncadd.s32 $0xFFFFD800  }
0x9a: {  	s22 =	sshrl.u32 s8, $0x3;
	s21 =	sor.u32 $0x1C02, s31;
	[bflag:$0x0] =	sbarrier.arrive $0xFFFF  }
0x9b: {  	[hbm:s10], [sflag:s21] =	dma.local [spmem:s22], $0x2700  }
.Ltmp9:
0x9c: {  	_ = 	snop;
	(pc) =	sbr.rel @p0 .LBB2_13-.Ltmp9, $4  }
.Ltmp10:
0x9d: {  	_ = 	snop;
	(pc) =	sbr.rel @!p0 .LBB2_12-.Ltmp10, $4  }
0x9e: {  	_ =	swait.ge [sflag:s15], $0x2700  }
0x9f: {  	[sflag:s15] =	ssyncset.done $0x0  }
0xa0: {  	s22 =	smov.u32 s7;
	[sflag:s15] =	ssyncadd.s32 $0xFFFFD900  }
0xa1: {  	_ = 	snop  }
.LBB2_14:
0xa2: {  	_ =	sfence.sel $0x180000  }
0xa3: {  	[bflag:$0x0] =	sbarrier.arrive $0xFFFF  }
0xa4: {  	p0 =	sne.s32 s2, $0x0;
	_ =	strace $0x90000053  }
0xa5: {  	s0 =	sadd.s32 @!p0 $0x100000, s0;
	[bflag:$0x2] =	sbarrier.arrive $0xFFFF  }
0xa6: {  	[sflag:s0] =	ssyncadd.tile.s32 @!p0 $0x1;
	_ =	shalt  }
.Lfunc_end2:
_tile_overlayer_lowered:
.L_overlay_start_2:
0xa7: {  	(tag) =	ssettag $0x2  }
0xa8: {  	s0 =	rddreg [dreg:$0x0];
	s2 =	stileid.u32  }
0xa9: {  	s1 =	rddreg [dreg:$0x1];
	p0 =	sne.s32 s2, $0x0  }
0xaa: {  	s3 =	rddreg [dreg:$0x2];
	[bflag:$0x3] =	sbarrier.arrive $0xFFFF;
	s2 =	simm.s32 @!p0 $0x1C02  }
0xab: {  	[timem:s3], [sflag:s2] =	dma.local @!p0 [hbm:s0], s1  }
0xac: {  	s0 =	simm.s32 @!p0 $0x2  }
0xad: {  	_ =	swait.ge @!p0 [sflag:s0], s1  }
0xae: {  	s1 =	ssub.s32 @!p0 $0x0, s1;
	[sflag:s0] =	ssyncset.done @!p0 $0x0  }
0xaf: {  	[sflag:s0] =	ssyncadd.s32 @!p0 s1  }
0xb0: {  	[bflag:$0x3] =	sbarrier.arrive $0xFFFF  }
0xb1: {  	_ =	shalt  }

// kernel: kernel.28.cloned.1.call-start
scs
__scs_entry_jumppad:
0x0: {  	(pc) =	sbr.rel $0x88, $3  }
0x1: {  	(tag) =	ssettag $0x0;
	lr =	simm.s32 $0x1  }
0x2: {  	[smem:$0x3F61] =	sst lr;
	_ =	strace $0xD0000000  }
0x3: {  	_ = 	snop  }
0x4: {  	_ = 	snop  }
0x5: {  	_ = 	snop  }
0x6: {  	_ = 	snop  }
0x7: {  	_ = 	snop  }
__scs_overlays_trampoline_lowered:
0x8: {  	[smem:$0x3F70] =	sst s0  }
0x9: {  	[smem:$0x3F71] =	sst s1  }
0xa: {  	[smem:$0x3F72] =	sst s2  }
0xb: {  	[smem:$0x3F73] =	sst s3  }
0xc: {  	[smem:$0x3F74] =	sst s4  }
0xd: {  	[smem:$0x3F75] =	sst s5  }
0xe: {  	[smem:$0x3F76] =	sst s6  }
0xf: {  	[smem:$0x3F77] =	sst s7  }
0x10: {  	[smem:$0x3F78] =	sst s8  }
0x11: {  	[smem:$0x3F79] =	sst s9;
	s0 =	simm.s32 @!p0 $0x0  }
0x12: {  	s1 =	sld [smem:$0x3F5F];
	s0 =	simm.s32 @p0 $0x1  }
0x13: {  	[smem:$0x3F7A] =	sst s0;
	s0 =	simm.s32 @!p1 $0x0  }
0x14: {  	s2 =	sld [smem:$0x3F5E];
	s0 =	simm.s32 @p1 $0x1  }
0x15: {  	[smem:$0x3F7B] =	sst s0;
	s0 =	simm.s32 @!p2 $0x0  }
0x16: {  	s3 =	sld [smem:$0x3FDB];
	s0 =	simm.s32 @p2 $0x1  }
0x17: {  	s4 =	simm.s32 $0x1BF5;
	[smem:$0x3F7D] =	sst s0  }
0x18: {  	s0 =	sld [smem:$0x3F60];
	_ =	swait.ge [sflag:s4], $0x0  }
0x19: {  	s7 =	sld [smem:$0x3F61]  }
0x1a: {  	s8 =	sadd.s32 $0xFFFFE003, lr  }
0x1b: {  	s9 =	sadd.s32 $0xFFFFFEF7, lr;
	s5 =	simm.s32 $0xFFFFFFFF;
	p2 =	slt.u32 s8, $0xFFFFF086  }
0x1c: {  	p1 =	slt.u32 s9, $0xF7A;
	s5 =	simm.s32 @!p2 $0x0  }
0x1d: {  	s5 =	simm.s32 @p1 $0x1;
	p0 =	seq.s32 s7, s2  }
0x1e: {  	s7 =	smul.u32 @!p0 $0xF7A, s2;
	p2 =	seq.s32 @!p0 s5, $0x0  }
0x1f: {  	s9 =	smul.u32 $0xF7A, s1;
	s8 =	simm.s32 @!p0 $0x1BF5;
	p2 =	por !p2, p0  }
0x20: {  	[sflag:s8] =	ssyncset.s32 @!p0 $0xFFFFF086;
	s6 =	sadd.s32 @!p0 s3, s7;
	s7 =	simm.s32 @!p0 $0x108  }
0x21: {  	s3 =	sadd.s32 s3, s9;
	s6 =	sadd.s32 @!p0 $0x88, s6;
	s7 =	simm.s32 @p2 $0x1082  }
0x22: {  	[simem:s7], [sflag:s8] =	dma.local @!p0 [hbm:s6], $0xF7A  }
0x23: {  	s9 =	sor.u32 $0xD0000000, s2;
	s6 =	simm.s32 $0x108;
	_ =	swait.ge @!p0 [sflag:s8], $0x0  }
0x24: {  	s3 =	sadd.s32 $0x88, s3;
	s6 =	simm.s32 @!p1 $0x1082;
	[sflag:s4] =	ssyncset.s32 $0xFFFFF086  }
0x25: {  	[simem:s6], [sflag:s4] =	dma.local [hbm:s3], $0xF7A  }
0x26: {  	[smem:$0x3F61] =	sst s1;
	(tag) =	ssettag s2;
	_ =	strace s9  }
0x27: {  	s1 =	sld [smem:$0x3F71]  }
0x28: {  	s2 =	sld [smem:$0x3F72]  }
0x29: {  	s4 =	sld [smem:$0x3F74]  }
0x2a: {  	p0 =	seq.s32 s5, $0x0;
	s5 =	sld [smem:$0x3F75]  }
0x2b: {  	s6 =	sld [smem:$0x3F76]  }
0x2c: {  	s7 =	sld [smem:$0x3F77]  }
0x2d: {  	s3 =	simm.s32 $0x108;
	s8 =	sld [smem:$0x3F78]  }
0x2e: {  	s3 =	simm.s32 @!p0 $0x1082;
	s9 =	sld [smem:$0x3F79]  }
0x2f: {  	lr =	sadd.s32 s0, s3;
	s0 =	sld [smem:$0x3F70]  }
0x30: {  	s3 =	sld [smem:$0x3F73]  }
0x31: {  	[smem:$0x3F7C] =	sst s10  }
0x32: {  	s10 =	sld [smem:$0x3F7A];
	_ =	sdelay $0x3  }
0x33: {  	p0 =	seq.s32 s10, $0x1;
	s10 =	sld [smem:$0x3F7C];
	_ =	sdelay $0x3  }
0x34: {  	[smem:$0x3F7C] =	sst s10  }
0x35: {  	s10 =	sld [smem:$0x3F7B];
	_ =	sdelay $0x3  }
0x36: {  	p1 =	seq.s32 s10, $0x1;
	s10 =	sld [smem:$0x3F7C];
	_ =	sdelay $0x3  }
0x37: {  	[smem:$0x3F7C] =	sst s10  }
0x38: {  	s10 =	sld [smem:$0x3F7D]  }
0x39: {  	_ = 	snop;
	(pc) =	sbr.ind lr, $3  }
0x3a: {  	_ = 	snop  }
0x3b: {  	_ = 	snop  }
0x3c: {  	p2 =	seq.s32 s10, $0x1;
	s10 =	sld [smem:$0x3F7C]  }
0x3d: {  	_ =	shalt  }
0x3e: {  	_ =	shalt  }
0x3f: {  	_ =	shalt  }
0x40: {  	_ =	shalt  }
0x41: {  	_ =	shalt  }
0x42: {  	_ =	shalt  }
0x43: {  	_ =	shalt  }
0x44: {  	_ =	shalt  }
0x45: {  	_ =	shalt  }
0x46: {  	_ =	shalt  }
0x47: {  	_ =	shalt  }
0x48: {  	_ =	shalt  }
0x49: {  	_ =	shalt  }
0x4a: {  	_ =	shalt  }
0x4b: {  	_ =	shalt  }
0x4c: {  	_ =	shalt  }
0x4d: {  	_ =	shalt  }
0x4e: {  	_ =	shalt  }
0x4f: {  	_ =	shalt  }
0x50: {  	_ =	shalt  }
0x51: {  	_ =	shalt  }
0x52: {  	_ =	shalt  }
0x53: {  	_ =	shalt  }
0x54: {  	_ =	shalt  }
0x55: {  	_ =	shalt  }
0x56: {  	_ =	shalt  }
0x57: {  	_ =	shalt  }
0x58: {  	_ =	shalt  }
0x59: {  	_ =	shalt  }
0x5a: {  	_ =	shalt  }
0x5b: {  	_ =	shalt  }
0x5c: {  	_ =	shalt  }
0x5d: {  	_ =	shalt  }
0x5e: {  	_ =	shalt  }
0x5f: {  	_ =	shalt  }
0x60: {  	_ =	shalt  }
0x61: {  	_ =	shalt  }
0x62: {  	_ =	shalt  }
0x63: {  	_ =	shalt  }
0x64: {  	_ =	shalt  }
0x65: {  	_ =	shalt  }
0x66: {  	_ =	shalt  }
0x67: {  	_ =	shalt  }
0x68: {  	_ =	shalt  }
0x69: {  	_ =	shalt  }
0x6a: {  	_ =	shalt  }
0x6b: {  	_ =	shalt  }
0x6c: {  	_ =	shalt  }
0x6d: {  	_ =	shalt  }
0x6e: {  	_ =	shalt  }
0x6f: {  	_ =	shalt  }
0x70: {  	_ =	shalt  }
0x71: {  	_ =	shalt  }
0x72: {  	_ =	shalt  }
0x73: {  	_ =	shalt  }
0x74: {  	_ =	shalt  }
0x75: {  	_ =	shalt  }
0x76: {  	_ =	shalt  }
0x77: {  	_ =	shalt  }
0x78: {  	_ =	shalt  }
0x79: {  	_ =	shalt  }
0x7a: {  	_ =	shalt  }
0x7b: {  	_ =	shalt  }
0x7c: {  	_ =	shalt  }
0x7d: {  	_ =	shalt  }
0x7e: {  	_ =	shalt  }
0x7f: {  	_ =	shalt  }
0x80: {  	_ =	shalt  }
0x81: {  	_ =	shalt  }
0x82: {  	_ =	shalt  }
0x83: {  	_ =	shalt  }
0x84: {  	_ =	shalt  }
0x85: {  	_ =	shalt  }
0x86: {  	_ =	shalt  }
0x87: {  	_ =	shalt  }
.Lfunc_end0:
.L_simem_size_0:
called_computation.5_lowered:
.L_overlay_start_0:
0x88: {  	s2 =	sld [smem:$0x3FD9]  }
0x89: {  	s3 =	sld [smem:$0x3FFE];
	_ =	sdelay $0x1  }
0x8a: {  	s1 =	srdreg.scid  }
0x8b: {  	s0 =	sand.u32 $0x1, s1  }
0x8c: {  	s17 =	sshll.u32 s0, $0xA;
	s2 =	sadd.s32 s3, s2  }
0x8d: {  	s2 =	sadd.s32 s2, s17  }
0x8e: {  	[smem:$0x3F88] =	sst s2  }
0x8f: {  	_ = 	snop  }
0x90: {  	(tm) =	ssettm $0x1  }
0x91: {  	s18 =	sld [smem:$0x3FFB];
	_ =	sdelay $0x3  }
0x92: {  	_ =	strace s18  }
0x93: {  	s2 =	sld [smem:$0x3FFC];
	_ =	sdelay $0x3  }
0x94: {  	_ =	strace s2  }
0x95: {  	s2 =	sld [smem:$0x3FFD];
	_ =	sdelay $0x3  }
0x96: {  	_ =	strace s2  }
0x97: {  	_ =	strace $0x8FFFFFFF  }
0x98: {  	s19 =	sld [smem:$0x3FDB];
	_ =	sdelay $0x1  }
0x99: {  	s20 =	simm.s32 $_scs_section_size  }
0x9a: {  	s4 =	simm.s32 $_size__tile_overlayer_lowered;
	s5 =	simm.s32 $_tile_overlayer_lowered  }
0x9b: {  	s6 =	simm.s32 $0x1BFF;
	s21 =	sshll.u32 s5, $0x1;
	s3 =	sadd.s32 s20, s19  }
0x9c: {  	s22 =	simm.s32 $0x0;
	s4 =	sshll.u32 s4, $0x1;
	s5 =	sadd.s32 s21, s3  }
0x9d: {  	[timem:s22], [sflag:s6] =	dma.local [hbm:s5], s4  }
0x9e: {  	_ =	swait.ge [sflag:s6], s4  }
0x9f: {  	s4 =	ssub.s32 $0x0, s4;
	[sflag:s6] =	ssyncset.done $0x0  }
0xa0: {  	[sflag:s6] =	ssyncadd.s32 s4;
	_ =	sdelay $0x1  }
0xa1: {  	s23 =	simm.s32 $0x1B8B  }
0xa2: {  	_ =	swait.ge [sflag:s23], $0x1  }
0xa3: {  	[sflag:s23] =	ssyncset.done $0x0  }
0xa4: {  	[sflag:s23] =	ssyncadd.s32 $0xFFFFFFFF  }
0xa5: {  	s4 =	sld [smem:$0x0]  }
0xa6: {  	s5 =	sand.u32 $0xFFFFFFFE, s1  }
0xa7: {  	p0 =	sne.s32 s1, s5  }
0xa8: {  	s5 =	sshll.u32 @p0 s5, $0xE  }
0xa9: {  	s5 =	sadd.s32 @p0 $0x11B8D, s5;
	s6 =	sshll.u32 @p0 s4, $0x11  }
0xaa: {  	s5 =	sor.u32 @p0 s6, s5  }
0xab: {  	[sflag:s5] =	ssyncadd.remote.s32 @p0 $0x1;
	_ =	sdelay $0x1  }
0xac: {  	s5 =	simm.s32 @p0 $0x1B8D  }
0xad: {  	_ =	swait.eq @p0 [sflag:s5], $0x1  }
0xae: {  	[sflag:s5] =	ssyncadd.s32 @p0 $0xFFFFFFFF  }
0xaf: {  	s6 =	sshll.u32 @!p0 s1, $0xE  }
0xb0: {  	s6 =	sor.u32 @!p0 $0x4000, s6;
	s5 =	simm.s32 @!p0 $0x1B8D  }
0xb1: {  	s4 =	sshll.u32 @!p0 s4, $0x11;
	s6 =	sadd.s32 @!p0 $0x11B8D, s6;
	_ =	swait.eq @!p0 [sflag:s5], $0x1  }
0xb2: {  	s4 =	sor.u32 @!p0 s4, s6;
	[sflag:s5] =	ssyncadd.s32 @!p0 $0xFFFFFFFF  }
0xb3: {  	s25 =	simm.s32 $0x1B8E;
	s24 =	sld [smem:$0x3FFE];
	[sflag:s4] =	ssyncadd.remote.s32 @!p0 $0x1  }
0xb4: {  	s26 =	simm.s32 $execute0_lowered;
	[smem:$0x3FD2] =	sst s25  }
0xb5: {  	s5 =	sshll.u32 s26, $0x1;
	_ =	strace $0x8000004F;
	[dreg:$0x1] =	wrdreg $0xFFFFFFFF  }
0xb6: {  	s28 =	simm.s32 $_size_execute0_lowered;
	s3 =	sadd.s32 s3, s5;
	[dreg:$0x0] =	wrdreg $0x0  }
0xb7: {  	s5 =	sshll.u32 s28, $0x1;
	[dreg:$0x2] =	wrdreg s3  }
0xb8: {  	[dreg:$0x3] =	wrdreg s5  }
0xb9: {  	[dreg:$0x4] =	wrdreg $0xC0  }
0xba: {  	_ =	task [dreg:s22], $0x5FFFF  }
0xbb: {  	[dreg:$0x1] =	wrdreg $0xFFFFFFFF  }
0xbc: {  	[dreg:$0x0] =	wrdreg $0x60  }
0xbd: {  	[dreg:$0x2] =	wrdreg s24  }
0xbe: {  	[dreg:$0x3] =	wrdreg $0x31000  }
0xbf: {  	[dreg:$0x4] =	wrdreg $0xB  }
0xc0: {  	_ =	task.clear_ibuf [dreg:s22], $0x5FFFF;
	_ =	strace $0x9000004F  }
0xc1: {  	s29 =	simm.s32 $0xB;
	_ =	strace $0x80000051  }
0xc2: {  	_ =	swait.ge [sflag:s29], $0x1  }
0xc3: {  	[sflag:s29] =	ssyncadd.s32 $0xFFFFFFFF  }
0xc4: {  	_ =	strace $0x90000051  }
0xc5: {  	_ =	sfence  }
0xc6: {  	s30 =	sld [smem:$0x0];
	_ =	sdelay $0x2  }
0xc7: {  	s31 =	sshll.u32 s1, $0xD;
	s1 =	sshrl.u32 s1, $0x2  }
0xc8: {  	s4 =	sand.u32 $0x4000, s31;
	s1 =	sadd.s32 s1, s30  }
0xc9: {  	s0 =	sor.u32 s4, s0;
	s1 =	sshll.u32 s1, $0x11  }
0xca: {  	s0 =	sor.u32 s1, s0  }
0xcb: {  	s0 =	sadd.s32 $0x8F2B, s0  }
0xcc: {  	[sflag:s0] =	ssyncadd.remote.s32 $0x1  }
0xcd: {  	_ =	sfence.sel $0xFFFF  }
0xce: {  	[dreg:$0x0] =	wrdreg $0xFFFFFFFF;
	(pc) =	sbr.abs _section_cstart, $3  }
0xcf: {  	[dreg:$0x1] =	wrdreg $0xFFFFFFFF  }
0xd0: {  	_ =	task.clear_ibuf [dreg:s22], $0x2FFFF;
	_ =	strace $0x9FFFFFFF  }
0xd1: {  	(tm) =	ssettm $0x7FFFFFFF  }
tec
execute0_lowered:
.L_overlay_start_1:
0x0: {  	(tag) =	ssettag $0x1  }
0x1: {  	s7 =	rddreg [dreg:$0x0]  }
0x2: {  	s1 =	rddreg [dreg:$0x1]  }
0x3: {  	s0 =	rddreg [dreg:$0x2];
	s3 =	simm.s32 $0x0;
	s2 =	stileid.u32  }
0x4: {  	s8 =	srdreg.scid;
	s14 =	simm.s32 $0x2900;
	s15 =	simm.s32 $0x2  }
0x5: {  	s17 =	simm.s32 $0x50;
	s18 =	simm.s32 $0x100;
	s19 =	simm.s32 $0x1  }
0x6: {  	s20 =	simm.s32 $0x0;
	[smem:$0x7FF] =	sst s3;
	s6 =	smul.u32 $0x4E2, s2  }
0x7: {  	s4 =	sadd.s32 $0x5EE00, s7;
	s5 =	sadd.s32 $0x86000, s7;
	s31 =	smul.u32 $0x4E000, s2  }
0x8: {  	s16 =	sand.u32 $0x1, s8;
	s11 =	smul.u32 $0x2700, s2;
	p0 =	sne.s32 s2, $0xF  }
0x9: {  	p2 =	seq.s32 s2, $0xF;
	_ =	strace $0x80000050;
	s9 =	ssub.s32 $0x2, s16  }
.Ltmp0:
0xa: {  	p1 =	sne.s32 s16, $0x0;
	s16 =	simm.s32 $0x80;
	(pc) =	sbr.rel .LBB2_1-.Ltmp0, $4  }
0xb: {  	s13 =	sadd.s32 s6, s7;
	s6 =	sadd.s32 $0x15D600, s7;
	s10 =	sshrl.u32 s9, $0x1  }
0xc: {  	s8 =	sshrl.u32 s31, $0x2;
	s7 =	sadd.s32 $0x184800, s7;
	s12 =	ssub.s32 s9, s10  }
0xd: {  	s8 =	sadd.s32 s8, s1;
	s9 =	sadd.s32 $0x138000, s1;
	s10 =	sadd.s32 s7, s11  }
0xe: {  	v0 =	vimm.f32 $0.0e+00;
	s11 =	sadd.s32 s6, s11;
	s13 =	sadd.s32 $0x153800, s13;
	s12 =	smax.u32 s12, $0x1  }
.LBB2_12:
0xf: {  	s22 =	sadd.s32 $0x27000, s22;
	s23 =	sshrl.u32 s9, $0x3  }
0x10: {  	[hbm:s22], [sflag:s21] =	dma.local [spmem:s23], $0x100  }
0x11: {  	_ =	swait.ge [sflag:s15], $0x100  }
0x12: {  	[sflag:s15] =	ssyncset.done $0x0  }
0x13: {  	[sflag:s15] =	ssyncadd.s32 $0xFFFFFF00  }
.LBB2_13:
0x14: {  	s20 =	sadd.s32 $0x1, s20  }
0x15: {  	p3 =	sne.s32 s20, s12  }
.Ltmp1:
0x16: {  	_ = 	snop;
	(pc) =	sbr.rel @!p3 .LBB2_14-.Ltmp1, $1  }
0x17: {  	_ =	sdelay $0x3  }
.LBB2_1:
0x18: {  	s21 =	simm.s32 $0x0;
	s22 =	simm.s32 $0x0  }
.LBB2_2:
0x19: {  	p3 =	sne.s32 s22, $0x1FC0  }
.Ltmp2:
0x1a: {  	_ = 	snop;
	(pc) =	sbr.rel @p3 .LBB2_2-.Ltmp2, $4  }
0x1b: {  	s23 =	sand.u32 $0x1E00, s22  }
0x1c: {  	s24 =	sand.u32 $0x70, s21;
	s23 =	sshrl.u32 s23, $0x2  }
0x1d: {  	s23 =	sor.u32 s24, s23  }
0x1e: {  	s21 =	sadd.s32 $0x10, s21;
	s22 =	sadd.s32 $0x40, s22;
	[tilespmem:s23+$0x2900] =	vst v0  }
0x1f: {  	s21 =	sadd.s32 $0x0, s8  }
0x20: {  	[spmem:s21] =	stream.linear.scatter [tilespmem:s14], [sflag:$0x2], $0x800, $0x38;
	[tilespmem:$0x16980] =	vst v63  }
0x21: {  	s21 =	simm.s32 $0x2000;
	_ =	swait.ge [sflag:s15], $0x800  }
.LBB2_4:
0x22: {  	s22 =	sshra.s32 s21, $0x2;
	[sflag:s15] =	ssyncset.done $0x0;
	p3 =	sne.s32 s21, $0x4C000  }
.Ltmp3:
0x23: {  	s22 =	sadd.s32 s22, s8;
	[sflag:s15] =	ssyncadd.s32 $0xFFFFF800;
	(pc) =	sbr.rel @p3 .LBB2_4-.Ltmp3, $3  }
0x24: {  	[spmem:s22] =	stream.linear.scatter [tilespmem:s14], [sflag:$0x2], $0x800, $0x38;
	[tilespmem:$0x16980] =	vst v63  }
0x25: {  	s21 =	sadd.s32 $0x2000, s21;
	_ =	sdelay $0x1  }
0x26: {  	_ =	swait.ge [sflag:s15], $0x800  }
0x27: {  	[sflag:s15] =	ssyncset.done $0x0  }
0x28: {  	s21 =	simm.s32 @!p0 $0x2900;
	[sflag:s15] =	ssyncadd.s32 $0xFFFFF800  }
0x29: {  	[spmem:s9] =	stream.linear.scatter @!p0 [tilespmem:s21], [sflag:$0x2], $0x800, $0x38;
	[tilespmem:$0x16980] =	vst v63  }
0x2a: {  	s21 =	simm.s32 @!p0 $0x2  }
.Ltmp4:
0x2b: {  	_ =	swait.ge @!p0 [sflag:s21], $0x800;
	(pc) =	sbr.rel @p1 .LBB2_9-.Ltmp4, $4  }
0x2c: {  	[sflag:s21] =	ssyncset.done @!p0 $0x0  }
0x2d: {  	[sflag:s21] =	ssyncadd.s32 @!p0 $0xFFFFF800  }
0x2e: {  	[bflag:$0x0] =	sbarrier.arrive $0xFFFF  }
0x2f: {  	s21 =	sadd.s32 $0x0, s13  }
0x30: {  	[tilespmem:s3], [sflag:$0x2] =	stream.linear.gather [hbm4b:s21+s3], $0x50, $0x38;
	[tilespmem:$0x16980] =	vst v63  }
0x31: {  	_ =	swait.ge [sflag:s15], $0x50  }
0x32: {  	[sflag:s15] =	ssyncset.done $0x0  }
0x33: {  	s31 =	sadd.s32 $0x4E20, s21;
	[sflag:s15] =	ssyncadd.s32 $0xFFFFFFB0  }
0x34: {  	[tilespmem:s16], [sflag:$0x2] =	stream.linear.gather [hbm4b:s31+s3], $0x50, $0x38;
	[tilespmem:$0x16980] =	vst v63  }
0x35: {  	_ =	swait.ge [sflag:s15], $0x50  }
0x36: {  	[sflag:s15] =	ssyncset.done $0x0  }
0x37: {  	[sflag:s15] =	ssyncadd.s32 $0xFFFFFFB0  }
0x38: {  	[tilespmem:s18], [sflag:$0x1] =	stream.indirect.gather [hbm4b:s4+s17], $0x80, s3, s17, $0xb8;
	[tilespmem:$0x16980] =	vst v63  }
0x39: {  	_ =	swait.ge [sflag:s19], $0x2800  }
0x3a: {  	[sflag:s19] =	ssyncset.done $0x0  }
0x3b: {  	[sflag:s19] =	ssyncadd.s32 $0xFFFFD800  }
0x3c: {  	[spmem:s1] =	stream.indirect.scatter.add.f32 [tilespmem:s18], [sflag:$0x2], $0x80, s16, s17, $0xb8;
	[tilespmem:$0x16980] =	vst v63  }
0x3d: {  	_ =	swait.ge [sflag:s15], $0x2800  }
0x3e: {  	s21 =	simm.s32 $0xA;
	s22 =	simm.s32 $0x14;
	[sflag:s15] =	ssyncset.done $0x0  }
.LBB2_7:
0x3f: {  	s23 =	sadd.s32 s21, s13  }
0x40: {  	[sflag:s15] =	ssyncadd.s32 $0xFFFFD800;
	s21 =	smov.u32 s22;
	s24 =	sadd.s32 $0xA, s22  }
0x41: {  	[tilespmem:s3], [sflag:$0x2] =	stream.linear.gather [hbm4b:s23+s3], $0x50, $0x38;
	[tilespmem:$0x16980] =	vst v63  }
0x42: {  	p3 =	sne.s32 s22, $0x4D8;
	_ =	swait.ge [sflag:s15], $0x50  }
0x43: {  	[sflag:s15] =	ssyncset.done $0x0  }
0x44: {  	s22 =	sadd.s32 $0x4E20, s23;
	[sflag:s15] =	ssyncadd.s32 $0xFFFFFFB0  }
0x45: {  	[tilespmem:s16], [sflag:$0x2] =	stream.linear.gather [hbm4b:s22+s3], $0x50, $0x38;
	[tilespmem:$0x16980] =	vst v63  }
0x46: {  	_ =	swait.ge [sflag:s15], $0x50  }
0x47: {  	[sflag:s15] =	ssyncset.done $0x0  }
0x48: {  	[sflag:s15] =	ssyncadd.s32 $0xFFFFFFB0  }
0x49: {  	[tilespmem:s18], [sflag:$0x1] =	stream.indirect.gather [hbm4b:s4+s17], $0x80, s3, s17, $0xb8;
	[tilespmem:$0x16980] =	vst v63  }
0x4a: {  	_ =	swait.ge [sflag:s19], $0x2800  }
.Ltmp5:
0x4b: {  	[sflag:s19] =	ssyncset.done $0x0;
	(pc) =	sbr.rel @p3 .LBB2_7-.Ltmp5, $4  }
0x4c: {  	[sflag:s19] =	ssyncadd.s32 $0xFFFFD800  }
0x4d: {  	[spmem:s1] =	stream.indirect.scatter.add.f32 [tilespmem:s18], [sflag:$0x2], $0x80, s16, s17, $0xb8;
	[tilespmem:$0x16980] =	vst v63  }
0x4e: {  	_ =	swait.ge [sflag:s15], $0x2800  }
0x4f: {  	s22 =	smov.u32 s24;
	[sflag:s15] =	ssyncset.done $0x0  }
0x50: {  	s21 =	sadd.s32 s21, s13;
	[sflag:s15] =	ssyncadd.s32 $0xFFFFD800  }
0x51: {  	[tilespmem:s3], [sflag:$0x2] =	stream.linear.gather [hbm4b:s21+s3], $0x50, $0x38;
	[tilespmem:$0x16980] =	vst v63  }
0x52: {  	_ =	swait.ge [sflag:s15], $0x50  }
0x53: {  	[sflag:s15] =	ssyncset.done $0x0  }
0x54: {  	s21 =	sadd.s32 $0x4E20, s21;
	[sflag:s15] =	ssyncadd.s32 $0xFFFFFFB0  }
0x55: {  	[tilespmem:s16], [sflag:$0x2] =	stream.linear.gather [hbm4b:s21+s3], $0x50, $0x38;
	[tilespmem:$0x16980] =	vst v63  }
0x56: {  	_ =	swait.ge [sflag:s15], $0x50  }
0x57: {  	[sflag:s15] =	ssyncset.done $0x0  }
0x58: {  	[sflag:s15] =	ssyncadd.s32 $0xFFFFFFB0  }
0x59: {  	[tilespmem:s18], [sflag:$0x1] =	stream.indirect.gather [hbm4b:s4+s17], $0x80, s3, s17, $0xb8;
	[tilespmem:$0x16980] =	vst v63  }
0x5a: {  	_ =	swait.ge [sflag:s19], $0x2800  }
0x5b: {  	[sflag:s19] =	ssyncset.done $0x0  }
0x5c: {  	[sflag:s19] =	ssyncadd.s32 $0xFFFFD800  }
0x5d: {  	[spmem:s1] =	stream.indirect.scatter.add.f32 [tilespmem:s18], [sflag:$0x2], $0x80, s16, s17, $0xb8;
	[tilespmem:$0x16980] =	vst v63  }
0x5e: {  	_ =	swait.ge [sflag:s15], $0x2800  }
0x5f: {  	[sflag:s15] =	ssyncset.done $0x0  }
0x60: {  	s31 =	sshll.u32 s2, $0x6;
	[sflag:s15] =	ssyncadd.s32 $0xFFFFD800  }
0x61: {  	s22 =	sshrl.u32 s8, $0x3;
	s21 =	sor.u32 $0x1C02, s31;
	[bflag:$0x0] =	sbarrier.arrive $0xFFFF  }
0x62: {  	[hbm:s11], [sflag:s21] =	dma.local [spmem:s22], $0x2700  }
.Ltmp6:
0x63: {  	_ = 	snop;
	(pc) =	sbr.rel @p2 .LBB2_12-.Ltmp6, $4  }
.Ltmp7:
0x64: {  	_ = 	snop;
	(pc) =	sbr.rel @!p2 .LBB2_13-.Ltmp7, $4  }
0x65: {  	_ =	swait.ge [sflag:s15], $0x2700  }
0x66: {  	[sflag:s15] =	ssyncset.done $0x0  }
0x67: {  	s22 =	smov.u32 s6;
	[sflag:s15] =	ssyncadd.s32 $0xFFFFD900  }
0x68: {  	_ = 	snop  }
.LBB2_9:
0x69: {  	[tilespmem:s3], [sflag:$0x2] =	stream.linear.gather [hbm4b:s21+s3], $0x50, $0x38;
	[tilespmem:$0x16980] =	vst v63  }
0x6a: {  	_ =	swait.ge [sflag:s15], $0x50  }
0x6b: {  	[sflag:s15] =	ssyncset.done $0x0  }
0x6c: {  	s31 =	sadd.s32 $0x4E20, s21;
	[sflag:s15] =	ssyncadd.s32 $0xFFFFFFB0  }
0x6d: {  	[tilespmem:s16], [sflag:$0x2] =	stream.linear.gather [hbm4b:s31+s3], $0x50, $0x38;
	[tilespmem:$0x16980] =	vst v63  }
0x6e: {  	_ =	swait.ge [sflag:s15], $0x50  }
0x6f: {  	[sflag:s15] =	ssyncset.done $0x0  }
0x70: {  	[sflag:s15] =	ssyncadd.s32 $0xFFFFFFB0  }
0x71: {  	[tilespmem:s18], [sflag:$0x1] =	stream.indirect.gather [hbm4b:s5+s17], $0x80, s3, s17, $0xb8;
	[tilespmem:$0x16980] =	vst v63  }
0x72: {  	_ =	swait.ge [sflag:s19], $0x2800  }
0x73: {  	[sflag:s19] =	ssyncset.done $0x0  }
0x74: {  	[sflag:s19] =	ssyncadd.s32 $0xFFFFD800  }
0x75: {  	[spmem:s1] =	stream.indirect.scatter.add.f32 [tilespmem:s18], [sflag:$0x2], $0x80, s16, s17, $0xb8;
	[tilespmem:$0x16980] =	vst v63  }
0x76: {  	_ =	swait.ge [sflag:s15], $0x2800  }
0x77: {  	s21 =	simm.s32 $0xA;
	s22 =	simm.s32 $0x14;
	[sflag:s15] =	ssyncset.done $0x0  }
.LBB2_10:
0x78: {  	s23 =	sadd.s32 s21, s13  }
0x79: {  	[sflag:s15] =	ssyncadd.s32 $0xFFFFD800;
	s21 =	smov.u32 s22;
	s24 =	sadd.s32 $0xA, s22  }
0x7a: {  	[tilespmem:s3], [sflag:$0x2] =	stream.linear.gather [hbm4b:s23+s3], $0x50, $0x38;
	[tilespmem:$0x16980] =	vst v63  }
0x7b: {  	p3 =	sne.s32 s22, $0x4D8;
	_ =	swait.ge [sflag:s15], $0x50  }
0x7c: {  	[sflag:s15] =	ssyncset.done $0x0  }
0x7d: {  	s22 =	sadd.s32 $0x4E20, s23;
	[sflag:s15] =	ssyncadd.s32 $0xFFFFFFB0  }
0x7e: {  	[tilespmem:s16], [sflag:$0x2] =	stream.linear.gather [hbm4b:s22+s3], $0x50, $0x38;
	[tilespmem:$0x16980] =	vst v63  }
0x7f: {  	_ =	swait.ge [sflag:s15], $0x50  }
0x80: {  	[sflag:s15] =	ssyncset.done $0x0  }
0x81: {  	[sflag:s15] =	ssyncadd.s32 $0xFFFFFFB0  }
0x82: {  	[tilespmem:s18], [sflag:$0x1] =	stream.indirect.gather [hbm4b:s5+s17], $0x80, s3, s17, $0xb8;
	[tilespmem:$0x16980] =	vst v63  }
0x83: {  	_ =	swait.ge [sflag:s19], $0x2800  }
.Ltmp8:
0x84: {  	[sflag:s19] =	ssyncset.done $0x0;
	(pc) =	sbr.rel @p3 .LBB2_10-.Ltmp8, $4  }
0x85: {  	[sflag:s19] =	ssyncadd.s32 $0xFFFFD800  }
0x86: {  	[spmem:s1] =	stream.indirect.scatter.add.f32 [tilespmem:s18], [sflag:$0x2], $0x80, s16, s17, $0xb8;
	[tilespmem:$0x16980] =	vst v63  }
0x87: {  	_ =	swait.ge [sflag:s15], $0x2800  }
0x88: {  	s22 =	smov.u32 s24;
	[sflag:s15] =	ssyncset.done $0x0  }
0x89: {  	s21 =	sadd.s32 s21, s13;
	[sflag:s15] =	ssyncadd.s32 $0xFFFFD800  }
0x8a: {  	[tilespmem:s3], [sflag:$0x2] =	stream.linear.gather [hbm4b:s21+s3], $0x50, $0x38;
	[tilespmem:$0x16980] =	vst v63  }
0x8b: {  	_ =	swait.ge [sflag:s15], $0x50  }
0x8c: {  	[sflag:s15] =	ssyncset.done $0x0  }
0x8d: {  	s21 =	sadd.s32 $0x4E20, s21;
	[sflag:s15] =	ssyncadd.s32 $0xFFFFFFB0  }
0x8e: {  	[tilespmem:s16], [sflag:$0x2] =	stream.linear.gather [hbm4b:s21+s3], $0x50, $0x38;
	[tilespmem:$0x16980] =	vst v63  }
0x8f: {  	_ =	swait.ge [sflag:s15], $0x50  }
0x90: {  	[sflag:s15] =	ssyncset.done $0x0  }
0x91: {  	[sflag:s15] =	ssyncadd.s32 $0xFFFFFFB0  }
0x92: {  	[tilespmem:s18], [sflag:$0x1] =	stream.indirect.gather [hbm4b:s5+s17], $0x80, s3, s17, $0xb8;
	[tilespmem:$0x16980] =	vst v63  }
0x93: {  	_ =	swait.ge [sflag:s19], $0x2800  }
0x94: {  	[sflag:s19] =	ssyncset.done $0x0  }
0x95: {  	[sflag:s19] =	ssyncadd.s32 $0xFFFFD800  }
0x96: {  	[spmem:s1] =	stream.indirect.scatter.add.f32 [tilespmem:s18], [sflag:$0x2], $0x80, s16, s17, $0xb8;
	[tilespmem:$0x16980] =	vst v63  }
0x97: {  	_ =	swait.ge [sflag:s15], $0x2800  }
0x98: {  	[sflag:s15] =	ssyncset.done $0x0  }
0x99: {  	s31 =	sshll.u32 s2, $0x6;
	[sflag:s15] =	ssyncadd.s32 $0xFFFFD800  }
0x9a: {  	s22 =	sshrl.u32 s8, $0x3;
	s21 =	sor.u32 $0x1C02, s31;
	[bflag:$0x0] =	sbarrier.arrive $0xFFFF  }
0x9b: {  	[hbm:s10], [sflag:s21] =	dma.local [spmem:s22], $0x2700  }
.Ltmp9:
0x9c: {  	_ = 	snop;
	(pc) =	sbr.rel @p0 .LBB2_13-.Ltmp9, $4  }
.Ltmp10:
0x9d: {  	_ = 	snop;
	(pc) =	sbr.rel @!p0 .LBB2_12-.Ltmp10, $4  }
0x9e: {  	_ =	swait.ge [sflag:s15], $0x2700  }
0x9f: {  	[sflag:s15] =	ssyncset.done $0x0  }
0xa0: {  	s22 =	smov.u32 s7;
	[sflag:s15] =	ssyncadd.s32 $0xFFFFD900  }
0xa1: {  	_ = 	snop  }
.LBB2_14:
0xa2: {  	_ =	sfence.sel $0x180000  }
0xa3: {  	[bflag:$0x0] =	sbarrier.arrive $0xFFFF  }
0xa4: {  	p0 =	sne.s32 s2, $0x0;
	_ =	strace $0x90000050  }
0xa5: {  	s0 =	sadd.s32 @!p0 $0x100000, s0;
	[bflag:$0x2] =	sbarrier.arrive $0xFFFF  }
0xa6: {  	[sflag:s0] =	ssyncadd.tile.s32 @!p0 $0x1;
	_ =	shalt  }
.Lfunc_end2:
_tile_overlayer_lowered:
.L_overlay_start_2:
0xa7: {  	(tag) =	ssettag $0x2  }
0xa8: {  	s0 =	rddreg [dreg:$0x0];
	s2 =	stileid.u32  }
0xa9: {  	s1 =	rddreg [dreg:$0x1];
	p0 =	sne.s32 s2, $0x0  }
0xaa: {  	s3 =	rddreg [dreg:$0x2];
	[bflag:$0x3] =	sbarrier.arrive $0xFFFF;
	s2 =	simm.s32 @!p0 $0x1C02  }
0xab: {  	[timem:s3], [sflag:s2] =	dma.local @!p0 [hbm:s0], s1  }
0xac: {  	s0 =	simm.s32 @!p0 $0x2  }
0xad: {  	_ =	swait.ge @!p0 [sflag:s0], s1  }
0xae: {  	s1 =	ssub.s32 @!p0 $0x0, s1;
	[sflag:s0] =	ssyncset.done @!p0 $0x0  }
0xaf: {  	[sflag:s0] =	ssyncadd.s32 @!p0 s1  }
0xb0: {  	[bflag:$0x3] =	sbarrier.arrive $0xFFFF  }
0xb1: {  	_ =	shalt  }

</sc_bundles>
